<compile_context>
chip_gen: v7x
topology: tpu7x:2x2x1
jax: 0.10.2.dev20260603
libtpu: 0.0.44.dev20260713+nightly
codegen_flags: <defaults>
</compile_context>

<pallas_src>
import jax
import jax.numpy as jnp
from jax.experimental import pallas as pl
from jax.experimental.pallas import tpu as pltpu

_N = 5000
_B = 512
_NB = 10
_NP = _B * _NB
_IOU_T = 0.3
_SCORE_T = 0.05
_TOPK = 15


def _row_coords(raw_s_ref, i):
    blk = raw_s_ref[i * _B:(i + 1) * _B, :]
    x1 = blk[:, 0:1] * 1024.0
    y1 = blk[:, 1:2] * 1024.0
    w = blk[:, 2:3] * 200.0 + 1.0
    h = blk[:, 3:4] * 200.0 + 1.0
    x2 = x1 + w
    y2 = y1 + h
    area = (x2 - x1) * (y2 - y1)
    return x1, y1, x2, y2, area


def _col_coords(raw_t_ref, j):
    blk = raw_t_ref[:, j * _B:(j + 1) * _B]
    x1 = blk[0:1, :] * 1024.0
    y1 = blk[1:2, :] * 1024.0
    w = blk[2:3, :] * 200.0 + 1.0
    h = blk[3:4, :] * 200.0 + 1.0
    x2 = x1 + w
    y2 = y1 + h
    area = (x2 - x1) * (y2 - y1)
    return x1, y1, x2, y2, area


def _sup_mat(row, col):
    rx1, ry1, rx2, ry2, ra = row
    cx1, cy1, cx2, cy2, ca = col
    iw = jnp.maximum(jnp.minimum(rx2, cx2) - jnp.maximum(rx1, cx1), 0.0)
    ih = jnp.maximum(jnp.minimum(ry2, cy2) - jnp.maximum(ry1, cy1), 0.0)
    inter = iw * ih
    union = ra + ca - inter
    iou = inter / jnp.maximum(union, 1e-9)
    return (iou > _IOU_T).astype(jnp.float32)


def _nms_body(raw_s_ref, raw_t_ref, ss_ref, dets_ref, top_ref, keep_ref):
    f32 = jnp.float32
    for j in range(_NB):
        colj = _col_coords(raw_t_ref, j)
        rowj = _row_coords(raw_s_ref, j)
        supp = jnp.zeros((_B, 1), f32)
        for i in range(j):
            coli = _col_coords(raw_t_ref, i)
            s_ji = _sup_mat(rowj, coli)
            kb = keep_ref[i * _B:(i + 1) * _B, :]
            supp = supp + jax.lax.dot(s_ji, kb)
        s_dd = _sup_mat(rowj, colj)
        r_iota = jax.lax.broadcasted_iota(jnp.int32, (_B, _B), 0)
        c_iota = jax.lax.broadcasted_iota(jnp.int32, (_B, _B), 1)
        s_t = jnp.where(c_iota < r_iota, s_dd, 0.0)
        sj = ss_ref[j * _B:(j + 1) * _B, :]
        init = ((sj > _SCORE_T) & (supp < 0.5)).astype(f32)

        def cond(st):
            prev, cur, t = st
            return jnp.logical_and(t < _B + 2, jnp.any(prev != cur))

        def body(st):
            _, cur, t = st
            hits = jax.lax.dot(s_t, cur)
            new = init * (hits < 0.5).astype(f32)
            return cur, new, t + 1

        _, kj, _ = jax.lax.while_loop(
            cond, body, (init - 2.0, init, jnp.int32(0)))
        keep_ref[j * _B:(j + 1) * _B, :] = kj

    ks = keep_ref[:, :]
    blk = raw_s_ref[:, :]
    x1 = blk[:, 0:1] * 1024.0
    y1 = blk[:, 1:2] * 1024.0
    w = blk[:, 2:3] * 200.0 + 1.0
    h = blk[:, 3:4] * 200.0 + 1.0
    x2 = x1 + w
    y2 = y1 + h
    ssv = ss_ref[:, :]
    z = jnp.zeros((_NP, 1), f32)
    dets = jnp.concatenate([x1, y1, x2, y2, ssv, z, z, z], axis=1) * ks
    dets_ref[:, :] = dets

    kscore = jnp.where(ks > 0.5, ssv, -1.0)
    iota = jax.lax.broadcasted_iota(jnp.int32, (_NP, 1), 0)
    top_ref[:, :] = jnp.zeros((16, 8), f32)
    for k in range(_TOPK):
        m = jnp.max(kscore)
        pos = jnp.min(jnp.where(kscore >= m, iota, _NP))
        valid = (m > 0.0).astype(f32)
        row = dets_ref[pl.ds(pos, 1), :]
        top_ref[pl.ds(k, 1), :] = row * valid
        kscore = jnp.where(iota == pos, -1.0, kscore)


def kernel(boxes, scores):
    order = jnp.argsort(-scores)
    braw = boxes[order]
    ss = scores[order]
    braw_p = jnp.concatenate(
        [braw, jnp.zeros((_NP - _N, 4), jnp.float32)], axis=0)
    ss_p = jnp.concatenate(
        [ss, jnp.full((_NP - _N,), -1.0, jnp.float32)], axis=0)
    dets8, top8 = pl.pallas_call(
        _nms_body,
        out_shape=[
            jax.ShapeDtypeStruct((_NP, 8), jnp.float32),
            jax.ShapeDtypeStruct((16, 8), jnp.float32),
        ],
        scratch_shapes=[pltpu.VMEM((_NP, 1), jnp.float32)],
    )(braw_p, braw_p.T, ss_p[:, None])
    return dets8[:_N, :5], top8[:_TOPK, :5]

# --- scband reference (transcript-rebuilt; emitter-appended) ---
"""Pipeline reference for scband-faster-rcnn-47940424958440 (READ-ONLY COPY).

The authoritative reference and input builder live on the scoring server;
editing this copy changes nothing except your own understanding.
"""

import jax, jax.numpy as jnp
import numpy as np

N = 5000
IOU_THRESH = 0.3      # cfg.TEST.NMS
SCORE_THRESH = 0.05   # detection score floor
MAX_PER_IMAGE = 15    # as in _fasterRCNN.obtain_pseudo_labels


def setup_inputs(seed: int = 0) -> dict:
    key = jax.random.key(seed)
    k1, k2 = jax.random.split(key)
    boxes = jax.random.uniform(k1, (N, 4), dtype=jnp.float32)
    scores = jax.random.uniform(k2, (N,), dtype=jnp.float32)
    return {"boxes": boxes, "scores": scores}


def _decode(raw):
    # map raw uniform [0,1) parameters to valid xyxy boxes in a 1024x1024 image
    x1 = raw[:, 0] * 1024.0
    y1 = raw[:, 1] * 1024.0
    w = raw[:, 2] * 200.0 + 1.0
    h = raw[:, 3] * 200.0 + 1.0
    return jnp.stack([x1, y1, x1 + w, y1 + h], axis=1)


def _pairwise_iou(b):
    area = (b[:, 2] - b[:, 0]) * (b[:, 3] - b[:, 1])
    lt = jnp.maximum(b[:, None, :2], b[None, :, :2])
    rb = jnp.minimum(b[:, None, 2:], b[None, :, 2:])
    wh = jnp.clip(rb - lt, 0.0)
    inter = wh[..., 0] * wh[..., 1]
    union = area[:, None] + area[None, :] - inter
    return inter / jnp.maximum(union, 1e-9)


def _nms_keep(boxes_sorted, scores_sorted):
    # greedy NMS over score-descending boxes (matches torchvision nms semantics)
    iou = _pairwise_iou(boxes_sorted)
    n = boxes_sorted.shape[0]
    idx = jnp.arange(n)
    init = scores_sorted > SCORE_THRESH

    def body(i, keep):
        suppress = (iou[i] > IOU_THRESH) & (idx > i) & keep[i]
        return keep & (~suppress)

    return jax.lax.fori_loop(0, n, body, init)


def reference(boxes, scores):
    b = _decode(boxes)
    order = jnp.argsort(-scores)
    bs = b[order]
    ss = scores[order]
    keep = _nms_keep(bs, ss)
    dets = jnp.concatenate([bs, ss[:, None]], axis=1) * keep[:, None].astype(bs.dtype)
    # max_per_image cap: top-15 surviving detections (as in obtain_pseudo_labels)
    kept_scores = jnp.where(keep, ss, -jnp.inf)
    _, topi = jax.lax.top_k(kept_scores, MAX_PER_IMAGE)
    top_dets = dets[topi]
    return dets, top_dets

if __name__ == "__main__":
    import jax
    _d = setup_inputs()
    print(jax.jit(kernel)(*tuple(_d.values())))

</pallas_src>

<mosaic_0001>
module attributes {stable_mosaic.version = 14 : i64} {
  func.func @_nms_body(%arg0: memref<5120x4xf32, #tpu.memory_space<vmem>>, %arg1: memref<4x5120xf32, #tpu.memory_space<vmem>>, %arg2: memref<5120x1xf32, #tpu.memory_space<vmem>>, %arg3: memref<5120x8xf32, #tpu.memory_space<vmem>>, %arg4: memref<16x8xf32, #tpu.memory_space<vmem>>, %arg5: memref<5120x1xf32, #tpu.memory_space<vmem>>) attributes {dimension_semantics = [], scalar_prefetch = 0 : i64, scratch_operands = 1 : i64, tpu.core_type = #tpu.core_type<tc>} {
    %get3A = arith.constant 0 : index
    %get3A_0 = arith.constant 0 : index
    %get3A_1 = vector.load %arg1[%get3A, %get3A_0] : memref<4x5120xf32, #tpu.memory_space<vmem>>, vector<4x512xf32>
    %slice3A = vector.extract_strided_slice %get3A_1 {offsets = [0, 0], sizes = [1, 512], strides = [1, 1]} : vector<4x512xf32> to vector<1x512xf32>
    %mul3A = arith.constant 1.024000e+03 : f32
    %mul3A_2 = vector.broadcast %mul3A : f32 to vector<1x512xf32>
    %mul3A_3 = arith.mulf %slice3A, %mul3A_2 : vector<1x512xf32>
    %slice3A_4 = vector.extract_strided_slice %get3A_1 {offsets = [1, 0], sizes = [1, 512], strides = [1, 1]} : vector<4x512xf32> to vector<1x512xf32>
    %mul3A_5 = arith.constant 1.024000e+03 : f32
    %mul3A_6 = vector.broadcast %mul3A_5 : f32 to vector<1x512xf32>
    %mul3A_7 = arith.mulf %slice3A_4, %mul3A_6 : vector<1x512xf32>
    %slice3A_8 = vector.extract_strided_slice %get3A_1 {offsets = [2, 0], sizes = [1, 512], strides = [1, 1]} : vector<4x512xf32> to vector<1x512xf32>
    %mul3A_9 = arith.constant 2.000000e+02 : f32
    %mul3A_10 = vector.broadcast %mul3A_9 : f32 to vector<1x512xf32>
    %mul3A_11 = arith.mulf %slice3A_8, %mul3A_10 : vector<1x512xf32>
    %add3A = arith.constant 1.000000e+00 : f32
    %add3A_12 = vector.broadcast %add3A : f32 to vector<1x512xf32>
    %add3A_13 = arith.addf %mul3A_11, %add3A_12 : vector<1x512xf32>
    %slice3A_14 = vector.extract_strided_slice %get3A_1 {offsets = [3, 0], sizes = [1, 512], strides = [1, 1]} : vector<4x512xf32> to vector<1x512xf32>
    %mul3A_15 = arith.constant 2.000000e+02 : f32
    %mul3A_16 = vector.broadcast %mul3A_15 : f32 to vector<1x512xf32>
    %mul3A_17 = arith.mulf %slice3A_14, %mul3A_16 : vector<1x512xf32>
    %add3A_18 = arith.constant 1.000000e+00 : f32
    %add3A_19 = vector.broadcast %add3A_18 : f32 to vector<1x512xf32>
    %add3A_20 = arith.addf %mul3A_17, %add3A_19 : vector<1x512xf32>
    %add3A_21 = arith.addf %mul3A_3, %add3A_13 : vector<1x512xf32>
    %add3A_22 = arith.addf %mul3A_7, %add3A_20 : vector<1x512xf32>
    %sub3A = arith.subf %add3A_21, %mul3A_3 : vector<1x512xf32>
    %sub3A_23 = arith.subf %add3A_22, %mul3A_7 : vector<1x512xf32>
    %mul3A_24 = arith.mulf %sub3A, %sub3A_23 : vector<1x512xf32>
    %get3A_25 = arith.constant 0 : index
    %get3A_26 = arith.constant 0 : index
    %get3A_27 = vector.load %arg0[%get3A_25, %get3A_26] : memref<5120x4xf32, #tpu.memory_space<vmem>>, vector<512x4xf32>
    %slice3A_28 = vector.extract_strided_slice %get3A_27 {offsets = [0, 0], sizes = [512, 1], strides = [1, 1]} : vector<512x4xf32> to vector<512x1xf32>
    %mul3A_29 = arith.constant 1.024000e+03 : f32
    %mul3A_30 = vector.broadcast %mul3A_29 : f32 to vector<512x1xf32>
    %mul3A_31 = arith.mulf %slice3A_28, %mul3A_30 : vector<512x1xf32>
    %slice3A_32 = vector.extract_strided_slice %get3A_27 {offsets = [0, 1], sizes = [512, 1], strides = [1, 1]} : vector<512x4xf32> to vector<512x1xf32>
    %mul3A_33 = arith.constant 1.024000e+03 : f32
    %mul3A_34 = vector.broadcast %mul3A_33 : f32 to vector<512x1xf32>
    %mul3A_35 = arith.mulf %slice3A_32, %mul3A_34 : vector<512x1xf32>
    %slice3A_36 = vector.extract_strided_slice %get3A_27 {offsets = [0, 2], sizes = [512, 1], strides = [1, 1]} : vector<512x4xf32> to vector<512x1xf32>
    %mul3A_37 = arith.constant 2.000000e+02 : f32
    %mul3A_38 = vector.broadcast %mul3A_37 : f32 to vector<512x1xf32>
    %mul3A_39 = arith.mulf %slice3A_36, %mul3A_38 : vector<512x1xf32>
    %add3A_40 = arith.constant 1.000000e+00 : f32
    %add3A_41 = vector.broadcast %add3A_40 : f32 to vector<512x1xf32>
    %add3A_42 = arith.addf %mul3A_39, %add3A_41 : vector<512x1xf32>
    %slice3A_43 = vector.extract_strided_slice %get3A_27 {offsets = [0, 3], sizes = [512, 1], strides = [1, 1]} : vector<512x4xf32> to vector<512x1xf32>
    %mul3A_44 = arith.constant 2.000000e+02 : f32
    %mul3A_45 = vector.broadcast %mul3A_44 : f32 to vector<512x1xf32>
    %mul3A_46 = arith.mulf %slice3A_43, %mul3A_45 : vector<512x1xf32>
    %add3A_47 = arith.constant 1.000000e+00 : f32
    %add3A_48 = vector.broadcast %add3A_47 : f32 to vector<512x1xf32>
    %add3A_49 = arith.addf %mul3A_46, %add3A_48 : vector<512x1xf32>
    %add3A_50 = arith.addf %mul3A_31, %add3A_42 : vector<512x1xf32>
    %add3A_51 = arith.addf %mul3A_35, %add3A_49 : vector<512x1xf32>
    %sub3A_52 = arith.subf %add3A_50, %mul3A_31 : vector<512x1xf32>
    %sub3A_53 = arith.subf %add3A_51, %mul3A_35 : vector<512x1xf32>
    %mul3A_54 = arith.mulf %sub3A_52, %sub3A_53 : vector<512x1xf32>
    %broadcast_in_dim3A = arith.constant 0.000000e+00 : f32
    %broadcast_in_dim3A_55 = vector.broadcast %broadcast_in_dim3A : f32 to vector<512x1xf32>
    %min3A = vector.broadcast %add3A_50 : vector<512x1xf32> to vector<512x512xf32>
    %min3A_56 = vector.broadcast %add3A_21 : vector<1x512xf32> to vector<512x512xf32>
    %min3A_57 = arith.minimumf %min3A, %min3A_56 : vector<512x512xf32>
    %max3A = vector.broadcast %mul3A_31 : vector<512x1xf32> to vector<512x512xf32>
    %max3A_58 = vector.broadcast %mul3A_3 : vector<1x512xf32> to vector<512x512xf32>
    %max3A_59 = arith.maximumf %max3A, %max3A_58 : vector<512x512xf32>
    %sub3A_60 = arith.subf %min3A_57, %max3A_59 : vector<512x512xf32>
    %max3A_61 = arith.constant 0.000000e+00 : f32
    %max3A_62 = vector.broadcast %max3A_61 : f32 to vector<512x512xf32>
    %max3A_63 = arith.maximumf %sub3A_60, %max3A_62 : vector<512x512xf32>
    %min3A_64 = vector.broadcast %add3A_51 : vector<512x1xf32> to vector<512x512xf32>
    %min3A_65 = vector.broadcast %add3A_22 : vector<1x512xf32> to vector<512x512xf32>
    %min3A_66 = arith.minimumf %min3A_64, %min3A_65 : vector<512x512xf32>
    %max3A_67 = vector.broadcast %mul3A_35 : vector<512x1xf32> to vector<512x512xf32>
    %max3A_68 = vector.broadcast %mul3A_7 : vector<1x512xf32> to vector<512x512xf32>
    %max3A_69 = arith.maximumf %max3A_67, %max3A_68 : vector<512x512xf32>
    %sub3A_70 = arith.subf %min3A_66, %max3A_69 : vector<512x512xf32>
    %max3A_71 = arith.constant 0.000000e+00 : f32
    %max3A_72 = vector.broadcast %max3A_71 : f32 to vector<512x512xf32>
    %max3A_73 = arith.maximumf %sub3A_70, %max3A_72 : vector<512x512xf32>
    %mul3A_74 = arith.mulf %max3A_63, %max3A_73 : vector<512x512xf32>
    %add3A_75 = vector.broadcast %mul3A_54 : vector<512x1xf32> to vector<512x512xf32>
    %add3A_76 = vector.broadcast %mul3A_24 : vector<1x512xf32> to vector<512x512xf32>
    %add3A_77 = arith.addf %add3A_75, %add3A_76 : vector<512x512xf32>
    %sub3A_78 = arith.subf %add3A_77, %mul3A_74 : vector<512x512xf32>
    %max3A_79 = arith.constant 9.99999971E-10 : f32
    %max3A_80 = vector.broadcast %max3A_79 : f32 to vector<512x512xf32>
    %max3A_81 = arith.maximumf %sub3A_78, %max3A_80 : vector<512x512xf32>
    %div3A = arith.divf %mul3A_74, %max3A_81 : vector<512x512xf32>
    %gt3A = arith.constant 3.000000e-01 : f32
    %gt3A_82 = vector.broadcast %gt3A : f32 to vector<512x512xf32>
    %gt3A_83 = arith.cmpf ogt, %div3A, %gt3A_82 : vector<512x512xf32>
    %convert_element_type3A = arith.extui %gt3A_83 : vector<512x512xi1> to vector<512x512xi32>
    %convert_element_type3A_84 = arith.sitofp %convert_element_type3A : vector<512x512xi32> to vector<512x512xf32>
    %iota3A = tpu.iota {dimensions = array<i32: 0>} : vector<512x512xi32>
    %iota3A_85 = tpu.iota {dimensions = array<i32: 1>} : vector<512x512xi32>
    %lt3A = arith.cmpi slt, %iota3A_85, %iota3A : vector<512x512xi32>
    %jit3A = arith.constant 0.000000e+00 : f32
    %broadcast_in_dim3A_86 = vector.broadcast %jit3A : f32 to vector<512x512xf32>
    %select_n3A = arith.select %lt3A, %convert_element_type3A_84, %broadcast_in_dim3A_86 : vector<512x512xi1>, vector<512x512xf32>
    %get3A_87 = arith.constant 0 : index
    %get3A_88 = arith.constant 0 : index
    %get3A_89 = vector.load %arg2[%get3A_87, %get3A_88] : memref<5120x1xf32, #tpu.memory_space<vmem>>, vector<512x1xf32>
    %gt3A_90 = arith.constant 5.000000e-02 : f32
    %gt3A_91 = vector.broadcast %gt3A_90 : f32 to vector<512x1xf32>
    %gt3A_92 = arith.cmpf ogt, %get3A_89, %gt3A_91 : vector<512x1xf32>
    %lt3A_93 = arith.constant 5.000000e-01 : f32
    %lt3A_94 = vector.broadcast %lt3A_93 : f32 to vector<512x1xf32>
    %lt3A_95 = arith.cmpf olt, %broadcast_in_dim3A_55, %lt3A_94 : vector<512x1xf32>
    %and3A = arith.andi %gt3A_92, %lt3A_95 : vector<512x1xi1>
    %convert_element_type3A_96 = arith.extui %and3A : vector<512x1xi1> to vector<512x1xi32>
    %convert_element_type3A_97 = arith.sitofp %convert_element_type3A_96 : vector<512x1xi32> to vector<512x1xf32>
    %sub3A_98 = arith.constant 2.000000e+00 : f32
    %sub3A_99 = vector.broadcast %sub3A_98 : f32 to vector<512x1xf32>
    %sub3A_100 = arith.subf %convert_element_type3A_97, %sub3A_99 : vector<512x1xf32>
    %while3A = arith.constant 0 : i32
    %while3A_101:3 = scf.while (%while3A_4874 = %sub3A_100, %while3A_4875 = %convert_element_type3A_97, %while3A_4876 = %while3A) : (vector<512x1xf32>, vector<512x1xf32>, i32) -> (vector<512x1xf32>, vector<512x1xf32>, i32) {
      %lt3A_4877 = arith.constant 514 : i32
      %lt3A_4878 = arith.cmpi slt, %while3A_4876, %lt3A_4877 : i32
      %ne3A = arith.cmpf one, %while3A_4874, %while3A_4875 : vector<512x1xf32>
      %reduce_or3A = arith.constant 1.000000e+00 : f32
      %reduce_or3A_4879 = arith.constant 0.000000e+00 : f32
      %reduce_or3A_4880 = vector.broadcast %reduce_or3A : f32 to vector<512x1xf32>
      %reduce_or3A_4881 = vector.broadcast %reduce_or3A_4879 : f32 to vector<512x1xf32>
      %reduce_or3A_4882 = arith.select %ne3A, %reduce_or3A_4880, %reduce_or3A_4881 : vector<512x1xi1>, vector<512x1xf32>
      %reduce_or3A_4883 = vector.shape_cast %reduce_or3A_4882 : vector<512x1xf32> to vector<1x512x1xf32>
      %reduce_or3A_4884 = arith.constant dense<0xFF800000> : vector<1xf32>
      %reduce_or3A_4885 = vector.multi_reduction <maximumf>, %reduce_or3A_4883, %reduce_or3A_4884 [1, 2] : vector<1x512x1xf32> to vector<1xf32>
      %reduce_or3A_4886 = vector.shape_cast %reduce_or3A_4885 : vector<1xf32> to vector<1x1x1xf32>
      %reduce_or3A_4887 = vector.extract %reduce_or3A_4886[0, 0, 0] : f32 from vector<1x1x1xf32>
      %reduce_or3A_4888 = arith.constant 0.000000e+00 : f32
      %reduce_or3A_4889 = arith.cmpf ogt, %reduce_or3A_4887, %reduce_or3A_4888 : f32
      %and3A_4890 = arith.andi %lt3A_4878, %reduce_or3A_4889 : i1
      scf.condition(%and3A_4890) %while3A_4874, %while3A_4875, %while3A_4876 : vector<512x1xf32>, vector<512x1xf32>, i32
    } do {
    ^bb0(%while3A_4874: vector<512x1xf32>, %while3A_4875: vector<512x1xf32>, %while3A_4876: i32):
      %dot_general3A_4877 = arith.constant dense<0.000000e+00> : vector<512x1xf32>
      %dot_general3A_4878 = tpu.matmul %select_n3A, %while3A_4875, %dot_general3A_4877 {dimension_numbers = #tpu.dot_dimension_numbers<[1], [0], [0], [1], [0, 0, 1, 1], [], []>, transpose_lhs_hint = false} : vector<512x512xf32>, vector<512x1xf32>, vector<512x1xf32> -> vector<512x1xf32>
      %lt3A_4879 = arith.constant 5.000000e-01 : f32
      %lt3A_4880 = vector.broadcast %lt3A_4879 : f32 to vector<512x1xf32>
      %lt3A_4881 = arith.cmpf olt, %dot_general3A_4878, %lt3A_4880 : vector<512x1xf32>
      %convert_element_type3A_4882 = arith.extui %lt3A_4881 : vector<512x1xi1> to vector<512x1xi32>
      %convert_element_type3A_4883 = arith.sitofp %convert_element_type3A_4882 : vector<512x1xi32> to vector<512x1xf32>
      %mul3A_4884 = arith.mulf %convert_element_type3A_97, %convert_element_type3A_4883 : vector<512x1xf32>
      %add3A_4885 = arith.constant 1 : i32
      %add3A_4886 = arith.addi %while3A_4876, %add3A_4885 : i32
      scf.yield %while3A_4875, %mul3A_4884, %add3A_4886 : vector<512x1xf32>, vector<512x1xf32>, i32
    }
    %swap3A = arith.constant 0 : index
    %swap3A_102 = arith.constant 0 : index
    %swap3A_103 = vector.load %arg5[%swap3A, %swap3A_102] : memref<5120x1xf32, #tpu.memory_space<vmem>>, vector<512x1xf32>
    tpu.vector_store %arg5[%swap3A, %swap3A_102], %while3A_101#1 {strides = array<i32>} : memref<5120x1xf32, #tpu.memory_space<vmem>>, vector<512x1xf32>,
    %get3A_104 = arith.constant 0 : index
    %get3A_105 = arith.constant 512 : index
    %get3A_106 = vector.load %arg1[%get3A_104, %get3A_105] : memref<4x5120xf32, #tpu.memory_space<vmem>>, vector<4x512xf32>
    %slice3A_107 = vector.extract_strided_slice %get3A_106 {offsets = [0, 0], sizes = [1, 512], strides = [1, 1]} : vector<4x512xf32> to vector<1x512xf32>
    %mul3A_108 = arith.constant 1.024000e+03 : f32
    %mul3A_109 = vector.broadcast %mul3A_108 : f32 to vector<1x512xf32>
    %mul3A_110 = arith.mulf %slice3A_107, %mul3A_109 : vector<1x512xf32>
    %slice3A_111 = vector.extract_strided_slice %get3A_106 {offsets = [1, 0], sizes = [1, 512], strides = [1, 1]} : vector<4x512xf32> to vector<1x512xf32>
    %mul3A_112 = arith.constant 1.024000e+03 : f32
    %mul3A_113 = vector.broadcast %mul3A_112 : f32 to vector<1x512xf32>
    %mul3A_114 = arith.mulf %slice3A_111, %mul3A_113 : vector<1x512xf32>
    %slice3A_115 = vector.extract_strided_slice %get3A_106 {offsets = [2, 0], sizes = [1, 512], strides = [1, 1]} : vector<4x512xf32> to vector<1x512xf32>
    %mul3A_116 = arith.constant 2.000000e+02 : f32
    %mul3A_117 = vector.broadcast %mul3A_116 : f32 to vector<1x512xf32>
    %mul3A_118 = arith.mulf %slice3A_115, %mul3A_117 : vector<1x512xf32>
    %add3A_119 = arith.constant 1.000000e+00 : f32
    %add3A_120 = vector.broadcast %add3A_119 : f32 to vector<1x512xf32>
    %add3A_121 = arith.addf %mul3A_118, %add3A_120 : vector<1x512xf32>
    %slice3A_122 = vector.extract_strided_slice %get3A_106 {offsets = [3, 0], sizes = [1, 512], strides = [1, 1]} : vector<4x512xf32> to vector<1x512xf32>
    %mul3A_123 = arith.constant 2.000000e+02 : f32
    %mul3A_124 = vector.broadcast %mul3A_123 : f32 to vector<1x512xf32>
    %mul3A_125 = arith.mulf %slice3A_122, %mul3A_124 : vector<1x512xf32>
    %add3A_126 = arith.constant 1.000000e+00 : f32
    %add3A_127 = vector.broadcast %add3A_126 : f32 to vector<1x512xf32>
    %add3A_128 = arith.addf %mul3A_125, %add3A_127 : vector<1x512xf32>
    %add3A_129 = arith.addf %mul3A_110, %add3A_121 : vector<1x512xf32>
    %add3A_130 = arith.addf %mul3A_114, %add3A_128 : vector<1x512xf32>
    %sub3A_131 = arith.subf %add3A_129, %mul3A_110 : vector<1x512xf32>
    %sub3A_132 = arith.subf %add3A_130, %mul3A_114 : vector<1x512xf32>
    %mul3A_133 = arith.mulf %sub3A_131, %sub3A_132 : vector<1x512xf32>
    %get3A_134 = arith.constant 512 : index
    %get3A_135 = arith.constant 0 : index
    %get3A_136 = vector.load %arg0[%get3A_134, %get3A_135] : memref<5120x4xf32, #tpu.memory_space<vmem>>, vector<512x4xf32>
    %slice3A_137 = vector.extract_strided_slice %get3A_136 {offsets = [0, 0], sizes = [512, 1], strides = [1, 1]} : vector<512x4xf32> to vector<512x1xf32>
    %mul3A_138 = arith.constant 1.024000e+03 : f32
    %mul3A_139 = vector.broadcast %mul3A_138 : f32 to vector<512x1xf32>
    %mul3A_140 = arith.mulf %slice3A_137, %mul3A_139 : vector<512x1xf32>
    %slice3A_141 = vector.extract_strided_slice %get3A_136 {offsets = [0, 1], sizes = [512, 1], strides = [1, 1]} : vector<512x4xf32> to vector<512x1xf32>
    %mul3A_142 = arith.constant 1.024000e+03 : f32
    %mul3A_143 = vector.broadcast %mul3A_142 : f32 to vector<512x1xf32>
    %mul3A_144 = arith.mulf %slice3A_141, %mul3A_143 : vector<512x1xf32>
    %slice3A_145 = vector.extract_strided_slice %get3A_136 {offsets = [0, 2], sizes = [512, 1], strides = [1, 1]} : vector<512x4xf32> to vector<512x1xf32>
    %mul3A_146 = arith.constant 2.000000e+02 : f32
    %mul3A_147 = vector.broadcast %mul3A_146 : f32 to vector<512x1xf32>
    %mul3A_148 = arith.mulf %slice3A_145, %mul3A_147 : vector<512x1xf32>
    %add3A_149 = arith.constant 1.000000e+00 : f32
    %add3A_150 = vector.broadcast %add3A_149 : f32 to vector<512x1xf32>
    %add3A_151 = arith.addf %mul3A_148, %add3A_150 : vector<512x1xf32>
    %slice3A_152 = vector.extract_strided_slice %get3A_136 {offsets = [0, 3], sizes = [512, 1], strides = [1, 1]} : vector<512x4xf32> to vector<512x1xf32>
    %mul3A_153 = arith.constant 2.000000e+02 : f32
    %mul3A_154 = vector.broadcast %mul3A_153 : f32 to vector<512x1xf32>
    %mul3A_155 = arith.mulf %slice3A_152, %mul3A_154 : vector<512x1xf32>
    %add3A_156 = arith.constant 1.000000e+00 : f32
    %add3A_157 = vector.broadcast %add3A_156 : f32 to vector<512x1xf32>
    %add3A_158 = arith.addf %mul3A_155, %add3A_157 : vector<512x1xf32>
    %add3A_159 = arith.addf %mul3A_140, %add3A_151 : vector<512x1xf32>
    %add3A_160 = arith.addf %mul3A_144, %add3A_158 : vector<512x1xf32>
    %sub3A_161 = arith.subf %add3A_159, %mul3A_140 : vector<512x1xf32>
    %sub3A_162 = arith.subf %add3A_160, %mul3A_144 : vector<512x1xf32>
    %mul3A_163 = arith.mulf %sub3A_161, %sub3A_162 : vector<512x1xf32>
    %broadcast_in_dim3A_164 = arith.constant 0.000000e+00 : f32
    %broadcast_in_dim3A_165 = vector.broadcast %broadcast_in_dim3A_164 : f32 to vector<512x1xf32>
    %get3A_166 = arith.constant 0 : index
    %get3A_167 = arith.constant 0 : index
    %get3A_168 = vector.load %arg1[%get3A_166, %get3A_167] : memref<4x5120xf32, #tpu.memory_space<vmem>>, vector<4x512xf32>
    %slice3A_169 = vector.extract_strided_slice %get3A_168 {offsets = [0, 0], sizes = [1, 512], strides = [1, 1]} : vector<4x512xf32> to vector<1x512xf32>
    %mul3A_170 = arith.constant 1.024000e+03 : f32
    %mul3A_171 = vector.broadcast %mul3A_170 : f32 to vector<1x512xf32>
    %mul3A_172 = arith.mulf %slice3A_169, %mul3A_171 : vector<1x512xf32>
    %slice3A_173 = vector.extract_strided_slice %get3A_168 {offsets = [1, 0], sizes = [1, 512], strides = [1, 1]} : vector<4x512xf32> to vector<1x512xf32>
    %mul3A_174 = arith.constant 1.024000e+03 : f32
    %mul3A_175 = vector.broadcast %mul3A_174 : f32 to vector<1x512xf32>
    %mul3A_176 = arith.mulf %slice3A_173, %mul3A_175 : vector<1x512xf32>
    %slice3A_177 = vector.extract_strided_slice %get3A_168 {offsets = [2, 0], sizes = [1, 512], strides = [1, 1]} : vector<4x512xf32> to vector<1x512xf32>
    %mul3A_178 = arith.constant 2.000000e+02 : f32
    %mul3A_179 = vector.broadcast %mul3A_178 : f32 to vector<1x512xf32>
    %mul3A_180 = arith.mulf %slice3A_177, %mul3A_179 : vector<1x512xf32>
    %add3A_181 = arith.constant 1.000000e+00 : f32
    %add3A_182 = vector.broadcast %add3A_181 : f32 to vector<1x512xf32>
    %add3A_183 = arith.addf %mul3A_180, %add3A_182 : vector<1x512xf32>
    %slice3A_184 = vector.extract_strided_slice %get3A_168 {offsets = [3, 0], sizes = [1, 512], strides = [1, 1]} : vector<4x512xf32> to vector<1x512xf32>
    %mul3A_185 = arith.constant 2.000000e+02 : f32
    %mul3A_186 = vector.broadcast %mul3A_185 : f32 to vector<1x512xf32>
    %mul3A_187 = arith.mulf %slice3A_184, %mul3A_186 : vector<1x512xf32>
    %add3A_188 = arith.constant 1.000000e+00 : f32
    %add3A_189 = vector.broadcast %add3A_188 : f32 to vector<1x512xf32>
    %add3A_190 = arith.addf %mul3A_187, %add3A_189 : vector<1x512xf32>
    %add3A_191 = arith.addf %mul3A_172, %add3A_183 : vector<1x512xf32>
    %add3A_192 = arith.addf %mul3A_176, %add3A_190 : vector<1x512xf32>
    %sub3A_193 = arith.subf %add3A_191, %mul3A_172 : vector<1x512xf32>
    %sub3A_194 = arith.subf %add3A_192, %mul3A_176 : vector<1x512xf32>
    %mul3A_195 = arith.mulf %sub3A_193, %sub3A_194 : vector<1x512xf32>
    %min3A_196 = vector.broadcast %add3A_159 : vector<512x1xf32> to vector<512x512xf32>
    %min3A_197 = vector.broadcast %add3A_191 : vector<1x512xf32> to vector<512x512xf32>
    %min3A_198 = arith.minimumf %min3A_196, %min3A_197 : vector<512x512xf32>
    %max3A_199 = vector.broadcast %mul3A_140 : vector<512x1xf32> to vector<512x512xf32>
    %max3A_200 = vector.broadcast %mul3A_172 : vector<1x512xf32> to vector<512x512xf32>
    %max3A_201 = arith.maximumf %max3A_199, %max3A_200 : vector<512x512xf32>
    %sub3A_202 = arith.subf %min3A_198, %max3A_201 : vector<512x512xf32>
    %max3A_203 = arith.constant 0.000000e+00 : f32
    %max3A_204 = vector.broadcast %max3A_203 : f32 to vector<512x512xf32>
    %max3A_205 = arith.maximumf %sub3A_202, %max3A_204 : vector<512x512xf32>
    %min3A_206 = vector.broadcast %add3A_160 : vector<512x1xf32> to vector<512x512xf32>
    %min3A_207 = vector.broadcast %add3A_192 : vector<1x512xf32> to vector<512x512xf32>
    %min3A_208 = arith.minimumf %min3A_206, %min3A_207 : vector<512x512xf32>
    %max3A_209 = vector.broadcast %mul3A_144 : vector<512x1xf32> to vector<512x512xf32>
    %max3A_210 = vector.broadcast %mul3A_176 : vector<1x512xf32> to vector<512x512xf32>
    %max3A_211 = arith.maximumf %max3A_209, %max3A_210 : vector<512x512xf32>
    %sub3A_212 = arith.subf %min3A_208, %max3A_211 : vector<512x512xf32>
    %max3A_213 = arith.constant 0.000000e+00 : f32
    %max3A_214 = vector.broadcast %max3A_213 : f32 to vector<512x512xf32>
    %max3A_215 = arith.maximumf %sub3A_212, %max3A_214 : vector<512x512xf32>
    %mul3A_216 = arith.mulf %max3A_205, %max3A_215 : vector<512x512xf32>
    %add3A_217 = vector.broadcast %mul3A_163 : vector<512x1xf32> to vector<512x512xf32>
    %add3A_218 = vector.broadcast %mul3A_195 : vector<1x512xf32> to vector<512x512xf32>
    %add3A_219 = arith.addf %add3A_217, %add3A_218 : vector<512x512xf32>
    %sub3A_220 = arith.subf %add3A_219, %mul3A_216 : vector<512x512xf32>
    %max3A_221 = arith.constant 9.99999971E-10 : f32
    %max3A_222 = vector.broadcast %max3A_221 : f32 to vector<512x512xf32>
    %max3A_223 = arith.maximumf %sub3A_220, %max3A_222 : vector<512x512xf32>
    %div3A_224 = arith.divf %mul3A_216, %max3A_223 : vector<512x512xf32>
    %gt3A_225 = arith.constant 3.000000e-01 : f32
    %gt3A_226 = vector.broadcast %gt3A_225 : f32 to vector<512x512xf32>
    %gt3A_227 = arith.cmpf ogt, %div3A_224, %gt3A_226 : vector<512x512xf32>
    %convert_element_type3A_228 = arith.extui %gt3A_227 : vector<512x512xi1> to vector<512x512xi32>
    %convert_element_type3A_229 = arith.sitofp %convert_element_type3A_228 : vector<512x512xi32> to vector<512x512xf32>
    %get3A_230 = arith.constant 0 : index
    %get3A_231 = arith.constant 0 : index
    %get3A_232 = vector.load %arg5[%get3A_230, %get3A_231] : memref<5120x1xf32, #tpu.memory_space<vmem>>, vector<512x1xf32>
    %dot_general3A = arith.constant dense<0.000000e+00> : vector<512x1xf32>
    %dot_general3A_233 = tpu.matmul %convert_element_type3A_229, %get3A_232, %dot_general3A {dimension_numbers = #tpu.dot_dimension_numbers<[1], [0], [0], [1], [0, 0, 1, 1], [], []>, transpose_lhs_hint = false} : vector<512x512xf32>, vector<512x1xf32>, vector<512x1xf32> -> vector<512x1xf32>
    %add3A_234 = arith.addf %broadcast_in_dim3A_165, %dot_general3A_233 : vector<512x1xf32>
    %min3A_235 = vector.broadcast %add3A_159 : vector<512x1xf32> to vector<512x512xf32>
    %min3A_236 = vector.broadcast %add3A_129 : vector<1x512xf32> to vector<512x512xf32>
    %min3A_237 = arith.minimumf %min3A_235, %min3A_236 : vector<512x512xf32>
    %max3A_238 = vector.broadcast %mul3A_140 : vector<512x1xf32> to vector<512x512xf32>
    %max3A_239 = vector.broadcast %mul3A_110 : vector<1x512xf32> to vector<512x512xf32>
    %max3A_240 = arith.maximumf %max3A_238, %max3A_239 : vector<512x512xf32>
    %sub3A_241 = arith.subf %min3A_237, %max3A_240 : vector<512x512xf32>
    %max3A_242 = arith.constant 0.000000e+00 : f32
    %max3A_243 = vector.broadcast %max3A_242 : f32 to vector<512x512xf32>
    %max3A_244 = arith.maximumf %sub3A_241, %max3A_243 : vector<512x512xf32>
    %min3A_245 = vector.broadcast %add3A_160 : vector<512x1xf32> to vector<512x512xf32>
    %min3A_246 = vector.broadcast %add3A_130 : vector<1x512xf32> to vector<512x512xf32>
    %min3A_247 = arith.minimumf %min3A_245, %min3A_246 : vector<512x512xf32>
    %max3A_248 = vector.broadcast %mul3A_144 : vector<512x1xf32> to vector<512x512xf32>
    %max3A_249 = vector.broadcast %mul3A_114 : vector<1x512xf32> to vector<512x512xf32>
    %max3A_250 = arith.maximumf %max3A_248, %max3A_249 : vector<512x512xf32>
    %sub3A_251 = arith.subf %min3A_247, %max3A_250 : vector<512x512xf32>
    %max3A_252 = arith.constant 0.000000e+00 : f32
    %max3A_253 = vector.broadcast %max3A_252 : f32 to vector<512x512xf32>
    %max3A_254 = arith.maximumf %sub3A_251, %max3A_253 : vector<512x512xf32>
    %mul3A_255 = arith.mulf %max3A_244, %max3A_254 : vector<512x512xf32>
    %add3A_256 = vector.broadcast %mul3A_163 : vector<512x1xf32> to vector<512x512xf32>
    %add3A_257 = vector.broadcast %mul3A_133 : vector<1x512xf32> to vector<512x512xf32>
    %add3A_258 = arith.addf %add3A_256, %add3A_257 : vector<512x512xf32>
    %sub3A_259 = arith.subf %add3A_258, %mul3A_255 : vector<512x512xf32>
    %max3A_260 = arith.constant 9.99999971E-10 : f32
    %max3A_261 = vector.broadcast %max3A_260 : f32 to vector<512x512xf32>
    %max3A_262 = arith.maximumf %sub3A_259, %max3A_261 : vector<512x512xf32>
    %div3A_263 = arith.divf %mul3A_255, %max3A_262 : vector<512x512xf32>
    %gt3A_264 = arith.constant 3.000000e-01 : f32
    %gt3A_265 = vector.broadcast %gt3A_264 : f32 to vector<512x512xf32>
    %gt3A_266 = arith.cmpf ogt, %div3A_263, %gt3A_265 : vector<512x512xf32>
    %convert_element_type3A_267 = arith.extui %gt3A_266 : vector<512x512xi1> to vector<512x512xi32>
    %convert_element_type3A_268 = arith.sitofp %convert_element_type3A_267 : vector<512x512xi32> to vector<512x512xf32>
    %iota3A_269 = tpu.iota {dimensions = array<i32: 0>} : vector<512x512xi32>
    %iota3A_270 = tpu.iota {dimensions = array<i32: 1>} : vector<512x512xi32>
    %lt3A_271 = arith.cmpi slt, %iota3A_270, %iota3A_269 : vector<512x512xi32>
    %jit3A_272 = arith.constant 0.000000e+00 : f32
    %broadcast_in_dim3A_273 = vector.broadcast %jit3A_272 : f32 to vector<512x512xf32>
    %select_n3A_274 = arith.select %lt3A_271, %convert_element_type3A_268, %broadcast_in_dim3A_273 : vector<512x512xi1>, vector<512x512xf32>
    %get3A_275 = arith.constant 512 : index
    %get3A_276 = arith.constant 0 : index
    %get3A_277 = vector.load %arg2[%get3A_275, %get3A_276] : memref<5120x1xf32, #tpu.memory_space<vmem>>, vector<512x1xf32>
    %gt3A_278 = arith.constant 5.000000e-02 : f32
    %gt3A_279 = vector.broadcast %gt3A_278 : f32 to vector<512x1xf32>
    %gt3A_280 = arith.cmpf ogt, %get3A_277, %gt3A_279 : vector<512x1xf32>
    %lt3A_281 = arith.constant 5.000000e-01 : f32
    %lt3A_282 = vector.broadcast %lt3A_281 : f32 to vector<512x1xf32>
    %lt3A_283 = arith.cmpf olt, %add3A_234, %lt3A_282 : vector<512x1xf32>
    %and3A_284 = arith.andi %gt3A_280, %lt3A_283 : vector<512x1xi1>
    %convert_element_type3A_285 = arith.extui %and3A_284 : vector<512x1xi1> to vector<512x1xi32>
    %convert_element_type3A_286 = arith.sitofp %convert_element_type3A_285 : vector<512x1xi32> to vector<512x1xf32>
    %sub3A_287 = arith.constant 2.000000e+00 : f32
    %sub3A_288 = vector.broadcast %sub3A_287 : f32 to vector<512x1xf32>
    %sub3A_289 = arith.subf %convert_element_type3A_286, %sub3A_288 : vector<512x1xf32>
    %while3A_290 = arith.constant 0 : i32
    %while3A_291:3 = scf.while (%while3A_4874 = %sub3A_289, %while3A_4875 = %convert_element_type3A_286, %while3A_4876 = %while3A_290) : (vector<512x1xf32>, vector<512x1xf32>, i32) -> (vector<512x1xf32>, vector<512x1xf32>, i32) {
      %lt3A_4877 = arith.constant 514 : i32
      %lt3A_4878 = arith.cmpi slt, %while3A_4876, %lt3A_4877 : i32
      %ne3A = arith.cmpf one, %while3A_4874, %while3A_4875 : vector<512x1xf32>
      %reduce_or3A = arith.constant 1.000000e+00 : f32
      %reduce_or3A_4879 = arith.constant 0.000000e+00 : f32
      %reduce_or3A_4880 = vector.broadcast %reduce_or3A : f32 to vector<512x1xf32>
      %reduce_or3A_4881 = vector.broadcast %reduce_or3A_4879 : f32 to vector<512x1xf32>
      %reduce_or3A_4882 = arith.select %ne3A, %reduce_or3A_4880, %reduce_or3A_4881 : vector<512x1xi1>, vector<512x1xf32>
      %reduce_or3A_4883 = vector.shape_cast %reduce_or3A_4882 : vector<512x1xf32> to vector<1x512x1xf32>
      %reduce_or3A_4884 = arith.constant dense<0xFF800000> : vector<1xf32>
      %reduce_or3A_4885 = vector.multi_reduction <maximumf>, %reduce_or3A_4883, %reduce_or3A_4884 [1, 2] : vector<1x512x1xf32> to vector<1xf32>
      %reduce_or3A_4886 = vector.shape_cast %reduce_or3A_4885 : vector<1xf32> to vector<1x1x1xf32>
      %reduce_or3A_4887 = vector.extract %reduce_or3A_4886[0, 0, 0] : f32 from vector<1x1x1xf32>
      %reduce_or3A_4888 = arith.constant 0.000000e+00 : f32
      %reduce_or3A_4889 = arith.cmpf ogt, %reduce_or3A_4887, %reduce_or3A_4888 : f32
      %and3A_4890 = arith.andi %lt3A_4878, %reduce_or3A_4889 : i1
      scf.condition(%and3A_4890) %while3A_4874, %while3A_4875, %while3A_4876 : vector<512x1xf32>, vector<512x1xf32>, i32
    } do {
    ^bb0(%while3A_4874: vector<512x1xf32>, %while3A_4875: vector<512x1xf32>, %while3A_4876: i32):
      %dot_general3A_4877 = arith.constant dense<0.000000e+00> : vector<512x1xf32>
      %dot_general3A_4878 = tpu.matmul %select_n3A_274, %while3A_4875, %dot_general3A_4877 {dimension_numbers = #tpu.dot_dimension_numbers<[1], [0], [0], [1], [0, 0, 1, 1], [], []>, transpose_lhs_hint = false} : vector<512x512xf32>, vector<512x1xf32>, vector<512x1xf32> -> vector<512x1xf32>
      %lt3A_4879 = arith.constant 5.000000e-01 : f32
      %lt3A_4880 = vector.broadcast %lt3A_4879 : f32 to vector<512x1xf32>
      %lt3A_4881 = arith.cmpf olt, %dot_general3A_4878, %lt3A_4880 : vector<512x1xf32>
      %convert_element_type3A_4882 = arith.extui %lt3A_4881 : vector<512x1xi1> to vector<512x1xi32>
      %convert_element_type3A_4883 = arith.sitofp %convert_element_type3A_4882 : vector<512x1xi32> to vector<512x1xf32>
      %mul3A_4884 = arith.mulf %convert_element_type3A_286, %convert_element_type3A_4883 : vector<512x1xf32>
      %add3A_4885 = arith.constant 1 : i32
      %add3A_4886 = arith.addi %while3A_4876, %add3A_4885 : i32
      scf.yield %while3A_4875, %mul3A_4884, %add3A_4886 : vector<512x1xf32>, vector<512x1xf32>, i32
    }
    %swap3A_292 = arith.constant 512 : index
    %swap3A_293 = arith.constant 0 : index
    %swap3A_294 = vector.load %arg5[%swap3A_292, %swap3A_293] : memref<5120x1xf32, #tpu.memory_space<vmem>>, vector<512x1xf32>
    tpu.vector_store %arg5[%swap3A_292, %swap3A_293], %while3A_291#1 {strides = array<i32>} : memref<5120x1xf32, #tpu.memory_space<vmem>>, vector<512x1xf32>,
    %get3A_295 = arith.constant 0 : index
    %get3A_296 = arith.constant 1024 : index
    %get3A_297 = vector.load %arg1[%get3A_295, %get3A_296] : memref<4x5120xf32, #tpu.memory_space<vmem>>, vector<4x512xf32>
    %slice3A_298 = vector.extract_strided_slice %get3A_297 {offsets = [0, 0], sizes = [1, 512], strides = [1, 1]} : vector<4x512xf32> to vector<1x512xf32>
    %mul3A_299 = arith.constant 1.024000e+03 : f32
    %mul3A_300 = vector.broadcast %mul3A_299 : f32 to vector<1x512xf32>
    %mul3A_301 = arith.mulf %slice3A_298, %mul3A_300 : vector<1x512xf32>
    %slice3A_302 = vector.extract_strided_slice %get3A_297 {offsets = [1, 0], sizes = [1, 512], strides = [1, 1]} : vector<4x512xf32> to vector<1x512xf32>
    %mul3A_303 = arith.constant 1.024000e+03 : f32
    %mul3A_304 = vector.broadcast %mul3A_303 : f32 to vector<1x512xf32>
    %mul3A_305 = arith.mulf %slice3A_302, %mul3A_304 : vector<1x512xf32>
    %slice3A_306 = vector.extract_strided_slice %get3A_297 {offsets = [2, 0], sizes = [1, 512], strides = [1, 1]} : vector<4x512xf32> to vector<1x512xf32>
    %mul3A_307 = arith.constant 2.000000e+02 : f32
    %mul3A_308 = vector.broadcast %mul3A_307 : f32 to vector<1x512xf32>
    %mul3A_309 = arith.mulf %slice3A_306, %mul3A_308 : vector<1x512xf32>
    %add3A_310 = arith.constant 1.000000e+00 : f32
    %add3A_311 = vector.broadcast %add3A_310 : f32 to vector<1x512xf32>
    %add3A_312 = arith.addf %mul3A_309, %add3A_311 : vector<1x512xf32>
    %slice3A_313 = vector.extract_strided_slice %get3A_297 {offsets = [3, 0], sizes = [1, 512], strides = [1, 1]} : vector<4x512xf32> to vector<1x512xf32>
    %mul3A_314 = arith.constant 2.000000e+02 : f32
    %mul3A_315 = vector.broadcast %mul3A_314 : f32 to vector<1x512xf32>
    %mul3A_316 = arith.mulf %slice3A_313, %mul3A_315 : vector<1x512xf32>
    %add3A_317 = arith.constant 1.000000e+00 : f32
    %add3A_318 = vector.broadcast %add3A_317 : f32 to vector<1x512xf32>
    %add3A_319 = arith.addf %mul3A_316, %add3A_318 : vector<1x512xf32>
    %add3A_320 = arith.addf %mul3A_301, %add3A_312 : vector<1x512xf32>
    %add3A_321 = arith.addf %mul3A_305, %add3A_319 : vector<1x512xf32>
    %sub3A_322 = arith.subf %add3A_320, %mul3A_301 : vector<1x512xf32>
    %sub3A_323 = arith.subf %add3A_321, %mul3A_305 : vector<1x512xf32>
    %mul3A_324 = arith.mulf %sub3A_322, %sub3A_323 : vector<1x512xf32>
    %get3A_325 = arith.constant 1024 : index
    %get3A_326 = arith.constant 0 : index
    %get3A_327 = vector.load %arg0[%get3A_325, %get3A_326] : memref<5120x4xf32, #tpu.memory_space<vmem>>, vector<512x4xf32>
    %slice3A_328 = vector.extract_strided_slice %get3A_327 {offsets = [0, 0], sizes = [512, 1], strides = [1, 1]} : vector<512x4xf32> to vector<512x1xf32>
    %mul3A_329 = arith.constant 1.024000e+03 : f32
    %mul3A_330 = vector.broadcast %mul3A_329 : f32 to vector<512x1xf32>
    %mul3A_331 = arith.mulf %slice3A_328, %mul3A_330 : vector<512x1xf32>
    %slice3A_332 = vector.extract_strided_slice %get3A_327 {offsets = [0, 1], sizes = [512, 1], strides = [1, 1]} : vector<512x4xf32> to vector<512x1xf32>
    %mul3A_333 = arith.constant 1.024000e+03 : f32
    %mul3A_334 = vector.broadcast %mul3A_333 : f32 to vector<512x1xf32>
    %mul3A_335 = arith.mulf %slice3A_332, %mul3A_334 : vector<512x1xf32>
    %slice3A_336 = vector.extract_strided_slice %get3A_327 {offsets = [0, 2], sizes = [512, 1], strides = [1, 1]} : vector<512x4xf32> to vector<512x1xf32>
    %mul3A_337 = arith.constant 2.000000e+02 : f32
    %mul3A_338 = vector.broadcast %mul3A_337 : f32 to vector<512x1xf32>
    %mul3A_339 = arith.mulf %slice3A_336, %mul3A_338 : vector<512x1xf32>
    %add3A_340 = arith.constant 1.000000e+00 : f32
    %add3A_341 = vector.broadcast %add3A_340 : f32 to vector<512x1xf32>
    %add3A_342 = arith.addf %mul3A_339, %add3A_341 : vector<512x1xf32>
    %slice3A_343 = vector.extract_strided_slice %get3A_327 {offsets = [0, 3], sizes = [512, 1], strides = [1, 1]} : vector<512x4xf32> to vector<512x1xf32>
    %mul3A_344 = arith.constant 2.000000e+02 : f32
    %mul3A_345 = vector.broadcast %mul3A_344 : f32 to vector<512x1xf32>
    %mul3A_346 = arith.mulf %slice3A_343, %mul3A_345 : vector<512x1xf32>
    %add3A_347 = arith.constant 1.000000e+00 : f32
    %add3A_348 = vector.broadcast %add3A_347 : f32 to vector<512x1xf32>
    %add3A_349 = arith.addf %mul3A_346, %add3A_348 : vector<512x1xf32>
    %add3A_350 = arith.addf %mul3A_331, %add3A_342 : vector<512x1xf32>
    %add3A_351 = arith.addf %mul3A_335, %add3A_349 : vector<512x1xf32>
    %sub3A_352 = arith.subf %add3A_350, %mul3A_331 : vector<512x1xf32>
    %sub3A_353 = arith.subf %add3A_351, %mul3A_335 : vector<512x1xf32>
    %mul3A_354 = arith.mulf %sub3A_352, %sub3A_353 : vector<512x1xf32>
    %broadcast_in_dim3A_355 = arith.constant 0.000000e+00 : f32
    %broadcast_in_dim3A_356 = vector.broadcast %broadcast_in_dim3A_355 : f32 to vector<512x1xf32>
    %get3A_357 = arith.constant 0 : index
    %get3A_358 = arith.constant 0 : index
    %get3A_359 = vector.load %arg1[%get3A_357, %get3A_358] : memref<4x5120xf32, #tpu.memory_space<vmem>>, vector<4x512xf32>
    %slice3A_360 = vector.extract_strided_slice %get3A_359 {offsets = [0, 0], sizes = [1, 512], strides = [1, 1]} : vector<4x512xf32> to vector<1x512xf32>
    %mul3A_361 = arith.constant 1.024000e+03 : f32
    %mul3A_362 = vector.broadcast %mul3A_361 : f32 to vector<1x512xf32>
    %mul3A_363 = arith.mulf %slice3A_360, %mul3A_362 : vector<1x512xf32>
    %slice3A_364 = vector.extract_strided_slice %get3A_359 {offsets = [1, 0], sizes = [1, 512], strides = [1, 1]} : vector<4x512xf32> to vector<1x512xf32>
    %mul3A_365 = arith.constant 1.024000e+03 : f32
    %mul3A_366 = vector.broadcast %mul3A_365 : f32 to vector<1x512xf32>
    %mul3A_367 = arith.mulf %slice3A_364, %mul3A_366 : vector<1x512xf32>
    %slice3A_368 = vector.extract_strided_slice %get3A_359 {offsets = [2, 0], sizes = [1, 512], strides = [1, 1]} : vector<4x512xf32> to vector<1x512xf32>
    %mul3A_369 = arith.constant 2.000000e+02 : f32
    %mul3A_370 = vector.broadcast %mul3A_369 : f32 to vector<1x512xf32>
    %mul3A_371 = arith.mulf %slice3A_368, %mul3A_370 : vector<1x512xf32>
    %add3A_372 = arith.constant 1.000000e+00 : f32
    %add3A_373 = vector.broadcast %add3A_372 : f32 to vector<1x512xf32>
    %add3A_374 = arith.addf %mul3A_371, %add3A_373 : vector<1x512xf32>
    %slice3A_375 = vector.extract_strided_slice %get3A_359 {offsets = [3, 0], sizes = [1, 512], strides = [1, 1]} : vector<4x512xf32> to vector<1x512xf32>
    %mul3A_376 = arith.constant 2.000000e+02 : f32
    %mul3A_377 = vector.broadcast %mul3A_376 : f32 to vector<1x512xf32>
    %mul3A_378 = arith.mulf %slice3A_375, %mul3A_377 : vector<1x512xf32>
    %add3A_379 = arith.constant 1.000000e+00 : f32
    %add3A_380 = vector.broadcast %add3A_379 : f32 to vector<1x512xf32>
    %add3A_381 = arith.addf %mul3A_378, %add3A_380 : vector<1x512xf32>
    %add3A_382 = arith.addf %mul3A_363, %add3A_374 : vector<1x512xf32>
    %add3A_383 = arith.addf %mul3A_367, %add3A_381 : vector<1x512xf32>
    %sub3A_384 = arith.subf %add3A_382, %mul3A_363 : vector<1x512xf32>
    %sub3A_385 = arith.subf %add3A_383, %mul3A_367 : vector<1x512xf32>
    %mul3A_386 = arith.mulf %sub3A_384, %sub3A_385 : vector<1x512xf32>
    %min3A_387 = vector.broadcast %add3A_350 : vector<512x1xf32> to vector<512x512xf32>
    %min3A_388 = vector.broadcast %add3A_382 : vector<1x512xf32> to vector<512x512xf32>
    %min3A_389 = arith.minimumf %min3A_387, %min3A_388 : vector<512x512xf32>
    %max3A_390 = vector.broadcast %mul3A_331 : vector<512x1xf32> to vector<512x512xf32>
    %max3A_391 = vector.broadcast %mul3A_363 : vector<1x512xf32> to vector<512x512xf32>
    %max3A_392 = arith.maximumf %max3A_390, %max3A_391 : vector<512x512xf32>
    %sub3A_393 = arith.subf %min3A_389, %max3A_392 : vector<512x512xf32>
    %max3A_394 = arith.constant 0.000000e+00 : f32
    %max3A_395 = vector.broadcast %max3A_394 : f32 to vector<512x512xf32>
    %max3A_396 = arith.maximumf %sub3A_393, %max3A_395 : vector<512x512xf32>
    %min3A_397 = vector.broadcast %add3A_351 : vector<512x1xf32> to vector<512x512xf32>
    %min3A_398 = vector.broadcast %add3A_383 : vector<1x512xf32> to vector<512x512xf32>
    %min3A_399 = arith.minimumf %min3A_397, %min3A_398 : vector<512x512xf32>
    %max3A_400 = vector.broadcast %mul3A_335 : vector<512x1xf32> to vector<512x512xf32>
    %max3A_401 = vector.broadcast %mul3A_367 : vector<1x512xf32> to vector<512x512xf32>
    %max3A_402 = arith.maximumf %max3A_400, %max3A_401 : vector<512x512xf32>
    %sub3A_403 = arith.subf %min3A_399, %max3A_402 : vector<512x512xf32>
    %max3A_404 = arith.constant 0.000000e+00 : f32
    %max3A_405 = vector.broadcast %max3A_404 : f32 to vector<512x512xf32>
    %max3A_406 = arith.maximumf %sub3A_403, %max3A_405 : vector<512x512xf32>
    %mul3A_407 = arith.mulf %max3A_396, %max3A_406 : vector<512x512xf32>
    %add3A_408 = vector.broadcast %mul3A_354 : vector<512x1xf32> to vector<512x512xf32>
    %add3A_409 = vector.broadcast %mul3A_386 : vector<1x512xf32> to vector<512x512xf32>
    %add3A_410 = arith.addf %add3A_408, %add3A_409 : vector<512x512xf32>
    %sub3A_411 = arith.subf %add3A_410, %mul3A_407 : vector<512x512xf32>
    %max3A_412 = arith.constant 9.99999971E-10 : f32
    %max3A_413 = vector.broadcast %max3A_412 : f32 to vector<512x512xf32>
    %max3A_414 = arith.maximumf %sub3A_411, %max3A_413 : vector<512x512xf32>
    %div3A_415 = arith.divf %mul3A_407, %max3A_414 : vector<512x512xf32>
    %gt3A_416 = arith.constant 3.000000e-01 : f32
    %gt3A_417 = vector.broadcast %gt3A_416 : f32 to vector<512x512xf32>
    %gt3A_418 = arith.cmpf ogt, %div3A_415, %gt3A_417 : vector<512x512xf32>
    %convert_element_type3A_419 = arith.extui %gt3A_418 : vector<512x512xi1> to vector<512x512xi32>
    %convert_element_type3A_420 = arith.sitofp %convert_element_type3A_419 : vector<512x512xi32> to vector<512x512xf32>
    %get3A_421 = arith.constant 0 : index
    %get3A_422 = arith.constant 0 : index
    %get3A_423 = vector.load %arg5[%get3A_421, %get3A_422] : memref<5120x1xf32, #tpu.memory_space<vmem>>, vector<512x1xf32>
    %dot_general3A_424 = arith.constant dense<0.000000e+00> : vector<512x1xf32>
    %dot_general3A_425 = tpu.matmul %convert_element_type3A_420, %get3A_423, %dot_general3A_424 {dimension_numbers = #tpu.dot_dimension_numbers<[1], [0], [0], [1], [0, 0, 1, 1], [], []>, transpose_lhs_hint = false} : vector<512x512xf32>, vector<512x1xf32>, vector<512x1xf32> -> vector<512x1xf32>
    %add3A_426 = arith.addf %broadcast_in_dim3A_356, %dot_general3A_425 : vector<512x1xf32>
    %get3A_427 = arith.constant 0 : index
    %get3A_428 = arith.constant 512 : index
    %get3A_429 = vector.load %arg1[%get3A_427, %get3A_428] : memref<4x5120xf32, #tpu.memory_space<vmem>>, vector<4x512xf32>
    %slice3A_430 = vector.extract_strided_slice %get3A_429 {offsets = [0, 0], sizes = [1, 512], strides = [1, 1]} : vector<4x512xf32> to vector<1x512xf32>
    %mul3A_431 = arith.constant 1.024000e+03 : f32
    %mul3A_432 = vector.broadcast %mul3A_431 : f32 to vector<1x512xf32>
    %mul3A_433 = arith.mulf %slice3A_430, %mul3A_432 : vector<1x512xf32>
    %slice3A_434 = vector.extract_strided_slice %get3A_429 {offsets = [1, 0], sizes = [1, 512], strides = [1, 1]} : vector<4x512xf32> to vector<1x512xf32>
    %mul3A_435 = arith.constant 1.024000e+03 : f32
    %mul3A_436 = vector.broadcast %mul3A_435 : f32 to vector<1x512xf32>
    %mul3A_437 = arith.mulf %slice3A_434, %mul3A_436 : vector<1x512xf32>
    %slice3A_438 = vector.extract_strided_slice %get3A_429 {offsets = [2, 0], sizes = [1, 512], strides = [1, 1]} : vector<4x512xf32> to vector<1x512xf32>
    %mul3A_439 = arith.constant 2.000000e+02 : f32
    %mul3A_440 = vector.broadcast %mul3A_439 : f32 to vector<1x512xf32>
    %mul3A_441 = arith.mulf %slice3A_438, %mul3A_440 : vector<1x512xf32>
    %add3A_442 = arith.constant 1.000000e+00 : f32
    %add3A_443 = vector.broadcast %add3A_442 : f32 to vector<1x512xf32>
    %add3A_444 = arith.addf %mul3A_441, %add3A_443 : vector<1x512xf32>
    %slice3A_445 = vector.extract_strided_slice %get3A_429 {offsets = [3, 0], sizes = [1, 512], strides = [1, 1]} : vector<4x512xf32> to vector<1x512xf32>
    %mul3A_446 = arith.constant 2.000000e+02 : f32
    %mul3A_447 = vector.broadcast %mul3A_446 : f32 to vector<1x512xf32>
    %mul3A_448 = arith.mulf %slice3A_445, %mul3A_447 : vector<1x512xf32>
    %add3A_449 = arith.constant 1.000000e+00 : f32
    %add3A_450 = vector.broadcast %add3A_449 : f32 to vector<1x512xf32>
    %add3A_451 = arith.addf %mul3A_448, %add3A_450 : vector<1x512xf32>
    %add3A_452 = arith.addf %mul3A_433, %add3A_444 : vector<1x512xf32>
    %add3A_453 = arith.addf %mul3A_437, %add3A_451 : vector<1x512xf32>
    %sub3A_454 = arith.subf %add3A_452, %mul3A_433 : vector<1x512xf32>
    %sub3A_455 = arith.subf %add3A_453, %mul3A_437 : vector<1x512xf32>
    %mul3A_456 = arith.mulf %sub3A_454, %sub3A_455 : vector<1x512xf32>
    %min3A_457 = vector.broadcast %add3A_350 : vector<512x1xf32> to vector<512x512xf32>
    %min3A_458 = vector.broadcast %add3A_452 : vector<1x512xf32> to vector<512x512xf32>
    %min3A_459 = arith.minimumf %min3A_457, %min3A_458 : vector<512x512xf32>
    %max3A_460 = vector.broadcast %mul3A_331 : vector<512x1xf32> to vector<512x512xf32>
    %max3A_461 = vector.broadcast %mul3A_433 : vector<1x512xf32> to vector<512x512xf32>
    %max3A_462 = arith.maximumf %max3A_460, %max3A_461 : vector<512x512xf32>
    %sub3A_463 = arith.subf %min3A_459, %max3A_462 : vector<512x512xf32>
    %max3A_464 = arith.constant 0.000000e+00 : f32
    %max3A_465 = vector.broadcast %max3A_464 : f32 to vector<512x512xf32>
    %max3A_466 = arith.maximumf %sub3A_463, %max3A_465 : vector<512x512xf32>
    %min3A_467 = vector.broadcast %add3A_351 : vector<512x1xf32> to vector<512x512xf32>
    %min3A_468 = vector.broadcast %add3A_453 : vector<1x512xf32> to vector<512x512xf32>
    %min3A_469 = arith.minimumf %min3A_467, %min3A_468 : vector<512x512xf32>
    %max3A_470 = vector.broadcast %mul3A_335 : vector<512x1xf32> to vector<512x512xf32>
    %max3A_471 = vector.broadcast %mul3A_437 : vector<1x512xf32> to vector<512x512xf32>
    %max3A_472 = arith.maximumf %max3A_470, %max3A_471 : vector<512x512xf32>
    %sub3A_473 = arith.subf %min3A_469, %max3A_472 : vector<512x512xf32>
    %max3A_474 = arith.constant 0.000000e+00 : f32
    %max3A_475 = vector.broadcast %max3A_474 : f32 to vector<512x512xf32>
    %max3A_476 = arith.maximumf %sub3A_473, %max3A_475 : vector<512x512xf32>
    %mul3A_477 = arith.mulf %max3A_466, %max3A_476 : vector<512x512xf32>
    %add3A_478 = vector.broadcast %mul3A_354 : vector<512x1xf32> to vector<512x512xf32>
    %add3A_479 = vector.broadcast %mul3A_456 : vector<1x512xf32> to vector<512x512xf32>
    %add3A_480 = arith.addf %add3A_478, %add3A_479 : vector<512x512xf32>
    %sub3A_481 = arith.subf %add3A_480, %mul3A_477 : vector<512x512xf32>
    %max3A_482 = arith.constant 9.99999971E-10 : f32
    %max3A_483 = vector.broadcast %max3A_482 : f32 to vector<512x512xf32>
    %max3A_484 = arith.maximumf %sub3A_481, %max3A_483 : vector<512x512xf32>
    %div3A_485 = arith.divf %mul3A_477, %max3A_484 : vector<512x512xf32>
    %gt3A_486 = arith.constant 3.000000e-01 : f32
    %gt3A_487 = vector.broadcast %gt3A_486 : f32 to vector<512x512xf32>
    %gt3A_488 = arith.cmpf ogt, %div3A_485, %gt3A_487 : vector<512x512xf32>
    %convert_element_type3A_489 = arith.extui %gt3A_488 : vector<512x512xi1> to vector<512x512xi32>
    %convert_element_type3A_490 = arith.sitofp %convert_element_type3A_489 : vector<512x512xi32> to vector<512x512xf32>
    %get3A_491 = arith.constant 512 : index
    %get3A_492 = arith.constant 0 : index
    %get3A_493 = vector.load %arg5[%get3A_491, %get3A_492] : memref<5120x1xf32, #tpu.memory_space<vmem>>, vector<512x1xf32>
    %dot_general3A_494 = arith.constant dense<0.000000e+00> : vector<512x1xf32>
    %dot_general3A_495 = tpu.matmul %convert_element_type3A_490, %get3A_493, %dot_general3A_494 {dimension_numbers = #tpu.dot_dimension_numbers<[1], [0], [0], [1], [0, 0, 1, 1], [], []>, transpose_lhs_hint = false} : vector<512x512xf32>, vector<512x1xf32>, vector<512x1xf32> -> vector<512x1xf32>
    %add3A_496 = arith.addf %add3A_426, %dot_general3A_495 : vector<512x1xf32>
    %min3A_497 = vector.broadcast %add3A_350 : vector<512x1xf32> to vector<512x512xf32>
    %min3A_498 = vector.broadcast %add3A_320 : vector<1x512xf32> to vector<512x512xf32>
    %min3A_499 = arith.minimumf %min3A_497, %min3A_498 : vector<512x512xf32>
    %max3A_500 = vector.broadcast %mul3A_331 : vector<512x1xf32> to vector<512x512xf32>
    %max3A_501 = vector.broadcast %mul3A_301 : vector<1x512xf32> to vector<512x512xf32>
    %max3A_502 = arith.maximumf %max3A_500, %max3A_501 : vector<512x512xf32>
    %sub3A_503 = arith.subf %min3A_499, %max3A_502 : vector<512x512xf32>
    %max3A_504 = arith.constant 0.000000e+00 : f32
    %max3A_505 = vector.broadcast %max3A_504 : f32 to vector<512x512xf32>
    %max3A_506 = arith.maximumf %sub3A_503, %max3A_505 : vector<512x512xf32>
    %min3A_507 = vector.broadcast %add3A_351 : vector<512x1xf32> to vector<512x512xf32>
    %min3A_508 = vector.broadcast %add3A_321 : vector<1x512xf32> to vector<512x512xf32>
    %min3A_509 = arith.minimumf %min3A_507, %min3A_508 : vector<512x512xf32>
    %max3A_510 = vector.broadcast %mul3A_335 : vector<512x1xf32> to vector<512x512xf32>
    %max3A_511 = vector.broadcast %mul3A_305 : vector<1x512xf32> to vector<512x512xf32>
    %max3A_512 = arith.maximumf %max3A_510, %max3A_511 : vector<512x512xf32>
    %sub3A_513 = arith.subf %min3A_509, %max3A_512 : vector<512x512xf32>
    %max3A_514 = arith.constant 0.000000e+00 : f32
    %max3A_515 = vector.broadcast %max3A_514 : f32 to vector<512x512xf32>
    %max3A_516 = arith.maximumf %sub3A_513, %max3A_515 : vector<512x512xf32>
    %mul3A_517 = arith.mulf %max3A_506, %max3A_516 : vector<512x512xf32>
    %add3A_518 = vector.broadcast %mul3A_354 : vector<512x1xf32> to vector<512x512xf32>
    %add3A_519 = vector.broadcast %mul3A_324 : vector<1x512xf32> to vector<512x512xf32>
    %add3A_520 = arith.addf %add3A_518, %add3A_519 : vector<512x512xf32>
    %sub3A_521 = arith.subf %add3A_520, %mul3A_517 : vector<512x512xf32>
    %max3A_522 = arith.constant 9.99999971E-10 : f32
    %max3A_523 = vector.broadcast %max3A_522 : f32 to vector<512x512xf32>
    %max3A_524 = arith.maximumf %sub3A_521, %max3A_523 : vector<512x512xf32>
    %div3A_525 = arith.divf %mul3A_517, %max3A_524 : vector<512x512xf32>
    %gt3A_526 = arith.constant 3.000000e-01 : f32
    %gt3A_527 = vector.broadcast %gt3A_526 : f32 to vector<512x512xf32>
    %gt3A_528 = arith.cmpf ogt, %div3A_525, %gt3A_527 : vector<512x512xf32>
    %convert_element_type3A_529 = arith.extui %gt3A_528 : vector<512x512xi1> to vector<512x512xi32>
    %convert_element_type3A_530 = arith.sitofp %convert_element_type3A_529 : vector<512x512xi32> to vector<512x512xf32>
    %iota3A_531 = tpu.iota {dimensions = array<i32: 0>} : vector<512x512xi32>
    %iota3A_532 = tpu.iota {dimensions = array<i32: 1>} : vector<512x512xi32>
    %lt3A_533 = arith.cmpi slt, %iota3A_532, %iota3A_531 : vector<512x512xi32>
    %jit3A_534 = arith.constant 0.000000e+00 : f32
    %broadcast_in_dim3A_535 = vector.broadcast %jit3A_534 : f32 to vector<512x512xf32>
    %select_n3A_536 = arith.select %lt3A_533, %convert_element_type3A_530, %broadcast_in_dim3A_535 : vector<512x512xi1>, vector<512x512xf32>
    %get3A_537 = arith.constant 1024 : index
    %get3A_538 = arith.constant 0 : index
    %get3A_539 = vector.load %arg2[%get3A_537, %get3A_538] : memref<5120x1xf32, #tpu.memory_space<vmem>>, vector<512x1xf32>
    %gt3A_540 = arith.constant 5.000000e-02 : f32
    %gt3A_541 = vector.broadcast %gt3A_540 : f32 to vector<512x1xf32>
    %gt3A_542 = arith.cmpf ogt, %get3A_539, %gt3A_541 : vector<512x1xf32>
    %lt3A_543 = arith.constant 5.000000e-01 : f32
    %lt3A_544 = vector.broadcast %lt3A_543 : f32 to vector<512x1xf32>
    %lt3A_545 = arith.cmpf olt, %add3A_496, %lt3A_544 : vector<512x1xf32>
    %and3A_546 = arith.andi %gt3A_542, %lt3A_545 : vector<512x1xi1>
    %convert_element_type3A_547 = arith.extui %and3A_546 : vector<512x1xi1> to vector<512x1xi32>
    %convert_element_type3A_548 = arith.sitofp %convert_element_type3A_547 : vector<512x1xi32> to vector<512x1xf32>
    %sub3A_549 = arith.constant 2.000000e+00 : f32
    %sub3A_550 = vector.broadcast %sub3A_549 : f32 to vector<512x1xf32>
    %sub3A_551 = arith.subf %convert_element_type3A_548, %sub3A_550 : vector<512x1xf32>
    %while3A_552 = arith.constant 0 : i32
    %while3A_553:3 = scf.while (%while3A_4874 = %sub3A_551, %while3A_4875 = %convert_element_type3A_548, %while3A_4876 = %while3A_552) : (vector<512x1xf32>, vector<512x1xf32>, i32) -> (vector<512x1xf32>, vector<512x1xf32>, i32) {
      %lt3A_4877 = arith.constant 514 : i32
      %lt3A_4878 = arith.cmpi slt, %while3A_4876, %lt3A_4877 : i32
      %ne3A = arith.cmpf one, %while3A_4874, %while3A_4875 : vector<512x1xf32>
      %reduce_or3A = arith.constant 1.000000e+00 : f32
      %reduce_or3A_4879 = arith.constant 0.000000e+00 : f32
      %reduce_or3A_4880 = vector.broadcast %reduce_or3A : f32 to vector<512x1xf32>
      %reduce_or3A_4881 = vector.broadcast %reduce_or3A_4879 : f32 to vector<512x1xf32>
      %reduce_or3A_4882 = arith.select %ne3A, %reduce_or3A_4880, %reduce_or3A_4881 : vector<512x1xi1>, vector<512x1xf32>
      %reduce_or3A_4883 = vector.shape_cast %reduce_or3A_4882 : vector<512x1xf32> to vector<1x512x1xf32>
      %reduce_or3A_4884 = arith.constant dense<0xFF800000> : vector<1xf32>
      %reduce_or3A_4885 = vector.multi_reduction <maximumf>, %reduce_or3A_4883, %reduce_or3A_4884 [1, 2] : vector<1x512x1xf32> to vector<1xf32>
      %reduce_or3A_4886 = vector.shape_cast %reduce_or3A_4885 : vector<1xf32> to vector<1x1x1xf32>
      %reduce_or3A_4887 = vector.extract %reduce_or3A_4886[0, 0, 0] : f32 from vector<1x1x1xf32>
      %reduce_or3A_4888 = arith.constant 0.000000e+00 : f32
      %reduce_or3A_4889 = arith.cmpf ogt, %reduce_or3A_4887, %reduce_or3A_4888 : f32
      %and3A_4890 = arith.andi %lt3A_4878, %reduce_or3A_4889 : i1
      scf.condition(%and3A_4890) %while3A_4874, %while3A_4875, %while3A_4876 : vector<512x1xf32>, vector<512x1xf32>, i32
    } do {
    ^bb0(%while3A_4874: vector<512x1xf32>, %while3A_4875: vector<512x1xf32>, %while3A_4876: i32):
      %dot_general3A_4877 = arith.constant dense<0.000000e+00> : vector<512x1xf32>
      %dot_general3A_4878 = tpu.matmul %select_n3A_536, %while3A_4875, %dot_general3A_4877 {dimension_numbers = #tpu.dot_dimension_numbers<[1], [0], [0], [1], [0, 0, 1, 1], [], []>, transpose_lhs_hint = false} : vector<512x512xf32>, vector<512x1xf32>, vector<512x1xf32> -> vector<512x1xf32>
      %lt3A_4879 = arith.constant 5.000000e-01 : f32
      %lt3A_4880 = vector.broadcast %lt3A_4879 : f32 to vector<512x1xf32>
      %lt3A_4881 = arith.cmpf olt, %dot_general3A_4878, %lt3A_4880 : vector<512x1xf32>
      %convert_element_type3A_4882 = arith.extui %lt3A_4881 : vector<512x1xi1> to vector<512x1xi32>
      %convert_element_type3A_4883 = arith.sitofp %convert_element_type3A_4882 : vector<512x1xi32> to vector<512x1xf32>
      %mul3A_4884 = arith.mulf %convert_element_type3A_548, %convert_element_type3A_4883 : vector<512x1xf32>
      %add3A_4885 = arith.constant 1 : i32
      %add3A_4886 = arith.addi %while3A_4876, %add3A_4885 : i32
      scf.yield %while3A_4875, %mul3A_4884, %add3A_4886 : vector<512x1xf32>, vector<512x1xf32>, i32
    }
    %swap3A_554 = arith.constant 1024 : index
    %swap3A_555 = arith.constant 0 : index
    %swap3A_556 = vector.load %arg5[%swap3A_554, %swap3A_555] : memref<5120x1xf32, #tpu.memory_space<vmem>>, vector<512x1xf32>
    tpu.vector_store %arg5[%swap3A_554, %swap3A_555], %while3A_553#1 {strides = array<i32>} : memref<5120x1xf32, #tpu.memory_space<vmem>>, vector<512x1xf32>,
    %get3A_557 = arith.constant 0 : index
    %get3A_558 = arith.constant 1536 : index
    %get3A_559 = vector.load %arg1[%get3A_557, %get3A_558] : memref<4x5120xf32, #tpu.memory_space<vmem>>, vector<4x512xf32>
    %slice3A_560 = vector.extract_strided_slice %get3A_559 {offsets = [0, 0], sizes = [1, 512], strides = [1, 1]} : vector<4x512xf32> to vector<1x512xf32>
    %mul3A_561 = arith.constant 1.024000e+03 : f32
    %mul3A_562 = vector.broadcast %mul3A_561 : f32 to vector<1x512xf32>
    %mul3A_563 = arith.mulf %slice3A_560, %mul3A_562 : vector<1x512xf32>
    %slice3A_564 = vector.extract_strided_slice %get3A_559 {offsets = [1, 0], sizes = [1, 512], strides = [1, 1]} : vector<4x512xf32> to vector<1x512xf32>
    %mul3A_565 = arith.constant 1.024000e+03 : f32
    %mul3A_566 = vector.broadcast %mul3A_565 : f32 to vector<1x512xf32>
    %mul3A_567 = arith.mulf %slice3A_564, %mul3A_566 : vector<1x512xf32>
    %slice3A_568 = vector.extract_strided_slice %get3A_559 {offsets = [2, 0], sizes = [1, 512], strides = [1, 1]} : vector<4x512xf32> to vector<1x512xf32>
    %mul3A_569 = arith.constant 2.000000e+02 : f32
    %mul3A_570 = vector.broadcast %mul3A_569 : f32 to vector<1x512xf32>
    %mul3A_571 = arith.mulf %slice3A_568, %mul3A_570 : vector<1x512xf32>
    %add3A_572 = arith.constant 1.000000e+00 : f32
    %add3A_573 = vector.broadcast %add3A_572 : f32 to vector<1x512xf32>
    %add3A_574 = arith.addf %mul3A_571, %add3A_573 : vector<1x512xf32>
    %slice3A_575 = vector.extract_strided_slice %get3A_559 {offsets = [3, 0], sizes = [1, 512], strides = [1, 1]} : vector<4x512xf32> to vector<1x512xf32>
    %mul3A_576 = arith.constant 2.000000e+02 : f32
    %mul3A_577 = vector.broadcast %mul3A_576 : f32 to vector<1x512xf32>
    %mul3A_578 = arith.mulf %slice3A_575, %mul3A_577 : vector<1x512xf32>
    %add3A_579 = arith.constant 1.000000e+00 : f32
    %add3A_580 = vector.broadcast %add3A_579 : f32 to vector<1x512xf32>
    %add3A_581 = arith.addf %mul3A_578, %add3A_580 : vector<1x512xf32>
    %add3A_582 = arith.addf %mul3A_563, %add3A_574 : vector<1x512xf32>
    %add3A_583 = arith.addf %mul3A_567, %add3A_581 : vector<1x512xf32>
    %sub3A_584 = arith.subf %add3A_582, %mul3A_563 : vector<1x512xf32>
    %sub3A_585 = arith.subf %add3A_583, %mul3A_567 : vector<1x512xf32>
    %mul3A_586 = arith.mulf %sub3A_584, %sub3A_585 : vector<1x512xf32>
    %get3A_587 = arith.constant 1536 : index
    %get3A_588 = arith.constant 0 : index
    %get3A_589 = vector.load %arg0[%get3A_587, %get3A_588] : memref<5120x4xf32, #tpu.memory_space<vmem>>, vector<512x4xf32>
    %slice3A_590 = vector.extract_strided_slice %get3A_589 {offsets = [0, 0], sizes = [512, 1], strides = [1, 1]} : vector<512x4xf32> to vector<512x1xf32>
    %mul3A_591 = arith.constant 1.024000e+03 : f32
    %mul3A_592 = vector.broadcast %mul3A_591 : f32 to vector<512x1xf32>
    %mul3A_593 = arith.mulf %slice3A_590, %mul3A_592 : vector<512x1xf32>
    %slice3A_594 = vector.extract_strided_slice %get3A_589 {offsets = [0, 1], sizes = [512, 1], strides = [1, 1]} : vector<512x4xf32> to vector<512x1xf32>
    %mul3A_595 = arith.constant 1.024000e+03 : f32
    %mul3A_596 = vector.broadcast %mul3A_595 : f32 to vector<512x1xf32>
    %mul3A_597 = arith.mulf %slice3A_594, %mul3A_596 : vector<512x1xf32>
    %slice3A_598 = vector.extract_strided_slice %get3A_589 {offsets = [0, 2], sizes = [512, 1], strides = [1, 1]} : vector<512x4xf32> to vector<512x1xf32>
    %mul3A_599 = arith.constant 2.000000e+02 : f32
    %mul3A_600 = vector.broadcast %mul3A_599 : f32 to vector<512x1xf32>
    %mul3A_601 = arith.mulf %slice3A_598, %mul3A_600 : vector<512x1xf32>
    %add3A_602 = arith.constant 1.000000e+00 : f32
    %add3A_603 = vector.broadcast %add3A_602 : f32 to vector<512x1xf32>
    %add3A_604 = arith.addf %mul3A_601, %add3A_603 : vector<512x1xf32>
    %slice3A_605 = vector.extract_strided_slice %get3A_589 {offsets = [0, 3], sizes = [512, 1], strides = [1, 1]} : vector<512x4xf32> to vector<512x1xf32>
    %mul3A_606 = arith.constant 2.000000e+02 : f32
    %mul3A_607 = vector.broadcast %mul3A_606 : f32 to vector<512x1xf32>
    %mul3A_608 = arith.mulf %slice3A_605, %mul3A_607 : vector<512x1xf32>
    %add3A_609 = arith.constant 1.000000e+00 : f32
    %add3A_610 = vector.broadcast %add3A_609 : f32 to vector<512x1xf32>
    %add3A_611 = arith.addf %mul3A_608, %add3A_610 : vector<512x1xf32>
    %add3A_612 = arith.addf %mul3A_593, %add3A_604 : vector<512x1xf32>
    %add3A_613 = arith.addf %mul3A_597, %add3A_611 : vector<512x1xf32>
    %sub3A_614 = arith.subf %add3A_612, %mul3A_593 : vector<512x1xf32>
    %sub3A_615 = arith.subf %add3A_613, %mul3A_597 : vector<512x1xf32>
    %mul3A_616 = arith.mulf %sub3A_614, %sub3A_615 : vector<512x1xf32>
    %broadcast_in_dim3A_617 = arith.constant 0.000000e+00 : f32
    %broadcast_in_dim3A_618 = vector.broadcast %broadcast_in_dim3A_617 : f32 to vector<512x1xf32>
    %get3A_619 = arith.constant 0 : index
    %get3A_620 = arith.constant 0 : index
    %get3A_621 = vector.load %arg1[%get3A_619, %get3A_620] : memref<4x5120xf32, #tpu.memory_space<vmem>>, vector<4x512xf32>
    %slice3A_622 = vector.extract_strided_slice %get3A_621 {offsets = [0, 0], sizes = [1, 512], strides = [1, 1]} : vector<4x512xf32> to vector<1x512xf32>
    %mul3A_623 = arith.constant 1.024000e+03 : f32
    %mul3A_624 = vector.broadcast %mul3A_623 : f32 to vector<1x512xf32>
    %mul3A_625 = arith.mulf %slice3A_622, %mul3A_624 : vector<1x512xf32>
    %slice3A_626 = vector.extract_strided_slice %get3A_621 {offsets = [1, 0], sizes = [1, 512], strides = [1, 1]} : vector<4x512xf32> to vector<1x512xf32>
    %mul3A_627 = arith.constant 1.024000e+03 : f32
    %mul3A_628 = vector.broadcast %mul3A_627 : f32 to vector<1x512xf32>
    %mul3A_629 = arith.mulf %slice3A_626, %mul3A_628 : vector<1x512xf32>
    %slice3A_630 = vector.extract_strided_slice %get3A_621 {offsets = [2, 0], sizes = [1, 512], strides = [1, 1]} : vector<4x512xf32> to vector<1x512xf32>
    %mul3A_631 = arith.constant 2.000000e+02 : f32
    %mul3A_632 = vector.broadcast %mul3A_631 : f32 to vector<1x512xf32>
    %mul3A_633 = arith.mulf %slice3A_630, %mul3A_632 : vector<1x512xf32>
    %add3A_634 = arith.constant 1.000000e+00 : f32
    %add3A_635 = vector.broadcast %add3A_634 : f32 to vector<1x512xf32>
    %add3A_636 = arith.addf %mul3A_633, %add3A_635 : vector<1x512xf32>
    %slice3A_637 = vector.extract_strided_slice %get3A_621 {offsets = [3, 0], sizes = [1, 512], strides = [1, 1]} : vector<4x512xf32> to vector<1x512xf32>
    %mul3A_638 = arith.constant 2.000000e+02 : f32
    %mul3A_639 = vector.broadcast %mul3A_638 : f32 to vector<1x512xf32>
    %mul3A_640 = arith.mulf %slice3A_637, %mul3A_639 : vector<1x512xf32>
    %add3A_641 = arith.constant 1.000000e+00 : f32
    %add3A_642 = vector.broadcast %add3A_641 : f32 to vector<1x512xf32>
    %add3A_643 = arith.addf %mul3A_640, %add3A_642 : vector<1x512xf32>
    %add3A_644 = arith.addf %mul3A_625, %add3A_636 : vector<1x512xf32>
    %add3A_645 = arith.addf %mul3A_629, %add3A_643 : vector<1x512xf32>
    %sub3A_646 = arith.subf %add3A_644, %mul3A_625 : vector<1x512xf32>
    %sub3A_647 = arith.subf %add3A_645, %mul3A_629 : vector<1x512xf32>
    %mul3A_648 = arith.mulf %sub3A_646, %sub3A_647 : vector<1x512xf32>
    %min3A_649 = vector.broadcast %add3A_612 : vector<512x1xf32> to vector<512x512xf32>
    %min3A_650 = vector.broadcast %add3A_644 : vector<1x512xf32> to vector<512x512xf32>
    %min3A_651 = arith.minimumf %min3A_649, %min3A_650 : vector<512x512xf32>
    %max3A_652 = vector.broadcast %mul3A_593 : vector<512x1xf32> to vector<512x512xf32>
    %max3A_653 = vector.broadcast %mul3A_625 : vector<1x512xf32> to vector<512x512xf32>
    %max3A_654 = arith.maximumf %max3A_652, %max3A_653 : vector<512x512xf32>
    %sub3A_655 = arith.subf %min3A_651, %max3A_654 : vector<512x512xf32>
    %max3A_656 = arith.constant 0.000000e+00 : f32
    %max3A_657 = vector.broadcast %max3A_656 : f32 to vector<512x512xf32>
    %max3A_658 = arith.maximumf %sub3A_655, %max3A_657 : vector<512x512xf32>
    %min3A_659 = vector.broadcast %add3A_613 : vector<512x1xf32> to vector<512x512xf32>
    %min3A_660 = vector.broadcast %add3A_645 : vector<1x512xf32> to vector<512x512xf32>
    %min3A_661 = arith.minimumf %min3A_659, %min3A_660 : vector<512x512xf32>
    %max3A_662 = vector.broadcast %mul3A_597 : vector<512x1xf32> to vector<512x512xf32>
    %max3A_663 = vector.broadcast %mul3A_629 : vector<1x512xf32> to vector<512x512xf32>
    %max3A_664 = arith.maximumf %max3A_662, %max3A_663 : vector<512x512xf32>
    %sub3A_665 = arith.subf %min3A_661, %max3A_664 : vector<512x512xf32>
    %max3A_666 = arith.constant 0.000000e+00 : f32
    %max3A_667 = vector.broadcast %max3A_666 : f32 to vector<512x512xf32>
    %max3A_668 = arith.maximumf %sub3A_665, %max3A_667 : vector<512x512xf32>
    %mul3A_669 = arith.mulf %max3A_658, %max3A_668 : vector<512x512xf32>
    %add3A_670 = vector.broadcast %mul3A_616 : vector<512x1xf32> to vector<512x512xf32>
    %add3A_671 = vector.broadcast %mul3A_648 : vector<1x512xf32> to vector<512x512xf32>
    %add3A_672 = arith.addf %add3A_670, %add3A_671 : vector<512x512xf32>
    %sub3A_673 = arith.subf %add3A_672, %mul3A_669 : vector<512x512xf32>
    %max3A_674 = arith.constant 9.99999971E-10 : f32
    %max3A_675 = vector.broadcast %max3A_674 : f32 to vector<512x512xf32>
    %max3A_676 = arith.maximumf %sub3A_673, %max3A_675 : vector<512x512xf32>
    %div3A_677 = arith.divf %mul3A_669, %max3A_676 : vector<512x512xf32>
    %gt3A_678 = arith.constant 3.000000e-01 : f32
    %gt3A_679 = vector.broadcast %gt3A_678 : f32 to vector<512x512xf32>
    %gt3A_680 = arith.cmpf ogt, %div3A_677, %gt3A_679 : vector<512x512xf32>
    %convert_element_type3A_681 = arith.extui %gt3A_680 : vector<512x512xi1> to vector<512x512xi32>
    %convert_element_type3A_682 = arith.sitofp %convert_element_type3A_681 : vector<512x512xi32> to vector<512x512xf32>
    %get3A_683 = arith.constant 0 : index
    %get3A_684 = arith.constant 0 : index
    %get3A_685 = vector.load %arg5[%get3A_683, %get3A_684] : memref<5120x1xf32, #tpu.memory_space<vmem>>, vector<512x1xf32>
    %dot_general3A_686 = arith.constant dense<0.000000e+00> : vector<512x1xf32>
    %dot_general3A_687 = tpu.matmul %convert_element_type3A_682, %get3A_685, %dot_general3A_686 {dimension_numbers = #tpu.dot_dimension_numbers<[1], [0], [0], [1], [0, 0, 1, 1], [], []>, transpose_lhs_hint = false} : vector<512x512xf32>, vector<512x1xf32>, vector<512x1xf32> -> vector<512x1xf32>
    %add3A_688 = arith.addf %broadcast_in_dim3A_618, %dot_general3A_687 : vector<512x1xf32>
    %get3A_689 = arith.constant 0 : index
    %get3A_690 = arith.constant 512 : index
    %get3A_691 = vector.load %arg1[%get3A_689, %get3A_690] : memref<4x5120xf32, #tpu.memory_space<vmem>>, vector<4x512xf32>
    %slice3A_692 = vector.extract_strided_slice %get3A_691 {offsets = [0, 0], sizes = [1, 512], strides = [1, 1]} : vector<4x512xf32> to vector<1x512xf32>
    %mul3A_693 = arith.constant 1.024000e+03 : f32
    %mul3A_694 = vector.broadcast %mul3A_693 : f32 to vector<1x512xf32>
    %mul3A_695 = arith.mulf %slice3A_692, %mul3A_694 : vector<1x512xf32>
    %slice3A_696 = vector.extract_strided_slice %get3A_691 {offsets = [1, 0], sizes = [1, 512], strides = [1, 1]} : vector<4x512xf32> to vector<1x512xf32>
    %mul3A_697 = arith.constant 1.024000e+03 : f32
    %mul3A_698 = vector.broadcast %mul3A_697 : f32 to vector<1x512xf32>
    %mul3A_699 = arith.mulf %slice3A_696, %mul3A_698 : vector<1x512xf32>
    %slice3A_700 = vector.extract_strided_slice %get3A_691 {offsets = [2, 0], sizes = [1, 512], strides = [1, 1]} : vector<4x512xf32> to vector<1x512xf32>
    %mul3A_701 = arith.constant 2.000000e+02 : f32
    %mul3A_702 = vector.broadcast %mul3A_701 : f32 to vector<1x512xf32>
    %mul3A_703 = arith.mulf %slice3A_700, %mul3A_702 : vector<1x512xf32>
    %add3A_704 = arith.constant 1.000000e+00 : f32
    %add3A_705 = vector.broadcast %add3A_704 : f32 to vector<1x512xf32>
    %add3A_706 = arith.addf %mul3A_703, %add3A_705 : vector<1x512xf32>
    %slice3A_707 = vector.extract_strided_slice %get3A_691 {offsets = [3, 0], sizes = [1, 512], strides = [1, 1]} : vector<4x512xf32> to vector<1x512xf32>
    %mul3A_708 = arith.constant 2.000000e+02 : f32
    %mul3A_709 = vector.broadcast %mul3A_708 : f32 to vector<1x512xf32>
    %mul3A_710 = arith.mulf %slice3A_707, %mul3A_709 : vector<1x512xf32>
    %add3A_711 = arith.constant 1.000000e+00 : f32
    %add3A_712 = vector.broadcast %add3A_711 : f32 to vector<1x512xf32>
    %add3A_713 = arith.addf %mul3A_710, %add3A_712 : vector<1x512xf32>
    %add3A_714 = arith.addf %mul3A_695, %add3A_706 : vector<1x512xf32>
    %add3A_715 = arith.addf %mul3A_699, %add3A_713 : vector<1x512xf32>
    %sub3A_716 = arith.subf %add3A_714, %mul3A_695 : vector<1x512xf32>
    %sub3A_717 = arith.subf %add3A_715, %mul3A_699 : vector<1x512xf32>
    %mul3A_718 = arith.mulf %sub3A_716, %sub3A_717 : vector<1x512xf32>
    %min3A_719 = vector.broadcast %add3A_612 : vector<512x1xf32> to vector<512x512xf32>
    %min3A_720 = vector.broadcast %add3A_714 : vector<1x512xf32> to vector<512x512xf32>
    %min3A_721 = arith.minimumf %min3A_719, %min3A_720 : vector<512x512xf32>
    %max3A_722 = vector.broadcast %mul3A_593 : vector<512x1xf32> to vector<512x512xf32>
    %max3A_723 = vector.broadcast %mul3A_695 : vector<1x512xf32> to vector<512x512xf32>
    %max3A_724 = arith.maximumf %max3A_722, %max3A_723 : vector<512x512xf32>
    %sub3A_725 = arith.subf %min3A_721, %max3A_724 : vector<512x512xf32>
    %max3A_726 = arith.constant 0.000000e+00 : f32
    %max3A_727 = vector.broadcast %max3A_726 : f32 to vector<512x512xf32>
    %max3A_728 = arith.maximumf %sub3A_725, %max3A_727 : vector<512x512xf32>
    %min3A_729 = vector.broadcast %add3A_613 : vector<512x1xf32> to vector<512x512xf32>
    %min3A_730 = vector.broadcast %add3A_715 : vector<1x512xf32> to vector<512x512xf32>
    %min3A_731 = arith.minimumf %min3A_729, %min3A_730 : vector<512x512xf32>
    %max3A_732 = vector.broadcast %mul3A_597 : vector<512x1xf32> to vector<512x512xf32>
    %max3A_733 = vector.broadcast %mul3A_699 : vector<1x512xf32> to vector<512x512xf32>
    %max3A_734 = arith.maximumf %max3A_732, %max3A_733 : vector<512x512xf32>
    %sub3A_735 = arith.subf %min3A_731, %max3A_734 : vector<512x512xf32>
    %max3A_736 = arith.constant 0.000000e+00 : f32
    %max3A_737 = vector.broadcast %max3A_736 : f32 to vector<512x512xf32>
    %max3A_738 = arith.maximumf %sub3A_735, %max3A_737 : vector<512x512xf32>
    %mul3A_739 = arith.mulf %max3A_728, %max3A_738 : vector<512x512xf32>
    %add3A_740 = vector.broadcast %mul3A_616 : vector<512x1xf32> to vector<512x512xf32>
    %add3A_741 = vector.broadcast %mul3A_718 : vector<1x512xf32> to vector<512x512xf32>
    %add3A_742 = arith.addf %add3A_740, %add3A_741 : vector<512x512xf32>
    %sub3A_743 = arith.subf %add3A_742, %mul3A_739 : vector<512x512xf32>
    %max3A_744 = arith.constant 9.99999971E-10 : f32
    %max3A_745 = vector.broadcast %max3A_744 : f32 to vector<512x512xf32>
    %max3A_746 = arith.maximumf %sub3A_743, %max3A_745 : vector<512x512xf32>
    %div3A_747 = arith.divf %mul3A_739, %max3A_746 : vector<512x512xf32>
    %gt3A_748 = arith.constant 3.000000e-01 : f32
    %gt3A_749 = vector.broadcast %gt3A_748 : f32 to vector<512x512xf32>
    %gt3A_750 = arith.cmpf ogt, %div3A_747, %gt3A_749 : vector<512x512xf32>
    %convert_element_type3A_751 = arith.extui %gt3A_750 : vector<512x512xi1> to vector<512x512xi32>
    %convert_element_type3A_752 = arith.sitofp %convert_element_type3A_751 : vector<512x512xi32> to vector<512x512xf32>
    %get3A_753 = arith.constant 512 : index
    %get3A_754 = arith.constant 0 : index
    %get3A_755 = vector.load %arg5[%get3A_753, %get3A_754] : memref<5120x1xf32, #tpu.memory_space<vmem>>, vector<512x1xf32>
    %dot_general3A_756 = arith.constant dense<0.000000e+00> : vector<512x1xf32>
    %dot_general3A_757 = tpu.matmul %convert_element_type3A_752, %get3A_755, %dot_general3A_756 {dimension_numbers = #tpu.dot_dimension_numbers<[1], [0], [0], [1], [0, 0, 1, 1], [], []>, transpose_lhs_hint = false} : vector<512x512xf32>, vector<512x1xf32>, vector<512x1xf32> -> vector<512x1xf32>
    %add3A_758 = arith.addf %add3A_688, %dot_general3A_757 : vector<512x1xf32>
    %get3A_759 = arith.constant 0 : index
    %get3A_760 = arith.constant 1024 : index
    %get3A_761 = vector.load %arg1[%get3A_759, %get3A_760] : memref<4x5120xf32, #tpu.memory_space<vmem>>, vector<4x512xf32>
    %slice3A_762 = vector.extract_strided_slice %get3A_761 {offsets = [0, 0], sizes = [1, 512], strides = [1, 1]} : vector<4x512xf32> to vector<1x512xf32>
    %mul3A_763 = arith.constant 1.024000e+03 : f32
    %mul3A_764 = vector.broadcast %mul3A_763 : f32 to vector<1x512xf32>
    %mul3A_765 = arith.mulf %slice3A_762, %mul3A_764 : vector<1x512xf32>
    %slice3A_766 = vector.extract_strided_slice %get3A_761 {offsets = [1, 0], sizes = [1, 512], strides = [1, 1]} : vector<4x512xf32> to vector<1x512xf32>
    %mul3A_767 = arith.constant 1.024000e+03 : f32
    %mul3A_768 = vector.broadcast %mul3A_767 : f32 to vector<1x512xf32>
    %mul3A_769 = arith.mulf %slice3A_766, %mul3A_768 : vector<1x512xf32>
    %slice3A_770 = vector.extract_strided_slice %get3A_761 {offsets = [2, 0], sizes = [1, 512], strides = [1, 1]} : vector<4x512xf32> to vector<1x512xf32>
    %mul3A_771 = arith.constant 2.000000e+02 : f32
    %mul3A_772 = vector.broadcast %mul3A_771 : f32 to vector<1x512xf32>
    %mul3A_773 = arith.mulf %slice3A_770, %mul3A_772 : vector<1x512xf32>
    %add3A_774 = arith.constant 1.000000e+00 : f32
    %add3A_775 = vector.broadcast %add3A_774 : f32 to vector<1x512xf32>
    %add3A_776 = arith.addf %mul3A_773, %add3A_775 : vector<1x512xf32>
    %slice3A_777 = vector.extract_strided_slice %get3A_761 {offsets = [3, 0], sizes = [1, 512], strides = [1, 1]} : vector<4x512xf32> to vector<1x512xf32>
    %mul3A_778 = arith.constant 2.000000e+02 : f32
    %mul3A_779 = vector.broadcast %mul3A_778 : f32 to vector<1x512xf32>
    %mul3A_780 = arith.mulf %slice3A_777, %mul3A_779 : vector<1x512xf32>
    %add3A_781 = arith.constant 1.000000e+00 : f32
    %add3A_782 = vector.broadcast %add3A_781 : f32 to vector<1x512xf32>
    %add3A_783 = arith.addf %mul3A_780, %add3A_782 : vector<1x512xf32>
    %add3A_784 = arith.addf %mul3A_765, %add3A_776 : vector<1x512xf32>
    %add3A_785 = arith.addf %mul3A_769, %add3A_783 : vector<1x512xf32>
    %sub3A_786 = arith.subf %add3A_784, %mul3A_765 : vector<1x512xf32>
    %sub3A_787 = arith.subf %add3A_785, %mul3A_769 : vector<1x512xf32>
    %mul3A_788 = arith.mulf %sub3A_786, %sub3A_787 : vector<1x512xf32>
    %min3A_789 = vector.broadcast %add3A_612 : vector<512x1xf32> to vector<512x512xf32>
    %min3A_790 = vector.broadcast %add3A_784 : vector<1x512xf32> to vector<512x512xf32>
    %min3A_791 = arith.minimumf %min3A_789, %min3A_790 : vector<512x512xf32>
    %max3A_792 = vector.broadcast %mul3A_593 : vector<512x1xf32> to vector<512x512xf32>
    %max3A_793 = vector.broadcast %mul3A_765 : vector<1x512xf32> to vector<512x512xf32>
    %max3A_794 = arith.maximumf %max3A_792, %max3A_793 : vector<512x512xf32>
    %sub3A_795 = arith.subf %min3A_791, %max3A_794 : vector<512x512xf32>
    %max3A_796 = arith.constant 0.000000e+00 : f32
    %max3A_797 = vector.broadcast %max3A_796 : f32 to vector<512x512xf32>
    %max3A_798 = arith.maximumf %sub3A_795, %max3A_797 : vector<512x512xf32>
    %min3A_799 = vector.broadcast %add3A_613 : vector<512x1xf32> to vector<512x512xf32>
    %min3A_800 = vector.broadcast %add3A_785 : vector<1x512xf32> to vector<512x512xf32>
    %min3A_801 = arith.minimumf %min3A_799, %min3A_800 : vector<512x512xf32>
    %max3A_802 = vector.broadcast %mul3A_597 : vector<512x1xf32> to vector<512x512xf32>
    %max3A_803 = vector.broadcast %mul3A_769 : vector<1x512xf32> to vector<512x512xf32>
    %max3A_804 = arith.maximumf %max3A_802, %max3A_803 : vector<512x512xf32>
    %sub3A_805 = arith.subf %min3A_801, %max3A_804 : vector<512x512xf32>
    %max3A_806 = arith.constant 0.000000e+00 : f32
    %max3A_807 = vector.broadcast %max3A_806 : f32 to vector<512x512xf32>
    %max3A_808 = arith.maximumf %sub3A_805, %max3A_807 : vector<512x512xf32>
    %mul3A_809 = arith.mulf %max3A_798, %max3A_808 : vector<512x512xf32>
    %add3A_810 = vector.broadcast %mul3A_616 : vector<512x1xf32> to vector<512x512xf32>
    %add3A_811 = vector.broadcast %mul3A_788 : vector<1x512xf32> to vector<512x512xf32>
    %add3A_812 = arith.addf %add3A_810, %add3A_811 : vector<512x512xf32>
    %sub3A_813 = arith.subf %add3A_812, %mul3A_809 : vector<512x512xf32>
    %max3A_814 = arith.constant 9.99999971E-10 : f32
    %max3A_815 = vector.broadcast %max3A_814 : f32 to vector<512x512xf32>
    %max3A_816 = arith.maximumf %sub3A_813, %max3A_815 : vector<512x512xf32>
    %div3A_817 = arith.divf %mul3A_809, %max3A_816 : vector<512x512xf32>
    %gt3A_818 = arith.constant 3.000000e-01 : f32
    %gt3A_819 = vector.broadcast %gt3A_818 : f32 to vector<512x512xf32>
    %gt3A_820 = arith.cmpf ogt, %div3A_817, %gt3A_819 : vector<512x512xf32>
    %convert_element_type3A_821 = arith.extui %gt3A_820 : vector<512x512xi1> to vector<512x512xi32>
    %convert_element_type3A_822 = arith.sitofp %convert_element_type3A_821 : vector<512x512xi32> to vector<512x512xf32>
    %get3A_823 = arith.constant 1024 : index
    %get3A_824 = arith.constant 0 : index
    %get3A_825 = vector.load %arg5[%get3A_823, %get3A_824] : memref<5120x1xf32, #tpu.memory_space<vmem>>, vector<512x1xf32>
    %dot_general3A_826 = arith.constant dense<0.000000e+00> : vector<512x1xf32>
    %dot_general3A_827 = tpu.matmul %convert_element_type3A_822, %get3A_825, %dot_general3A_826 {dimension_numbers = #tpu.dot_dimension_numbers<[1], [0], [0], [1], [0, 0, 1, 1], [], []>, transpose_lhs_hint = false} : vector<512x512xf32>, vector<512x1xf32>, vector<512x1xf32> -> vector<512x1xf32>
    %add3A_828 = arith.addf %add3A_758, %dot_general3A_827 : vector<512x1xf32>
    %min3A_829 = vector.broadcast %add3A_612 : vector<512x1xf32> to vector<512x512xf32>
    %min3A_830 = vector.broadcast %add3A_582 : vector<1x512xf32> to vector<512x512xf32>
    %min3A_831 = arith.minimumf %min3A_829, %min3A_830 : vector<512x512xf32>
    %max3A_832 = vector.broadcast %mul3A_593 : vector<512x1xf32> to vector<512x512xf32>
    %max3A_833 = vector.broadcast %mul3A_563 : vector<1x512xf32> to vector<512x512xf32>
    %max3A_834 = arith.maximumf %max3A_832, %max3A_833 : vector<512x512xf32>
    %sub3A_835 = arith.subf %min3A_831, %max3A_834 : vector<512x512xf32>
    %max3A_836 = arith.constant 0.000000e+00 : f32
    %max3A_837 = vector.broadcast %max3A_836 : f32 to vector<512x512xf32>
    %max3A_838 = arith.maximumf %sub3A_835, %max3A_837 : vector<512x512xf32>
    %min3A_839 = vector.broadcast %add3A_613 : vector<512x1xf32> to vector<512x512xf32>
    %min3A_840 = vector.broadcast %add3A_583 : vector<1x512xf32> to vector<512x512xf32>
    %min3A_841 = arith.minimumf %min3A_839, %min3A_840 : vector<512x512xf32>
    %max3A_842 = vector.broadcast %mul3A_597 : vector<512x1xf32> to vector<512x512xf32>
    %max3A_843 = vector.broadcast %mul3A_567 : vector<1x512xf32> to vector<512x512xf32>
    %max3A_844 = arith.maximumf %max3A_842, %max3A_843 : vector<512x512xf32>
    %sub3A_845 = arith.subf %min3A_841, %max3A_844 : vector<512x512xf32>
    %max3A_846 = arith.constant 0.000000e+00 : f32
    %max3A_847 = vector.broadcast %max3A_846 : f32 to vector<512x512xf32>
    %max3A_848 = arith.maximumf %sub3A_845, %max3A_847 : vector<512x512xf32>
    %mul3A_849 = arith.mulf %max3A_838, %max3A_848 : vector<512x512xf32>
    %add3A_850 = vector.broadcast %mul3A_616 : vector<512x1xf32> to vector<512x512xf32>
    %add3A_851 = vector.broadcast %mul3A_586 : vector<1x512xf32> to vector<512x512xf32>
    %add3A_852 = arith.addf %add3A_850, %add3A_851 : vector<512x512xf32>
    %sub3A_853 = arith.subf %add3A_852, %mul3A_849 : vector<512x512xf32>
    %max3A_854 = arith.constant 9.99999971E-10 : f32
    %max3A_855 = vector.broadcast %max3A_854 : f32 to vector<512x512xf32>
    %max3A_856 = arith.maximumf %sub3A_853, %max3A_855 : vector<512x512xf32>
    %div3A_857 = arith.divf %mul3A_849, %max3A_856 : vector<512x512xf32>
    %gt3A_858 = arith.constant 3.000000e-01 : f32
    %gt3A_859 = vector.broadcast %gt3A_858 : f32 to vector<512x512xf32>
    %gt3A_860 = arith.cmpf ogt, %div3A_857, %gt3A_859 : vector<512x512xf32>
    %convert_element_type3A_861 = arith.extui %gt3A_860 : vector<512x512xi1> to vector<512x512xi32>
    %convert_element_type3A_862 = arith.sitofp %convert_element_type3A_861 : vector<512x512xi32> to vector<512x512xf32>
    %iota3A_863 = tpu.iota {dimensions = array<i32: 0>} : vector<512x512xi32>
    %iota3A_864 = tpu.iota {dimensions = array<i32: 1>} : vector<512x512xi32>
    %lt3A_865 = arith.cmpi slt, %iota3A_864, %iota3A_863 : vector<512x512xi32>
    %jit3A_866 = arith.constant 0.000000e+00 : f32
    %broadcast_in_dim3A_867 = vector.broadcast %jit3A_866 : f32 to vector<512x512xf32>
    %select_n3A_868 = arith.select %lt3A_865, %convert_element_type3A_862, %broadcast_in_dim3A_867 : vector<512x512xi1>, vector<512x512xf32>
    %get3A_869 = arith.constant 1536 : index
    %get3A_870 = arith.constant 0 : index
    %get3A_871 = vector.load %arg2[%get3A_869, %get3A_870] : memref<5120x1xf32, #tpu.memory_space<vmem>>, vector<512x1xf32>
    %gt3A_872 = arith.constant 5.000000e-02 : f32
    %gt3A_873 = vector.broadcast %gt3A_872 : f32 to vector<512x1xf32>
    %gt3A_874 = arith.cmpf ogt, %get3A_871, %gt3A_873 : vector<512x1xf32>
    %lt3A_875 = arith.constant 5.000000e-01 : f32
    %lt3A_876 = vector.broadcast %lt3A_875 : f32 to vector<512x1xf32>
    %lt3A_877 = arith.cmpf olt, %add3A_828, %lt3A_876 : vector<512x1xf32>
    %and3A_878 = arith.andi %gt3A_874, %lt3A_877 : vector<512x1xi1>
    %convert_element_type3A_879 = arith.extui %and3A_878 : vector<512x1xi1> to vector<512x1xi32>
    %convert_element_type3A_880 = arith.sitofp %convert_element_type3A_879 : vector<512x1xi32> to vector<512x1xf32>
    %sub3A_881 = arith.constant 2.000000e+00 : f32
    %sub3A_882 = vector.broadcast %sub3A_881 : f32 to vector<512x1xf32>
    %sub3A_883 = arith.subf %convert_element_type3A_880, %sub3A_882 : vector<512x1xf32>
    %while3A_884 = arith.constant 0 : i32
    %while3A_885:3 = scf.while (%while3A_4874 = %sub3A_883, %while3A_4875 = %convert_element_type3A_880, %while3A_4876 = %while3A_884) : (vector<512x1xf32>, vector<512x1xf32>, i32) -> (vector<512x1xf32>, vector<512x1xf32>, i32) {
      %lt3A_4877 = arith.constant 514 : i32
      %lt3A_4878 = arith.cmpi slt, %while3A_4876, %lt3A_4877 : i32
      %ne3A = arith.cmpf one, %while3A_4874, %while3A_4875 : vector<512x1xf32>
      %reduce_or3A = arith.constant 1.000000e+00 : f32
      %reduce_or3A_4879 = arith.constant 0.000000e+00 : f32
      %reduce_or3A_4880 = vector.broadcast %reduce_or3A : f32 to vector<512x1xf32>
      %reduce_or3A_4881 = vector.broadcast %reduce_or3A_4879 : f32 to vector<512x1xf32>
      %reduce_or3A_4882 = arith.select %ne3A, %reduce_or3A_4880, %reduce_or3A_4881 : vector<512x1xi1>, vector<512x1xf32>
      %reduce_or3A_4883 = vector.shape_cast %reduce_or3A_4882 : vector<512x1xf32> to vector<1x512x1xf32>
      %reduce_or3A_4884 = arith.constant dense<0xFF800000> : vector<1xf32>
      %reduce_or3A_4885 = vector.multi_reduction <maximumf>, %reduce_or3A_4883, %reduce_or3A_4884 [1, 2] : vector<1x512x1xf32> to vector<1xf32>
      %reduce_or3A_4886 = vector.shape_cast %reduce_or3A_4885 : vector<1xf32> to vector<1x1x1xf32>
      %reduce_or3A_4887 = vector.extract %reduce_or3A_4886[0, 0, 0] : f32 from vector<1x1x1xf32>
      %reduce_or3A_4888 = arith.constant 0.000000e+00 : f32
      %reduce_or3A_4889 = arith.cmpf ogt, %reduce_or3A_4887, %reduce_or3A_4888 : f32
      %and3A_4890 = arith.andi %lt3A_4878, %reduce_or3A_4889 : i1
      scf.condition(%and3A_4890) %while3A_4874, %while3A_4875, %while3A_4876 : vector<512x1xf32>, vector<512x1xf32>, i32
    } do {
    ^bb0(%while3A_4874: vector<512x1xf32>, %while3A_4875: vector<512x1xf32>, %while3A_4876: i32):
      %dot_general3A_4877 = arith.constant dense<0.000000e+00> : vector<512x1xf32>
      %dot_general3A_4878 = tpu.matmul %select_n3A_868, %while3A_4875, %dot_general3A_4877 {dimension_numbers = #tpu.dot_dimension_numbers<[1], [0], [0], [1], [0, 0, 1, 1], [], []>, transpose_lhs_hint = false} : vector<512x512xf32>, vector<512x1xf32>, vector<512x1xf32> -> vector<512x1xf32>
      %lt3A_4879 = arith.constant 5.000000e-01 : f32
      %lt3A_4880 = vector.broadcast %lt3A_4879 : f32 to vector<512x1xf32>
      %lt3A_4881 = arith.cmpf olt, %dot_general3A_4878, %lt3A_4880 : vector<512x1xf32>
      %convert_element_type3A_4882 = arith.extui %lt3A_4881 : vector<512x1xi1> to vector<512x1xi32>
      %convert_element_type3A_4883 = arith.sitofp %convert_element_type3A_4882 : vector<512x1xi32> to vector<512x1xf32>
      %mul3A_4884 = arith.mulf %convert_element_type3A_880, %convert_element_type3A_4883 : vector<512x1xf32>
      %add3A_4885 = arith.constant 1 : i32
      %add3A_4886 = arith.addi %while3A_4876, %add3A_4885 : i32
      scf.yield %while3A_4875, %mul3A_4884, %add3A_4886 : vector<512x1xf32>, vector<512x1xf32>, i32
    }
    %swap3A_886 = arith.constant 1536 : index
    %swap3A_887 = arith.constant 0 : index
    %swap3A_888 = vector.load %arg5[%swap3A_886, %swap3A_887] : memref<5120x1xf32, #tpu.memory_space<vmem>>, vector<512x1xf32>
    tpu.vector_store %arg5[%swap3A_886, %swap3A_887], %while3A_885#1 {strides = array<i32>} : memref<5120x1xf32, #tpu.memory_space<vmem>>, vector<512x1xf32>,
    %get3A_889 = arith.constant 0 : index
    %get3A_890 = arith.constant 2048 : index
    %get3A_891 = vector.load %arg1[%get3A_889, %get3A_890] : memref<4x5120xf32, #tpu.memory_space<vmem>>, vector<4x512xf32>
    %slice3A_892 = vector.extract_strided_slice %get3A_891 {offsets = [0, 0], sizes = [1, 512], strides = [1, 1]} : vector<4x512xf32> to vector<1x512xf32>
    %mul3A_893 = arith.constant 1.024000e+03 : f32
    %mul3A_894 = vector.broadcast %mul3A_893 : f32 to vector<1x512xf32>
    %mul3A_895 = arith.mulf %slice3A_892, %mul3A_894 : vector<1x512xf32>
    %slice3A_896 = vector.extract_strided_slice %get3A_891 {offsets = [1, 0], sizes = [1, 512], strides = [1, 1]} : vector<4x512xf32> to vector<1x512xf32>
    %mul3A_897 = arith.constant 1.024000e+03 : f32
    %mul3A_898 = vector.broadcast %mul3A_897 : f32 to vector<1x512xf32>
    %mul3A_899 = arith.mulf %slice3A_896, %mul3A_898 : vector<1x512xf32>
    %slice3A_900 = vector.extract_strided_slice %get3A_891 {offsets = [2, 0], sizes = [1, 512], strides = [1, 1]} : vector<4x512xf32> to vector<1x512xf32>
    %mul3A_901 = arith.constant 2.000000e+02 : f32
    %mul3A_902 = vector.broadcast %mul3A_901 : f32 to vector<1x512xf32>
    %mul3A_903 = arith.mulf %slice3A_900, %mul3A_902 : vector<1x512xf32>
    %add3A_904 = arith.constant 1.000000e+00 : f32
    %add3A_905 = vector.broadcast %add3A_904 : f32 to vector<1x512xf32>
    %add3A_906 = arith.addf %mul3A_903, %add3A_905 : vector<1x512xf32>
    %slice3A_907 = vector.extract_strided_slice %get3A_891 {offsets = [3, 0], sizes = [1, 512], strides = [1, 1]} : vector<4x512xf32> to vector<1x512xf32>
    %mul3A_908 = arith.constant 2.000000e+02 : f32
    %mul3A_909 = vector.broadcast %mul3A_908 : f32 to vector<1x512xf32>
    %mul3A_910 = arith.mulf %slice3A_907, %mul3A_909 : vector<1x512xf32>
    %add3A_911 = arith.constant 1.000000e+00 : f32
    %add3A_912 = vector.broadcast %add3A_911 : f32 to vector<1x512xf32>
    %add3A_913 = arith.addf %mul3A_910, %add3A_912 : vector<1x512xf32>
    %add3A_914 = arith.addf %mul3A_895, %add3A_906 : vector<1x512xf32>
    %add3A_915 = arith.addf %mul3A_899, %add3A_913 : vector<1x512xf32>
    %sub3A_916 = arith.subf %add3A_914, %mul3A_895 : vector<1x512xf32>
    %sub3A_917 = arith.subf %add3A_915, %mul3A_899 : vector<1x512xf32>
    %mul3A_918 = arith.mulf %sub3A_916, %sub3A_917 : vector<1x512xf32>
    %get3A_919 = arith.constant 2048 : index
    %get3A_920 = arith.constant 0 : index
    %get3A_921 = vector.load %arg0[%get3A_919, %get3A_920] : memref<5120x4xf32, #tpu.memory_space<vmem>>, vector<512x4xf32>
    %slice3A_922 = vector.extract_strided_slice %get3A_921 {offsets = [0, 0], sizes = [512, 1], strides = [1, 1]} : vector<512x4xf32> to vector<512x1xf32>
    %mul3A_923 = arith.constant 1.024000e+03 : f32
    %mul3A_924 = vector.broadcast %mul3A_923 : f32 to vector<512x1xf32>
    %mul3A_925 = arith.mulf %slice3A_922, %mul3A_924 : vector<512x1xf32>
    %slice3A_926 = vector.extract_strided_slice %get3A_921 {offsets = [0, 1], sizes = [512, 1], strides = [1, 1]} : vector<512x4xf32> to vector<512x1xf32>
    %mul3A_927 = arith.constant 1.024000e+03 : f32
    %mul3A_928 = vector.broadcast %mul3A_927 : f32 to vector<512x1xf32>
    %mul3A_929 = arith.mulf %slice3A_926, %mul3A_928 : vector<512x1xf32>
    %slice3A_930 = vector.extract_strided_slice %get3A_921 {offsets = [0, 2], sizes = [512, 1], strides = [1, 1]} : vector<512x4xf32> to vector<512x1xf32>
    %mul3A_931 = arith.constant 2.000000e+02 : f32
    %mul3A_932 = vector.broadcast %mul3A_931 : f32 to vector<512x1xf32>
    %mul3A_933 = arith.mulf %slice3A_930, %mul3A_932 : vector<512x1xf32>
    %add3A_934 = arith.constant 1.000000e+00 : f32
    %add3A_935 = vector.broadcast %add3A_934 : f32 to vector<512x1xf32>
    %add3A_936 = arith.addf %mul3A_933, %add3A_935 : vector<512x1xf32>
    %slice3A_937 = vector.extract_strided_slice %get3A_921 {offsets = [0, 3], sizes = [512, 1], strides = [1, 1]} : vector<512x4xf32> to vector<512x1xf32>
    %mul3A_938 = arith.constant 2.000000e+02 : f32
    %mul3A_939 = vector.broadcast %mul3A_938 : f32 to vector<512x1xf32>
    %mul3A_940 = arith.mulf %slice3A_937, %mul3A_939 : vector<512x1xf32>
    %add3A_941 = arith.constant 1.000000e+00 : f32
    %add3A_942 = vector.broadcast %add3A_941 : f32 to vector<512x1xf32>
    %add3A_943 = arith.addf %mul3A_940, %add3A_942 : vector<512x1xf32>
    %add3A_944 = arith.addf %mul3A_925, %add3A_936 : vector<512x1xf32>
    %add3A_945 = arith.addf %mul3A_929, %add3A_943 : vector<512x1xf32>
    %sub3A_946 = arith.subf %add3A_944, %mul3A_925 : vector<512x1xf32>
    %sub3A_947 = arith.subf %add3A_945, %mul3A_929 : vector<512x1xf32>
    %mul3A_948 = arith.mulf %sub3A_946, %sub3A_947 : vector<512x1xf32>
    %broadcast_in_dim3A_949 = arith.constant 0.000000e+00 : f32
    %broadcast_in_dim3A_950 = vector.broadcast %broadcast_in_dim3A_949 : f32 to vector<512x1xf32>
    %get3A_951 = arith.constant 0 : index
    %get3A_952 = arith.constant 0 : index
    %get3A_953 = vector.load %arg1[%get3A_951, %get3A_952] : memref<4x5120xf32, #tpu.memory_space<vmem>>, vector<4x512xf32>
    %slice3A_954 = vector.extract_strided_slice %get3A_953 {offsets = [0, 0], sizes = [1, 512], strides = [1, 1]} : vector<4x512xf32> to vector<1x512xf32>
    %mul3A_955 = arith.constant 1.024000e+03 : f32
    %mul3A_956 = vector.broadcast %mul3A_955 : f32 to vector<1x512xf32>
    %mul3A_957 = arith.mulf %slice3A_954, %mul3A_956 : vector<1x512xf32>
    %slice3A_958 = vector.extract_strided_slice %get3A_953 {offsets = [1, 0], sizes = [1, 512], strides = [1, 1]} : vector<4x512xf32> to vector<1x512xf32>
    %mul3A_959 = arith.constant 1.024000e+03 : f32
    %mul3A_960 = vector.broadcast %mul3A_959 : f32 to vector<1x512xf32>
    %mul3A_961 = arith.mulf %slice3A_958, %mul3A_960 : vector<1x512xf32>
    %slice3A_962 = vector.extract_strided_slice %get3A_953 {offsets = [2, 0], sizes = [1, 512], strides = [1, 1]} : vector<4x512xf32> to vector<1x512xf32>
    %mul3A_963 = arith.constant 2.000000e+02 : f32
    %mul3A_964 = vector.broadcast %mul3A_963 : f32 to vector<1x512xf32>
    %mul3A_965 = arith.mulf %slice3A_962, %mul3A_964 : vector<1x512xf32>
    %add3A_966 = arith.constant 1.000000e+00 : f32
    %add3A_967 = vector.broadcast %add3A_966 : f32 to vector<1x512xf32>
    %add3A_968 = arith.addf %mul3A_965, %add3A_967 : vector<1x512xf32>
    %slice3A_969 = vector.extract_strided_slice %get3A_953 {offsets = [3, 0], sizes = [1, 512], strides = [1, 1]} : vector<4x512xf32> to vector<1x512xf32>
    %mul3A_970 = arith.constant 2.000000e+02 : f32
    %mul3A_971 = vector.broadcast %mul3A_970 : f32 to vector<1x512xf32>
    %mul3A_972 = arith.mulf %slice3A_969, %mul3A_971 : vector<1x512xf32>
    %add3A_973 = arith.constant 1.000000e+00 : f32
    %add3A_974 = vector.broadcast %add3A_973 : f32 to vector<1x512xf32>
    %add3A_975 = arith.addf %mul3A_972, %add3A_974 : vector<1x512xf32>
    %add3A_976 = arith.addf %mul3A_957, %add3A_968 : vector<1x512xf32>
    %add3A_977 = arith.addf %mul3A_961, %add3A_975 : vector<1x512xf32>
    %sub3A_978 = arith.subf %add3A_976, %mul3A_957 : vector<1x512xf32>
    %sub3A_979 = arith.subf %add3A_977, %mul3A_961 : vector<1x512xf32>
    %mul3A_980 = arith.mulf %sub3A_978, %sub3A_979 : vector<1x512xf32>
    %min3A_981 = vector.broadcast %add3A_944 : vector<512x1xf32> to vector<512x512xf32>
    %min3A_982 = vector.broadcast %add3A_976 : vector<1x512xf32> to vector<512x512xf32>
    %min3A_983 = arith.minimumf %min3A_981, %min3A_982 : vector<512x512xf32>
    %max3A_984 = vector.broadcast %mul3A_925 : vector<512x1xf32> to vector<512x512xf32>
    %max3A_985 = vector.broadcast %mul3A_957 : vector<1x512xf32> to vector<512x512xf32>
    %max3A_986 = arith.maximumf %max3A_984, %max3A_985 : vector<512x512xf32>
    %sub3A_987 = arith.subf %min3A_983, %max3A_986 : vector<512x512xf32>
    %max3A_988 = arith.constant 0.000000e+00 : f32
    %max3A_989 = vector.broadcast %max3A_988 : f32 to vector<512x512xf32>
    %max3A_990 = arith.maximumf %sub3A_987, %max3A_989 : vector<512x512xf32>
    %min3A_991 = vector.broadcast %add3A_945 : vector<512x1xf32> to vector<512x512xf32>
    %min3A_992 = vector.broadcast %add3A_977 : vector<1x512xf32> to vector<512x512xf32>
    %min3A_993 = arith.minimumf %min3A_991, %min3A_992 : vector<512x512xf32>
    %max3A_994 = vector.broadcast %mul3A_929 : vector<512x1xf32> to vector<512x512xf32>
    %max3A_995 = vector.broadcast %mul3A_961 : vector<1x512xf32> to vector<512x512xf32>
    %max3A_996 = arith.maximumf %max3A_994, %max3A_995 : vector<512x512xf32>
    %sub3A_997 = arith.subf %min3A_993, %max3A_996 : vector<512x512xf32>
    %max3A_998 = arith.constant 0.000000e+00 : f32
    %max3A_999 = vector.broadcast %max3A_998 : f32 to vector<512x512xf32>
    %max3A_1000 = arith.maximumf %sub3A_997, %max3A_999 : vector<512x512xf32>
    %mul3A_1001 = arith.mulf %max3A_990, %max3A_1000 : vector<512x512xf32>
    %add3A_1002 = vector.broadcast %mul3A_948 : vector<512x1xf32> to vector<512x512xf32>
    %add3A_1003 = vector.broadcast %mul3A_980 : vector<1x512xf32> to vector<512x512xf32>
    %add3A_1004 = arith.addf %add3A_1002, %add3A_1003 : vector<512x512xf32>
    %sub3A_1005 = arith.subf %add3A_1004, %mul3A_1001 : vector<512x512xf32>
    %max3A_1006 = arith.constant 9.99999971E-10 : f32
    %max3A_1007 = vector.broadcast %max3A_1006 : f32 to vector<512x512xf32>
    %max3A_1008 = arith.maximumf %sub3A_1005, %max3A_1007 : vector<512x512xf32>
    %div3A_1009 = arith.divf %mul3A_1001, %max3A_1008 : vector<512x512xf32>
    %gt3A_1010 = arith.constant 3.000000e-01 : f32
    %gt3A_1011 = vector.broadcast %gt3A_1010 : f32 to vector<512x512xf32>
    %gt3A_1012 = arith.cmpf ogt, %div3A_1009, %gt3A_1011 : vector<512x512xf32>
    %convert_element_type3A_1013 = arith.extui %gt3A_1012 : vector<512x512xi1> to vector<512x512xi32>
    %convert_element_type3A_1014 = arith.sitofp %convert_element_type3A_1013 : vector<512x512xi32> to vector<512x512xf32>
    %get3A_1015 = arith.constant 0 : index
    %get3A_1016 = arith.constant 0 : index
    %get3A_1017 = vector.load %arg5[%get3A_1015, %get3A_1016] : memref<5120x1xf32, #tpu.memory_space<vmem>>, vector<512x1xf32>
    %dot_general3A_1018 = arith.constant dense<0.000000e+00> : vector<512x1xf32>
    %dot_general3A_1019 = tpu.matmul %convert_element_type3A_1014, %get3A_1017, %dot_general3A_1018 {dimension_numbers = #tpu.dot_dimension_numbers<[1], [0], [0], [1], [0, 0, 1, 1], [], []>, transpose_lhs_hint = false} : vector<512x512xf32>, vector<512x1xf32>, vector<512x1xf32> -> vector<512x1xf32>
    %add3A_1020 = arith.addf %broadcast_in_dim3A_950, %dot_general3A_1019 : vector<512x1xf32>
    %get3A_1021 = arith.constant 0 : index
    %get3A_1022 = arith.constant 512 : index
    %get3A_1023 = vector.load %arg1[%get3A_1021, %get3A_1022] : memref<4x5120xf32, #tpu.memory_space<vmem>>, vector<4x512xf32>
    %slice3A_1024 = vector.extract_strided_slice %get3A_1023 {offsets = [0, 0], sizes = [1, 512], strides = [1, 1]} : vector<4x512xf32> to vector<1x512xf32>
    %mul3A_1025 = arith.constant 1.024000e+03 : f32
    %mul3A_1026 = vector.broadcast %mul3A_1025 : f32 to vector<1x512xf32>
    %mul3A_1027 = arith.mulf %slice3A_1024, %mul3A_1026 : vector<1x512xf32>
    %slice3A_1028 = vector.extract_strided_slice %get3A_1023 {offsets = [1, 0], sizes = [1, 512], strides = [1, 1]} : vector<4x512xf32> to vector<1x512xf32>
    %mul3A_1029 = arith.constant 1.024000e+03 : f32
    %mul3A_1030 = vector.broadcast %mul3A_1029 : f32 to vector<1x512xf32>
    %mul3A_1031 = arith.mulf %slice3A_1028, %mul3A_1030 : vector<1x512xf32>
    %slice3A_1032 = vector.extract_strided_slice %get3A_1023 {offsets = [2, 0], sizes = [1, 512], strides = [1, 1]} : vector<4x512xf32> to vector<1x512xf32>
    %mul3A_1033 = arith.constant 2.000000e+02 : f32
    %mul3A_1034 = vector.broadcast %mul3A_1033 : f32 to vector<1x512xf32>
    %mul3A_1035 = arith.mulf %slice3A_1032, %mul3A_1034 : vector<1x512xf32>
    %add3A_1036 = arith.constant 1.000000e+00 : f32
    %add3A_1037 = vector.broadcast %add3A_1036 : f32 to vector<1x512xf32>
    %add3A_1038 = arith.addf %mul3A_1035, %add3A_1037 : vector<1x512xf32>
    %slice3A_1039 = vector.extract_strided_slice %get3A_1023 {offsets = [3, 0], sizes = [1, 512], strides = [1, 1]} : vector<4x512xf32> to vector<1x512xf32>
    %mul3A_1040 = arith.constant 2.000000e+02 : f32
    %mul3A_1041 = vector.broadcast %mul3A_1040 : f32 to vector<1x512xf32>
    %mul3A_1042 = arith.mulf %slice3A_1039, %mul3A_1041 : vector<1x512xf32>
    %add3A_1043 = arith.constant 1.000000e+00 : f32
    %add3A_1044 = vector.broadcast %add3A_1043 : f32 to vector<1x512xf32>
    %add3A_1045 = arith.addf %mul3A_1042, %add3A_1044 : vector<1x512xf32>
    %add3A_1046 = arith.addf %mul3A_1027, %add3A_1038 : vector<1x512xf32>
    %add3A_1047 = arith.addf %mul3A_1031, %add3A_1045 : vector<1x512xf32>
    %sub3A_1048 = arith.subf %add3A_1046, %mul3A_1027 : vector<1x512xf32>
    %sub3A_1049 = arith.subf %add3A_1047, %mul3A_1031 : vector<1x512xf32>
    %mul3A_1050 = arith.mulf %sub3A_1048, %sub3A_1049 : vector<1x512xf32>
    %min3A_1051 = vector.broadcast %add3A_944 : vector<512x1xf32> to vector<512x512xf32>
    %min3A_1052 = vector.broadcast %add3A_1046 : vector<1x512xf32> to vector<512x512xf32>
    %min3A_1053 = arith.minimumf %min3A_1051, %min3A_1052 : vector<512x512xf32>
    %max3A_1054 = vector.broadcast %mul3A_925 : vector<512x1xf32> to vector<512x512xf32>
    %max3A_1055 = vector.broadcast %mul3A_1027 : vector<1x512xf32> to vector<512x512xf32>
    %max3A_1056 = arith.maximumf %max3A_1054, %max3A_1055 : vector<512x512xf32>
    %sub3A_1057 = arith.subf %min3A_1053, %max3A_1056 : vector<512x512xf32>
    %max3A_1058 = arith.constant 0.000000e+00 : f32
    %max3A_1059 = vector.broadcast %max3A_1058 : f32 to vector<512x512xf32>
    %max3A_1060 = arith.maximumf %sub3A_1057, %max3A_1059 : vector<512x512xf32>
    %min3A_1061 = vector.broadcast %add3A_945 : vector<512x1xf32> to vector<512x512xf32>
    %min3A_1062 = vector.broadcast %add3A_1047 : vector<1x512xf32> to vector<512x512xf32>
    %min3A_1063 = arith.minimumf %min3A_1061, %min3A_1062 : vector<512x512xf32>
    %max3A_1064 = vector.broadcast %mul3A_929 : vector<512x1xf32> to vector<512x512xf32>
    %max3A_1065 = vector.broadcast %mul3A_1031 : vector<1x512xf32> to vector<512x512xf32>
    %max3A_1066 = arith.maximumf %max3A_1064, %max3A_1065 : vector<512x512xf32>
    %sub3A_1067 = arith.subf %min3A_1063, %max3A_1066 : vector<512x512xf32>
    %max3A_1068 = arith.constant 0.000000e+00 : f32
    %max3A_1069 = vector.broadcast %max3A_1068 : f32 to vector<512x512xf32>
    %max3A_1070 = arith.maximumf %sub3A_1067, %max3A_1069 : vector<512x512xf32>
    %mul3A_1071 = arith.mulf %max3A_1060, %max3A_1070 : vector<512x512xf32>
    %add3A_1072 = vector.broadcast %mul3A_948 : vector<512x1xf32> to vector<512x512xf32>
    %add3A_1073 = vector.broadcast %mul3A_1050 : vector<1x512xf32> to vector<512x512xf32>
    %add3A_1074 = arith.addf %add3A_1072, %add3A_1073 : vector<512x512xf32>
    %sub3A_1075 = arith.subf %add3A_1074, %mul3A_1071 : vector<512x512xf32>
    %max3A_1076 = arith.constant 9.99999971E-10 : f32
    %max3A_1077 = vector.broadcast %max3A_1076 : f32 to vector<512x512xf32>
    %max3A_1078 = arith.maximumf %sub3A_1075, %max3A_1077 : vector<512x512xf32>
    %div3A_1079 = arith.divf %mul3A_1071, %max3A_1078 : vector<512x512xf32>
    %gt3A_1080 = arith.constant 3.000000e-01 : f32
    %gt3A_1081 = vector.broadcast %gt3A_1080 : f32 to vector<512x512xf32>
    %gt3A_1082 = arith.cmpf ogt, %div3A_1079, %gt3A_1081 : vector<512x512xf32>
    %convert_element_type3A_1083 = arith.extui %gt3A_1082 : vector<512x512xi1> to vector<512x512xi32>
    %convert_element_type3A_1084 = arith.sitofp %convert_element_type3A_1083 : vector<512x512xi32> to vector<512x512xf32>
    %get3A_1085 = arith.constant 512 : index
    %get3A_1086 = arith.constant 0 : index
    %get3A_1087 = vector.load %arg5[%get3A_1085, %get3A_1086] : memref<5120x1xf32, #tpu.memory_space<vmem>>, vector<512x1xf32>
    %dot_general3A_1088 = arith.constant dense<0.000000e+00> : vector<512x1xf32>
    %dot_general3A_1089 = tpu.matmul %convert_element_type3A_1084, %get3A_1087, %dot_general3A_1088 {dimension_numbers = #tpu.dot_dimension_numbers<[1], [0], [0], [1], [0, 0, 1, 1], [], []>, transpose_lhs_hint = false} : vector<512x512xf32>, vector<512x1xf32>, vector<512x1xf32> -> vector<512x1xf32>
    %add3A_1090 = arith.addf %add3A_1020, %dot_general3A_1089 : vector<512x1xf32>
    %get3A_1091 = arith.constant 0 : index
    %get3A_1092 = arith.constant 1024 : index
    %get3A_1093 = vector.load %arg1[%get3A_1091, %get3A_1092] : memref<4x5120xf32, #tpu.memory_space<vmem>>, vector<4x512xf32>
    %slice3A_1094 = vector.extract_strided_slice %get3A_1093 {offsets = [0, 0], sizes = [1, 512], strides = [1, 1]} : vector<4x512xf32> to vector<1x512xf32>
    %mul3A_1095 = arith.constant 1.024000e+03 : f32
    %mul3A_1096 = vector.broadcast %mul3A_1095 : f32 to vector<1x512xf32>
    %mul3A_1097 = arith.mulf %slice3A_1094, %mul3A_1096 : vector<1x512xf32>
    %slice3A_1098 = vector.extract_strided_slice %get3A_1093 {offsets = [1, 0], sizes = [1, 512], strides = [1, 1]} : vector<4x512xf32> to vector<1x512xf32>
    %mul3A_1099 = arith.constant 1.024000e+03 : f32
    %mul3A_1100 = vector.broadcast %mul3A_1099 : f32 to vector<1x512xf32>
    %mul3A_1101 = arith.mulf %slice3A_1098, %mul3A_1100 : vector<1x512xf32>
    %slice3A_1102 = vector.extract_strided_slice %get3A_1093 {offsets = [2, 0], sizes = [1, 512], strides = [1, 1]} : vector<4x512xf32> to vector<1x512xf32>
    %mul3A_1103 = arith.constant 2.000000e+02 : f32
    %mul3A_1104 = vector.broadcast %mul3A_1103 : f32 to vector<1x512xf32>
    %mul3A_1105 = arith.mulf %slice3A_1102, %mul3A_1104 : vector<1x512xf32>
    %add3A_1106 = arith.constant 1.000000e+00 : f32
    %add3A_1107 = vector.broadcast %add3A_1106 : f32 to vector<1x512xf32>
    %add3A_1108 = arith.addf %mul3A_1105, %add3A_1107 : vector<1x512xf32>
    %slice3A_1109 = vector.extract_strided_slice %get3A_1093 {offsets = [3, 0], sizes = [1, 512], strides = [1, 1]} : vector<4x512xf32> to vector<1x512xf32>
    %mul3A_1110 = arith.constant 2.000000e+02 : f32
    %mul3A_1111 = vector.broadcast %mul3A_1110 : f32 to vector<1x512xf32>
    %mul3A_1112 = arith.mulf %slice3A_1109, %mul3A_1111 : vector<1x512xf32>
    %add3A_1113 = arith.constant 1.000000e+00 : f32
    %add3A_1114 = vector.broadcast %add3A_1113 : f32 to vector<1x512xf32>
    %add3A_1115 = arith.addf %mul3A_1112, %add3A_1114 : vector<1x512xf32>
    %add3A_1116 = arith.addf %mul3A_1097, %add3A_1108 : vector<1x512xf32>
    %add3A_1117 = arith.addf %mul3A_1101, %add3A_1115 : vector<1x512xf32>
    %sub3A_1118 = arith.subf %add3A_1116, %mul3A_1097 : vector<1x512xf32>
    %sub3A_1119 = arith.subf %add3A_1117, %mul3A_1101 : vector<1x512xf32>
    %mul3A_1120 = arith.mulf %sub3A_1118, %sub3A_1119 : vector<1x512xf32>
    %min3A_1121 = vector.broadcast %add3A_944 : vector<512x1xf32> to vector<512x512xf32>
    %min3A_1122 = vector.broadcast %add3A_1116 : vector<1x512xf32> to vector<512x512xf32>
    %min3A_1123 = arith.minimumf %min3A_1121, %min3A_1122 : vector<512x512xf32>
    %max3A_1124 = vector.broadcast %mul3A_925 : vector<512x1xf32> to vector<512x512xf32>
    %max3A_1125 = vector.broadcast %mul3A_1097 : vector<1x512xf32> to vector<512x512xf32>
    %max3A_1126 = arith.maximumf %max3A_1124, %max3A_1125 : vector<512x512xf32>
    %sub3A_1127 = arith.subf %min3A_1123, %max3A_1126 : vector<512x512xf32>
    %max3A_1128 = arith.constant 0.000000e+00 : f32
    %max3A_1129 = vector.broadcast %max3A_1128 : f32 to vector<512x512xf32>
    %max3A_1130 = arith.maximumf %sub3A_1127, %max3A_1129 : vector<512x512xf32>
    %min3A_1131 = vector.broadcast %add3A_945 : vector<512x1xf32> to vector<512x512xf32>
    %min3A_1132 = vector.broadcast %add3A_1117 : vector<1x512xf32> to vector<512x512xf32>
    %min3A_1133 = arith.minimumf %min3A_1131, %min3A_1132 : vector<512x512xf32>
    %max3A_1134 = vector.broadcast %mul3A_929 : vector<512x1xf32> to vector<512x512xf32>
    %max3A_1135 = vector.broadcast %mul3A_1101 : vector<1x512xf32> to vector<512x512xf32>
    %max3A_1136 = arith.maximumf %max3A_1134, %max3A_1135 : vector<512x512xf32>
    %sub3A_1137 = arith.subf %min3A_1133, %max3A_1136 : vector<512x512xf32>
    %max3A_1138 = arith.constant 0.000000e+00 : f32
    %max3A_1139 = vector.broadcast %max3A_1138 : f32 to vector<512x512xf32>
    %max3A_1140 = arith.maximumf %sub3A_1137, %max3A_1139 : vector<512x512xf32>
    %mul3A_1141 = arith.mulf %max3A_1130, %max3A_1140 : vector<512x512xf32>
    %add3A_1142 = vector.broadcast %mul3A_948 : vector<512x1xf32> to vector<512x512xf32>
    %add3A_1143 = vector.broadcast %mul3A_1120 : vector<1x512xf32> to vector<512x512xf32>
    %add3A_1144 = arith.addf %add3A_1142, %add3A_1143 : vector<512x512xf32>
    %sub3A_1145 = arith.subf %add3A_1144, %mul3A_1141 : vector<512x512xf32>
    %max3A_1146 = arith.constant 9.99999971E-10 : f32
    %max3A_1147 = vector.broadcast %max3A_1146 : f32 to vector<512x512xf32>
    %max3A_1148 = arith.maximumf %sub3A_1145, %max3A_1147 : vector<512x512xf32>
    %div3A_1149 = arith.divf %mul3A_1141, %max3A_1148 : vector<512x512xf32>
    %gt3A_1150 = arith.constant 3.000000e-01 : f32
    %gt3A_1151 = vector.broadcast %gt3A_1150 : f32 to vector<512x512xf32>
    %gt3A_1152 = arith.cmpf ogt, %div3A_1149, %gt3A_1151 : vector<512x512xf32>
    %convert_element_type3A_1153 = arith.extui %gt3A_1152 : vector<512x512xi1> to vector<512x512xi32>
    %convert_element_type3A_1154 = arith.sitofp %convert_element_type3A_1153 : vector<512x512xi32> to vector<512x512xf32>
    %get3A_1155 = arith.constant 1024 : index
    %get3A_1156 = arith.constant 0 : index
    %get3A_1157 = vector.load %arg5[%get3A_1155, %get3A_1156] : memref<5120x1xf32, #tpu.memory_space<vmem>>, vector<512x1xf32>
    %dot_general3A_1158 = arith.constant dense<0.000000e+00> : vector<512x1xf32>
    %dot_general3A_1159 = tpu.matmul %convert_element_type3A_1154, %get3A_1157, %dot_general3A_1158 {dimension_numbers = #tpu.dot_dimension_numbers<[1], [0], [0], [1], [0, 0, 1, 1], [], []>, transpose_lhs_hint = false} : vector<512x512xf32>, vector<512x1xf32>, vector<512x1xf32> -> vector<512x1xf32>
    %add3A_1160 = arith.addf %add3A_1090, %dot_general3A_1159 : vector<512x1xf32>
    %get3A_1161 = arith.constant 0 : index
    %get3A_1162 = arith.constant 1536 : index
    %get3A_1163 = vector.load %arg1[%get3A_1161, %get3A_1162] : memref<4x5120xf32, #tpu.memory_space<vmem>>, vector<4x512xf32>
    %slice3A_1164 = vector.extract_strided_slice %get3A_1163 {offsets = [0, 0], sizes = [1, 512], strides = [1, 1]} : vector<4x512xf32> to vector<1x512xf32>
    %mul3A_1165 = arith.constant 1.024000e+03 : f32
    %mul3A_1166 = vector.broadcast %mul3A_1165 : f32 to vector<1x512xf32>
    %mul3A_1167 = arith.mulf %slice3A_1164, %mul3A_1166 : vector<1x512xf32>
    %slice3A_1168 = vector.extract_strided_slice %get3A_1163 {offsets = [1, 0], sizes = [1, 512], strides = [1, 1]} : vector<4x512xf32> to vector<1x512xf32>
    %mul3A_1169 = arith.constant 1.024000e+03 : f32
    %mul3A_1170 = vector.broadcast %mul3A_1169 : f32 to vector<1x512xf32>
    %mul3A_1171 = arith.mulf %slice3A_1168, %mul3A_1170 : vector<1x512xf32>
    %slice3A_1172 = vector.extract_strided_slice %get3A_1163 {offsets = [2, 0], sizes = [1, 512], strides = [1, 1]} : vector<4x512xf32> to vector<1x512xf32>
    %mul3A_1173 = arith.constant 2.000000e+02 : f32
    %mul3A_1174 = vector.broadcast %mul3A_1173 : f32 to vector<1x512xf32>
    %mul3A_1175 = arith.mulf %slice3A_1172, %mul3A_1174 : vector<1x512xf32>
    %add3A_1176 = arith.constant 1.000000e+00 : f32
    %add3A_1177 = vector.broadcast %add3A_1176 : f32 to vector<1x512xf32>
    %add3A_1178 = arith.addf %mul3A_1175, %add3A_1177 : vector<1x512xf32>
    %slice3A_1179 = vector.extract_strided_slice %get3A_1163 {offsets = [3, 0], sizes = [1, 512], strides = [1, 1]} : vector<4x512xf32> to vector<1x512xf32>
    %mul3A_1180 = arith.constant 2.000000e+02 : f32
    %mul3A_1181 = vector.broadcast %mul3A_1180 : f32 to vector<1x512xf32>
    %mul3A_1182 = arith.mulf %slice3A_1179, %mul3A_1181 : vector<1x512xf32>
    %add3A_1183 = arith.constant 1.000000e+00 : f32
    %add3A_1184 = vector.broadcast %add3A_1183 : f32 to vector<1x512xf32>
    %add3A_1185 = arith.addf %mul3A_1182, %add3A_1184 : vector<1x512xf32>
    %add3A_1186 = arith.addf %mul3A_1167, %add3A_1178 : vector<1x512xf32>
    %add3A_1187 = arith.addf %mul3A_1171, %add3A_1185 : vector<1x512xf32>
    %sub3A_1188 = arith.subf %add3A_1186, %mul3A_1167 : vector<1x512xf32>
    %sub3A_1189 = arith.subf %add3A_1187, %mul3A_1171 : vector<1x512xf32>
    %mul3A_1190 = arith.mulf %sub3A_1188, %sub3A_1189 : vector<1x512xf32>
    %min3A_1191 = vector.broadcast %add3A_944 : vector<512x1xf32> to vector<512x512xf32>
    %min3A_1192 = vector.broadcast %add3A_1186 : vector<1x512xf32> to vector<512x512xf32>
    %min3A_1193 = arith.minimumf %min3A_1191, %min3A_1192 : vector<512x512xf32>
    %max3A_1194 = vector.broadcast %mul3A_925 : vector<512x1xf32> to vector<512x512xf32>
    %max3A_1195 = vector.broadcast %mul3A_1167 : vector<1x512xf32> to vector<512x512xf32>
    %max3A_1196 = arith.maximumf %max3A_1194, %max3A_1195 : vector<512x512xf32>
    %sub3A_1197 = arith.subf %min3A_1193, %max3A_1196 : vector<512x512xf32>
    %max3A_1198 = arith.constant 0.000000e+00 : f32
    %max3A_1199 = vector.broadcast %max3A_1198 : f32 to vector<512x512xf32>
    %max3A_1200 = arith.maximumf %sub3A_1197, %max3A_1199 : vector<512x512xf32>
    %min3A_1201 = vector.broadcast %add3A_945 : vector<512x1xf32> to vector<512x512xf32>
    %min3A_1202 = vector.broadcast %add3A_1187 : vector<1x512xf32> to vector<512x512xf32>
    %min3A_1203 = arith.minimumf %min3A_1201, %min3A_1202 : vector<512x512xf32>
    %max3A_1204 = vector.broadcast %mul3A_929 : vector<512x1xf32> to vector<512x512xf32>
    %max3A_1205 = vector.broadcast %mul3A_1171 : vector<1x512xf32> to vector<512x512xf32>
    %max3A_1206 = arith.maximumf %max3A_1204, %max3A_1205 : vector<512x512xf32>
    %sub3A_1207 = arith.subf %min3A_1203, %max3A_1206 : vector<512x512xf32>
    %max3A_1208 = arith.constant 0.000000e+00 : f32
    %max3A_1209 = vector.broadcast %max3A_1208 : f32 to vector<512x512xf32>
    %max3A_1210 = arith.maximumf %sub3A_1207, %max3A_1209 : vector<512x512xf32>
    %mul3A_1211 = arith.mulf %max3A_1200, %max3A_1210 : vector<512x512xf32>
    %add3A_1212 = vector.broadcast %mul3A_948 : vector<512x1xf32> to vector<512x512xf32>
    %add3A_1213 = vector.broadcast %mul3A_1190 : vector<1x512xf32> to vector<512x512xf32>
    %add3A_1214 = arith.addf %add3A_1212, %add3A_1213 : vector<512x512xf32>
    %sub3A_1215 = arith.subf %add3A_1214, %mul3A_1211 : vector<512x512xf32>
    %max3A_1216 = arith.constant 9.99999971E-10 : f32
    %max3A_1217 = vector.broadcast %max3A_1216 : f32 to vector<512x512xf32>
    %max3A_1218 = arith.maximumf %sub3A_1215, %max3A_1217 : vector<512x512xf32>
    %div3A_1219 = arith.divf %mul3A_1211, %max3A_1218 : vector<512x512xf32>
    %gt3A_1220 = arith.constant 3.000000e-01 : f32
    %gt3A_1221 = vector.broadcast %gt3A_1220 : f32 to vector<512x512xf32>
    %gt3A_1222 = arith.cmpf ogt, %div3A_1219, %gt3A_1221 : vector<512x512xf32>
    %convert_element_type3A_1223 = arith.extui %gt3A_1222 : vector<512x512xi1> to vector<512x512xi32>
    %convert_element_type3A_1224 = arith.sitofp %convert_element_type3A_1223 : vector<512x512xi32> to vector<512x512xf32>
    %get3A_1225 = arith.constant 1536 : index
    %get3A_1226 = arith.constant 0 : index
    %get3A_1227 = vector.load %arg5[%get3A_1225, %get3A_1226] : memref<5120x1xf32, #tpu.memory_space<vmem>>, vector<512x1xf32>
    %dot_general3A_1228 = arith.constant dense<0.000000e+00> : vector<512x1xf32>
    %dot_general3A_1229 = tpu.matmul %convert_element_type3A_1224, %get3A_1227, %dot_general3A_1228 {dimension_numbers = #tpu.dot_dimension_numbers<[1], [0], [0], [1], [0, 0, 1, 1], [], []>, transpose_lhs_hint = false} : vector<512x512xf32>, vector<512x1xf32>, vector<512x1xf32> -> vector<512x1xf32>
    %add3A_1230 = arith.addf %add3A_1160, %dot_general3A_1229 : vector<512x1xf32>
    %min3A_1231 = vector.broadcast %add3A_944 : vector<512x1xf32> to vector<512x512xf32>
    %min3A_1232 = vector.broadcast %add3A_914 : vector<1x512xf32> to vector<512x512xf32>
    %min3A_1233 = arith.minimumf %min3A_1231, %min3A_1232 : vector<512x512xf32>
    %max3A_1234 = vector.broadcast %mul3A_925 : vector<512x1xf32> to vector<512x512xf32>
    %max3A_1235 = vector.broadcast %mul3A_895 : vector<1x512xf32> to vector<512x512xf32>
    %max3A_1236 = arith.maximumf %max3A_1234, %max3A_1235 : vector<512x512xf32>
    %sub3A_1237 = arith.subf %min3A_1233, %max3A_1236 : vector<512x512xf32>
    %max3A_1238 = arith.constant 0.000000e+00 : f32
    %max3A_1239 = vector.broadcast %max3A_1238 : f32 to vector<512x512xf32>
    %max3A_1240 = arith.maximumf %sub3A_1237, %max3A_1239 : vector<512x512xf32>
    %min3A_1241 = vector.broadcast %add3A_945 : vector<512x1xf32> to vector<512x512xf32>
    %min3A_1242 = vector.broadcast %add3A_915 : vector<1x512xf32> to vector<512x512xf32>
    %min3A_1243 = arith.minimumf %min3A_1241, %min3A_1242 : vector<512x512xf32>
    %max3A_1244 = vector.broadcast %mul3A_929 : vector<512x1xf32> to vector<512x512xf32>
    %max3A_1245 = vector.broadcast %mul3A_899 : vector<1x512xf32> to vector<512x512xf32>
    %max3A_1246 = arith.maximumf %max3A_1244, %max3A_1245 : vector<512x512xf32>
    %sub3A_1247 = arith.subf %min3A_1243, %max3A_1246 : vector<512x512xf32>
    %max3A_1248 = arith.constant 0.000000e+00 : f32
    %max3A_1249 = vector.broadcast %max3A_1248 : f32 to vector<512x512xf32>
    %max3A_1250 = arith.maximumf %sub3A_1247, %max3A_1249 : vector<512x512xf32>
    %mul3A_1251 = arith.mulf %max3A_1240, %max3A_1250 : vector<512x512xf32>
    %add3A_1252 = vector.broadcast %mul3A_948 : vector<512x1xf32> to vector<512x512xf32>
    %add3A_1253 = vector.broadcast %mul3A_918 : vector<1x512xf32> to vector<512x512xf32>
    %add3A_1254 = arith.addf %add3A_1252, %add3A_1253 : vector<512x512xf32>
    %sub3A_1255 = arith.subf %add3A_1254, %mul3A_1251 : vector<512x512xf32>
    %max3A_1256 = arith.constant 9.99999971E-10 : f32
    %max3A_1257 = vector.broadcast %max3A_1256 : f32 to vector<512x512xf32>
    %max3A_1258 = arith.maximumf %sub3A_1255, %max3A_1257 : vector<512x512xf32>
    %div3A_1259 = arith.divf %mul3A_1251, %max3A_1258 : vector<512x512xf32>
    %gt3A_1260 = arith.constant 3.000000e-01 : f32
    %gt3A_1261 = vector.broadcast %gt3A_1260 : f32 to vector<512x512xf32>
    %gt3A_1262 = arith.cmpf ogt, %div3A_1259, %gt3A_1261 : vector<512x512xf32>
    %convert_element_type3A_1263 = arith.extui %gt3A_1262 : vector<512x512xi1> to vector<512x512xi32>
    %convert_element_type3A_1264 = arith.sitofp %convert_element_type3A_1263 : vector<512x512xi32> to vector<512x512xf32>
    %iota3A_1265 = tpu.iota {dimensions = array<i32: 0>} : vector<512x512xi32>
    %iota3A_1266 = tpu.iota {dimensions = array<i32: 1>} : vector<512x512xi32>
    %lt3A_1267 = arith.cmpi slt, %iota3A_1266, %iota3A_1265 : vector<512x512xi32>
    %jit3A_1268 = arith.constant 0.000000e+00 : f32
    %broadcast_in_dim3A_1269 = vector.broadcast %jit3A_1268 : f32 to vector<512x512xf32>
    %select_n3A_1270 = arith.select %lt3A_1267, %convert_element_type3A_1264, %broadcast_in_dim3A_1269 : vector<512x512xi1>, vector<512x512xf32>
    %get3A_1271 = arith.constant 2048 : index
    %get3A_1272 = arith.constant 0 : index
    %get3A_1273 = vector.load %arg2[%get3A_1271, %get3A_1272] : memref<5120x1xf32, #tpu.memory_space<vmem>>, vector<512x1xf32>
    %gt3A_1274 = arith.constant 5.000000e-02 : f32
    %gt3A_1275 = vector.broadcast %gt3A_1274 : f32 to vector<512x1xf32>
    %gt3A_1276 = arith.cmpf ogt, %get3A_1273, %gt3A_1275 : vector<512x1xf32>
    %lt3A_1277 = arith.constant 5.000000e-01 : f32
    %lt3A_1278 = vector.broadcast %lt3A_1277 : f32 to vector<512x1xf32>
    %lt3A_1279 = arith.cmpf olt, %add3A_1230, %lt3A_1278 : vector<512x1xf32>
    %and3A_1280 = arith.andi %gt3A_1276, %lt3A_1279 : vector<512x1xi1>
    %convert_element_type3A_1281 = arith.extui %and3A_1280 : vector<512x1xi1> to vector<512x1xi32>
    %convert_element_type3A_1282 = arith.sitofp %convert_element_type3A_1281 : vector<512x1xi32> to vector<512x1xf32>
    %sub3A_1283 = arith.constant 2.000000e+00 : f32
    %sub3A_1284 = vector.broadcast %sub3A_1283 : f32 to vector<512x1xf32>
    %sub3A_1285 = arith.subf %convert_element_type3A_1282, %sub3A_1284 : vector<512x1xf32>
    %while3A_1286 = arith.constant 0 : i32
    %while3A_1287:3 = scf.while (%while3A_4874 = %sub3A_1285, %while3A_4875 = %convert_element_type3A_1282, %while3A_4876 = %while3A_1286) : (vector<512x1xf32>, vector<512x1xf32>, i32) -> (vector<512x1xf32>, vector<512x1xf32>, i32) {
      %lt3A_4877 = arith.constant 514 : i32
      %lt3A_4878 = arith.cmpi slt, %while3A_4876, %lt3A_4877 : i32
      %ne3A = arith.cmpf one, %while3A_4874, %while3A_4875 : vector<512x1xf32>
      %reduce_or3A = arith.constant 1.000000e+00 : f32
      %reduce_or3A_4879 = arith.constant 0.000000e+00 : f32
      %reduce_or3A_4880 = vector.broadcast %reduce_or3A : f32 to vector<512x1xf32>
      %reduce_or3A_4881 = vector.broadcast %reduce_or3A_4879 : f32 to vector<512x1xf32>
      %reduce_or3A_4882 = arith.select %ne3A, %reduce_or3A_4880, %reduce_or3A_4881 : vector<512x1xi1>, vector<512x1xf32>
      %reduce_or3A_4883 = vector.shape_cast %reduce_or3A_4882 : vector<512x1xf32> to vector<1x512x1xf32>
      %reduce_or3A_4884 = arith.constant dense<0xFF800000> : vector<1xf32>
      %reduce_or3A_4885 = vector.multi_reduction <maximumf>, %reduce_or3A_4883, %reduce_or3A_4884 [1, 2] : vector<1x512x1xf32> to vector<1xf32>
      %reduce_or3A_4886 = vector.shape_cast %reduce_or3A_4885 : vector<1xf32> to vector<1x1x1xf32>
      %reduce_or3A_4887 = vector.extract %reduce_or3A_4886[0, 0, 0] : f32 from vector<1x1x1xf32>
      %reduce_or3A_4888 = arith.constant 0.000000e+00 : f32
      %reduce_or3A_4889 = arith.cmpf ogt, %reduce_or3A_4887, %reduce_or3A_4888 : f32
      %and3A_4890 = arith.andi %lt3A_4878, %reduce_or3A_4889 : i1
      scf.condition(%and3A_4890) %while3A_4874, %while3A_4875, %while3A_4876 : vector<512x1xf32>, vector<512x1xf32>, i32
    } do {
    ^bb0(%while3A_4874: vector<512x1xf32>, %while3A_4875: vector<512x1xf32>, %while3A_4876: i32):
      %dot_general3A_4877 = arith.constant dense<0.000000e+00> : vector<512x1xf32>
      %dot_general3A_4878 = tpu.matmul %select_n3A_1270, %while3A_4875, %dot_general3A_4877 {dimension_numbers = #tpu.dot_dimension_numbers<[1], [0], [0], [1], [0, 0, 1, 1], [], []>, transpose_lhs_hint = false} : vector<512x512xf32>, vector<512x1xf32>, vector<512x1xf32> -> vector<512x1xf32>
      %lt3A_4879 = arith.constant 5.000000e-01 : f32
      %lt3A_4880 = vector.broadcast %lt3A_4879 : f32 to vector<512x1xf32>
      %lt3A_4881 = arith.cmpf olt, %dot_general3A_4878, %lt3A_4880 : vector<512x1xf32>
      %convert_element_type3A_4882 = arith.extui %lt3A_4881 : vector<512x1xi1> to vector<512x1xi32>
      %convert_element_type3A_4883 = arith.sitofp %convert_element_type3A_4882 : vector<512x1xi32> to vector<512x1xf32>
      %mul3A_4884 = arith.mulf %convert_element_type3A_1282, %convert_element_type3A_4883 : vector<512x1xf32>
      %add3A_4885 = arith.constant 1 : i32
      %add3A_4886 = arith.addi %while3A_4876, %add3A_4885 : i32
      scf.yield %while3A_4875, %mul3A_4884, %add3A_4886 : vector<512x1xf32>, vector<512x1xf32>, i32
    }
    %swap3A_1288 = arith.constant 2048 : index
    %swap3A_1289 = arith.constant 0 : index
    %swap3A_1290 = vector.load %arg5[%swap3A_1288, %swap3A_1289] : memref<5120x1xf32, #tpu.memory_space<vmem>>, vector<512x1xf32>
    tpu.vector_store %arg5[%swap3A_1288, %swap3A_1289], %while3A_1287#1 {strides = array<i32>} : memref<5120x1xf32, #tpu.memory_space<vmem>>, vector<512x1xf32>,
    %get3A_1291 = arith.constant 0 : index
    %get3A_1292 = arith.constant 2560 : index
    %get3A_1293 = vector.load %arg1[%get3A_1291, %get3A_1292] : memref<4x5120xf32, #tpu.memory_space<vmem>>, vector<4x512xf32>
    %slice3A_1294 = vector.extract_strided_slice %get3A_1293 {offsets = [0, 0], sizes = [1, 512], strides = [1, 1]} : vector<4x512xf32> to vector<1x512xf32>
    %mul3A_1295 = arith.constant 1.024000e+03 : f32
    %mul3A_1296 = vector.broadcast %mul3A_1295 : f32 to vector<1x512xf32>
    %mul3A_1297 = arith.mulf %slice3A_1294, %mul3A_1296 : vector<1x512xf32>
    %slice3A_1298 = vector.extract_strided_slice %get3A_1293 {offsets = [1, 0], sizes = [1, 512], strides = [1, 1]} : vector<4x512xf32> to vector<1x512xf32>
    %mul3A_1299 = arith.constant 1.024000e+03 : f32
    %mul3A_1300 = vector.broadcast %mul3A_1299 : f32 to vector<1x512xf32>
    %mul3A_1301 = arith.mulf %slice3A_1298, %mul3A_1300 : vector<1x512xf32>
    %slice3A_1302 = vector.extract_strided_slice %get3A_1293 {offsets = [2, 0], sizes = [1, 512], strides = [1, 1]} : vector<4x512xf32> to vector<1x512xf32>
    %mul3A_1303 = arith.constant 2.000000e+02 : f32
    %mul3A_1304 = vector.broadcast %mul3A_1303 : f32 to vector<1x512xf32>
    %mul3A_1305 = arith.mulf %slice3A_1302, %mul3A_1304 : vector<1x512xf32>
    %add3A_1306 = arith.constant 1.000000e+00 : f32
    %add3A_1307 = vector.broadcast %add3A_1306 : f32 to vector<1x512xf32>
    %add3A_1308 = arith.addf %mul3A_1305, %add3A_1307 : vector<1x512xf32>
    %slice3A_1309 = vector.extract_strided_slice %get3A_1293 {offsets = [3, 0], sizes = [1, 512], strides = [1, 1]} : vector<4x512xf32> to vector<1x512xf32>
    %mul3A_1310 = arith.constant 2.000000e+02 : f32
    %mul3A_1311 = vector.broadcast %mul3A_1310 : f32 to vector<1x512xf32>
    %mul3A_1312 = arith.mulf %slice3A_1309, %mul3A_1311 : vector<1x512xf32>
    %add3A_1313 = arith.constant 1.000000e+00 : f32
    %add3A_1314 = vector.broadcast %add3A_1313 : f32 to vector<1x512xf32>
    %add3A_1315 = arith.addf %mul3A_1312, %add3A_1314 : vector<1x512xf32>
    %add3A_1316 = arith.addf %mul3A_1297, %add3A_1308 : vector<1x512xf32>
    %add3A_1317 = arith.addf %mul3A_1301, %add3A_1315 : vector<1x512xf32>
    %sub3A_1318 = arith.subf %add3A_1316, %mul3A_1297 : vector<1x512xf32>
    %sub3A_1319 = arith.subf %add3A_1317, %mul3A_1301 : vector<1x512xf32>
    %mul3A_1320 = arith.mulf %sub3A_1318, %sub3A_1319 : vector<1x512xf32>
    %get3A_1321 = arith.constant 2560 : index
    %get3A_1322 = arith.constant 0 : index
    %get3A_1323 = vector.load %arg0[%get3A_1321, %get3A_1322] : memref<5120x4xf32, #tpu.memory_space<vmem>>, vector<512x4xf32>
    %slice3A_1324 = vector.extract_strided_slice %get3A_1323 {offsets = [0, 0], sizes = [512, 1], strides = [1, 1]} : vector<512x4xf32> to vector<512x1xf32>
    %mul3A_1325 = arith.constant 1.024000e+03 : f32
    %mul3A_1326 = vector.broadcast %mul3A_1325 : f32 to vector<512x1xf32>
    %mul3A_1327 = arith.mulf %slice3A_1324, %mul3A_1326 : vector<512x1xf32>
    %slice3A_1328 = vector.extract_strided_slice %get3A_1323 {offsets = [0, 1], sizes = [512, 1], strides = [1, 1]} : vector<512x4xf32> to vector<512x1xf32>
    %mul3A_1329 = arith.constant 1.024000e+03 : f32
    %mul3A_1330 = vector.broadcast %mul3A_1329 : f32 to vector<512x1xf32>
    %mul3A_1331 = arith.mulf %slice3A_1328, %mul3A_1330 : vector<512x1xf32>
    %slice3A_1332 = vector.extract_strided_slice %get3A_1323 {offsets = [0, 2], sizes = [512, 1], strides = [1, 1]} : vector<512x4xf32> to vector<512x1xf32>
    %mul3A_1333 = arith.constant 2.000000e+02 : f32
    %mul3A_1334 = vector.broadcast %mul3A_1333 : f32 to vector<512x1xf32>
    %mul3A_1335 = arith.mulf %slice3A_1332, %mul3A_1334 : vector<512x1xf32>
    %add3A_1336 = arith.constant 1.000000e+00 : f32
    %add3A_1337 = vector.broadcast %add3A_1336 : f32 to vector<512x1xf32>
    %add3A_1338 = arith.addf %mul3A_1335, %add3A_1337 : vector<512x1xf32>
    %slice3A_1339 = vector.extract_strided_slice %get3A_1323 {offsets = [0, 3], sizes = [512, 1], strides = [1, 1]} : vector<512x4xf32> to vector<512x1xf32>
    %mul3A_1340 = arith.constant 2.000000e+02 : f32
    %mul3A_1341 = vector.broadcast %mul3A_1340 : f32 to vector<512x1xf32>
    %mul3A_1342 = arith.mulf %slice3A_1339, %mul3A_1341 : vector<512x1xf32>
    %add3A_1343 = arith.constant 1.000000e+00 : f32
    %add3A_1344 = vector.broadcast %add3A_1343 : f32 to vector<512x1xf32>
    %add3A_1345 = arith.addf %mul3A_1342, %add3A_1344 : vector<512x1xf32>
    %add3A_1346 = arith.addf %mul3A_1327, %add3A_1338 : vector<512x1xf32>
    %add3A_1347 = arith.addf %mul3A_1331, %add3A_1345 : vector<512x1xf32>
    %sub3A_1348 = arith.subf %add3A_1346, %mul3A_1327 : vector<512x1xf32>
    %sub3A_1349 = arith.subf %add3A_1347, %mul3A_1331 : vector<512x1xf32>
    %mul3A_1350 = arith.mulf %sub3A_1348, %sub3A_1349 : vector<512x1xf32>
    %broadcast_in_dim3A_1351 = arith.constant 0.000000e+00 : f32
    %broadcast_in_dim3A_1352 = vector.broadcast %broadcast_in_dim3A_1351 : f32 to vector<512x1xf32>
    %get3A_1353 = arith.constant 0 : index
    %get3A_1354 = arith.constant 0 : index
    %get3A_1355 = vector.load %arg1[%get3A_1353, %get3A_1354] : memref<4x5120xf32, #tpu.memory_space<vmem>>, vector<4x512xf32>
    %slice3A_1356 = vector.extract_strided_slice %get3A_1355 {offsets = [0, 0], sizes = [1, 512], strides = [1, 1]} : vector<4x512xf32> to vector<1x512xf32>
    %mul3A_1357 = arith.constant 1.024000e+03 : f32
    %mul3A_1358 = vector.broadcast %mul3A_1357 : f32 to vector<1x512xf32>
    %mul3A_1359 = arith.mulf %slice3A_1356, %mul3A_1358 : vector<1x512xf32>
    %slice3A_1360 = vector.extract_strided_slice %get3A_1355 {offsets = [1, 0], sizes = [1, 512], strides = [1, 1]} : vector<4x512xf32> to vector<1x512xf32>
    %mul3A_1361 = arith.constant 1.024000e+03 : f32
    %mul3A_1362 = vector.broadcast %mul3A_1361 : f32 to vector<1x512xf32>
    %mul3A_1363 = arith.mulf %slice3A_1360, %mul3A_1362 : vector<1x512xf32>
    %slice3A_1364 = vector.extract_strided_slice %get3A_1355 {offsets = [2, 0], sizes = [1, 512], strides = [1, 1]} : vector<4x512xf32> to vector<1x512xf32>
    %mul3A_1365 = arith.constant 2.000000e+02 : f32
    %mul3A_1366 = vector.broadcast %mul3A_1365 : f32 to vector<1x512xf32>
    %mul3A_1367 = arith.mulf %slice3A_1364, %mul3A_1366 : vector<1x512xf32>
    %add3A_1368 = arith.constant 1.000000e+00 : f32
    %add3A_1369 = vector.broadcast %add3A_1368 : f32 to vector<1x512xf32>
    %add3A_1370 = arith.addf %mul3A_1367, %add3A_1369 : vector<1x512xf32>
    %slice3A_1371 = vector.extract_strided_slice %get3A_1355 {offsets = [3, 0], sizes = [1, 512], strides = [1, 1]} : vector<4x512xf32> to vector<1x512xf32>
    %mul3A_1372 = arith.constant 2.000000e+02 : f32
    %mul3A_1373 = vector.broadcast %mul3A_1372 : f32 to vector<1x512xf32>
    %mul3A_1374 = arith.mulf %slice3A_1371, %mul3A_1373 : vector<1x512xf32>
    %add3A_1375 = arith.constant 1.000000e+00 : f32
    %add3A_1376 = vector.broadcast %add3A_1375 : f32 to vector<1x512xf32>
    %add3A_1377 = arith.addf %mul3A_1374, %add3A_1376 : vector<1x512xf32>
    %add3A_1378 = arith.addf %mul3A_1359, %add3A_1370 : vector<1x512xf32>
    %add3A_1379 = arith.addf %mul3A_1363, %add3A_1377 : vector<1x512xf32>
    %sub3A_1380 = arith.subf %add3A_1378, %mul3A_1359 : vector<1x512xf32>
    %sub3A_1381 = arith.subf %add3A_1379, %mul3A_1363 : vector<1x512xf32>
    %mul3A_1382 = arith.mulf %sub3A_1380, %sub3A_1381 : vector<1x512xf32>
    %min3A_1383 = vector.broadcast %add3A_1346 : vector<512x1xf32> to vector<512x512xf32>
    %min3A_1384 = vector.broadcast %add3A_1378 : vector<1x512xf32> to vector<512x512xf32>
    %min3A_1385 = arith.minimumf %min3A_1383, %min3A_1384 : vector<512x512xf32>
    %max3A_1386 = vector.broadcast %mul3A_1327 : vector<512x1xf32> to vector<512x512xf32>
    %max3A_1387 = vector.broadcast %mul3A_1359 : vector<1x512xf32> to vector<512x512xf32>
    %max3A_1388 = arith.maximumf %max3A_1386, %max3A_1387 : vector<512x512xf32>
    %sub3A_1389 = arith.subf %min3A_1385, %max3A_1388 : vector<512x512xf32>
    %max3A_1390 = arith.constant 0.000000e+00 : f32
    %max3A_1391 = vector.broadcast %max3A_1390 : f32 to vector<512x512xf32>
    %max3A_1392 = arith.maximumf %sub3A_1389, %max3A_1391 : vector<512x512xf32>
    %min3A_1393 = vector.broadcast %add3A_1347 : vector<512x1xf32> to vector<512x512xf32>
    %min3A_1394 = vector.broadcast %add3A_1379 : vector<1x512xf32> to vector<512x512xf32>
    %min3A_1395 = arith.minimumf %min3A_1393, %min3A_1394 : vector<512x512xf32>
    %max3A_1396 = vector.broadcast %mul3A_1331 : vector<512x1xf32> to vector<512x512xf32>
    %max3A_1397 = vector.broadcast %mul3A_1363 : vector<1x512xf32> to vector<512x512xf32>
    %max3A_1398 = arith.maximumf %max3A_1396, %max3A_1397 : vector<512x512xf32>
    %sub3A_1399 = arith.subf %min3A_1395, %max3A_1398 : vector<512x512xf32>
    %max3A_1400 = arith.constant 0.000000e+00 : f32
    %max3A_1401 = vector.broadcast %max3A_1400 : f32 to vector<512x512xf32>
    %max3A_1402 = arith.maximumf %sub3A_1399, %max3A_1401 : vector<512x512xf32>
    %mul3A_1403 = arith.mulf %max3A_1392, %max3A_1402 : vector<512x512xf32>
    %add3A_1404 = vector.broadcast %mul3A_1350 : vector<512x1xf32> to vector<512x512xf32>
    %add3A_1405 = vector.broadcast %mul3A_1382 : vector<1x512xf32> to vector<512x512xf32>
    %add3A_1406 = arith.addf %add3A_1404, %add3A_1405 : vector<512x512xf32>
    %sub3A_1407 = arith.subf %add3A_1406, %mul3A_1403 : vector<512x512xf32>
    %max3A_1408 = arith.constant 9.99999971E-10 : f32
    %max3A_1409 = vector.broadcast %max3A_1408 : f32 to vector<512x512xf32>
    %max3A_1410 = arith.maximumf %sub3A_1407, %max3A_1409 : vector<512x512xf32>
    %div3A_1411 = arith.divf %mul3A_1403, %max3A_1410 : vector<512x512xf32>
    %gt3A_1412 = arith.constant 3.000000e-01 : f32
    %gt3A_1413 = vector.broadcast %gt3A_1412 : f32 to vector<512x512xf32>
    %gt3A_1414 = arith.cmpf ogt, %div3A_1411, %gt3A_1413 : vector<512x512xf32>
    %convert_element_type3A_1415 = arith.extui %gt3A_1414 : vector<512x512xi1> to vector<512x512xi32>
    %convert_element_type3A_1416 = arith.sitofp %convert_element_type3A_1415 : vector<512x512xi32> to vector<512x512xf32>
    %get3A_1417 = arith.constant 0 : index
    %get3A_1418 = arith.constant 0 : index
    %get3A_1419 = vector.load %arg5[%get3A_1417, %get3A_1418] : memref<5120x1xf32, #tpu.memory_space<vmem>>, vector<512x1xf32>
    %dot_general3A_1420 = arith.constant dense<0.000000e+00> : vector<512x1xf32>
    %dot_general3A_1421 = tpu.matmul %convert_element_type3A_1416, %get3A_1419, %dot_general3A_1420 {dimension_numbers = #tpu.dot_dimension_numbers<[1], [0], [0], [1], [0, 0, 1, 1], [], []>, transpose_lhs_hint = false} : vector<512x512xf32>, vector<512x1xf32>, vector<512x1xf32> -> vector<512x1xf32>
    %add3A_1422 = arith.addf %broadcast_in_dim3A_1352, %dot_general3A_1421 : vector<512x1xf32>
    %get3A_1423 = arith.constant 0 : index
    %get3A_1424 = arith.constant 512 : index
    %get3A_1425 = vector.load %arg1[%get3A_1423, %get3A_1424] : memref<4x5120xf32, #tpu.memory_space<vmem>>, vector<4x512xf32>
    %slice3A_1426 = vector.extract_strided_slice %get3A_1425 {offsets = [0, 0], sizes = [1, 512], strides = [1, 1]} : vector<4x512xf32> to vector<1x512xf32>
    %mul3A_1427 = arith.constant 1.024000e+03 : f32
    %mul3A_1428 = vector.broadcast %mul3A_1427 : f32 to vector<1x512xf32>
    %mul3A_1429 = arith.mulf %slice3A_1426, %mul3A_1428 : vector<1x512xf32>
    %slice3A_1430 = vector.extract_strided_slice %get3A_1425 {offsets = [1, 0], sizes = [1, 512], strides = [1, 1]} : vector<4x512xf32> to vector<1x512xf32>
    %mul3A_1431 = arith.constant 1.024000e+03 : f32
    %mul3A_1432 = vector.broadcast %mul3A_1431 : f32 to vector<1x512xf32>
    %mul3A_1433 = arith.mulf %slice3A_1430, %mul3A_1432 : vector<1x512xf32>
    %slice3A_1434 = vector.extract_strided_slice %get3A_1425 {offsets = [2, 0], sizes = [1, 512], strides = [1, 1]} : vector<4x512xf32> to vector<1x512xf32>
    %mul3A_1435 = arith.constant 2.000000e+02 : f32
    %mul3A_1436 = vector.broadcast %mul3A_1435 : f32 to vector<1x512xf32>
    %mul3A_1437 = arith.mulf %slice3A_1434, %mul3A_1436 : vector<1x512xf32>
    %add3A_1438 = arith.constant 1.000000e+00 : f32
    %add3A_1439 = vector.broadcast %add3A_1438 : f32 to vector<1x512xf32>
    %add3A_1440 = arith.addf %mul3A_1437, %add3A_1439 : vector<1x512xf32>
    %slice3A_1441 = vector.extract_strided_slice %get3A_1425 {offsets = [3, 0], sizes = [1, 512], strides = [1, 1]} : vector<4x512xf32> to vector<1x512xf32>
    %mul3A_1442 = arith.constant 2.000000e+02 : f32
    %mul3A_1443 = vector.broadcast %mul3A_1442 : f32 to vector<1x512xf32>
    %mul3A_1444 = arith.mulf %slice3A_1441, %mul3A_1443 : vector<1x512xf32>
    %add3A_1445 = arith.constant 1.000000e+00 : f32
    %add3A_1446 = vector.broadcast %add3A_1445 : f32 to vector<1x512xf32>
    %add3A_1447 = arith.addf %mul3A_1444, %add3A_1446 : vector<1x512xf32>
    %add3A_1448 = arith.addf %mul3A_1429, %add3A_1440 : vector<1x512xf32>
    %add3A_1449 = arith.addf %mul3A_1433, %add3A_1447 : vector<1x512xf32>
    %sub3A_1450 = arith.subf %add3A_1448, %mul3A_1429 : vector<1x512xf32>
    %sub3A_1451 = arith.subf %add3A_1449, %mul3A_1433 : vector<1x512xf32>
    %mul3A_1452 = arith.mulf %sub3A_1450, %sub3A_1451 : vector<1x512xf32>
    %min3A_1453 = vector.broadcast %add3A_1346 : vector<512x1xf32> to vector<512x512xf32>
    %min3A_1454 = vector.broadcast %add3A_1448 : vector<1x512xf32> to vector<512x512xf32>
    %min3A_1455 = arith.minimumf %min3A_1453, %min3A_1454 : vector<512x512xf32>
    %max3A_1456 = vector.broadcast %mul3A_1327 : vector<512x1xf32> to vector<512x512xf32>
    %max3A_1457 = vector.broadcast %mul3A_1429 : vector<1x512xf32> to vector<512x512xf32>
    %max3A_1458 = arith.maximumf %max3A_1456, %max3A_1457 : vector<512x512xf32>
    %sub3A_1459 = arith.subf %min3A_1455, %max3A_1458 : vector<512x512xf32>
    %max3A_1460 = arith.constant 0.000000e+00 : f32
    %max3A_1461 = vector.broadcast %max3A_1460 : f32 to vector<512x512xf32>
    %max3A_1462 = arith.maximumf %sub3A_1459, %max3A_1461 : vector<512x512xf32>
    %min3A_1463 = vector.broadcast %add3A_1347 : vector<512x1xf32> to vector<512x512xf32>
    %min3A_1464 = vector.broadcast %add3A_1449 : vector<1x512xf32> to vector<512x512xf32>
    %min3A_1465 = arith.minimumf %min3A_1463, %min3A_1464 : vector<512x512xf32>
    %max3A_1466 = vector.broadcast %mul3A_1331 : vector<512x1xf32> to vector<512x512xf32>
    %max3A_1467 = vector.broadcast %mul3A_1433 : vector<1x512xf32> to vector<512x512xf32>
    %max3A_1468 = arith.maximumf %max3A_1466, %max3A_1467 : vector<512x512xf32>
    %sub3A_1469 = arith.subf %min3A_1465, %max3A_1468 : vector<512x512xf32>
    %max3A_1470 = arith.constant 0.000000e+00 : f32
    %max3A_1471 = vector.broadcast %max3A_1470 : f32 to vector<512x512xf32>
    %max3A_1472 = arith.maximumf %sub3A_1469, %max3A_1471 : vector<512x512xf32>
    %mul3A_1473 = arith.mulf %max3A_1462, %max3A_1472 : vector<512x512xf32>
    %add3A_1474 = vector.broadcast %mul3A_1350 : vector<512x1xf32> to vector<512x512xf32>
    %add3A_1475 = vector.broadcast %mul3A_1452 : vector<1x512xf32> to vector<512x512xf32>
    %add3A_1476 = arith.addf %add3A_1474, %add3A_1475 : vector<512x512xf32>
    %sub3A_1477 = arith.subf %add3A_1476, %mul3A_1473 : vector<512x512xf32>
    %max3A_1478 = arith.constant 9.99999971E-10 : f32
    %max3A_1479 = vector.broadcast %max3A_1478 : f32 to vector<512x512xf32>
    %max3A_1480 = arith.maximumf %sub3A_1477, %max3A_1479 : vector<512x512xf32>
    %div3A_1481 = arith.divf %mul3A_1473, %max3A_1480 : vector<512x512xf32>
    %gt3A_1482 = arith.constant 3.000000e-01 : f32
    %gt3A_1483 = vector.broadcast %gt3A_1482 : f32 to vector<512x512xf32>
    %gt3A_1484 = arith.cmpf ogt, %div3A_1481, %gt3A_1483 : vector<512x512xf32>
    %convert_element_type3A_1485 = arith.extui %gt3A_1484 : vector<512x512xi1> to vector<512x512xi32>
    %convert_element_type3A_1486 = arith.sitofp %convert_element_type3A_1485 : vector<512x512xi32> to vector<512x512xf32>
    %get3A_1487 = arith.constant 512 : index
    %get3A_1488 = arith.constant 0 : index
    %get3A_1489 = vector.load %arg5[%get3A_1487, %get3A_1488] : memref<5120x1xf32, #tpu.memory_space<vmem>>, vector<512x1xf32>
    %dot_general3A_1490 = arith.constant dense<0.000000e+00> : vector<512x1xf32>
    %dot_general3A_1491 = tpu.matmul %convert_element_type3A_1486, %get3A_1489, %dot_general3A_1490 {dimension_numbers = #tpu.dot_dimension_numbers<[1], [0], [0], [1], [0, 0, 1, 1], [], []>, transpose_lhs_hint = false} : vector<512x512xf32>, vector<512x1xf32>, vector<512x1xf32> -> vector<512x1xf32>
    %add3A_1492 = arith.addf %add3A_1422, %dot_general3A_1491 : vector<512x1xf32>
    %get3A_1493 = arith.constant 0 : index
    %get3A_1494 = arith.constant 1024 : index
    %get3A_1495 = vector.load %arg1[%get3A_1493, %get3A_1494] : memref<4x5120xf32, #tpu.memory_space<vmem>>, vector<4x512xf32>
    %slice3A_1496 = vector.extract_strided_slice %get3A_1495 {offsets = [0, 0], sizes = [1, 512], strides = [1, 1]} : vector<4x512xf32> to vector<1x512xf32>
    %mul3A_1497 = arith.constant 1.024000e+03 : f32
    %mul3A_1498 = vector.broadcast %mul3A_1497 : f32 to vector<1x512xf32>
    %mul3A_1499 = arith.mulf %slice3A_1496, %mul3A_1498 : vector<1x512xf32>
    %slice3A_1500 = vector.extract_strided_slice %get3A_1495 {offsets = [1, 0], sizes = [1, 512], strides = [1, 1]} : vector<4x512xf32> to vector<1x512xf32>
    %mul3A_1501 = arith.constant 1.024000e+03 : f32
    %mul3A_1502 = vector.broadcast %mul3A_1501 : f32 to vector<1x512xf32>
    %mul3A_1503 = arith.mulf %slice3A_1500, %mul3A_1502 : vector<1x512xf32>
    %slice3A_1504 = vector.extract_strided_slice %get3A_1495 {offsets = [2, 0], sizes = [1, 512], strides = [1, 1]} : vector<4x512xf32> to vector<1x512xf32>
    %mul3A_1505 = arith.constant 2.000000e+02 : f32
    %mul3A_1506 = vector.broadcast %mul3A_1505 : f32 to vector<1x512xf32>
    %mul3A_1507 = arith.mulf %slice3A_1504, %mul3A_1506 : vector<1x512xf32>
    %add3A_1508 = arith.constant 1.000000e+00 : f32
    %add3A_1509 = vector.broadcast %add3A_1508 : f32 to vector<1x512xf32>
    %add3A_1510 = arith.addf %mul3A_1507, %add3A_1509 : vector<1x512xf32>
    %slice3A_1511 = vector.extract_strided_slice %get3A_1495 {offsets = [3, 0], sizes = [1, 512], strides = [1, 1]} : vector<4x512xf32> to vector<1x512xf32>
    %mul3A_1512 = arith.constant 2.000000e+02 : f32
    %mul3A_1513 = vector.broadcast %mul3A_1512 : f32 to vector<1x512xf32>
    %mul3A_1514 = arith.mulf %slice3A_1511, %mul3A_1513 : vector<1x512xf32>
    %add3A_1515 = arith.constant 1.000000e+00 : f32
    %add3A_1516 = vector.broadcast %add3A_1515 : f32 to vector<1x512xf32>
    %add3A_1517 = arith.addf %mul3A_1514, %add3A_1516 : vector<1x512xf32>
    %add3A_1518 = arith.addf %mul3A_1499, %add3A_1510 : vector<1x512xf32>
    %add3A_1519 = arith.addf %mul3A_1503, %add3A_1517 : vector<1x512xf32>
    %sub3A_1520 = arith.subf %add3A_1518, %mul3A_1499 : vector<1x512xf32>
    %sub3A_1521 = arith.subf %add3A_1519, %mul3A_1503 : vector<1x512xf32>
    %mul3A_1522 = arith.mulf %sub3A_1520, %sub3A_1521 : vector<1x512xf32>
    %min3A_1523 = vector.broadcast %add3A_1346 : vector<512x1xf32> to vector<512x512xf32>
    %min3A_1524 = vector.broadcast %add3A_1518 : vector<1x512xf32> to vector<512x512xf32>
    %min3A_1525 = arith.minimumf %min3A_1523, %min3A_1524 : vector<512x512xf32>
    %max3A_1526 = vector.broadcast %mul3A_1327 : vector<512x1xf32> to vector<512x512xf32>
    %max3A_1527 = vector.broadcast %mul3A_1499 : vector<1x512xf32> to vector<512x512xf32>
    %max3A_1528 = arith.maximumf %max3A_1526, %max3A_1527 : vector<512x512xf32>
    %sub3A_1529 = arith.subf %min3A_1525, %max3A_1528 : vector<512x512xf32>
    %max3A_1530 = arith.constant 0.000000e+00 : f32
    %max3A_1531 = vector.broadcast %max3A_1530 : f32 to vector<512x512xf32>
    %max3A_1532 = arith.maximumf %sub3A_1529, %max3A_1531 : vector<512x512xf32>
    %min3A_1533 = vector.broadcast %add3A_1347 : vector<512x1xf32> to vector<512x512xf32>
    %min3A_1534 = vector.broadcast %add3A_1519 : vector<1x512xf32> to vector<512x512xf32>
    %min3A_1535 = arith.minimumf %min3A_1533, %min3A_1534 : vector<512x512xf32>
    %max3A_1536 = vector.broadcast %mul3A_1331 : vector<512x1xf32> to vector<512x512xf32>
    %max3A_1537 = vector.broadcast %mul3A_1503 : vector<1x512xf32> to vector<512x512xf32>
    %max3A_1538 = arith.maximumf %max3A_1536, %max3A_1537 : vector<512x512xf32>
    %sub3A_1539 = arith.subf %min3A_1535, %max3A_1538 : vector<512x512xf32>
    %max3A_1540 = arith.constant 0.000000e+00 : f32
    %max3A_1541 = vector.broadcast %max3A_1540 : f32 to vector<512x512xf32>
    %max3A_1542 = arith.maximumf %sub3A_1539, %max3A_1541 : vector<512x512xf32>
    %mul3A_1543 = arith.mulf %max3A_1532, %max3A_1542 : vector<512x512xf32>
    %add3A_1544 = vector.broadcast %mul3A_1350 : vector<512x1xf32> to vector<512x512xf32>
    %add3A_1545 = vector.broadcast %mul3A_1522 : vector<1x512xf32> to vector<512x512xf32>
    %add3A_1546 = arith.addf %add3A_1544, %add3A_1545 : vector<512x512xf32>
    %sub3A_1547 = arith.subf %add3A_1546, %mul3A_1543 : vector<512x512xf32>
    %max3A_1548 = arith.constant 9.99999971E-10 : f32
    %max3A_1549 = vector.broadcast %max3A_1548 : f32 to vector<512x512xf32>
    %max3A_1550 = arith.maximumf %sub3A_1547, %max3A_1549 : vector<512x512xf32>
    %div3A_1551 = arith.divf %mul3A_1543, %max3A_1550 : vector<512x512xf32>
    %gt3A_1552 = arith.constant 3.000000e-01 : f32
    %gt3A_1553 = vector.broadcast %gt3A_1552 : f32 to vector<512x512xf32>
    %gt3A_1554 = arith.cmpf ogt, %div3A_1551, %gt3A_1553 : vector<512x512xf32>
    %convert_element_type3A_1555 = arith.extui %gt3A_1554 : vector<512x512xi1> to vector<512x512xi32>
    %convert_element_type3A_1556 = arith.sitofp %convert_element_type3A_1555 : vector<512x512xi32> to vector<512x512xf32>
    %get3A_1557 = arith.constant 1024 : index
    %get3A_1558 = arith.constant 0 : index
    %get3A_1559 = vector.load %arg5[%get3A_1557, %get3A_1558] : memref<5120x1xf32, #tpu.memory_space<vmem>>, vector<512x1xf32>
    %dot_general3A_1560 = arith.constant dense<0.000000e+00> : vector<512x1xf32>
    %dot_general3A_1561 = tpu.matmul %convert_element_type3A_1556, %get3A_1559, %dot_general3A_1560 {dimension_numbers = #tpu.dot_dimension_numbers<[1], [0], [0], [1], [0, 0, 1, 1], [], []>, transpose_lhs_hint = false} : vector<512x512xf32>, vector<512x1xf32>, vector<512x1xf32> -> vector<512x1xf32>
    %add3A_1562 = arith.addf %add3A_1492, %dot_general3A_1561 : vector<512x1xf32>
    %get3A_1563 = arith.constant 0 : index
    %get3A_1564 = arith.constant 1536 : index
    %get3A_1565 = vector.load %arg1[%get3A_1563, %get3A_1564] : memref<4x5120xf32, #tpu.memory_space<vmem>>, vector<4x512xf32>
    %slice3A_1566 = vector.extract_strided_slice %get3A_1565 {offsets = [0, 0], sizes = [1, 512], strides = [1, 1]} : vector<4x512xf32> to vector<1x512xf32>
    %mul3A_1567 = arith.constant 1.024000e+03 : f32
    %mul3A_1568 = vector.broadcast %mul3A_1567 : f32 to vector<1x512xf32>
    %mul3A_1569 = arith.mulf %slice3A_1566, %mul3A_1568 : vector<1x512xf32>
    %slice3A_1570 = vector.extract_strided_slice %get3A_1565 {offsets = [1, 0], sizes = [1, 512], strides = [1, 1]} : vector<4x512xf32> to vector<1x512xf32>
    %mul3A_1571 = arith.constant 1.024000e+03 : f32
    %mul3A_1572 = vector.broadcast %mul3A_1571 : f32 to vector<1x512xf32>
    %mul3A_1573 = arith.mulf %slice3A_1570, %mul3A_1572 : vector<1x512xf32>
    %slice3A_1574 = vector.extract_strided_slice %get3A_1565 {offsets = [2, 0], sizes = [1, 512], strides = [1, 1]} : vector<4x512xf32> to vector<1x512xf32>
    %mul3A_1575 = arith.constant 2.000000e+02 : f32
    %mul3A_1576 = vector.broadcast %mul3A_1575 : f32 to vector<1x512xf32>
    %mul3A_1577 = arith.mulf %slice3A_1574, %mul3A_1576 : vector<1x512xf32>
    %add3A_1578 = arith.constant 1.000000e+00 : f32
    %add3A_1579 = vector.broadcast %add3A_1578 : f32 to vector<1x512xf32>
    %add3A_1580 = arith.addf %mul3A_1577, %add3A_1579 : vector<1x512xf32>
    %slice3A_1581 = vector.extract_strided_slice %get3A_1565 {offsets = [3, 0], sizes = [1, 512], strides = [1, 1]} : vector<4x512xf32> to vector<1x512xf32>
    %mul3A_1582 = arith.constant 2.000000e+02 : f32
    %mul3A_1583 = vector.broadcast %mul3A_1582 : f32 to vector<1x512xf32>
    %mul3A_1584 = arith.mulf %slice3A_1581, %mul3A_1583 : vector<1x512xf32>
    %add3A_1585 = arith.constant 1.000000e+00 : f32
    %add3A_1586 = vector.broadcast %add3A_1585 : f32 to vector<1x512xf32>
    %add3A_1587 = arith.addf %mul3A_1584, %add3A_1586 : vector<1x512xf32>
    %add3A_1588 = arith.addf %mul3A_1569, %add3A_1580 : vector<1x512xf32>
    %add3A_1589 = arith.addf %mul3A_1573, %add3A_1587 : vector<1x512xf32>
    %sub3A_1590 = arith.subf %add3A_1588, %mul3A_1569 : vector<1x512xf32>
    %sub3A_1591 = arith.subf %add3A_1589, %mul3A_1573 : vector<1x512xf32>
    %mul3A_1592 = arith.mulf %sub3A_1590, %sub3A_1591 : vector<1x512xf32>
    %min3A_1593 = vector.broadcast %add3A_1346 : vector<512x1xf32> to vector<512x512xf32>
    %min3A_1594 = vector.broadcast %add3A_1588 : vector<1x512xf32> to vector<512x512xf32>
    %min3A_1595 = arith.minimumf %min3A_1593, %min3A_1594 : vector<512x512xf32>
    %max3A_1596 = vector.broadcast %mul3A_1327 : vector<512x1xf32> to vector<512x512xf32>
    %max3A_1597 = vector.broadcast %mul3A_1569 : vector<1x512xf32> to vector<512x512xf32>
    %max3A_1598 = arith.maximumf %max3A_1596, %max3A_1597 : vector<512x512xf32>
    %sub3A_1599 = arith.subf %min3A_1595, %max3A_1598 : vector<512x512xf32>
    %max3A_1600 = arith.constant 0.000000e+00 : f32
    %max3A_1601 = vector.broadcast %max3A_1600 : f32 to vector<512x512xf32>
    %max3A_1602 = arith.maximumf %sub3A_1599, %max3A_1601 : vector<512x512xf32>
    %min3A_1603 = vector.broadcast %add3A_1347 : vector<512x1xf32> to vector<512x512xf32>
    %min3A_1604 = vector.broadcast %add3A_1589 : vector<1x512xf32> to vector<512x512xf32>
    %min3A_1605 = arith.minimumf %min3A_1603, %min3A_1604 : vector<512x512xf32>
    %max3A_1606 = vector.broadcast %mul3A_1331 : vector<512x1xf32> to vector<512x512xf32>
    %max3A_1607 = vector.broadcast %mul3A_1573 : vector<1x512xf32> to vector<512x512xf32>
    %max3A_1608 = arith.maximumf %max3A_1606, %max3A_1607 : vector<512x512xf32>
    %sub3A_1609 = arith.subf %min3A_1605, %max3A_1608 : vector<512x512xf32>
    %max3A_1610 = arith.constant 0.000000e+00 : f32
    %max3A_1611 = vector.broadcast %max3A_1610 : f32 to vector<512x512xf32>
    %max3A_1612 = arith.maximumf %sub3A_1609, %max3A_1611 : vector<512x512xf32>
    %mul3A_1613 = arith.mulf %max3A_1602, %max3A_1612 : vector<512x512xf32>
    %add3A_1614 = vector.broadcast %mul3A_1350 : vector<512x1xf32> to vector<512x512xf32>
    %add3A_1615 = vector.broadcast %mul3A_1592 : vector<1x512xf32> to vector<512x512xf32>
    %add3A_1616 = arith.addf %add3A_1614, %add3A_1615 : vector<512x512xf32>
    %sub3A_1617 = arith.subf %add3A_1616, %mul3A_1613 : vector<512x512xf32>
    %max3A_1618 = arith.constant 9.99999971E-10 : f32
    %max3A_1619 = vector.broadcast %max3A_1618 : f32 to vector<512x512xf32>
    %max3A_1620 = arith.maximumf %sub3A_1617, %max3A_1619 : vector<512x512xf32>
    %div3A_1621 = arith.divf %mul3A_1613, %max3A_1620 : vector<512x512xf32>
    %gt3A_1622 = arith.constant 3.000000e-01 : f32
    %gt3A_1623 = vector.broadcast %gt3A_1622 : f32 to vector<512x512xf32>
    %gt3A_1624 = arith.cmpf ogt, %div3A_1621, %gt3A_1623 : vector<512x512xf32>
    %convert_element_type3A_1625 = arith.extui %gt3A_1624 : vector<512x512xi1> to vector<512x512xi32>
    %convert_element_type3A_1626 = arith.sitofp %convert_element_type3A_1625 : vector<512x512xi32> to vector<512x512xf32>
    %get3A_1627 = arith.constant 1536 : index
    %get3A_1628 = arith.constant 0 : index
    %get3A_1629 = vector.load %arg5[%get3A_1627, %get3A_1628] : memref<5120x1xf32, #tpu.memory_space<vmem>>, vector<512x1xf32>
    %dot_general3A_1630 = arith.constant dense<0.000000e+00> : vector<512x1xf32>
    %dot_general3A_1631 = tpu.matmul %convert_element_type3A_1626, %get3A_1629, %dot_general3A_1630 {dimension_numbers = #tpu.dot_dimension_numbers<[1], [0], [0], [1], [0, 0, 1, 1], [], []>, transpose_lhs_hint = false} : vector<512x512xf32>, vector<512x1xf32>, vector<512x1xf32> -> vector<512x1xf32>
    %add3A_1632 = arith.addf %add3A_1562, %dot_general3A_1631 : vector<512x1xf32>
    %get3A_1633 = arith.constant 0 : index
    %get3A_1634 = arith.constant 2048 : index
    %get3A_1635 = vector.load %arg1[%get3A_1633, %get3A_1634] : memref<4x5120xf32, #tpu.memory_space<vmem>>, vector<4x512xf32>
    %slice3A_1636 = vector.extract_strided_slice %get3A_1635 {offsets = [0, 0], sizes = [1, 512], strides = [1, 1]} : vector<4x512xf32> to vector<1x512xf32>
    %mul3A_1637 = arith.constant 1.024000e+03 : f32
    %mul3A_1638 = vector.broadcast %mul3A_1637 : f32 to vector<1x512xf32>
    %mul3A_1639 = arith.mulf %slice3A_1636, %mul3A_1638 : vector<1x512xf32>
    %slice3A_1640 = vector.extract_strided_slice %get3A_1635 {offsets = [1, 0], sizes = [1, 512], strides = [1, 1]} : vector<4x512xf32> to vector<1x512xf32>
    %mul3A_1641 = arith.constant 1.024000e+03 : f32
    %mul3A_1642 = vector.broadcast %mul3A_1641 : f32 to vector<1x512xf32>
    %mul3A_1643 = arith.mulf %slice3A_1640, %mul3A_1642 : vector<1x512xf32>
    %slice3A_1644 = vector.extract_strided_slice %get3A_1635 {offsets = [2, 0], sizes = [1, 512], strides = [1, 1]} : vector<4x512xf32> to vector<1x512xf32>
    %mul3A_1645 = arith.constant 2.000000e+02 : f32
    %mul3A_1646 = vector.broadcast %mul3A_1645 : f32 to vector<1x512xf32>
    %mul3A_1647 = arith.mulf %slice3A_1644, %mul3A_1646 : vector<1x512xf32>
    %add3A_1648 = arith.constant 1.000000e+00 : f32
    %add3A_1649 = vector.broadcast %add3A_1648 : f32 to vector<1x512xf32>
    %add3A_1650 = arith.addf %mul3A_1647, %add3A_1649 : vector<1x512xf32>
    %slice3A_1651 = vector.extract_strided_slice %get3A_1635 {offsets = [3, 0], sizes = [1, 512], strides = [1, 1]} : vector<4x512xf32> to vector<1x512xf32>
    %mul3A_1652 = arith.constant 2.000000e+02 : f32
    %mul3A_1653 = vector.broadcast %mul3A_1652 : f32 to vector<1x512xf32>
    %mul3A_1654 = arith.mulf %slice3A_1651, %mul3A_1653 : vector<1x512xf32>
    %add3A_1655 = arith.constant 1.000000e+00 : f32
    %add3A_1656 = vector.broadcast %add3A_1655 : f32 to vector<1x512xf32>
    %add3A_1657 = arith.addf %mul3A_1654, %add3A_1656 : vector<1x512xf32>
    %add3A_1658 = arith.addf %mul3A_1639, %add3A_1650 : vector<1x512xf32>
    %add3A_1659 = arith.addf %mul3A_1643, %add3A_1657 : vector<1x512xf32>
    %sub3A_1660 = arith.subf %add3A_1658, %mul3A_1639 : vector<1x512xf32>
    %sub3A_1661 = arith.subf %add3A_1659, %mul3A_1643 : vector<1x512xf32>
    %mul3A_1662 = arith.mulf %sub3A_1660, %sub3A_1661 : vector<1x512xf32>
    %min3A_1663 = vector.broadcast %add3A_1346 : vector<512x1xf32> to vector<512x512xf32>
    %min3A_1664 = vector.broadcast %add3A_1658 : vector<1x512xf32> to vector<512x512xf32>
    %min3A_1665 = arith.minimumf %min3A_1663, %min3A_1664 : vector<512x512xf32>
    %max3A_1666 = vector.broadcast %mul3A_1327 : vector<512x1xf32> to vector<512x512xf32>
    %max3A_1667 = vector.broadcast %mul3A_1639 : vector<1x512xf32> to vector<512x512xf32>
    %max3A_1668 = arith.maximumf %max3A_1666, %max3A_1667 : vector<512x512xf32>
    %sub3A_1669 = arith.subf %min3A_1665, %max3A_1668 : vector<512x512xf32>
    %max3A_1670 = arith.constant 0.000000e+00 : f32
    %max3A_1671 = vector.broadcast %max3A_1670 : f32 to vector<512x512xf32>
    %max3A_1672 = arith.maximumf %sub3A_1669, %max3A_1671 : vector<512x512xf32>
    %min3A_1673 = vector.broadcast %add3A_1347 : vector<512x1xf32> to vector<512x512xf32>
    %min3A_1674 = vector.broadcast %add3A_1659 : vector<1x512xf32> to vector<512x512xf32>
    %min3A_1675 = arith.minimumf %min3A_1673, %min3A_1674 : vector<512x512xf32>
    %max3A_1676 = vector.broadcast %mul3A_1331 : vector<512x1xf32> to vector<512x512xf32>
    %max3A_1677 = vector.broadcast %mul3A_1643 : vector<1x512xf32> to vector<512x512xf32>
    %max3A_1678 = arith.maximumf %max3A_1676, %max3A_1677 : vector<512x512xf32>
    %sub3A_1679 = arith.subf %min3A_1675, %max3A_1678 : vector<512x512xf32>
    %max3A_1680 = arith.constant 0.000000e+00 : f32
    %max3A_1681 = vector.broadcast %max3A_1680 : f32 to vector<512x512xf32>
    %max3A_1682 = arith.maximumf %sub3A_1679, %max3A_1681 : vector<512x512xf32>
    %mul3A_1683 = arith.mulf %max3A_1672, %max3A_1682 : vector<512x512xf32>
    %add3A_1684 = vector.broadcast %mul3A_1350 : vector<512x1xf32> to vector<512x512xf32>
    %add3A_1685 = vector.broadcast %mul3A_1662 : vector<1x512xf32> to vector<512x512xf32>
    %add3A_1686 = arith.addf %add3A_1684, %add3A_1685 : vector<512x512xf32>
    %sub3A_1687 = arith.subf %add3A_1686, %mul3A_1683 : vector<512x512xf32>
    %max3A_1688 = arith.constant 9.99999971E-10 : f32
    %max3A_1689 = vector.broadcast %max3A_1688 : f32 to vector<512x512xf32>
    %max3A_1690 = arith.maximumf %sub3A_1687, %max3A_1689 : vector<512x512xf32>
    %div3A_1691 = arith.divf %mul3A_1683, %max3A_1690 : vector<512x512xf32>
    %gt3A_1692 = arith.constant 3.000000e-01 : f32
    %gt3A_1693 = vector.broadcast %gt3A_1692 : f32 to vector<512x512xf32>
    %gt3A_1694 = arith.cmpf ogt, %div3A_1691, %gt3A_1693 : vector<512x512xf32>
    %convert_element_type3A_1695 = arith.extui %gt3A_1694 : vector<512x512xi1> to vector<512x512xi32>
    %convert_element_type3A_1696 = arith.sitofp %convert_element_type3A_1695 : vector<512x512xi32> to vector<512x512xf32>
    %get3A_1697 = arith.constant 2048 : index
    %get3A_1698 = arith.constant 0 : index
    %get3A_1699 = vector.load %arg5[%get3A_1697, %get3A_1698] : memref<5120x1xf32, #tpu.memory_space<vmem>>, vector<512x1xf32>
    %dot_general3A_1700 = arith.constant dense<0.000000e+00> : vector<512x1xf32>
    %dot_general3A_1701 = tpu.matmul %convert_element_type3A_1696, %get3A_1699, %dot_general3A_1700 {dimension_numbers = #tpu.dot_dimension_numbers<[1], [0], [0], [1], [0, 0, 1, 1], [], []>, transpose_lhs_hint = false} : vector<512x512xf32>, vector<512x1xf32>, vector<512x1xf32> -> vector<512x1xf32>
    %add3A_1702 = arith.addf %add3A_1632, %dot_general3A_1701 : vector<512x1xf32>
    %min3A_1703 = vector.broadcast %add3A_1346 : vector<512x1xf32> to vector<512x512xf32>
    %min3A_1704 = vector.broadcast %add3A_1316 : vector<1x512xf32> to vector<512x512xf32>
    %min3A_1705 = arith.minimumf %min3A_1703, %min3A_1704 : vector<512x512xf32>
    %max3A_1706 = vector.broadcast %mul3A_1327 : vector<512x1xf32> to vector<512x512xf32>
    %max3A_1707 = vector.broadcast %mul3A_1297 : vector<1x512xf32> to vector<512x512xf32>
    %max3A_1708 = arith.maximumf %max3A_1706, %max3A_1707 : vector<512x512xf32>
    %sub3A_1709 = arith.subf %min3A_1705, %max3A_1708 : vector<512x512xf32>
    %max3A_1710 = arith.constant 0.000000e+00 : f32
    %max3A_1711 = vector.broadcast %max3A_1710 : f32 to vector<512x512xf32>
    %max3A_1712 = arith.maximumf %sub3A_1709, %max3A_1711 : vector<512x512xf32>
    %min3A_1713 = vector.broadcast %add3A_1347 : vector<512x1xf32> to vector<512x512xf32>
    %min3A_1714 = vector.broadcast %add3A_1317 : vector<1x512xf32> to vector<512x512xf32>
    %min3A_1715 = arith.minimumf %min3A_1713, %min3A_1714 : vector<512x512xf32>
    %max3A_1716 = vector.broadcast %mul3A_1331 : vector<512x1xf32> to vector<512x512xf32>
    %max3A_1717 = vector.broadcast %mul3A_1301 : vector<1x512xf32> to vector<512x512xf32>
    %max3A_1718 = arith.maximumf %max3A_1716, %max3A_1717 : vector<512x512xf32>
    %sub3A_1719 = arith.subf %min3A_1715, %max3A_1718 : vector<512x512xf32>
    %max3A_1720 = arith.constant 0.000000e+00 : f32
    %max3A_1721 = vector.broadcast %max3A_1720 : f32 to vector<512x512xf32>
    %max3A_1722 = arith.maximumf %sub3A_1719, %max3A_1721 : vector<512x512xf32>
    %mul3A_1723 = arith.mulf %max3A_1712, %max3A_1722 : vector<512x512xf32>
    %add3A_1724 = vector.broadcast %mul3A_1350 : vector<512x1xf32> to vector<512x512xf32>
    %add3A_1725 = vector.broadcast %mul3A_1320 : vector<1x512xf32> to vector<512x512xf32>
    %add3A_1726 = arith.addf %add3A_1724, %add3A_1725 : vector<512x512xf32>
    %sub3A_1727 = arith.subf %add3A_1726, %mul3A_1723 : vector<512x512xf32>
    %max3A_1728 = arith.constant 9.99999971E-10 : f32
    %max3A_1729 = vector.broadcast %max3A_1728 : f32 to vector<512x512xf32>
    %max3A_1730 = arith.maximumf %sub3A_1727, %max3A_1729 : vector<512x512xf32>
    %div3A_1731 = arith.divf %mul3A_1723, %max3A_1730 : vector<512x512xf32>
    %gt3A_1732 = arith.constant 3.000000e-01 : f32
    %gt3A_1733 = vector.broadcast %gt3A_1732 : f32 to vector<512x512xf32>
    %gt3A_1734 = arith.cmpf ogt, %div3A_1731, %gt3A_1733 : vector<512x512xf32>
    %convert_element_type3A_1735 = arith.extui %gt3A_1734 : vector<512x512xi1> to vector<512x512xi32>
    %convert_element_type3A_1736 = arith.sitofp %convert_element_type3A_1735 : vector<512x512xi32> to vector<512x512xf32>
    %iota3A_1737 = tpu.iota {dimensions = array<i32: 0>} : vector<512x512xi32>
    %iota3A_1738 = tpu.iota {dimensions = array<i32: 1>} : vector<512x512xi32>
    %lt3A_1739 = arith.cmpi slt, %iota3A_1738, %iota3A_1737 : vector<512x512xi32>
    %jit3A_1740 = arith.constant 0.000000e+00 : f32
    %broadcast_in_dim3A_1741 = vector.broadcast %jit3A_1740 : f32 to vector<512x512xf32>
    %select_n3A_1742 = arith.select %lt3A_1739, %convert_element_type3A_1736, %broadcast_in_dim3A_1741 : vector<512x512xi1>, vector<512x512xf32>
    %get3A_1743 = arith.constant 2560 : index
    %get3A_1744 = arith.constant 0 : index
    %get3A_1745 = vector.load %arg2[%get3A_1743, %get3A_1744] : memref<5120x1xf32, #tpu.memory_space<vmem>>, vector<512x1xf32>
    %gt3A_1746 = arith.constant 5.000000e-02 : f32
    %gt3A_1747 = vector.broadcast %gt3A_1746 : f32 to vector<512x1xf32>
    %gt3A_1748 = arith.cmpf ogt, %get3A_1745, %gt3A_1747 : vector<512x1xf32>
    %lt3A_1749 = arith.constant 5.000000e-01 : f32
    %lt3A_1750 = vector.broadcast %lt3A_1749 : f32 to vector<512x1xf32>
    %lt3A_1751 = arith.cmpf olt, %add3A_1702, %lt3A_1750 : vector<512x1xf32>
    %and3A_1752 = arith.andi %gt3A_1748, %lt3A_1751 : vector<512x1xi1>
    %convert_element_type3A_1753 = arith.extui %and3A_1752 : vector<512x1xi1> to vector<512x1xi32>
    %convert_element_type3A_1754 = arith.sitofp %convert_element_type3A_1753 : vector<512x1xi32> to vector<512x1xf32>
    %sub3A_1755 = arith.constant 2.000000e+00 : f32
    %sub3A_1756 = vector.broadcast %sub3A_1755 : f32 to vector<512x1xf32>
    %sub3A_1757 = arith.subf %convert_element_type3A_1754, %sub3A_1756 : vector<512x1xf32>
    %while3A_1758 = arith.constant 0 : i32
    %while3A_1759:3 = scf.while (%while3A_4874 = %sub3A_1757, %while3A_4875 = %convert_element_type3A_1754, %while3A_4876 = %while3A_1758) : (vector<512x1xf32>, vector<512x1xf32>, i32) -> (vector<512x1xf32>, vector<512x1xf32>, i32) {
      %lt3A_4877 = arith.constant 514 : i32
      %lt3A_4878 = arith.cmpi slt, %while3A_4876, %lt3A_4877 : i32
      %ne3A = arith.cmpf one, %while3A_4874, %while3A_4875 : vector<512x1xf32>
      %reduce_or3A = arith.constant 1.000000e+00 : f32
      %reduce_or3A_4879 = arith.constant 0.000000e+00 : f32
      %reduce_or3A_4880 = vector.broadcast %reduce_or3A : f32 to vector<512x1xf32>
      %reduce_or3A_4881 = vector.broadcast %reduce_or3A_4879 : f32 to vector<512x1xf32>
      %reduce_or3A_4882 = arith.select %ne3A, %reduce_or3A_4880, %reduce_or3A_4881 : vector<512x1xi1>, vector<512x1xf32>
      %reduce_or3A_4883 = vector.shape_cast %reduce_or3A_4882 : vector<512x1xf32> to vector<1x512x1xf32>
      %reduce_or3A_4884 = arith.constant dense<0xFF800000> : vector<1xf32>
      %reduce_or3A_4885 = vector.multi_reduction <maximumf>, %reduce_or3A_4883, %reduce_or3A_4884 [1, 2] : vector<1x512x1xf32> to vector<1xf32>
      %reduce_or3A_4886 = vector.shape_cast %reduce_or3A_4885 : vector<1xf32> to vector<1x1x1xf32>
      %reduce_or3A_4887 = vector.extract %reduce_or3A_4886[0, 0, 0] : f32 from vector<1x1x1xf32>
      %reduce_or3A_4888 = arith.constant 0.000000e+00 : f32
      %reduce_or3A_4889 = arith.cmpf ogt, %reduce_or3A_4887, %reduce_or3A_4888 : f32
      %and3A_4890 = arith.andi %lt3A_4878, %reduce_or3A_4889 : i1
      scf.condition(%and3A_4890) %while3A_4874, %while3A_4875, %while3A_4876 : vector<512x1xf32>, vector<512x1xf32>, i32
    } do {
    ^bb0(%while3A_4874: vector<512x1xf32>, %while3A_4875: vector<512x1xf32>, %while3A_4876: i32):
      %dot_general3A_4877 = arith.constant dense<0.000000e+00> : vector<512x1xf32>
      %dot_general3A_4878 = tpu.matmul %select_n3A_1742, %while3A_4875, %dot_general3A_4877 {dimension_numbers = #tpu.dot_dimension_numbers<[1], [0], [0], [1], [0, 0, 1, 1], [], []>, transpose_lhs_hint = false} : vector<512x512xf32>, vector<512x1xf32>, vector<512x1xf32> -> vector<512x1xf32>
      %lt3A_4879 = arith.constant 5.000000e-01 : f32
      %lt3A_4880 = vector.broadcast %lt3A_4879 : f32 to vector<512x1xf32>
      %lt3A_4881 = arith.cmpf olt, %dot_general3A_4878, %lt3A_4880 : vector<512x1xf32>
      %convert_element_type3A_4882 = arith.extui %lt3A_4881 : vector<512x1xi1> to vector<512x1xi32>
      %convert_element_type3A_4883 = arith.sitofp %convert_element_type3A_4882 : vector<512x1xi32> to vector<512x1xf32>
      %mul3A_4884 = arith.mulf %convert_element_type3A_1754, %convert_element_type3A_4883 : vector<512x1xf32>
      %add3A_4885 = arith.constant 1 : i32
      %add3A_4886 = arith.addi %while3A_4876, %add3A_4885 : i32
      scf.yield %while3A_4875, %mul3A_4884, %add3A_4886 : vector<512x1xf32>, vector<512x1xf32>, i32
    }
    %swap3A_1760 = arith.constant 2560 : index
    %swap3A_1761 = arith.constant 0 : index
    %swap3A_1762 = vector.load %arg5[%swap3A_1760, %swap3A_1761] : memref<5120x1xf32, #tpu.memory_space<vmem>>, vector<512x1xf32>
    tpu.vector_store %arg5[%swap3A_1760, %swap3A_1761], %while3A_1759#1 {strides = array<i32>} : memref<5120x1xf32, #tpu.memory_space<vmem>>, vector<512x1xf32>,
    %get3A_1763 = arith.constant 0 : index
    %get3A_1764 = arith.constant 3072 : index
    %get3A_1765 = vector.load %arg1[%get3A_1763, %get3A_1764] : memref<4x5120xf32, #tpu.memory_space<vmem>>, vector<4x512xf32>
    %slice3A_1766 = vector.extract_strided_slice %get3A_1765 {offsets = [0, 0], sizes = [1, 512], strides = [1, 1]} : vector<4x512xf32> to vector<1x512xf32>
    %mul3A_1767 = arith.constant 1.024000e+03 : f32
    %mul3A_1768 = vector.broadcast %mul3A_1767 : f32 to vector<1x512xf32>
    %mul3A_1769 = arith.mulf %slice3A_1766, %mul3A_1768 : vector<1x512xf32>
    %slice3A_1770 = vector.extract_strided_slice %get3A_1765 {offsets = [1, 0], sizes = [1, 512], strides = [1, 1]} : vector<4x512xf32> to vector<1x512xf32>
    %mul3A_1771 = arith.constant 1.024000e+03 : f32
    %mul3A_1772 = vector.broadcast %mul3A_1771 : f32 to vector<1x512xf32>
    %mul3A_1773 = arith.mulf %slice3A_1770, %mul3A_1772 : vector<1x512xf32>
    %slice3A_1774 = vector.extract_strided_slice %get3A_1765 {offsets = [2, 0], sizes = [1, 512], strides = [1, 1]} : vector<4x512xf32> to vector<1x512xf32>
    %mul3A_1775 = arith.constant 2.000000e+02 : f32
    %mul3A_1776 = vector.broadcast %mul3A_1775 : f32 to vector<1x512xf32>
    %mul3A_1777 = arith.mulf %slice3A_1774, %mul3A_1776 : vector<1x512xf32>
    %add3A_1778 = arith.constant 1.000000e+00 : f32
    %add3A_1779 = vector.broadcast %add3A_1778 : f32 to vector<1x512xf32>
    %add3A_1780 = arith.addf %mul3A_1777, %add3A_1779 : vector<1x512xf32>
    %slice3A_1781 = vector.extract_strided_slice %get3A_1765 {offsets = [3, 0], sizes = [1, 512], strides = [1, 1]} : vector<4x512xf32> to vector<1x512xf32>
    %mul3A_1782 = arith.constant 2.000000e+02 : f32
    %mul3A_1783 = vector.broadcast %mul3A_1782 : f32 to vector<1x512xf32>
    %mul3A_1784 = arith.mulf %slice3A_1781, %mul3A_1783 : vector<1x512xf32>
    %add3A_1785 = arith.constant 1.000000e+00 : f32
    %add3A_1786 = vector.broadcast %add3A_1785 : f32 to vector<1x512xf32>
    %add3A_1787 = arith.addf %mul3A_1784, %add3A_1786 : vector<1x512xf32>
    %add3A_1788 = arith.addf %mul3A_1769, %add3A_1780 : vector<1x512xf32>
    %add3A_1789 = arith.addf %mul3A_1773, %add3A_1787 : vector<1x512xf32>
    %sub3A_1790 = arith.subf %add3A_1788, %mul3A_1769 : vector<1x512xf32>
    %sub3A_1791 = arith.subf %add3A_1789, %mul3A_1773 : vector<1x512xf32>
    %mul3A_1792 = arith.mulf %sub3A_1790, %sub3A_1791 : vector<1x512xf32>
    %get3A_1793 = arith.constant 3072 : index
    %get3A_1794 = arith.constant 0 : index
    %get3A_1795 = vector.load %arg0[%get3A_1793, %get3A_1794] : memref<5120x4xf32, #tpu.memory_space<vmem>>, vector<512x4xf32>
    %slice3A_1796 = vector.extract_strided_slice %get3A_1795 {offsets = [0, 0], sizes = [512, 1], strides = [1, 1]} : vector<512x4xf32> to vector<512x1xf32>
    %mul3A_1797 = arith.constant 1.024000e+03 : f32
    %mul3A_1798 = vector.broadcast %mul3A_1797 : f32 to vector<512x1xf32>
    %mul3A_1799 = arith.mulf %slice3A_1796, %mul3A_1798 : vector<512x1xf32>
    %slice3A_1800 = vector.extract_strided_slice %get3A_1795 {offsets = [0, 1], sizes = [512, 1], strides = [1, 1]} : vector<512x4xf32> to vector<512x1xf32>
    %mul3A_1801 = arith.constant 1.024000e+03 : f32
    %mul3A_1802 = vector.broadcast %mul3A_1801 : f32 to vector<512x1xf32>
    %mul3A_1803 = arith.mulf %slice3A_1800, %mul3A_1802 : vector<512x1xf32>
    %slice3A_1804 = vector.extract_strided_slice %get3A_1795 {offsets = [0, 2], sizes = [512, 1], strides = [1, 1]} : vector<512x4xf32> to vector<512x1xf32>
    %mul3A_1805 = arith.constant 2.000000e+02 : f32
    %mul3A_1806 = vector.broadcast %mul3A_1805 : f32 to vector<512x1xf32>
    %mul3A_1807 = arith.mulf %slice3A_1804, %mul3A_1806 : vector<512x1xf32>
    %add3A_1808 = arith.constant 1.000000e+00 : f32
    %add3A_1809 = vector.broadcast %add3A_1808 : f32 to vector<512x1xf32>
    %add3A_1810 = arith.addf %mul3A_1807, %add3A_1809 : vector<512x1xf32>
    %slice3A_1811 = vector.extract_strided_slice %get3A_1795 {offsets = [0, 3], sizes = [512, 1], strides = [1, 1]} : vector<512x4xf32> to vector<512x1xf32>
    %mul3A_1812 = arith.constant 2.000000e+02 : f32
    %mul3A_1813 = vector.broadcast %mul3A_1812 : f32 to vector<512x1xf32>
    %mul3A_1814 = arith.mulf %slice3A_1811, %mul3A_1813 : vector<512x1xf32>
    %add3A_1815 = arith.constant 1.000000e+00 : f32
    %add3A_1816 = vector.broadcast %add3A_1815 : f32 to vector<512x1xf32>
    %add3A_1817 = arith.addf %mul3A_1814, %add3A_1816 : vector<512x1xf32>
    %add3A_1818 = arith.addf %mul3A_1799, %add3A_1810 : vector<512x1xf32>
    %add3A_1819 = arith.addf %mul3A_1803, %add3A_1817 : vector<512x1xf32>
    %sub3A_1820 = arith.subf %add3A_1818, %mul3A_1799 : vector<512x1xf32>
    %sub3A_1821 = arith.subf %add3A_1819, %mul3A_1803 : vector<512x1xf32>
    %mul3A_1822 = arith.mulf %sub3A_1820, %sub3A_1821 : vector<512x1xf32>
    %broadcast_in_dim3A_1823 = arith.constant 0.000000e+00 : f32
    %broadcast_in_dim3A_1824 = vector.broadcast %broadcast_in_dim3A_1823 : f32 to vector<512x1xf32>
    %get3A_1825 = arith.constant 0 : index
    %get3A_1826 = arith.constant 0 : index
    %get3A_1827 = vector.load %arg1[%get3A_1825, %get3A_1826] : memref<4x5120xf32, #tpu.memory_space<vmem>>, vector<4x512xf32>
    %slice3A_1828 = vector.extract_strided_slice %get3A_1827 {offsets = [0, 0], sizes = [1, 512], strides = [1, 1]} : vector<4x512xf32> to vector<1x512xf32>
    %mul3A_1829 = arith.constant 1.024000e+03 : f32
    %mul3A_1830 = vector.broadcast %mul3A_1829 : f32 to vector<1x512xf32>
    %mul3A_1831 = arith.mulf %slice3A_1828, %mul3A_1830 : vector<1x512xf32>
    %slice3A_1832 = vector.extract_strided_slice %get3A_1827 {offsets = [1, 0], sizes = [1, 512], strides = [1, 1]} : vector<4x512xf32> to vector<1x512xf32>
    %mul3A_1833 = arith.constant 1.024000e+03 : f32
    %mul3A_1834 = vector.broadcast %mul3A_1833 : f32 to vector<1x512xf32>
    %mul3A_1835 = arith.mulf %slice3A_1832, %mul3A_1834 : vector<1x512xf32>
    %slice3A_1836 = vector.extract_strided_slice %get3A_1827 {offsets = [2, 0], sizes = [1, 512], strides = [1, 1]} : vector<4x512xf32> to vector<1x512xf32>
    %mul3A_1837 = arith.constant 2.000000e+02 : f32
    %mul3A_1838 = vector.broadcast %mul3A_1837 : f32 to vector<1x512xf32>
    %mul3A_1839 = arith.mulf %slice3A_1836, %mul3A_1838 : vector<1x512xf32>
    %add3A_1840 = arith.constant 1.000000e+00 : f32
    %add3A_1841 = vector.broadcast %add3A_1840 : f32 to vector<1x512xf32>
    %add3A_1842 = arith.addf %mul3A_1839, %add3A_1841 : vector<1x512xf32>
    %slice3A_1843 = vector.extract_strided_slice %get3A_1827 {offsets = [3, 0], sizes = [1, 512], strides = [1, 1]} : vector<4x512xf32> to vector<1x512xf32>
    %mul3A_1844 = arith.constant 2.000000e+02 : f32
    %mul3A_1845 = vector.broadcast %mul3A_1844 : f32 to vector<1x512xf32>
    %mul3A_1846 = arith.mulf %slice3A_1843, %mul3A_1845 : vector<1x512xf32>
    %add3A_1847 = arith.constant 1.000000e+00 : f32
    %add3A_1848 = vector.broadcast %add3A_1847 : f32 to vector<1x512xf32>
    %add3A_1849 = arith.addf %mul3A_1846, %add3A_1848 : vector<1x512xf32>
    %add3A_1850 = arith.addf %mul3A_1831, %add3A_1842 : vector<1x512xf32>
    %add3A_1851 = arith.addf %mul3A_1835, %add3A_1849 : vector<1x512xf32>
    %sub3A_1852 = arith.subf %add3A_1850, %mul3A_1831 : vector<1x512xf32>
    %sub3A_1853 = arith.subf %add3A_1851, %mul3A_1835 : vector<1x512xf32>
    %mul3A_1854 = arith.mulf %sub3A_1852, %sub3A_1853 : vector<1x512xf32>
    %min3A_1855 = vector.broadcast %add3A_1818 : vector<512x1xf32> to vector<512x512xf32>
    %min3A_1856 = vector.broadcast %add3A_1850 : vector<1x512xf32> to vector<512x512xf32>
    %min3A_1857 = arith.minimumf %min3A_1855, %min3A_1856 : vector<512x512xf32>
    %max3A_1858 = vector.broadcast %mul3A_1799 : vector<512x1xf32> to vector<512x512xf32>
    %max3A_1859 = vector.broadcast %mul3A_1831 : vector<1x512xf32> to vector<512x512xf32>
    %max3A_1860 = arith.maximumf %max3A_1858, %max3A_1859 : vector<512x512xf32>
    %sub3A_1861 = arith.subf %min3A_1857, %max3A_1860 : vector<512x512xf32>
    %max3A_1862 = arith.constant 0.000000e+00 : f32
    %max3A_1863 = vector.broadcast %max3A_1862 : f32 to vector<512x512xf32>
    %max3A_1864 = arith.maximumf %sub3A_1861, %max3A_1863 : vector<512x512xf32>
    %min3A_1865 = vector.broadcast %add3A_1819 : vector<512x1xf32> to vector<512x512xf32>
    %min3A_1866 = vector.broadcast %add3A_1851 : vector<1x512xf32> to vector<512x512xf32>
    %min3A_1867 = arith.minimumf %min3A_1865, %min3A_1866 : vector<512x512xf32>
    %max3A_1868 = vector.broadcast %mul3A_1803 : vector<512x1xf32> to vector<512x512xf32>
    %max3A_1869 = vector.broadcast %mul3A_1835 : vector<1x512xf32> to vector<512x512xf32>
    %max3A_1870 = arith.maximumf %max3A_1868, %max3A_1869 : vector<512x512xf32>
    %sub3A_1871 = arith.subf %min3A_1867, %max3A_1870 : vector<512x512xf32>
    %max3A_1872 = arith.constant 0.000000e+00 : f32
    %max3A_1873 = vector.broadcast %max3A_1872 : f32 to vector<512x512xf32>
    %max3A_1874 = arith.maximumf %sub3A_1871, %max3A_1873 : vector<512x512xf32>
    %mul3A_1875 = arith.mulf %max3A_1864, %max3A_1874 : vector<512x512xf32>
    %add3A_1876 = vector.broadcast %mul3A_1822 : vector<512x1xf32> to vector<512x512xf32>
    %add3A_1877 = vector.broadcast %mul3A_1854 : vector<1x512xf32> to vector<512x512xf32>
    %add3A_1878 = arith.addf %add3A_1876, %add3A_1877 : vector<512x512xf32>
    %sub3A_1879 = arith.subf %add3A_1878, %mul3A_1875 : vector<512x512xf32>
    %max3A_1880 = arith.constant 9.99999971E-10 : f32
    %max3A_1881 = vector.broadcast %max3A_1880 : f32 to vector<512x512xf32>
    %max3A_1882 = arith.maximumf %sub3A_1879, %max3A_1881 : vector<512x512xf32>
    %div3A_1883 = arith.divf %mul3A_1875, %max3A_1882 : vector<512x512xf32>
    %gt3A_1884 = arith.constant 3.000000e-01 : f32
    %gt3A_1885 = vector.broadcast %gt3A_1884 : f32 to vector<512x512xf32>
    %gt3A_1886 = arith.cmpf ogt, %div3A_1883, %gt3A_1885 : vector<512x512xf32>
    %convert_element_type3A_1887 = arith.extui %gt3A_1886 : vector<512x512xi1> to vector<512x512xi32>
    %convert_element_type3A_1888 = arith.sitofp %convert_element_type3A_1887 : vector<512x512xi32> to vector<512x512xf32>
    %get3A_1889 = arith.constant 0 : index
    %get3A_1890 = arith.constant 0 : index
    %get3A_1891 = vector.load %arg5[%get3A_1889, %get3A_1890] : memref<5120x1xf32, #tpu.memory_space<vmem>>, vector<512x1xf32>
    %dot_general3A_1892 = arith.constant dense<0.000000e+00> : vector<512x1xf32>
    %dot_general3A_1893 = tpu.matmul %convert_element_type3A_1888, %get3A_1891, %dot_general3A_1892 {dimension_numbers = #tpu.dot_dimension_numbers<[1], [0], [0], [1], [0, 0, 1, 1], [], []>, transpose_lhs_hint = false} : vector<512x512xf32>, vector<512x1xf32>, vector<512x1xf32> -> vector<512x1xf32>
    %add3A_1894 = arith.addf %broadcast_in_dim3A_1824, %dot_general3A_1893 : vector<512x1xf32>
    %get3A_1895 = arith.constant 0 : index
    %get3A_1896 = arith.constant 512 : index
    %get3A_1897 = vector.load %arg1[%get3A_1895, %get3A_1896] : memref<4x5120xf32, #tpu.memory_space<vmem>>, vector<4x512xf32>
    %slice3A_1898 = vector.extract_strided_slice %get3A_1897 {offsets = [0, 0], sizes = [1, 512], strides = [1, 1]} : vector<4x512xf32> to vector<1x512xf32>
    %mul3A_1899 = arith.constant 1.024000e+03 : f32
    %mul3A_1900 = vector.broadcast %mul3A_1899 : f32 to vector<1x512xf32>
    %mul3A_1901 = arith.mulf %slice3A_1898, %mul3A_1900 : vector<1x512xf32>
    %slice3A_1902 = vector.extract_strided_slice %get3A_1897 {offsets = [1, 0], sizes = [1, 512], strides = [1, 1]} : vector<4x512xf32> to vector<1x512xf32>
    %mul3A_1903 = arith.constant 1.024000e+03 : f32
    %mul3A_1904 = vector.broadcast %mul3A_1903 : f32 to vector<1x512xf32>
    %mul3A_1905 = arith.mulf %slice3A_1902, %mul3A_1904 : vector<1x512xf32>
    %slice3A_1906 = vector.extract_strided_slice %get3A_1897 {offsets = [2, 0], sizes = [1, 512], strides = [1, 1]} : vector<4x512xf32> to vector<1x512xf32>
    %mul3A_1907 = arith.constant 2.000000e+02 : f32
    %mul3A_1908 = vector.broadcast %mul3A_1907 : f32 to vector<1x512xf32>
    %mul3A_1909 = arith.mulf %slice3A_1906, %mul3A_1908 : vector<1x512xf32>
    %add3A_1910 = arith.constant 1.000000e+00 : f32
    %add3A_1911 = vector.broadcast %add3A_1910 : f32 to vector<1x512xf32>
    %add3A_1912 = arith.addf %mul3A_1909, %add3A_1911 : vector<1x512xf32>
    %slice3A_1913 = vector.extract_strided_slice %get3A_1897 {offsets = [3, 0], sizes = [1, 512], strides = [1, 1]} : vector<4x512xf32> to vector<1x512xf32>
    %mul3A_1914 = arith.constant 2.000000e+02 : f32
    %mul3A_1915 = vector.broadcast %mul3A_1914 : f32 to vector<1x512xf32>
    %mul3A_1916 = arith.mulf %slice3A_1913, %mul3A_1915 : vector<1x512xf32>
    %add3A_1917 = arith.constant 1.000000e+00 : f32
    %add3A_1918 = vector.broadcast %add3A_1917 : f32 to vector<1x512xf32>
    %add3A_1919 = arith.addf %mul3A_1916, %add3A_1918 : vector<1x512xf32>
    %add3A_1920 = arith.addf %mul3A_1901, %add3A_1912 : vector<1x512xf32>
    %add3A_1921 = arith.addf %mul3A_1905, %add3A_1919 : vector<1x512xf32>
    %sub3A_1922 = arith.subf %add3A_1920, %mul3A_1901 : vector<1x512xf32>
    %sub3A_1923 = arith.subf %add3A_1921, %mul3A_1905 : vector<1x512xf32>
    %mul3A_1924 = arith.mulf %sub3A_1922, %sub3A_1923 : vector<1x512xf32>
    %min3A_1925 = vector.broadcast %add3A_1818 : vector<512x1xf32> to vector<512x512xf32>
    %min3A_1926 = vector.broadcast %add3A_1920 : vector<1x512xf32> to vector<512x512xf32>
    %min3A_1927 = arith.minimumf %min3A_1925, %min3A_1926 : vector<512x512xf32>
    %max3A_1928 = vector.broadcast %mul3A_1799 : vector<512x1xf32> to vector<512x512xf32>
    %max3A_1929 = vector.broadcast %mul3A_1901 : vector<1x512xf32> to vector<512x512xf32>
    %max3A_1930 = arith.maximumf %max3A_1928, %max3A_1929 : vector<512x512xf32>
    %sub3A_1931 = arith.subf %min3A_1927, %max3A_1930 : vector<512x512xf32>
    %max3A_1932 = arith.constant 0.000000e+00 : f32
    %max3A_1933 = vector.broadcast %max3A_1932 : f32 to vector<512x512xf32>
    %max3A_1934 = arith.maximumf %sub3A_1931, %max3A_1933 : vector<512x512xf32>
    %min3A_1935 = vector.broadcast %add3A_1819 : vector<512x1xf32> to vector<512x512xf32>
    %min3A_1936 = vector.broadcast %add3A_1921 : vector<1x512xf32> to vector<512x512xf32>
    %min3A_1937 = arith.minimumf %min3A_1935, %min3A_1936 : vector<512x512xf32>
    %max3A_1938 = vector.broadcast %mul3A_1803 : vector<512x1xf32> to vector<512x512xf32>
    %max3A_1939 = vector.broadcast %mul3A_1905 : vector<1x512xf32> to vector<512x512xf32>
    %max3A_1940 = arith.maximumf %max3A_1938, %max3A_1939 : vector<512x512xf32>
    %sub3A_1941 = arith.subf %min3A_1937, %max3A_1940 : vector<512x512xf32>
    %max3A_1942 = arith.constant 0.000000e+00 : f32
    %max3A_1943 = vector.broadcast %max3A_1942 : f32 to vector<512x512xf32>
    %max3A_1944 = arith.maximumf %sub3A_1941, %max3A_1943 : vector<512x512xf32>
    %mul3A_1945 = arith.mulf %max3A_1934, %max3A_1944 : vector<512x512xf32>
    %add3A_1946 = vector.broadcast %mul3A_1822 : vector<512x1xf32> to vector<512x512xf32>
    %add3A_1947 = vector.broadcast %mul3A_1924 : vector<1x512xf32> to vector<512x512xf32>
    %add3A_1948 = arith.addf %add3A_1946, %add3A_1947 : vector<512x512xf32>
    %sub3A_1949 = arith.subf %add3A_1948, %mul3A_1945 : vector<512x512xf32>
    %max3A_1950 = arith.constant 9.99999971E-10 : f32
    %max3A_1951 = vector.broadcast %max3A_1950 : f32 to vector<512x512xf32>
    %max3A_1952 = arith.maximumf %sub3A_1949, %max3A_1951 : vector<512x512xf32>
    %div3A_1953 = arith.divf %mul3A_1945, %max3A_1952 : vector<512x512xf32>
    %gt3A_1954 = arith.constant 3.000000e-01 : f32
    %gt3A_1955 = vector.broadcast %gt3A_1954 : f32 to vector<512x512xf32>
    %gt3A_1956 = arith.cmpf ogt, %div3A_1953, %gt3A_1955 : vector<512x512xf32>
    %convert_element_type3A_1957 = arith.extui %gt3A_1956 : vector<512x512xi1> to vector<512x512xi32>
    %convert_element_type3A_1958 = arith.sitofp %convert_element_type3A_1957 : vector<512x512xi32> to vector<512x512xf32>
    %get3A_1959 = arith.constant 512 : index
    %get3A_1960 = arith.constant 0 : index
    %get3A_1961 = vector.load %arg5[%get3A_1959, %get3A_1960] : memref<5120x1xf32, #tpu.memory_space<vmem>>, vector<512x1xf32>
    %dot_general3A_1962 = arith.constant dense<0.000000e+00> : vector<512x1xf32>
    %dot_general3A_1963 = tpu.matmul %convert_element_type3A_1958, %get3A_1961, %dot_general3A_1962 {dimension_numbers = #tpu.dot_dimension_numbers<[1], [0], [0], [1], [0, 0, 1, 1], [], []>, transpose_lhs_hint = false} : vector<512x512xf32>, vector<512x1xf32>, vector<512x1xf32> -> vector<512x1xf32>
    %add3A_1964 = arith.addf %add3A_1894, %dot_general3A_1963 : vector<512x1xf32>
    %get3A_1965 = arith.constant 0 : index
    %get3A_1966 = arith.constant 1024 : index
    %get3A_1967 = vector.load %arg1[%get3A_1965, %get3A_1966] : memref<4x5120xf32, #tpu.memory_space<vmem>>, vector<4x512xf32>
    %slice3A_1968 = vector.extract_strided_slice %get3A_1967 {offsets = [0, 0], sizes = [1, 512], strides = [1, 1]} : vector<4x512xf32> to vector<1x512xf32>
    %mul3A_1969 = arith.constant 1.024000e+03 : f32
    %mul3A_1970 = vector.broadcast %mul3A_1969 : f32 to vector<1x512xf32>
    %mul3A_1971 = arith.mulf %slice3A_1968, %mul3A_1970 : vector<1x512xf32>
    %slice3A_1972 = vector.extract_strided_slice %get3A_1967 {offsets = [1, 0], sizes = [1, 512], strides = [1, 1]} : vector<4x512xf32> to vector<1x512xf32>
    %mul3A_1973 = arith.constant 1.024000e+03 : f32
    %mul3A_1974 = vector.broadcast %mul3A_1973 : f32 to vector<1x512xf32>
    %mul3A_1975 = arith.mulf %slice3A_1972, %mul3A_1974 : vector<1x512xf32>
    %slice3A_1976 = vector.extract_strided_slice %get3A_1967 {offsets = [2, 0], sizes = [1, 512], strides = [1, 1]} : vector<4x512xf32> to vector<1x512xf32>
    %mul3A_1977 = arith.constant 2.000000e+02 : f32
    %mul3A_1978 = vector.broadcast %mul3A_1977 : f32 to vector<1x512xf32>
    %mul3A_1979 = arith.mulf %slice3A_1976, %mul3A_1978 : vector<1x512xf32>
    %add3A_1980 = arith.constant 1.000000e+00 : f32
    %add3A_1981 = vector.broadcast %add3A_1980 : f32 to vector<1x512xf32>
    %add3A_1982 = arith.addf %mul3A_1979, %add3A_1981 : vector<1x512xf32>
    %slice3A_1983 = vector.extract_strided_slice %get3A_1967 {offsets = [3, 0], sizes = [1, 512], strides = [1, 1]} : vector<4x512xf32> to vector<1x512xf32>
    %mul3A_1984 = arith.constant 2.000000e+02 : f32
    %mul3A_1985 = vector.broadcast %mul3A_1984 : f32 to vector<1x512xf32>
    %mul3A_1986 = arith.mulf %slice3A_1983, %mul3A_1985 : vector<1x512xf32>
    %add3A_1987 = arith.constant 1.000000e+00 : f32
    %add3A_1988 = vector.broadcast %add3A_1987 : f32 to vector<1x512xf32>
    %add3A_1989 = arith.addf %mul3A_1986, %add3A_1988 : vector<1x512xf32>
    %add3A_1990 = arith.addf %mul3A_1971, %add3A_1982 : vector<1x512xf32>
    %add3A_1991 = arith.addf %mul3A_1975, %add3A_1989 : vector<1x512xf32>
    %sub3A_1992 = arith.subf %add3A_1990, %mul3A_1971 : vector<1x512xf32>
    %sub3A_1993 = arith.subf %add3A_1991, %mul3A_1975 : vector<1x512xf32>
    %mul3A_1994 = arith.mulf %sub3A_1992, %sub3A_1993 : vector<1x512xf32>
    %min3A_1995 = vector.broadcast %add3A_1818 : vector<512x1xf32> to vector<512x512xf32>
    %min3A_1996 = vector.broadcast %add3A_1990 : vector<1x512xf32> to vector<512x512xf32>
    %min3A_1997 = arith.minimumf %min3A_1995, %min3A_1996 : vector<512x512xf32>
    %max3A_1998 = vector.broadcast %mul3A_1799 : vector<512x1xf32> to vector<512x512xf32>
    %max3A_1999 = vector.broadcast %mul3A_1971 : vector<1x512xf32> to vector<512x512xf32>
    %max3A_2000 = arith.maximumf %max3A_1998, %max3A_1999 : vector<512x512xf32>
    %sub3A_2001 = arith.subf %min3A_1997, %max3A_2000 : vector<512x512xf32>
    %max3A_2002 = arith.constant 0.000000e+00 : f32
    %max3A_2003 = vector.broadcast %max3A_2002 : f32 to vector<512x512xf32>
    %max3A_2004 = arith.maximumf %sub3A_2001, %max3A_2003 : vector<512x512xf32>
    %min3A_2005 = vector.broadcast %add3A_1819 : vector<512x1xf32> to vector<512x512xf32>
    %min3A_2006 = vector.broadcast %add3A_1991 : vector<1x512xf32> to vector<512x512xf32>
    %min3A_2007 = arith.minimumf %min3A_2005, %min3A_2006 : vector<512x512xf32>
    %max3A_2008 = vector.broadcast %mul3A_1803 : vector<512x1xf32> to vector<512x512xf32>
    %max3A_2009 = vector.broadcast %mul3A_1975 : vector<1x512xf32> to vector<512x512xf32>
    %max3A_2010 = arith.maximumf %max3A_2008, %max3A_2009 : vector<512x512xf32>
    %sub3A_2011 = arith.subf %min3A_2007, %max3A_2010 : vector<512x512xf32>
    %max3A_2012 = arith.constant 0.000000e+00 : f32
    %max3A_2013 = vector.broadcast %max3A_2012 : f32 to vector<512x512xf32>
    %max3A_2014 = arith.maximumf %sub3A_2011, %max3A_2013 : vector<512x512xf32>
    %mul3A_2015 = arith.mulf %max3A_2004, %max3A_2014 : vector<512x512xf32>
    %add3A_2016 = vector.broadcast %mul3A_1822 : vector<512x1xf32> to vector<512x512xf32>
    %add3A_2017 = vector.broadcast %mul3A_1994 : vector<1x512xf32> to vector<512x512xf32>
    %add3A_2018 = arith.addf %add3A_2016, %add3A_2017 : vector<512x512xf32>
    %sub3A_2019 = arith.subf %add3A_2018, %mul3A_2015 : vector<512x512xf32>
    %max3A_2020 = arith.constant 9.99999971E-10 : f32
    %max3A_2021 = vector.broadcast %max3A_2020 : f32 to vector<512x512xf32>
    %max3A_2022 = arith.maximumf %sub3A_2019, %max3A_2021 : vector<512x512xf32>
    %div3A_2023 = arith.divf %mul3A_2015, %max3A_2022 : vector<512x512xf32>
    %gt3A_2024 = arith.constant 3.000000e-01 : f32
    %gt3A_2025 = vector.broadcast %gt3A_2024 : f32 to vector<512x512xf32>
    %gt3A_2026 = arith.cmpf ogt, %div3A_2023, %gt3A_2025 : vector<512x512xf32>
    %convert_element_type3A_2027 = arith.extui %gt3A_2026 : vector<512x512xi1> to vector<512x512xi32>
    %convert_element_type3A_2028 = arith.sitofp %convert_element_type3A_2027 : vector<512x512xi32> to vector<512x512xf32>
    %get3A_2029 = arith.constant 1024 : index
    %get3A_2030 = arith.constant 0 : index
    %get3A_2031 = vector.load %arg5[%get3A_2029, %get3A_2030] : memref<5120x1xf32, #tpu.memory_space<vmem>>, vector<512x1xf32>
    %dot_general3A_2032 = arith.constant dense<0.000000e+00> : vector<512x1xf32>
    %dot_general3A_2033 = tpu.matmul %convert_element_type3A_2028, %get3A_2031, %dot_general3A_2032 {dimension_numbers = #tpu.dot_dimension_numbers<[1], [0], [0], [1], [0, 0, 1, 1], [], []>, transpose_lhs_hint = false} : vector<512x512xf32>, vector<512x1xf32>, vector<512x1xf32> -> vector<512x1xf32>
    %add3A_2034 = arith.addf %add3A_1964, %dot_general3A_2033 : vector<512x1xf32>
    %get3A_2035 = arith.constant 0 : index
    %get3A_2036 = arith.constant 1536 : index
    %get3A_2037 = vector.load %arg1[%get3A_2035, %get3A_2036] : memref<4x5120xf32, #tpu.memory_space<vmem>>, vector<4x512xf32>
    %slice3A_2038 = vector.extract_strided_slice %get3A_2037 {offsets = [0, 0], sizes = [1, 512], strides = [1, 1]} : vector<4x512xf32> to vector<1x512xf32>
    %mul3A_2039 = arith.constant 1.024000e+03 : f32
    %mul3A_2040 = vector.broadcast %mul3A_2039 : f32 to vector<1x512xf32>
    %mul3A_2041 = arith.mulf %slice3A_2038, %mul3A_2040 : vector<1x512xf32>
    %slice3A_2042 = vector.extract_strided_slice %get3A_2037 {offsets = [1, 0], sizes = [1, 512], strides = [1, 1]} : vector<4x512xf32> to vector<1x512xf32>
    %mul3A_2043 = arith.constant 1.024000e+03 : f32
    %mul3A_2044 = vector.broadcast %mul3A_2043 : f32 to vector<1x512xf32>
    %mul3A_2045 = arith.mulf %slice3A_2042, %mul3A_2044 : vector<1x512xf32>
    %slice3A_2046 = vector.extract_strided_slice %get3A_2037 {offsets = [2, 0], sizes = [1, 512], strides = [1, 1]} : vector<4x512xf32> to vector<1x512xf32>
    %mul3A_2047 = arith.constant 2.000000e+02 : f32
    %mul3A_2048 = vector.broadcast %mul3A_2047 : f32 to vector<1x512xf32>
    %mul3A_2049 = arith.mulf %slice3A_2046, %mul3A_2048 : vector<1x512xf32>
    %add3A_2050 = arith.constant 1.000000e+00 : f32
    %add3A_2051 = vector.broadcast %add3A_2050 : f32 to vector<1x512xf32>
    %add3A_2052 = arith.addf %mul3A_2049, %add3A_2051 : vector<1x512xf32>
    %slice3A_2053 = vector.extract_strided_slice %get3A_2037 {offsets = [3, 0], sizes = [1, 512], strides = [1, 1]} : vector<4x512xf32> to vector<1x512xf32>
    %mul3A_2054 = arith.constant 2.000000e+02 : f32
    %mul3A_2055 = vector.broadcast %mul3A_2054 : f32 to vector<1x512xf32>
    %mul3A_2056 = arith.mulf %slice3A_2053, %mul3A_2055 : vector<1x512xf32>
    %add3A_2057 = arith.constant 1.000000e+00 : f32
    %add3A_2058 = vector.broadcast %add3A_2057 : f32 to vector<1x512xf32>
    %add3A_2059 = arith.addf %mul3A_2056, %add3A_2058 : vector<1x512xf32>
    %add3A_2060 = arith.addf %mul3A_2041, %add3A_2052 : vector<1x512xf32>
    %add3A_2061 = arith.addf %mul3A_2045, %add3A_2059 : vector<1x512xf32>
    %sub3A_2062 = arith.subf %add3A_2060, %mul3A_2041 : vector<1x512xf32>
    %sub3A_2063 = arith.subf %add3A_2061, %mul3A_2045 : vector<1x512xf32>
    %mul3A_2064 = arith.mulf %sub3A_2062, %sub3A_2063 : vector<1x512xf32>
    %min3A_2065 = vector.broadcast %add3A_1818 : vector<512x1xf32> to vector<512x512xf32>
    %min3A_2066 = vector.broadcast %add3A_2060 : vector<1x512xf32> to vector<512x512xf32>
    %min3A_2067 = arith.minimumf %min3A_2065, %min3A_2066 : vector<512x512xf32>
    %max3A_2068 = vector.broadcast %mul3A_1799 : vector<512x1xf32> to vector<512x512xf32>
    %max3A_2069 = vector.broadcast %mul3A_2041 : vector<1x512xf32> to vector<512x512xf32>
    %max3A_2070 = arith.maximumf %max3A_2068, %max3A_2069 : vector<512x512xf32>
    %sub3A_2071 = arith.subf %min3A_2067, %max3A_2070 : vector<512x512xf32>
    %max3A_2072 = arith.constant 0.000000e+00 : f32
    %max3A_2073 = vector.broadcast %max3A_2072 : f32 to vector<512x512xf32>
    %max3A_2074 = arith.maximumf %sub3A_2071, %max3A_2073 : vector<512x512xf32>
    %min3A_2075 = vector.broadcast %add3A_1819 : vector<512x1xf32> to vector<512x512xf32>
    %min3A_2076 = vector.broadcast %add3A_2061 : vector<1x512xf32> to vector<512x512xf32>
    %min3A_2077 = arith.minimumf %min3A_2075, %min3A_2076 : vector<512x512xf32>
    %max3A_2078 = vector.broadcast %mul3A_1803 : vector<512x1xf32> to vector<512x512xf32>
    %max3A_2079 = vector.broadcast %mul3A_2045 : vector<1x512xf32> to vector<512x512xf32>
    %max3A_2080 = arith.maximumf %max3A_2078, %max3A_2079 : vector<512x512xf32>
    %sub3A_2081 = arith.subf %min3A_2077, %max3A_2080 : vector<512x512xf32>
    %max3A_2082 = arith.constant 0.000000e+00 : f32
    %max3A_2083 = vector.broadcast %max3A_2082 : f32 to vector<512x512xf32>
    %max3A_2084 = arith.maximumf %sub3A_2081, %max3A_2083 : vector<512x512xf32>
    %mul3A_2085 = arith.mulf %max3A_2074, %max3A_2084 : vector<512x512xf32>
    %add3A_2086 = vector.broadcast %mul3A_1822 : vector<512x1xf32> to vector<512x512xf32>
    %add3A_2087 = vector.broadcast %mul3A_2064 : vector<1x512xf32> to vector<512x512xf32>
    %add3A_2088 = arith.addf %add3A_2086, %add3A_2087 : vector<512x512xf32>
    %sub3A_2089 = arith.subf %add3A_2088, %mul3A_2085 : vector<512x512xf32>
    %max3A_2090 = arith.constant 9.99999971E-10 : f32
    %max3A_2091 = vector.broadcast %max3A_2090 : f32 to vector<512x512xf32>
    %max3A_2092 = arith.maximumf %sub3A_2089, %max3A_2091 : vector<512x512xf32>
    %div3A_2093 = arith.divf %mul3A_2085, %max3A_2092 : vector<512x512xf32>
    %gt3A_2094 = arith.constant 3.000000e-01 : f32
    %gt3A_2095 = vector.broadcast %gt3A_2094 : f32 to vector<512x512xf32>
    %gt3A_2096 = arith.cmpf ogt, %div3A_2093, %gt3A_2095 : vector<512x512xf32>
    %convert_element_type3A_2097 = arith.extui %gt3A_2096 : vector<512x512xi1> to vector<512x512xi32>
    %convert_element_type3A_2098 = arith.sitofp %convert_element_type3A_2097 : vector<512x512xi32> to vector<512x512xf32>
    %get3A_2099 = arith.constant 1536 : index
    %get3A_2100 = arith.constant 0 : index
    %get3A_2101 = vector.load %arg5[%get3A_2099, %get3A_2100] : memref<5120x1xf32, #tpu.memory_space<vmem>>, vector<512x1xf32>
    %dot_general3A_2102 = arith.constant dense<0.000000e+00> : vector<512x1xf32>
    %dot_general3A_2103 = tpu.matmul %convert_element_type3A_2098, %get3A_2101, %dot_general3A_2102 {dimension_numbers = #tpu.dot_dimension_numbers<[1], [0], [0], [1], [0, 0, 1, 1], [], []>, transpose_lhs_hint = false} : vector<512x512xf32>, vector<512x1xf32>, vector<512x1xf32> -> vector<512x1xf32>
    %add3A_2104 = arith.addf %add3A_2034, %dot_general3A_2103 : vector<512x1xf32>
    %get3A_2105 = arith.constant 0 : index
    %get3A_2106 = arith.constant 2048 : index
    %get3A_2107 = vector.load %arg1[%get3A_2105, %get3A_2106] : memref<4x5120xf32, #tpu.memory_space<vmem>>, vector<4x512xf32>
    %slice3A_2108 = vector.extract_strided_slice %get3A_2107 {offsets = [0, 0], sizes = [1, 512], strides = [1, 1]} : vector<4x512xf32> to vector<1x512xf32>
    %mul3A_2109 = arith.constant 1.024000e+03 : f32
    %mul3A_2110 = vector.broadcast %mul3A_2109 : f32 to vector<1x512xf32>
    %mul3A_2111 = arith.mulf %slice3A_2108, %mul3A_2110 : vector<1x512xf32>
    %slice3A_2112 = vector.extract_strided_slice %get3A_2107 {offsets = [1, 0], sizes = [1, 512], strides = [1, 1]} : vector<4x512xf32> to vector<1x512xf32>
    %mul3A_2113 = arith.constant 1.024000e+03 : f32
    %mul3A_2114 = vector.broadcast %mul3A_2113 : f32 to vector<1x512xf32>
    %mul3A_2115 = arith.mulf %slice3A_2112, %mul3A_2114 : vector<1x512xf32>
    %slice3A_2116 = vector.extract_strided_slice %get3A_2107 {offsets = [2, 0], sizes = [1, 512], strides = [1, 1]} : vector<4x512xf32> to vector<1x512xf32>
    %mul3A_2117 = arith.constant 2.000000e+02 : f32
    %mul3A_2118 = vector.broadcast %mul3A_2117 : f32 to vector<1x512xf32>
    %mul3A_2119 = arith.mulf %slice3A_2116, %mul3A_2118 : vector<1x512xf32>
    %add3A_2120 = arith.constant 1.000000e+00 : f32
    %add3A_2121 = vector.broadcast %add3A_2120 : f32 to vector<1x512xf32>
    %add3A_2122 = arith.addf %mul3A_2119, %add3A_2121 : vector<1x512xf32>
    %slice3A_2123 = vector.extract_strided_slice %get3A_2107 {offsets = [3, 0], sizes = [1, 512], strides = [1, 1]} : vector<4x512xf32> to vector<1x512xf32>
    %mul3A_2124 = arith.constant 2.000000e+02 : f32
    %mul3A_2125 = vector.broadcast %mul3A_2124 : f32 to vector<1x512xf32>
    %mul3A_2126 = arith.mulf %slice3A_2123, %mul3A_2125 : vector<1x512xf32>
    %add3A_2127 = arith.constant 1.000000e+00 : f32
    %add3A_2128 = vector.broadcast %add3A_2127 : f32 to vector<1x512xf32>
    %add3A_2129 = arith.addf %mul3A_2126, %add3A_2128 : vector<1x512xf32>
    %add3A_2130 = arith.addf %mul3A_2111, %add3A_2122 : vector<1x512xf32>
    %add3A_2131 = arith.addf %mul3A_2115, %add3A_2129 : vector<1x512xf32>
    %sub3A_2132 = arith.subf %add3A_2130, %mul3A_2111 : vector<1x512xf32>
    %sub3A_2133 = arith.subf %add3A_2131, %mul3A_2115 : vector<1x512xf32>
    %mul3A_2134 = arith.mulf %sub3A_2132, %sub3A_2133 : vector<1x512xf32>
    %min3A_2135 = vector.broadcast %add3A_1818 : vector<512x1xf32> to vector<512x512xf32>
    %min3A_2136 = vector.broadcast %add3A_2130 : vector<1x512xf32> to vector<512x512xf32>
    %min3A_2137 = arith.minimumf %min3A_2135, %min3A_2136 : vector<512x512xf32>
    %max3A_2138 = vector.broadcast %mul3A_1799 : vector<512x1xf32> to vector<512x512xf32>
    %max3A_2139 = vector.broadcast %mul3A_2111 : vector<1x512xf32> to vector<512x512xf32>
    %max3A_2140 = arith.maximumf %max3A_2138, %max3A_2139 : vector<512x512xf32>
    %sub3A_2141 = arith.subf %min3A_2137, %max3A_2140 : vector<512x512xf32>
    %max3A_2142 = arith.constant 0.000000e+00 : f32
    %max3A_2143 = vector.broadcast %max3A_2142 : f32 to vector<512x512xf32>
    %max3A_2144 = arith.maximumf %sub3A_2141, %max3A_2143 : vector<512x512xf32>
    %min3A_2145 = vector.broadcast %add3A_1819 : vector<512x1xf32> to vector<512x512xf32>
    %min3A_2146 = vector.broadcast %add3A_2131 : vector<1x512xf32> to vector<512x512xf32>
    %min3A_2147 = arith.minimumf %min3A_2145, %min3A_2146 : vector<512x512xf32>
    %max3A_2148 = vector.broadcast %mul3A_1803 : vector<512x1xf32> to vector<512x512xf32>
    %max3A_2149 = vector.broadcast %mul3A_2115 : vector<1x512xf32> to vector<512x512xf32>
    %max3A_2150 = arith.maximumf %max3A_2148, %max3A_2149 : vector<512x512xf32>
    %sub3A_2151 = arith.subf %min3A_2147, %max3A_2150 : vector<512x512xf32>
    %max3A_2152 = arith.constant 0.000000e+00 : f32
    %max3A_2153 = vector.broadcast %max3A_2152 : f32 to vector<512x512xf32>
    %max3A_2154 = arith.maximumf %sub3A_2151, %max3A_2153 : vector<512x512xf32>
    %mul3A_2155 = arith.mulf %max3A_2144, %max3A_2154 : vector<512x512xf32>
    %add3A_2156 = vector.broadcast %mul3A_1822 : vector<512x1xf32> to vector<512x512xf32>
    %add3A_2157 = vector.broadcast %mul3A_2134 : vector<1x512xf32> to vector<512x512xf32>
    %add3A_2158 = arith.addf %add3A_2156, %add3A_2157 : vector<512x512xf32>
    %sub3A_2159 = arith.subf %add3A_2158, %mul3A_2155 : vector<512x512xf32>
    %max3A_2160 = arith.constant 9.99999971E-10 : f32
    %max3A_2161 = vector.broadcast %max3A_2160 : f32 to vector<512x512xf32>
    %max3A_2162 = arith.maximumf %sub3A_2159, %max3A_2161 : vector<512x512xf32>
    %div3A_2163 = arith.divf %mul3A_2155, %max3A_2162 : vector<512x512xf32>
    %gt3A_2164 = arith.constant 3.000000e-01 : f32
    %gt3A_2165 = vector.broadcast %gt3A_2164 : f32 to vector<512x512xf32>
    %gt3A_2166 = arith.cmpf ogt, %div3A_2163, %gt3A_2165 : vector<512x512xf32>
    %convert_element_type3A_2167 = arith.extui %gt3A_2166 : vector<512x512xi1> to vector<512x512xi32>
    %convert_element_type3A_2168 = arith.sitofp %convert_element_type3A_2167 : vector<512x512xi32> to vector<512x512xf32>
    %get3A_2169 = arith.constant 2048 : index
    %get3A_2170 = arith.constant 0 : index
    %get3A_2171 = vector.load %arg5[%get3A_2169, %get3A_2170] : memref<5120x1xf32, #tpu.memory_space<vmem>>, vector<512x1xf32>
    %dot_general3A_2172 = arith.constant dense<0.000000e+00> : vector<512x1xf32>
    %dot_general3A_2173 = tpu.matmul %convert_element_type3A_2168, %get3A_2171, %dot_general3A_2172 {dimension_numbers = #tpu.dot_dimension_numbers<[1], [0], [0], [1], [0, 0, 1, 1], [], []>, transpose_lhs_hint = false} : vector<512x512xf32>, vector<512x1xf32>, vector<512x1xf32> -> vector<512x1xf32>
    %add3A_2174 = arith.addf %add3A_2104, %dot_general3A_2173 : vector<512x1xf32>
    %get3A_2175 = arith.constant 0 : index
    %get3A_2176 = arith.constant 2560 : index
    %get3A_2177 = vector.load %arg1[%get3A_2175, %get3A_2176] : memref<4x5120xf32, #tpu.memory_space<vmem>>, vector<4x512xf32>
    %slice3A_2178 = vector.extract_strided_slice %get3A_2177 {offsets = [0, 0], sizes = [1, 512], strides = [1, 1]} : vector<4x512xf32> to vector<1x512xf32>
    %mul3A_2179 = arith.constant 1.024000e+03 : f32
    %mul3A_2180 = vector.broadcast %mul3A_2179 : f32 to vector<1x512xf32>
    %mul3A_2181 = arith.mulf %slice3A_2178, %mul3A_2180 : vector<1x512xf32>
    %slice3A_2182 = vector.extract_strided_slice %get3A_2177 {offsets = [1, 0], sizes = [1, 512], strides = [1, 1]} : vector<4x512xf32> to vector<1x512xf32>
    %mul3A_2183 = arith.constant 1.024000e+03 : f32
    %mul3A_2184 = vector.broadcast %mul3A_2183 : f32 to vector<1x512xf32>
    %mul3A_2185 = arith.mulf %slice3A_2182, %mul3A_2184 : vector<1x512xf32>
    %slice3A_2186 = vector.extract_strided_slice %get3A_2177 {offsets = [2, 0], sizes = [1, 512], strides = [1, 1]} : vector<4x512xf32> to vector<1x512xf32>
    %mul3A_2187 = arith.constant 2.000000e+02 : f32
    %mul3A_2188 = vector.broadcast %mul3A_2187 : f32 to vector<1x512xf32>
    %mul3A_2189 = arith.mulf %slice3A_2186, %mul3A_2188 : vector<1x512xf32>
    %add3A_2190 = arith.constant 1.000000e+00 : f32
    %add3A_2191 = vector.broadcast %add3A_2190 : f32 to vector<1x512xf32>
    %add3A_2192 = arith.addf %mul3A_2189, %add3A_2191 : vector<1x512xf32>
    %slice3A_2193 = vector.extract_strided_slice %get3A_2177 {offsets = [3, 0], sizes = [1, 512], strides = [1, 1]} : vector<4x512xf32> to vector<1x512xf32>
    %mul3A_2194 = arith.constant 2.000000e+02 : f32
    %mul3A_2195 = vector.broadcast %mul3A_2194 : f32 to vector<1x512xf32>
    %mul3A_2196 = arith.mulf %slice3A_2193, %mul3A_2195 : vector<1x512xf32>
    %add3A_2197 = arith.constant 1.000000e+00 : f32
    %add3A_2198 = vector.broadcast %add3A_2197 : f32 to vector<1x512xf32>
    %add3A_2199 = arith.addf %mul3A_2196, %add3A_2198 : vector<1x512xf32>
    %add3A_2200 = arith.addf %mul3A_2181, %add3A_2192 : vector<1x512xf32>
    %add3A_2201 = arith.addf %mul3A_2185, %add3A_2199 : vector<1x512xf32>
    %sub3A_2202 = arith.subf %add3A_2200, %mul3A_2181 : vector<1x512xf32>
    %sub3A_2203 = arith.subf %add3A_2201, %mul3A_2185 : vector<1x512xf32>
    %mul3A_2204 = arith.mulf %sub3A_2202, %sub3A_2203 : vector<1x512xf32>
    %min3A_2205 = vector.broadcast %add3A_1818 : vector<512x1xf32> to vector<512x512xf32>
    %min3A_2206 = vector.broadcast %add3A_2200 : vector<1x512xf32> to vector<512x512xf32>
    %min3A_2207 = arith.minimumf %min3A_2205, %min3A_2206 : vector<512x512xf32>
    %max3A_2208 = vector.broadcast %mul3A_1799 : vector<512x1xf32> to vector<512x512xf32>
    %max3A_2209 = vector.broadcast %mul3A_2181 : vector<1x512xf32> to vector<512x512xf32>
    %max3A_2210 = arith.maximumf %max3A_2208, %max3A_2209 : vector<512x512xf32>
    %sub3A_2211 = arith.subf %min3A_2207, %max3A_2210 : vector<512x512xf32>
    %max3A_2212 = arith.constant 0.000000e+00 : f32
    %max3A_2213 = vector.broadcast %max3A_2212 : f32 to vector<512x512xf32>
    %max3A_2214 = arith.maximumf %sub3A_2211, %max3A_2213 : vector<512x512xf32>
    %min3A_2215 = vector.broadcast %add3A_1819 : vector<512x1xf32> to vector<512x512xf32>
    %min3A_2216 = vector.broadcast %add3A_2201 : vector<1x512xf32> to vector<512x512xf32>
    %min3A_2217 = arith.minimumf %min3A_2215, %min3A_2216 : vector<512x512xf32>
    %max3A_2218 = vector.broadcast %mul3A_1803 : vector<512x1xf32> to vector<512x512xf32>
    %max3A_2219 = vector.broadcast %mul3A_2185 : vector<1x512xf32> to vector<512x512xf32>
    %max3A_2220 = arith.maximumf %max3A_2218, %max3A_2219 : vector<512x512xf32>
    %sub3A_2221 = arith.subf %min3A_2217, %max3A_2220 : vector<512x512xf32>
    %max3A_2222 = arith.constant 0.000000e+00 : f32
    %max3A_2223 = vector.broadcast %max3A_2222 : f32 to vector<512x512xf32>
    %max3A_2224 = arith.maximumf %sub3A_2221, %max3A_2223 : vector<512x512xf32>
    %mul3A_2225 = arith.mulf %max3A_2214, %max3A_2224 : vector<512x512xf32>
    %add3A_2226 = vector.broadcast %mul3A_1822 : vector<512x1xf32> to vector<512x512xf32>
    %add3A_2227 = vector.broadcast %mul3A_2204 : vector<1x512xf32> to vector<512x512xf32>
    %add3A_2228 = arith.addf %add3A_2226, %add3A_2227 : vector<512x512xf32>
    %sub3A_2229 = arith.subf %add3A_2228, %mul3A_2225 : vector<512x512xf32>
    %max3A_2230 = arith.constant 9.99999971E-10 : f32
    %max3A_2231 = vector.broadcast %max3A_2230 : f32 to vector<512x512xf32>
    %max3A_2232 = arith.maximumf %sub3A_2229, %max3A_2231 : vector<512x512xf32>
    %div3A_2233 = arith.divf %mul3A_2225, %max3A_2232 : vector<512x512xf32>
    %gt3A_2234 = arith.constant 3.000000e-01 : f32
    %gt3A_2235 = vector.broadcast %gt3A_2234 : f32 to vector<512x512xf32>
    %gt3A_2236 = arith.cmpf ogt, %div3A_2233, %gt3A_2235 : vector<512x512xf32>
    %convert_element_type3A_2237 = arith.extui %gt3A_2236 : vector<512x512xi1> to vector<512x512xi32>
    %convert_element_type3A_2238 = arith.sitofp %convert_element_type3A_2237 : vector<512x512xi32> to vector<512x512xf32>
    %get3A_2239 = arith.constant 2560 : index
    %get3A_2240 = arith.constant 0 : index
    %get3A_2241 = vector.load %arg5[%get3A_2239, %get3A_2240] : memref<5120x1xf32, #tpu.memory_space<vmem>>, vector<512x1xf32>
    %dot_general3A_2242 = arith.constant dense<0.000000e+00> : vector<512x1xf32>
    %dot_general3A_2243 = tpu.matmul %convert_element_type3A_2238, %get3A_2241, %dot_general3A_2242 {dimension_numbers = #tpu.dot_dimension_numbers<[1], [0], [0], [1], [0, 0, 1, 1], [], []>, transpose_lhs_hint = false} : vector<512x512xf32>, vector<512x1xf32>, vector<512x1xf32> -> vector<512x1xf32>
    %add3A_2244 = arith.addf %add3A_2174, %dot_general3A_2243 : vector<512x1xf32>
    %min3A_2245 = vector.broadcast %add3A_1818 : vector<512x1xf32> to vector<512x512xf32>
    %min3A_2246 = vector.broadcast %add3A_1788 : vector<1x512xf32> to vector<512x512xf32>
    %min3A_2247 = arith.minimumf %min3A_2245, %min3A_2246 : vector<512x512xf32>
    %max3A_2248 = vector.broadcast %mul3A_1799 : vector<512x1xf32> to vector<512x512xf32>
    %max3A_2249 = vector.broadcast %mul3A_1769 : vector<1x512xf32> to vector<512x512xf32>
    %max3A_2250 = arith.maximumf %max3A_2248, %max3A_2249 : vector<512x512xf32>
    %sub3A_2251 = arith.subf %min3A_2247, %max3A_2250 : vector<512x512xf32>
    %max3A_2252 = arith.constant 0.000000e+00 : f32
    %max3A_2253 = vector.broadcast %max3A_2252 : f32 to vector<512x512xf32>
    %max3A_2254 = arith.maximumf %sub3A_2251, %max3A_2253 : vector<512x512xf32>
    %min3A_2255 = vector.broadcast %add3A_1819 : vector<512x1xf32> to vector<512x512xf32>
    %min3A_2256 = vector.broadcast %add3A_1789 : vector<1x512xf32> to vector<512x512xf32>
    %min3A_2257 = arith.minimumf %min3A_2255, %min3A_2256 : vector<512x512xf32>
    %max3A_2258 = vector.broadcast %mul3A_1803 : vector<512x1xf32> to vector<512x512xf32>
    %max3A_2259 = vector.broadcast %mul3A_1773 : vector<1x512xf32> to vector<512x512xf32>
    %max3A_2260 = arith.maximumf %max3A_2258, %max3A_2259 : vector<512x512xf32>
    %sub3A_2261 = arith.subf %min3A_2257, %max3A_2260 : vector<512x512xf32>
    %max3A_2262 = arith.constant 0.000000e+00 : f32
    %max3A_2263 = vector.broadcast %max3A_2262 : f32 to vector<512x512xf32>
    %max3A_2264 = arith.maximumf %sub3A_2261, %max3A_2263 : vector<512x512xf32>
    %mul3A_2265 = arith.mulf %max3A_2254, %max3A_2264 : vector<512x512xf32>
    %add3A_2266 = vector.broadcast %mul3A_1822 : vector<512x1xf32> to vector<512x512xf32>
    %add3A_2267 = vector.broadcast %mul3A_1792 : vector<1x512xf32> to vector<512x512xf32>
    %add3A_2268 = arith.addf %add3A_2266, %add3A_2267 : vector<512x512xf32>
    %sub3A_2269 = arith.subf %add3A_2268, %mul3A_2265 : vector<512x512xf32>
    %max3A_2270 = arith.constant 9.99999971E-10 : f32
    %max3A_2271 = vector.broadcast %max3A_2270 : f32 to vector<512x512xf32>
    %max3A_2272 = arith.maximumf %sub3A_2269, %max3A_2271 : vector<512x512xf32>
    %div3A_2273 = arith.divf %mul3A_2265, %max3A_2272 : vector<512x512xf32>
    %gt3A_2274 = arith.constant 3.000000e-01 : f32
    %gt3A_2275 = vector.broadcast %gt3A_2274 : f32 to vector<512x512xf32>
    %gt3A_2276 = arith.cmpf ogt, %div3A_2273, %gt3A_2275 : vector<512x512xf32>
    %convert_element_type3A_2277 = arith.extui %gt3A_2276 : vector<512x512xi1> to vector<512x512xi32>
    %convert_element_type3A_2278 = arith.sitofp %convert_element_type3A_2277 : vector<512x512xi32> to vector<512x512xf32>
    %iota3A_2279 = tpu.iota {dimensions = array<i32: 0>} : vector<512x512xi32>
    %iota3A_2280 = tpu.iota {dimensions = array<i32: 1>} : vector<512x512xi32>
    %lt3A_2281 = arith.cmpi slt, %iota3A_2280, %iota3A_2279 : vector<512x512xi32>
    %jit3A_2282 = arith.constant 0.000000e+00 : f32
    %broadcast_in_dim3A_2283 = vector.broadcast %jit3A_2282 : f32 to vector<512x512xf32>
    %select_n3A_2284 = arith.select %lt3A_2281, %convert_element_type3A_2278, %broadcast_in_dim3A_2283 : vector<512x512xi1>, vector<512x512xf32>
    %get3A_2285 = arith.constant 3072 : index
    %get3A_2286 = arith.constant 0 : index
    %get3A_2287 = vector.load %arg2[%get3A_2285, %get3A_2286] : memref<5120x1xf32, #tpu.memory_space<vmem>>, vector<512x1xf32>
    %gt3A_2288 = arith.constant 5.000000e-02 : f32
    %gt3A_2289 = vector.broadcast %gt3A_2288 : f32 to vector<512x1xf32>
    %gt3A_2290 = arith.cmpf ogt, %get3A_2287, %gt3A_2289 : vector<512x1xf32>
    %lt3A_2291 = arith.constant 5.000000e-01 : f32
    %lt3A_2292 = vector.broadcast %lt3A_2291 : f32 to vector<512x1xf32>
    %lt3A_2293 = arith.cmpf olt, %add3A_2244, %lt3A_2292 : vector<512x1xf32>
    %and3A_2294 = arith.andi %gt3A_2290, %lt3A_2293 : vector<512x1xi1>
    %convert_element_type3A_2295 = arith.extui %and3A_2294 : vector<512x1xi1> to vector<512x1xi32>
    %convert_element_type3A_2296 = arith.sitofp %convert_element_type3A_2295 : vector<512x1xi32> to vector<512x1xf32>
    %sub3A_2297 = arith.constant 2.000000e+00 : f32
    %sub3A_2298 = vector.broadcast %sub3A_2297 : f32 to vector<512x1xf32>
    %sub3A_2299 = arith.subf %convert_element_type3A_2296, %sub3A_2298 : vector<512x1xf32>
    %while3A_2300 = arith.constant 0 : i32
    %while3A_2301:3 = scf.while (%while3A_4874 = %sub3A_2299, %while3A_4875 = %convert_element_type3A_2296, %while3A_4876 = %while3A_2300) : (vector<512x1xf32>, vector<512x1xf32>, i32) -> (vector<512x1xf32>, vector<512x1xf32>, i32) {
      %lt3A_4877 = arith.constant 514 : i32
      %lt3A_4878 = arith.cmpi slt, %while3A_4876, %lt3A_4877 : i32
      %ne3A = arith.cmpf one, %while3A_4874, %while3A_4875 : vector<512x1xf32>
      %reduce_or3A = arith.constant 1.000000e+00 : f32
      %reduce_or3A_4879 = arith.constant 0.000000e+00 : f32
      %reduce_or3A_4880 = vector.broadcast %reduce_or3A : f32 to vector<512x1xf32>
      %reduce_or3A_4881 = vector.broadcast %reduce_or3A_4879 : f32 to vector<512x1xf32>
      %reduce_or3A_4882 = arith.select %ne3A, %reduce_or3A_4880, %reduce_or3A_4881 : vector<512x1xi1>, vector<512x1xf32>
      %reduce_or3A_4883 = vector.shape_cast %reduce_or3A_4882 : vector<512x1xf32> to vector<1x512x1xf32>
      %reduce_or3A_4884 = arith.constant dense<0xFF800000> : vector<1xf32>
      %reduce_or3A_4885 = vector.multi_reduction <maximumf>, %reduce_or3A_4883, %reduce_or3A_4884 [1, 2] : vector<1x512x1xf32> to vector<1xf32>
      %reduce_or3A_4886 = vector.shape_cast %reduce_or3A_4885 : vector<1xf32> to vector<1x1x1xf32>
      %reduce_or3A_4887 = vector.extract %reduce_or3A_4886[0, 0, 0] : f32 from vector<1x1x1xf32>
      %reduce_or3A_4888 = arith.constant 0.000000e+00 : f32
      %reduce_or3A_4889 = arith.cmpf ogt, %reduce_or3A_4887, %reduce_or3A_4888 : f32
      %and3A_4890 = arith.andi %lt3A_4878, %reduce_or3A_4889 : i1
      scf.condition(%and3A_4890) %while3A_4874, %while3A_4875, %while3A_4876 : vector<512x1xf32>, vector<512x1xf32>, i32
    } do {
    ^bb0(%while3A_4874: vector<512x1xf32>, %while3A_4875: vector<512x1xf32>, %while3A_4876: i32):
      %dot_general3A_4877 = arith.constant dense<0.000000e+00> : vector<512x1xf32>
      %dot_general3A_4878 = tpu.matmul %select_n3A_2284, %while3A_4875, %dot_general3A_4877 {dimension_numbers = #tpu.dot_dimension_numbers<[1], [0], [0], [1], [0, 0, 1, 1], [], []>, transpose_lhs_hint = false} : vector<512x512xf32>, vector<512x1xf32>, vector<512x1xf32> -> vector<512x1xf32>
      %lt3A_4879 = arith.constant 5.000000e-01 : f32
      %lt3A_4880 = vector.broadcast %lt3A_4879 : f32 to vector<512x1xf32>
      %lt3A_4881 = arith.cmpf olt, %dot_general3A_4878, %lt3A_4880 : vector<512x1xf32>
      %convert_element_type3A_4882 = arith.extui %lt3A_4881 : vector<512x1xi1> to vector<512x1xi32>
      %convert_element_type3A_4883 = arith.sitofp %convert_element_type3A_4882 : vector<512x1xi32> to vector<512x1xf32>
      %mul3A_4884 = arith.mulf %convert_element_type3A_2296, %convert_element_type3A_4883 : vector<512x1xf32>
      %add3A_4885 = arith.constant 1 : i32
      %add3A_4886 = arith.addi %while3A_4876, %add3A_4885 : i32
      scf.yield %while3A_4875, %mul3A_4884, %add3A_4886 : vector<512x1xf32>, vector<512x1xf32>, i32
    }
    %swap3A_2302 = arith.constant 3072 : index
    %swap3A_2303 = arith.constant 0 : index
    %swap3A_2304 = vector.load %arg5[%swap3A_2302, %swap3A_2303] : memref<5120x1xf32, #tpu.memory_space<vmem>>, vector<512x1xf32>
    tpu.vector_store %arg5[%swap3A_2302, %swap3A_2303], %while3A_2301#1 {strides = array<i32>} : memref<5120x1xf32, #tpu.memory_space<vmem>>, vector<512x1xf32>,
    %get3A_2305 = arith.constant 0 : index
    %get3A_2306 = arith.constant 3584 : index
    %get3A_2307 = vector.load %arg1[%get3A_2305, %get3A_2306] : memref<4x5120xf32, #tpu.memory_space<vmem>>, vector<4x512xf32>
    %slice3A_2308 = vector.extract_strided_slice %get3A_2307 {offsets = [0, 0], sizes = [1, 512], strides = [1, 1]} : vector<4x512xf32> to vector<1x512xf32>
    %mul3A_2309 = arith.constant 1.024000e+03 : f32
    %mul3A_2310 = vector.broadcast %mul3A_2309 : f32 to vector<1x512xf32>
    %mul3A_2311 = arith.mulf %slice3A_2308, %mul3A_2310 : vector<1x512xf32>
    %slice3A_2312 = vector.extract_strided_slice %get3A_2307 {offsets = [1, 0], sizes = [1, 512], strides = [1, 1]} : vector<4x512xf32> to vector<1x512xf32>
    %mul3A_2313 = arith.constant 1.024000e+03 : f32
    %mul3A_2314 = vector.broadcast %mul3A_2313 : f32 to vector<1x512xf32>
    %mul3A_2315 = arith.mulf %slice3A_2312, %mul3A_2314 : vector<1x512xf32>
    %slice3A_2316 = vector.extract_strided_slice %get3A_2307 {offsets = [2, 0], sizes = [1, 512], strides = [1, 1]} : vector<4x512xf32> to vector<1x512xf32>
    %mul3A_2317 = arith.constant 2.000000e+02 : f32
    %mul3A_2318 = vector.broadcast %mul3A_2317 : f32 to vector<1x512xf32>
    %mul3A_2319 = arith.mulf %slice3A_2316, %mul3A_2318 : vector<1x512xf32>
    %add3A_2320 = arith.constant 1.000000e+00 : f32
    %add3A_2321 = vector.broadcast %add3A_2320 : f32 to vector<1x512xf32>
    %add3A_2322 = arith.addf %mul3A_2319, %add3A_2321 : vector<1x512xf32>
    %slice3A_2323 = vector.extract_strided_slice %get3A_2307 {offsets = [3, 0], sizes = [1, 512], strides = [1, 1]} : vector<4x512xf32> to vector<1x512xf32>
    %mul3A_2324 = arith.constant 2.000000e+02 : f32
    %mul3A_2325 = vector.broadcast %mul3A_2324 : f32 to vector<1x512xf32>
    %mul3A_2326 = arith.mulf %slice3A_2323, %mul3A_2325 : vector<1x512xf32>
    %add3A_2327 = arith.constant 1.000000e+00 : f32
    %add3A_2328 = vector.broadcast %add3A_2327 : f32 to vector<1x512xf32>
    %add3A_2329 = arith.addf %mul3A_2326, %add3A_2328 : vector<1x512xf32>
    %add3A_2330 = arith.addf %mul3A_2311, %add3A_2322 : vector<1x512xf32>
    %add3A_2331 = arith.addf %mul3A_2315, %add3A_2329 : vector<1x512xf32>
    %sub3A_2332 = arith.subf %add3A_2330, %mul3A_2311 : vector<1x512xf32>
    %sub3A_2333 = arith.subf %add3A_2331, %mul3A_2315 : vector<1x512xf32>
    %mul3A_2334 = arith.mulf %sub3A_2332, %sub3A_2333 : vector<1x512xf32>
    %get3A_2335 = arith.constant 3584 : index
    %get3A_2336 = arith.constant 0 : index
    %get3A_2337 = vector.load %arg0[%get3A_2335, %get3A_2336] : memref<5120x4xf32, #tpu.memory_space<vmem>>, vector<512x4xf32>
    %slice3A_2338 = vector.extract_strided_slice %get3A_2337 {offsets = [0, 0], sizes = [512, 1], strides = [1, 1]} : vector<512x4xf32> to vector<512x1xf32>
    %mul3A_2339 = arith.constant 1.024000e+03 : f32
    %mul3A_2340 = vector.broadcast %mul3A_2339 : f32 to vector<512x1xf32>
    %mul3A_2341 = arith.mulf %slice3A_2338, %mul3A_2340 : vector<512x1xf32>
    %slice3A_2342 = vector.extract_strided_slice %get3A_2337 {offsets = [0, 1], sizes = [512, 1], strides = [1, 1]} : vector<512x4xf32> to vector<512x1xf32>
    %mul3A_2343 = arith.constant 1.024000e+03 : f32
    %mul3A_2344 = vector.broadcast %mul3A_2343 : f32 to vector<512x1xf32>
    %mul3A_2345 = arith.mulf %slice3A_2342, %mul3A_2344 : vector<512x1xf32>
    %slice3A_2346 = vector.extract_strided_slice %get3A_2337 {offsets = [0, 2], sizes = [512, 1], strides = [1, 1]} : vector<512x4xf32> to vector<512x1xf32>
    %mul3A_2347 = arith.constant 2.000000e+02 : f32
    %mul3A_2348 = vector.broadcast %mul3A_2347 : f32 to vector<512x1xf32>
    %mul3A_2349 = arith.mulf %slice3A_2346, %mul3A_2348 : vector<512x1xf32>
    %add3A_2350 = arith.constant 1.000000e+00 : f32
    %add3A_2351 = vector.broadcast %add3A_2350 : f32 to vector<512x1xf32>
    %add3A_2352 = arith.addf %mul3A_2349, %add3A_2351 : vector<512x1xf32>
    %slice3A_2353 = vector.extract_strided_slice %get3A_2337 {offsets = [0, 3], sizes = [512, 1], strides = [1, 1]} : vector<512x4xf32> to vector<512x1xf32>
    %mul3A_2354 = arith.constant 2.000000e+02 : f32
    %mul3A_2355 = vector.broadcast %mul3A_2354 : f32 to vector<512x1xf32>
    %mul3A_2356 = arith.mulf %slice3A_2353, %mul3A_2355 : vector<512x1xf32>
    %add3A_2357 = arith.constant 1.000000e+00 : f32
    %add3A_2358 = vector.broadcast %add3A_2357 : f32 to vector<512x1xf32>
    %add3A_2359 = arith.addf %mul3A_2356, %add3A_2358 : vector<512x1xf32>
    %add3A_2360 = arith.addf %mul3A_2341, %add3A_2352 : vector<512x1xf32>
    %add3A_2361 = arith.addf %mul3A_2345, %add3A_2359 : vector<512x1xf32>
    %sub3A_2362 = arith.subf %add3A_2360, %mul3A_2341 : vector<512x1xf32>
    %sub3A_2363 = arith.subf %add3A_2361, %mul3A_2345 : vector<512x1xf32>
    %mul3A_2364 = arith.mulf %sub3A_2362, %sub3A_2363 : vector<512x1xf32>
    %broadcast_in_dim3A_2365 = arith.constant 0.000000e+00 : f32
    %broadcast_in_dim3A_2366 = vector.broadcast %broadcast_in_dim3A_2365 : f32 to vector<512x1xf32>
    %get3A_2367 = arith.constant 0 : index
    %get3A_2368 = arith.constant 0 : index
    %get3A_2369 = vector.load %arg1[%get3A_2367, %get3A_2368] : memref<4x5120xf32, #tpu.memory_space<vmem>>, vector<4x512xf32>
    %slice3A_2370 = vector.extract_strided_slice %get3A_2369 {offsets = [0, 0], sizes = [1, 512], strides = [1, 1]} : vector<4x512xf32> to vector<1x512xf32>
    %mul3A_2371 = arith.constant 1.024000e+03 : f32
    %mul3A_2372 = vector.broadcast %mul3A_2371 : f32 to vector<1x512xf32>
    %mul3A_2373 = arith.mulf %slice3A_2370, %mul3A_2372 : vector<1x512xf32>
    %slice3A_2374 = vector.extract_strided_slice %get3A_2369 {offsets = [1, 0], sizes = [1, 512], strides = [1, 1]} : vector<4x512xf32> to vector<1x512xf32>
    %mul3A_2375 = arith.constant 1.024000e+03 : f32
    %mul3A_2376 = vector.broadcast %mul3A_2375 : f32 to vector<1x512xf32>
    %mul3A_2377 = arith.mulf %slice3A_2374, %mul3A_2376 : vector<1x512xf32>
    %slice3A_2378 = vector.extract_strided_slice %get3A_2369 {offsets = [2, 0], sizes = [1, 512], strides = [1, 1]} : vector<4x512xf32> to vector<1x512xf32>
    %mul3A_2379 = arith.constant 2.000000e+02 : f32
    %mul3A_2380 = vector.broadcast %mul3A_2379 : f32 to vector<1x512xf32>
    %mul3A_2381 = arith.mulf %slice3A_2378, %mul3A_2380 : vector<1x512xf32>
    %add3A_2382 = arith.constant 1.000000e+00 : f32
    %add3A_2383 = vector.broadcast %add3A_2382 : f32 to vector<1x512xf32>
    %add3A_2384 = arith.addf %mul3A_2381, %add3A_2383 : vector<1x512xf32>
    %slice3A_2385 = vector.extract_strided_slice %get3A_2369 {offsets = [3, 0], sizes = [1, 512], strides = [1, 1]} : vector<4x512xf32> to vector<1x512xf32>
    %mul3A_2386 = arith.constant 2.000000e+02 : f32
    %mul3A_2387 = vector.broadcast %mul3A_2386 : f32 to vector<1x512xf32>
    %mul3A_2388 = arith.mulf %slice3A_2385, %mul3A_2387 : vector<1x512xf32>
    %add3A_2389 = arith.constant 1.000000e+00 : f32
    %add3A_2390 = vector.broadcast %add3A_2389 : f32 to vector<1x512xf32>
    %add3A_2391 = arith.addf %mul3A_2388, %add3A_2390 : vector<1x512xf32>
    %add3A_2392 = arith.addf %mul3A_2373, %add3A_2384 : vector<1x512xf32>
    %add3A_2393 = arith.addf %mul3A_2377, %add3A_2391 : vector<1x512xf32>
    %sub3A_2394 = arith.subf %add3A_2392, %mul3A_2373 : vector<1x512xf32>
    %sub3A_2395 = arith.subf %add3A_2393, %mul3A_2377 : vector<1x512xf32>
    %mul3A_2396 = arith.mulf %sub3A_2394, %sub3A_2395 : vector<1x512xf32>
    %min3A_2397 = vector.broadcast %add3A_2360 : vector<512x1xf32> to vector<512x512xf32>
    %min3A_2398 = vector.broadcast %add3A_2392 : vector<1x512xf32> to vector<512x512xf32>
    %min3A_2399 = arith.minimumf %min3A_2397, %min3A_2398 : vector<512x512xf32>
    %max3A_2400 = vector.broadcast %mul3A_2341 : vector<512x1xf32> to vector<512x512xf32>
    %max3A_2401 = vector.broadcast %mul3A_2373 : vector<1x512xf32> to vector<512x512xf32>
    %max3A_2402 = arith.maximumf %max3A_2400, %max3A_2401 : vector<512x512xf32>
    %sub3A_2403 = arith.subf %min3A_2399, %max3A_2402 : vector<512x512xf32>
    %max3A_2404 = arith.constant 0.000000e+00 : f32
    %max3A_2405 = vector.broadcast %max3A_2404 : f32 to vector<512x512xf32>
    %max3A_2406 = arith.maximumf %sub3A_2403, %max3A_2405 : vector<512x512xf32>
    %min3A_2407 = vector.broadcast %add3A_2361 : vector<512x1xf32> to vector<512x512xf32>
    %min3A_2408 = vector.broadcast %add3A_2393 : vector<1x512xf32> to vector<512x512xf32>
    %min3A_2409 = arith.minimumf %min3A_2407, %min3A_2408 : vector<512x512xf32>
    %max3A_2410 = vector.broadcast %mul3A_2345 : vector<512x1xf32> to vector<512x512xf32>
    %max3A_2411 = vector.broadcast %mul3A_2377 : vector<1x512xf32> to vector<512x512xf32>
    %max3A_2412 = arith.maximumf %max3A_2410, %max3A_2411 : vector<512x512xf32>
    %sub3A_2413 = arith.subf %min3A_2409, %max3A_2412 : vector<512x512xf32>
    %max3A_2414 = arith.constant 0.000000e+00 : f32
    %max3A_2415 = vector.broadcast %max3A_2414 : f32 to vector<512x512xf32>
    %max3A_2416 = arith.maximumf %sub3A_2413, %max3A_2415 : vector<512x512xf32>
    %mul3A_2417 = arith.mulf %max3A_2406, %max3A_2416 : vector<512x512xf32>
    %add3A_2418 = vector.broadcast %mul3A_2364 : vector<512x1xf32> to vector<512x512xf32>
    %add3A_2419 = vector.broadcast %mul3A_2396 : vector<1x512xf32> to vector<512x512xf32>
    %add3A_2420 = arith.addf %add3A_2418, %add3A_2419 : vector<512x512xf32>
    %sub3A_2421 = arith.subf %add3A_2420, %mul3A_2417 : vector<512x512xf32>
    %max3A_2422 = arith.constant 9.99999971E-10 : f32
    %max3A_2423 = vector.broadcast %max3A_2422 : f32 to vector<512x512xf32>
    %max3A_2424 = arith.maximumf %sub3A_2421, %max3A_2423 : vector<512x512xf32>
    %div3A_2425 = arith.divf %mul3A_2417, %max3A_2424 : vector<512x512xf32>
    %gt3A_2426 = arith.constant 3.000000e-01 : f32
    %gt3A_2427 = vector.broadcast %gt3A_2426 : f32 to vector<512x512xf32>
    %gt3A_2428 = arith.cmpf ogt, %div3A_2425, %gt3A_2427 : vector<512x512xf32>
    %convert_element_type3A_2429 = arith.extui %gt3A_2428 : vector<512x512xi1> to vector<512x512xi32>
    %convert_element_type3A_2430 = arith.sitofp %convert_element_type3A_2429 : vector<512x512xi32> to vector<512x512xf32>
    %get3A_2431 = arith.constant 0 : index
    %get3A_2432 = arith.constant 0 : index
    %get3A_2433 = vector.load %arg5[%get3A_2431, %get3A_2432] : memref<5120x1xf32, #tpu.memory_space<vmem>>, vector<512x1xf32>
    %dot_general3A_2434 = arith.constant dense<0.000000e+00> : vector<512x1xf32>
    %dot_general3A_2435 = tpu.matmul %convert_element_type3A_2430, %get3A_2433, %dot_general3A_2434 {dimension_numbers = #tpu.dot_dimension_numbers<[1], [0], [0], [1], [0, 0, 1, 1], [], []>, transpose_lhs_hint = false} : vector<512x512xf32>, vector<512x1xf32>, vector<512x1xf32> -> vector<512x1xf32>
    %add3A_2436 = arith.addf %broadcast_in_dim3A_2366, %dot_general3A_2435 : vector<512x1xf32>
    %get3A_2437 = arith.constant 0 : index
    %get3A_2438 = arith.constant 512 : index
    %get3A_2439 = vector.load %arg1[%get3A_2437, %get3A_2438] : memref<4x5120xf32, #tpu.memory_space<vmem>>, vector<4x512xf32>
    %slice3A_2440 = vector.extract_strided_slice %get3A_2439 {offsets = [0, 0], sizes = [1, 512], strides = [1, 1]} : vector<4x512xf32> to vector<1x512xf32>
    %mul3A_2441 = arith.constant 1.024000e+03 : f32
    %mul3A_2442 = vector.broadcast %mul3A_2441 : f32 to vector<1x512xf32>
    %mul3A_2443 = arith.mulf %slice3A_2440, %mul3A_2442 : vector<1x512xf32>
    %slice3A_2444 = vector.extract_strided_slice %get3A_2439 {offsets = [1, 0], sizes = [1, 512], strides = [1, 1]} : vector<4x512xf32> to vector<1x512xf32>
    %mul3A_2445 = arith.constant 1.024000e+03 : f32
    %mul3A_2446 = vector.broadcast %mul3A_2445 : f32 to vector<1x512xf32>
    %mul3A_2447 = arith.mulf %slice3A_2444, %mul3A_2446 : vector<1x512xf32>
    %slice3A_2448 = vector.extract_strided_slice %get3A_2439 {offsets = [2, 0], sizes = [1, 512], strides = [1, 1]} : vector<4x512xf32> to vector<1x512xf32>
    %mul3A_2449 = arith.constant 2.000000e+02 : f32
    %mul3A_2450 = vector.broadcast %mul3A_2449 : f32 to vector<1x512xf32>
    %mul3A_2451 = arith.mulf %slice3A_2448, %mul3A_2450 : vector<1x512xf32>
    %add3A_2452 = arith.constant 1.000000e+00 : f32
    %add3A_2453 = vector.broadcast %add3A_2452 : f32 to vector<1x512xf32>
    %add3A_2454 = arith.addf %mul3A_2451, %add3A_2453 : vector<1x512xf32>
    %slice3A_2455 = vector.extract_strided_slice %get3A_2439 {offsets = [3, 0], sizes = [1, 512], strides = [1, 1]} : vector<4x512xf32> to vector<1x512xf32>
    %mul3A_2456 = arith.constant 2.000000e+02 : f32
    %mul3A_2457 = vector.broadcast %mul3A_2456 : f32 to vector<1x512xf32>
    %mul3A_2458 = arith.mulf %slice3A_2455, %mul3A_2457 : vector<1x512xf32>
    %add3A_2459 = arith.constant 1.000000e+00 : f32
    %add3A_2460 = vector.broadcast %add3A_2459 : f32 to vector<1x512xf32>
    %add3A_2461 = arith.addf %mul3A_2458, %add3A_2460 : vector<1x512xf32>
    %add3A_2462 = arith.addf %mul3A_2443, %add3A_2454 : vector<1x512xf32>
    %add3A_2463 = arith.addf %mul3A_2447, %add3A_2461 : vector<1x512xf32>
    %sub3A_2464 = arith.subf %add3A_2462, %mul3A_2443 : vector<1x512xf32>
    %sub3A_2465 = arith.subf %add3A_2463, %mul3A_2447 : vector<1x512xf32>
    %mul3A_2466 = arith.mulf %sub3A_2464, %sub3A_2465 : vector<1x512xf32>
    %min3A_2467 = vector.broadcast %add3A_2360 : vector<512x1xf32> to vector<512x512xf32>
    %min3A_2468 = vector.broadcast %add3A_2462 : vector<1x512xf32> to vector<512x512xf32>
    %min3A_2469 = arith.minimumf %min3A_2467, %min3A_2468 : vector<512x512xf32>
    %max3A_2470 = vector.broadcast %mul3A_2341 : vector<512x1xf32> to vector<512x512xf32>
    %max3A_2471 = vector.broadcast %mul3A_2443 : vector<1x512xf32> to vector<512x512xf32>
    %max3A_2472 = arith.maximumf %max3A_2470, %max3A_2471 : vector<512x512xf32>
    %sub3A_2473 = arith.subf %min3A_2469, %max3A_2472 : vector<512x512xf32>
    %max3A_2474 = arith.constant 0.000000e+00 : f32
    %max3A_2475 = vector.broadcast %max3A_2474 : f32 to vector<512x512xf32>
    %max3A_2476 = arith.maximumf %sub3A_2473, %max3A_2475 : vector<512x512xf32>
    %min3A_2477 = vector.broadcast %add3A_2361 : vector<512x1xf32> to vector<512x512xf32>
    %min3A_2478 = vector.broadcast %add3A_2463 : vector<1x512xf32> to vector<512x512xf32>
    %min3A_2479 = arith.minimumf %min3A_2477, %min3A_2478 : vector<512x512xf32>
    %max3A_2480 = vector.broadcast %mul3A_2345 : vector<512x1xf32> to vector<512x512xf32>
    %max3A_2481 = vector.broadcast %mul3A_2447 : vector<1x512xf32> to vector<512x512xf32>
    %max3A_2482 = arith.maximumf %max3A_2480, %max3A_2481 : vector<512x512xf32>
    %sub3A_2483 = arith.subf %min3A_2479, %max3A_2482 : vector<512x512xf32>
    %max3A_2484 = arith.constant 0.000000e+00 : f32
    %max3A_2485 = vector.broadcast %max3A_2484 : f32 to vector<512x512xf32>
    %max3A_2486 = arith.maximumf %sub3A_2483, %max3A_2485 : vector<512x512xf32>
    %mul3A_2487 = arith.mulf %max3A_2476, %max3A_2486 : vector<512x512xf32>
    %add3A_2488 = vector.broadcast %mul3A_2364 : vector<512x1xf32> to vector<512x512xf32>
    %add3A_2489 = vector.broadcast %mul3A_2466 : vector<1x512xf32> to vector<512x512xf32>
    %add3A_2490 = arith.addf %add3A_2488, %add3A_2489 : vector<512x512xf32>
    %sub3A_2491 = arith.subf %add3A_2490, %mul3A_2487 : vector<512x512xf32>
    %max3A_2492 = arith.constant 9.99999971E-10 : f32
    %max3A_2493 = vector.broadcast %max3A_2492 : f32 to vector<512x512xf32>
    %max3A_2494 = arith.maximumf %sub3A_2491, %max3A_2493 : vector<512x512xf32>
    %div3A_2495 = arith.divf %mul3A_2487, %max3A_2494 : vector<512x512xf32>
    %gt3A_2496 = arith.constant 3.000000e-01 : f32
    %gt3A_2497 = vector.broadcast %gt3A_2496 : f32 to vector<512x512xf32>
    %gt3A_2498 = arith.cmpf ogt, %div3A_2495, %gt3A_2497 : vector<512x512xf32>
    %convert_element_type3A_2499 = arith.extui %gt3A_2498 : vector<512x512xi1> to vector<512x512xi32>
    %convert_element_type3A_2500 = arith.sitofp %convert_element_type3A_2499 : vector<512x512xi32> to vector<512x512xf32>
    %get3A_2501 = arith.constant 512 : index
    %get3A_2502 = arith.constant 0 : index
    %get3A_2503 = vector.load %arg5[%get3A_2501, %get3A_2502] : memref<5120x1xf32, #tpu.memory_space<vmem>>, vector<512x1xf32>
    %dot_general3A_2504 = arith.constant dense<0.000000e+00> : vector<512x1xf32>
    %dot_general3A_2505 = tpu.matmul %convert_element_type3A_2500, %get3A_2503, %dot_general3A_2504 {dimension_numbers = #tpu.dot_dimension_numbers<[1], [0], [0], [1], [0, 0, 1, 1], [], []>, transpose_lhs_hint = false} : vector<512x512xf32>, vector<512x1xf32>, vector<512x1xf32> -> vector<512x1xf32>
    %add3A_2506 = arith.addf %add3A_2436, %dot_general3A_2505 : vector<512x1xf32>
    %get3A_2507 = arith.constant 0 : index
    %get3A_2508 = arith.constant 1024 : index
    %get3A_2509 = vector.load %arg1[%get3A_2507, %get3A_2508] : memref<4x5120xf32, #tpu.memory_space<vmem>>, vector<4x512xf32>
    %slice3A_2510 = vector.extract_strided_slice %get3A_2509 {offsets = [0, 0], sizes = [1, 512], strides = [1, 1]} : vector<4x512xf32> to vector<1x512xf32>
    %mul3A_2511 = arith.constant 1.024000e+03 : f32
    %mul3A_2512 = vector.broadcast %mul3A_2511 : f32 to vector<1x512xf32>
    %mul3A_2513 = arith.mulf %slice3A_2510, %mul3A_2512 : vector<1x512xf32>
    %slice3A_2514 = vector.extract_strided_slice %get3A_2509 {offsets = [1, 0], sizes = [1, 512], strides = [1, 1]} : vector<4x512xf32> to vector<1x512xf32>
    %mul3A_2515 = arith.constant 1.024000e+03 : f32
    %mul3A_2516 = vector.broadcast %mul3A_2515 : f32 to vector<1x512xf32>
    %mul3A_2517 = arith.mulf %slice3A_2514, %mul3A_2516 : vector<1x512xf32>
    %slice3A_2518 = vector.extract_strided_slice %get3A_2509 {offsets = [2, 0], sizes = [1, 512], strides = [1, 1]} : vector<4x512xf32> to vector<1x512xf32>
    %mul3A_2519 = arith.constant 2.000000e+02 : f32
    %mul3A_2520 = vector.broadcast %mul3A_2519 : f32 to vector<1x512xf32>
    %mul3A_2521 = arith.mulf %slice3A_2518, %mul3A_2520 : vector<1x512xf32>
    %add3A_2522 = arith.constant 1.000000e+00 : f32
    %add3A_2523 = vector.broadcast %add3A_2522 : f32 to vector<1x512xf32>
    %add3A_2524 = arith.addf %mul3A_2521, %add3A_2523 : vector<1x512xf32>
    %slice3A_2525 = vector.extract_strided_slice %get3A_2509 {offsets = [3, 0], sizes = [1, 512], strides = [1, 1]} : vector<4x512xf32> to vector<1x512xf32>
    %mul3A_2526 = arith.constant 2.000000e+02 : f32
    %mul3A_2527 = vector.broadcast %mul3A_2526 : f32 to vector<1x512xf32>
    %mul3A_2528 = arith.mulf %slice3A_2525, %mul3A_2527 : vector<1x512xf32>
    %add3A_2529 = arith.constant 1.000000e+00 : f32
    %add3A_2530 = vector.broadcast %add3A_2529 : f32 to vector<1x512xf32>
    %add3A_2531 = arith.addf %mul3A_2528, %add3A_2530 : vector<1x512xf32>
    %add3A_2532 = arith.addf %mul3A_2513, %add3A_2524 : vector<1x512xf32>
    %add3A_2533 = arith.addf %mul3A_2517, %add3A_2531 : vector<1x512xf32>
    %sub3A_2534 = arith.subf %add3A_2532, %mul3A_2513 : vector<1x512xf32>
    %sub3A_2535 = arith.subf %add3A_2533, %mul3A_2517 : vector<1x512xf32>
    %mul3A_2536 = arith.mulf %sub3A_2534, %sub3A_2535 : vector<1x512xf32>
    %min3A_2537 = vector.broadcast %add3A_2360 : vector<512x1xf32> to vector<512x512xf32>
    %min3A_2538 = vector.broadcast %add3A_2532 : vector<1x512xf32> to vector<512x512xf32>
    %min3A_2539 = arith.minimumf %min3A_2537, %min3A_2538 : vector<512x512xf32>
    %max3A_2540 = vector.broadcast %mul3A_2341 : vector<512x1xf32> to vector<512x512xf32>
    %max3A_2541 = vector.broadcast %mul3A_2513 : vector<1x512xf32> to vector<512x512xf32>
    %max3A_2542 = arith.maximumf %max3A_2540, %max3A_2541 : vector<512x512xf32>
    %sub3A_2543 = arith.subf %min3A_2539, %max3A_2542 : vector<512x512xf32>
    %max3A_2544 = arith.constant 0.000000e+00 : f32
    %max3A_2545 = vector.broadcast %max3A_2544 : f32 to vector<512x512xf32>
    %max3A_2546 = arith.maximumf %sub3A_2543, %max3A_2545 : vector<512x512xf32>
    %min3A_2547 = vector.broadcast %add3A_2361 : vector<512x1xf32> to vector<512x512xf32>
    %min3A_2548 = vector.broadcast %add3A_2533 : vector<1x512xf32> to vector<512x512xf32>
    %min3A_2549 = arith.minimumf %min3A_2547, %min3A_2548 : vector<512x512xf32>
    %max3A_2550 = vector.broadcast %mul3A_2345 : vector<512x1xf32> to vector<512x512xf32>
    %max3A_2551 = vector.broadcast %mul3A_2517 : vector<1x512xf32> to vector<512x512xf32>
    %max3A_2552 = arith.maximumf %max3A_2550, %max3A_2551 : vector<512x512xf32>
    %sub3A_2553 = arith.subf %min3A_2549, %max3A_2552 : vector<512x512xf32>
    %max3A_2554 = arith.constant 0.000000e+00 : f32
    %max3A_2555 = vector.broadcast %max3A_2554 : f32 to vector<512x512xf32>
    %max3A_2556 = arith.maximumf %sub3A_2553, %max3A_2555 : vector<512x512xf32>
    %mul3A_2557 = arith.mulf %max3A_2546, %max3A_2556 : vector<512x512xf32>
    %add3A_2558 = vector.broadcast %mul3A_2364 : vector<512x1xf32> to vector<512x512xf32>
    %add3A_2559 = vector.broadcast %mul3A_2536 : vector<1x512xf32> to vector<512x512xf32>
    %add3A_2560 = arith.addf %add3A_2558, %add3A_2559 : vector<512x512xf32>
    %sub3A_2561 = arith.subf %add3A_2560, %mul3A_2557 : vector<512x512xf32>
    %max3A_2562 = arith.constant 9.99999971E-10 : f32
    %max3A_2563 = vector.broadcast %max3A_2562 : f32 to vector<512x512xf32>
    %max3A_2564 = arith.maximumf %sub3A_2561, %max3A_2563 : vector<512x512xf32>
    %div3A_2565 = arith.divf %mul3A_2557, %max3A_2564 : vector<512x512xf32>
    %gt3A_2566 = arith.constant 3.000000e-01 : f32
    %gt3A_2567 = vector.broadcast %gt3A_2566 : f32 to vector<512x512xf32>
    %gt3A_2568 = arith.cmpf ogt, %div3A_2565, %gt3A_2567 : vector<512x512xf32>
    %convert_element_type3A_2569 = arith.extui %gt3A_2568 : vector<512x512xi1> to vector<512x512xi32>
    %convert_element_type3A_2570 = arith.sitofp %convert_element_type3A_2569 : vector<512x512xi32> to vector<512x512xf32>
    %get3A_2571 = arith.constant 1024 : index
    %get3A_2572 = arith.constant 0 : index
    %get3A_2573 = vector.load %arg5[%get3A_2571, %get3A_2572] : memref<5120x1xf32, #tpu.memory_space<vmem>>, vector<512x1xf32>
    %dot_general3A_2574 = arith.constant dense<0.000000e+00> : vector<512x1xf32>
    %dot_general3A_2575 = tpu.matmul %convert_element_type3A_2570, %get3A_2573, %dot_general3A_2574 {dimension_numbers = #tpu.dot_dimension_numbers<[1], [0], [0], [1], [0, 0, 1, 1], [], []>, transpose_lhs_hint = false} : vector<512x512xf32>, vector<512x1xf32>, vector<512x1xf32> -> vector<512x1xf32>
    %add3A_2576 = arith.addf %add3A_2506, %dot_general3A_2575 : vector<512x1xf32>
    %get3A_2577 = arith.constant 0 : index
    %get3A_2578 = arith.constant 1536 : index
    %get3A_2579 = vector.load %arg1[%get3A_2577, %get3A_2578] : memref<4x5120xf32, #tpu.memory_space<vmem>>, vector<4x512xf32>
    %slice3A_2580 = vector.extract_strided_slice %get3A_2579 {offsets = [0, 0], sizes = [1, 512], strides = [1, 1]} : vector<4x512xf32> to vector<1x512xf32>
    %mul3A_2581 = arith.constant 1.024000e+03 : f32
    %mul3A_2582 = vector.broadcast %mul3A_2581 : f32 to vector<1x512xf32>
    %mul3A_2583 = arith.mulf %slice3A_2580, %mul3A_2582 : vector<1x512xf32>
    %slice3A_2584 = vector.extract_strided_slice %get3A_2579 {offsets = [1, 0], sizes = [1, 512], strides = [1, 1]} : vector<4x512xf32> to vector<1x512xf32>
    %mul3A_2585 = arith.constant 1.024000e+03 : f32
    %mul3A_2586 = vector.broadcast %mul3A_2585 : f32 to vector<1x512xf32>
    %mul3A_2587 = arith.mulf %slice3A_2584, %mul3A_2586 : vector<1x512xf32>
    %slice3A_2588 = vector.extract_strided_slice %get3A_2579 {offsets = [2, 0], sizes = [1, 512], strides = [1, 1]} : vector<4x512xf32> to vector<1x512xf32>
    %mul3A_2589 = arith.constant 2.000000e+02 : f32
    %mul3A_2590 = vector.broadcast %mul3A_2589 : f32 to vector<1x512xf32>
    %mul3A_2591 = arith.mulf %slice3A_2588, %mul3A_2590 : vector<1x512xf32>
    %add3A_2592 = arith.constant 1.000000e+00 : f32
    %add3A_2593 = vector.broadcast %add3A_2592 : f32 to vector<1x512xf32>
    %add3A_2594 = arith.addf %mul3A_2591, %add3A_2593 : vector<1x512xf32>
    %slice3A_2595 = vector.extract_strided_slice %get3A_2579 {offsets = [3, 0], sizes = [1, 512], strides = [1, 1]} : vector<4x512xf32> to vector<1x512xf32>
    %mul3A_2596 = arith.constant 2.000000e+02 : f32
    %mul3A_2597 = vector.broadcast %mul3A_2596 : f32 to vector<1x512xf32>
    %mul3A_2598 = arith.mulf %slice3A_2595, %mul3A_2597 : vector<1x512xf32>
    %add3A_2599 = arith.constant 1.000000e+00 : f32
    %add3A_2600 = vector.broadcast %add3A_2599 : f32 to vector<1x512xf32>
    %add3A_2601 = arith.addf %mul3A_2598, %add3A_2600 : vector<1x512xf32>
    %add3A_2602 = arith.addf %mul3A_2583, %add3A_2594 : vector<1x512xf32>
    %add3A_2603 = arith.addf %mul3A_2587, %add3A_2601 : vector<1x512xf32>
    %sub3A_2604 = arith.subf %add3A_2602, %mul3A_2583 : vector<1x512xf32>
    %sub3A_2605 = arith.subf %add3A_2603, %mul3A_2587 : vector<1x512xf32>
    %mul3A_2606 = arith.mulf %sub3A_2604, %sub3A_2605 : vector<1x512xf32>
    %min3A_2607 = vector.broadcast %add3A_2360 : vector<512x1xf32> to vector<512x512xf32>
    %min3A_2608 = vector.broadcast %add3A_2602 : vector<1x512xf32> to vector<512x512xf32>
    %min3A_2609 = arith.minimumf %min3A_2607, %min3A_2608 : vector<512x512xf32>
    %max3A_2610 = vector.broadcast %mul3A_2341 : vector<512x1xf32> to vector<512x512xf32>
    %max3A_2611 = vector.broadcast %mul3A_2583 : vector<1x512xf32> to vector<512x512xf32>
    %max3A_2612 = arith.maximumf %max3A_2610, %max3A_2611 : vector<512x512xf32>
    %sub3A_2613 = arith.subf %min3A_2609, %max3A_2612 : vector<512x512xf32>
    %max3A_2614 = arith.constant 0.000000e+00 : f32
    %max3A_2615 = vector.broadcast %max3A_2614 : f32 to vector<512x512xf32>
    %max3A_2616 = arith.maximumf %sub3A_2613, %max3A_2615 : vector<512x512xf32>
    %min3A_2617 = vector.broadcast %add3A_2361 : vector<512x1xf32> to vector<512x512xf32>
    %min3A_2618 = vector.broadcast %add3A_2603 : vector<1x512xf32> to vector<512x512xf32>
    %min3A_2619 = arith.minimumf %min3A_2617, %min3A_2618 : vector<512x512xf32>
    %max3A_2620 = vector.broadcast %mul3A_2345 : vector<512x1xf32> to vector<512x512xf32>
    %max3A_2621 = vector.broadcast %mul3A_2587 : vector<1x512xf32> to vector<512x512xf32>
    %max3A_2622 = arith.maximumf %max3A_2620, %max3A_2621 : vector<512x512xf32>
    %sub3A_2623 = arith.subf %min3A_2619, %max3A_2622 : vector<512x512xf32>
    %max3A_2624 = arith.constant 0.000000e+00 : f32
    %max3A_2625 = vector.broadcast %max3A_2624 : f32 to vector<512x512xf32>
    %max3A_2626 = arith.maximumf %sub3A_2623, %max3A_2625 : vector<512x512xf32>
    %mul3A_2627 = arith.mulf %max3A_2616, %max3A_2626 : vector<512x512xf32>
    %add3A_2628 = vector.broadcast %mul3A_2364 : vector<512x1xf32> to vector<512x512xf32>
    %add3A_2629 = vector.broadcast %mul3A_2606 : vector<1x512xf32> to vector<512x512xf32>
    %add3A_2630 = arith.addf %add3A_2628, %add3A_2629 : vector<512x512xf32>
    %sub3A_2631 = arith.subf %add3A_2630, %mul3A_2627 : vector<512x512xf32>
    %max3A_2632 = arith.constant 9.99999971E-10 : f32
    %max3A_2633 = vector.broadcast %max3A_2632 : f32 to vector<512x512xf32>
    %max3A_2634 = arith.maximumf %sub3A_2631, %max3A_2633 : vector<512x512xf32>
    %div3A_2635 = arith.divf %mul3A_2627, %max3A_2634 : vector<512x512xf32>
    %gt3A_2636 = arith.constant 3.000000e-01 : f32
    %gt3A_2637 = vector.broadcast %gt3A_2636 : f32 to vector<512x512xf32>
    %gt3A_2638 = arith.cmpf ogt, %div3A_2635, %gt3A_2637 : vector<512x512xf32>
    %convert_element_type3A_2639 = arith.extui %gt3A_2638 : vector<512x512xi1> to vector<512x512xi32>
    %convert_element_type3A_2640 = arith.sitofp %convert_element_type3A_2639 : vector<512x512xi32> to vector<512x512xf32>
    %get3A_2641 = arith.constant 1536 : index
    %get3A_2642 = arith.constant 0 : index
    %get3A_2643 = vector.load %arg5[%get3A_2641, %get3A_2642] : memref<5120x1xf32, #tpu.memory_space<vmem>>, vector<512x1xf32>
    %dot_general3A_2644 = arith.constant dense<0.000000e+00> : vector<512x1xf32>
    %dot_general3A_2645 = tpu.matmul %convert_element_type3A_2640, %get3A_2643, %dot_general3A_2644 {dimension_numbers = #tpu.dot_dimension_numbers<[1], [0], [0], [1], [0, 0, 1, 1], [], []>, transpose_lhs_hint = false} : vector<512x512xf32>, vector<512x1xf32>, vector<512x1xf32> -> vector<512x1xf32>
    %add3A_2646 = arith.addf %add3A_2576, %dot_general3A_2645 : vector<512x1xf32>
    %get3A_2647 = arith.constant 0 : index
    %get3A_2648 = arith.constant 2048 : index
    %get3A_2649 = vector.load %arg1[%get3A_2647, %get3A_2648] : memref<4x5120xf32, #tpu.memory_space<vmem>>, vector<4x512xf32>
    %slice3A_2650 = vector.extract_strided_slice %get3A_2649 {offsets = [0, 0], sizes = [1, 512], strides = [1, 1]} : vector<4x512xf32> to vector<1x512xf32>
    %mul3A_2651 = arith.constant 1.024000e+03 : f32
    %mul3A_2652 = vector.broadcast %mul3A_2651 : f32 to vector<1x512xf32>
    %mul3A_2653 = arith.mulf %slice3A_2650, %mul3A_2652 : vector<1x512xf32>
    %slice3A_2654 = vector.extract_strided_slice %get3A_2649 {offsets = [1, 0], sizes = [1, 512], strides = [1, 1]} : vector<4x512xf32> to vector<1x512xf32>
    %mul3A_2655 = arith.constant 1.024000e+03 : f32
    %mul3A_2656 = vector.broadcast %mul3A_2655 : f32 to vector<1x512xf32>
    %mul3A_2657 = arith.mulf %slice3A_2654, %mul3A_2656 : vector<1x512xf32>
    %slice3A_2658 = vector.extract_strided_slice %get3A_2649 {offsets = [2, 0], sizes = [1, 512], strides = [1, 1]} : vector<4x512xf32> to vector<1x512xf32>
    %mul3A_2659 = arith.constant 2.000000e+02 : f32
    %mul3A_2660 = vector.broadcast %mul3A_2659 : f32 to vector<1x512xf32>
    %mul3A_2661 = arith.mulf %slice3A_2658, %mul3A_2660 : vector<1x512xf32>
    %add3A_2662 = arith.constant 1.000000e+00 : f32
    %add3A_2663 = vector.broadcast %add3A_2662 : f32 to vector<1x512xf32>
    %add3A_2664 = arith.addf %mul3A_2661, %add3A_2663 : vector<1x512xf32>
    %slice3A_2665 = vector.extract_strided_slice %get3A_2649 {offsets = [3, 0], sizes = [1, 512], strides = [1, 1]} : vector<4x512xf32> to vector<1x512xf32>
    %mul3A_2666 = arith.constant 2.000000e+02 : f32
    %mul3A_2667 = vector.broadcast %mul3A_2666 : f32 to vector<1x512xf32>
    %mul3A_2668 = arith.mulf %slice3A_2665, %mul3A_2667 : vector<1x512xf32>
    %add3A_2669 = arith.constant 1.000000e+00 : f32
    %add3A_2670 = vector.broadcast %add3A_2669 : f32 to vector<1x512xf32>
    %add3A_2671 = arith.addf %mul3A_2668, %add3A_2670 : vector<1x512xf32>
    %add3A_2672 = arith.addf %mul3A_2653, %add3A_2664 : vector<1x512xf32>
    %add3A_2673 = arith.addf %mul3A_2657, %add3A_2671 : vector<1x512xf32>
    %sub3A_2674 = arith.subf %add3A_2672, %mul3A_2653 : vector<1x512xf32>
    %sub3A_2675 = arith.subf %add3A_2673, %mul3A_2657 : vector<1x512xf32>
    %mul3A_2676 = arith.mulf %sub3A_2674, %sub3A_2675 : vector<1x512xf32>
    %min3A_2677 = vector.broadcast %add3A_2360 : vector<512x1xf32> to vector<512x512xf32>
    %min3A_2678 = vector.broadcast %add3A_2672 : vector<1x512xf32> to vector<512x512xf32>
    %min3A_2679 = arith.minimumf %min3A_2677, %min3A_2678 : vector<512x512xf32>
    %max3A_2680 = vector.broadcast %mul3A_2341 : vector<512x1xf32> to vector<512x512xf32>
    %max3A_2681 = vector.broadcast %mul3A_2653 : vector<1x512xf32> to vector<512x512xf32>
    %max3A_2682 = arith.maximumf %max3A_2680, %max3A_2681 : vector<512x512xf32>
    %sub3A_2683 = arith.subf %min3A_2679, %max3A_2682 : vector<512x512xf32>
    %max3A_2684 = arith.constant 0.000000e+00 : f32
    %max3A_2685 = vector.broadcast %max3A_2684 : f32 to vector<512x512xf32>
    %max3A_2686 = arith.maximumf %sub3A_2683, %max3A_2685 : vector<512x512xf32>
    %min3A_2687 = vector.broadcast %add3A_2361 : vector<512x1xf32> to vector<512x512xf32>
    %min3A_2688 = vector.broadcast %add3A_2673 : vector<1x512xf32> to vector<512x512xf32>
    %min3A_2689 = arith.minimumf %min3A_2687, %min3A_2688 : vector<512x512xf32>
    %max3A_2690 = vector.broadcast %mul3A_2345 : vector<512x1xf32> to vector<512x512xf32>
    %max3A_2691 = vector.broadcast %mul3A_2657 : vector<1x512xf32> to vector<512x512xf32>
    %max3A_2692 = arith.maximumf %max3A_2690, %max3A_2691 : vector<512x512xf32>
    %sub3A_2693 = arith.subf %min3A_2689, %max3A_2692 : vector<512x512xf32>
    %max3A_2694 = arith.constant 0.000000e+00 : f32
    %max3A_2695 = vector.broadcast %max3A_2694 : f32 to vector<512x512xf32>
    %max3A_2696 = arith.maximumf %sub3A_2693, %max3A_2695 : vector<512x512xf32>
    %mul3A_2697 = arith.mulf %max3A_2686, %max3A_2696 : vector<512x512xf32>
    %add3A_2698 = vector.broadcast %mul3A_2364 : vector<512x1xf32> to vector<512x512xf32>
    %add3A_2699 = vector.broadcast %mul3A_2676 : vector<1x512xf32> to vector<512x512xf32>
    %add3A_2700 = arith.addf %add3A_2698, %add3A_2699 : vector<512x512xf32>
    %sub3A_2701 = arith.subf %add3A_2700, %mul3A_2697 : vector<512x512xf32>
    %max3A_2702 = arith.constant 9.99999971E-10 : f32
    %max3A_2703 = vector.broadcast %max3A_2702 : f32 to vector<512x512xf32>
    %max3A_2704 = arith.maximumf %sub3A_2701, %max3A_2703 : vector<512x512xf32>
    %div3A_2705 = arith.divf %mul3A_2697, %max3A_2704 : vector<512x512xf32>
    %gt3A_2706 = arith.constant 3.000000e-01 : f32
    %gt3A_2707 = vector.broadcast %gt3A_2706 : f32 to vector<512x512xf32>
    %gt3A_2708 = arith.cmpf ogt, %div3A_2705, %gt3A_2707 : vector<512x512xf32>
    %convert_element_type3A_2709 = arith.extui %gt3A_2708 : vector<512x512xi1> to vector<512x512xi32>
    %convert_element_type3A_2710 = arith.sitofp %convert_element_type3A_2709 : vector<512x512xi32> to vector<512x512xf32>
    %get3A_2711 = arith.constant 2048 : index
    %get3A_2712 = arith.constant 0 : index
    %get3A_2713 = vector.load %arg5[%get3A_2711, %get3A_2712] : memref<5120x1xf32, #tpu.memory_space<vmem>>, vector<512x1xf32>
    %dot_general3A_2714 = arith.constant dense<0.000000e+00> : vector<512x1xf32>
    %dot_general3A_2715 = tpu.matmul %convert_element_type3A_2710, %get3A_2713, %dot_general3A_2714 {dimension_numbers = #tpu.dot_dimension_numbers<[1], [0], [0], [1], [0, 0, 1, 1], [], []>, transpose_lhs_hint = false} : vector<512x512xf32>, vector<512x1xf32>, vector<512x1xf32> -> vector<512x1xf32>
    %add3A_2716 = arith.addf %add3A_2646, %dot_general3A_2715 : vector<512x1xf32>
    %get3A_2717 = arith.constant 0 : index
    %get3A_2718 = arith.constant 2560 : index
    %get3A_2719 = vector.load %arg1[%get3A_2717, %get3A_2718] : memref<4x5120xf32, #tpu.memory_space<vmem>>, vector<4x512xf32>
    %slice3A_2720 = vector.extract_strided_slice %get3A_2719 {offsets = [0, 0], sizes = [1, 512], strides = [1, 1]} : vector<4x512xf32> to vector<1x512xf32>
    %mul3A_2721 = arith.constant 1.024000e+03 : f32
    %mul3A_2722 = vector.broadcast %mul3A_2721 : f32 to vector<1x512xf32>
    %mul3A_2723 = arith.mulf %slice3A_2720, %mul3A_2722 : vector<1x512xf32>
    %slice3A_2724 = vector.extract_strided_slice %get3A_2719 {offsets = [1, 0], sizes = [1, 512], strides = [1, 1]} : vector<4x512xf32> to vector<1x512xf32>
    %mul3A_2725 = arith.constant 1.024000e+03 : f32
    %mul3A_2726 = vector.broadcast %mul3A_2725 : f32 to vector<1x512xf32>
    %mul3A_2727 = arith.mulf %slice3A_2724, %mul3A_2726 : vector<1x512xf32>
    %slice3A_2728 = vector.extract_strided_slice %get3A_2719 {offsets = [2, 0], sizes = [1, 512], strides = [1, 1]} : vector<4x512xf32> to vector<1x512xf32>
    %mul3A_2729 = arith.constant 2.000000e+02 : f32
    %mul3A_2730 = vector.broadcast %mul3A_2729 : f32 to vector<1x512xf32>
    %mul3A_2731 = arith.mulf %slice3A_2728, %mul3A_2730 : vector<1x512xf32>
    %add3A_2732 = arith.constant 1.000000e+00 : f32
    %add3A_2733 = vector.broadcast %add3A_2732 : f32 to vector<1x512xf32>
    %add3A_2734 = arith.addf %mul3A_2731, %add3A_2733 : vector<1x512xf32>
    %slice3A_2735 = vector.extract_strided_slice %get3A_2719 {offsets = [3, 0], sizes = [1, 512], strides = [1, 1]} : vector<4x512xf32> to vector<1x512xf32>
    %mul3A_2736 = arith.constant 2.000000e+02 : f32
    %mul3A_2737 = vector.broadcast %mul3A_2736 : f32 to vector<1x512xf32>
    %mul3A_2738 = arith.mulf %slice3A_2735, %mul3A_2737 : vector<1x512xf32>
    %add3A_2739 = arith.constant 1.000000e+00 : f32
    %add3A_2740 = vector.broadcast %add3A_2739 : f32 to vector<1x512xf32>
    %add3A_2741 = arith.addf %mul3A_2738, %add3A_2740 : vector<1x512xf32>
    %add3A_2742 = arith.addf %mul3A_2723, %add3A_2734 : vector<1x512xf32>
    %add3A_2743 = arith.addf %mul3A_2727, %add3A_2741 : vector<1x512xf32>
    %sub3A_2744 = arith.subf %add3A_2742, %mul3A_2723 : vector<1x512xf32>
    %sub3A_2745 = arith.subf %add3A_2743, %mul3A_2727 : vector<1x512xf32>
    %mul3A_2746 = arith.mulf %sub3A_2744, %sub3A_2745 : vector<1x512xf32>
    %min3A_2747 = vector.broadcast %add3A_2360 : vector<512x1xf32> to vector<512x512xf32>
    %min3A_2748 = vector.broadcast %add3A_2742 : vector<1x512xf32> to vector<512x512xf32>
    %min3A_2749 = arith.minimumf %min3A_2747, %min3A_2748 : vector<512x512xf32>
    %max3A_2750 = vector.broadcast %mul3A_2341 : vector<512x1xf32> to vector<512x512xf32>
    %max3A_2751 = vector.broadcast %mul3A_2723 : vector<1x512xf32> to vector<512x512xf32>
    %max3A_2752 = arith.maximumf %max3A_2750, %max3A_2751 : vector<512x512xf32>
    %sub3A_2753 = arith.subf %min3A_2749, %max3A_2752 : vector<512x512xf32>
    %max3A_2754 = arith.constant 0.000000e+00 : f32
    %max3A_2755 = vector.broadcast %max3A_2754 : f32 to vector<512x512xf32>
    %max3A_2756 = arith.maximumf %sub3A_2753, %max3A_2755 : vector<512x512xf32>
    %min3A_2757 = vector.broadcast %add3A_2361 : vector<512x1xf32> to vector<512x512xf32>
    %min3A_2758 = vector.broadcast %add3A_2743 : vector<1x512xf32> to vector<512x512xf32>
    %min3A_2759 = arith.minimumf %min3A_2757, %min3A_2758 : vector<512x512xf32>
    %max3A_2760 = vector.broadcast %mul3A_2345 : vector<512x1xf32> to vector<512x512xf32>
    %max3A_2761 = vector.broadcast %mul3A_2727 : vector<1x512xf32> to vector<512x512xf32>
    %max3A_2762 = arith.maximumf %max3A_2760, %max3A_2761 : vector<512x512xf32>
    %sub3A_2763 = arith.subf %min3A_2759, %max3A_2762 : vector<512x512xf32>
    %max3A_2764 = arith.constant 0.000000e+00 : f32
    %max3A_2765 = vector.broadcast %max3A_2764 : f32 to vector<512x512xf32>
    %max3A_2766 = arith.maximumf %sub3A_2763, %max3A_2765 : vector<512x512xf32>
    %mul3A_2767 = arith.mulf %max3A_2756, %max3A_2766 : vector<512x512xf32>
    %add3A_2768 = vector.broadcast %mul3A_2364 : vector<512x1xf32> to vector<512x512xf32>
    %add3A_2769 = vector.broadcast %mul3A_2746 : vector<1x512xf32> to vector<512x512xf32>
    %add3A_2770 = arith.addf %add3A_2768, %add3A_2769 : vector<512x512xf32>
    %sub3A_2771 = arith.subf %add3A_2770, %mul3A_2767 : vector<512x512xf32>
    %max3A_2772 = arith.constant 9.99999971E-10 : f32
    %max3A_2773 = vector.broadcast %max3A_2772 : f32 to vector<512x512xf32>
    %max3A_2774 = arith.maximumf %sub3A_2771, %max3A_2773 : vector<512x512xf32>
    %div3A_2775 = arith.divf %mul3A_2767, %max3A_2774 : vector<512x512xf32>
    %gt3A_2776 = arith.constant 3.000000e-01 : f32
    %gt3A_2777 = vector.broadcast %gt3A_2776 : f32 to vector<512x512xf32>
    %gt3A_2778 = arith.cmpf ogt, %div3A_2775, %gt3A_2777 : vector<512x512xf32>
    %convert_element_type3A_2779 = arith.extui %gt3A_2778 : vector<512x512xi1> to vector<512x512xi32>
    %convert_element_type3A_2780 = arith.sitofp %convert_element_type3A_2779 : vector<512x512xi32> to vector<512x512xf32>
    %get3A_2781 = arith.constant 2560 : index
    %get3A_2782 = arith.constant 0 : index
    %get3A_2783 = vector.load %arg5[%get3A_2781, %get3A_2782] : memref<5120x1xf32, #tpu.memory_space<vmem>>, vector<512x1xf32>
    %dot_general3A_2784 = arith.constant dense<0.000000e+00> : vector<512x1xf32>
    %dot_general3A_2785 = tpu.matmul %convert_element_type3A_2780, %get3A_2783, %dot_general3A_2784 {dimension_numbers = #tpu.dot_dimension_numbers<[1], [0], [0], [1], [0, 0, 1, 1], [], []>, transpose_lhs_hint = false} : vector<512x512xf32>, vector<512x1xf32>, vector<512x1xf32> -> vector<512x1xf32>
    %add3A_2786 = arith.addf %add3A_2716, %dot_general3A_2785 : vector<512x1xf32>
    %get3A_2787 = arith.constant 0 : index
    %get3A_2788 = arith.constant 3072 : index
    %get3A_2789 = vector.load %arg1[%get3A_2787, %get3A_2788] : memref<4x5120xf32, #tpu.memory_space<vmem>>, vector<4x512xf32>
    %slice3A_2790 = vector.extract_strided_slice %get3A_2789 {offsets = [0, 0], sizes = [1, 512], strides = [1, 1]} : vector<4x512xf32> to vector<1x512xf32>
    %mul3A_2791 = arith.constant 1.024000e+03 : f32
    %mul3A_2792 = vector.broadcast %mul3A_2791 : f32 to vector<1x512xf32>
    %mul3A_2793 = arith.mulf %slice3A_2790, %mul3A_2792 : vector<1x512xf32>
    %slice3A_2794 = vector.extract_strided_slice %get3A_2789 {offsets = [1, 0], sizes = [1, 512], strides = [1, 1]} : vector<4x512xf32> to vector<1x512xf32>
    %mul3A_2795 = arith.constant 1.024000e+03 : f32
    %mul3A_2796 = vector.broadcast %mul3A_2795 : f32 to vector<1x512xf32>
    %mul3A_2797 = arith.mulf %slice3A_2794, %mul3A_2796 : vector<1x512xf32>
    %slice3A_2798 = vector.extract_strided_slice %get3A_2789 {offsets = [2, 0], sizes = [1, 512], strides = [1, 1]} : vector<4x512xf32> to vector<1x512xf32>
    %mul3A_2799 = arith.constant 2.000000e+02 : f32
    %mul3A_2800 = vector.broadcast %mul3A_2799 : f32 to vector<1x512xf32>
    %mul3A_2801 = arith.mulf %slice3A_2798, %mul3A_2800 : vector<1x512xf32>
    %add3A_2802 = arith.constant 1.000000e+00 : f32
    %add3A_2803 = vector.broadcast %add3A_2802 : f32 to vector<1x512xf32>
    %add3A_2804 = arith.addf %mul3A_2801, %add3A_2803 : vector<1x512xf32>
    %slice3A_2805 = vector.extract_strided_slice %get3A_2789 {offsets = [3, 0], sizes = [1, 512], strides = [1, 1]} : vector<4x512xf32> to vector<1x512xf32>
    %mul3A_2806 = arith.constant 2.000000e+02 : f32
    %mul3A_2807 = vector.broadcast %mul3A_2806 : f32 to vector<1x512xf32>
    %mul3A_2808 = arith.mulf %slice3A_2805, %mul3A_2807 : vector<1x512xf32>
    %add3A_2809 = arith.constant 1.000000e+00 : f32
    %add3A_2810 = vector.broadcast %add3A_2809 : f32 to vector<1x512xf32>
    %add3A_2811 = arith.addf %mul3A_2808, %add3A_2810 : vector<1x512xf32>
    %add3A_2812 = arith.addf %mul3A_2793, %add3A_2804 : vector<1x512xf32>
    %add3A_2813 = arith.addf %mul3A_2797, %add3A_2811 : vector<1x512xf32>
    %sub3A_2814 = arith.subf %add3A_2812, %mul3A_2793 : vector<1x512xf32>
    %sub3A_2815 = arith.subf %add3A_2813, %mul3A_2797 : vector<1x512xf32>
    %mul3A_2816 = arith.mulf %sub3A_2814, %sub3A_2815 : vector<1x512xf32>
    %min3A_2817 = vector.broadcast %add3A_2360 : vector<512x1xf32> to vector<512x512xf32>
    %min3A_2818 = vector.broadcast %add3A_2812 : vector<1x512xf32> to vector<512x512xf32>
    %min3A_2819 = arith.minimumf %min3A_2817, %min3A_2818 : vector<512x512xf32>
    %max3A_2820 = vector.broadcast %mul3A_2341 : vector<512x1xf32> to vector<512x512xf32>
    %max3A_2821 = vector.broadcast %mul3A_2793 : vector<1x512xf32> to vector<512x512xf32>
    %max3A_2822 = arith.maximumf %max3A_2820, %max3A_2821 : vector<512x512xf32>
    %sub3A_2823 = arith.subf %min3A_2819, %max3A_2822 : vector<512x512xf32>
    %max3A_2824 = arith.constant 0.000000e+00 : f32
    %max3A_2825 = vector.broadcast %max3A_2824 : f32 to vector<512x512xf32>
    %max3A_2826 = arith.maximumf %sub3A_2823, %max3A_2825 : vector<512x512xf32>
    %min3A_2827 = vector.broadcast %add3A_2361 : vector<512x1xf32> to vector<512x512xf32>
    %min3A_2828 = vector.broadcast %add3A_2813 : vector<1x512xf32> to vector<512x512xf32>
    %min3A_2829 = arith.minimumf %min3A_2827, %min3A_2828 : vector<512x512xf32>
    %max3A_2830 = vector.broadcast %mul3A_2345 : vector<512x1xf32> to vector<512x512xf32>
    %max3A_2831 = vector.broadcast %mul3A_2797 : vector<1x512xf32> to vector<512x512xf32>
    %max3A_2832 = arith.maximumf %max3A_2830, %max3A_2831 : vector<512x512xf32>
    %sub3A_2833 = arith.subf %min3A_2829, %max3A_2832 : vector<512x512xf32>
    %max3A_2834 = arith.constant 0.000000e+00 : f32
    %max3A_2835 = vector.broadcast %max3A_2834 : f32 to vector<512x512xf32>
    %max3A_2836 = arith.maximumf %sub3A_2833, %max3A_2835 : vector<512x512xf32>
    %mul3A_2837 = arith.mulf %max3A_2826, %max3A_2836 : vector<512x512xf32>
    %add3A_2838 = vector.broadcast %mul3A_2364 : vector<512x1xf32> to vector<512x512xf32>
    %add3A_2839 = vector.broadcast %mul3A_2816 : vector<1x512xf32> to vector<512x512xf32>
    %add3A_2840 = arith.addf %add3A_2838, %add3A_2839 : vector<512x512xf32>
    %sub3A_2841 = arith.subf %add3A_2840, %mul3A_2837 : vector<512x512xf32>
    %max3A_2842 = arith.constant 9.99999971E-10 : f32
    %max3A_2843 = vector.broadcast %max3A_2842 : f32 to vector<512x512xf32>
    %max3A_2844 = arith.maximumf %sub3A_2841, %max3A_2843 : vector<512x512xf32>
    %div3A_2845 = arith.divf %mul3A_2837, %max3A_2844 : vector<512x512xf32>
    %gt3A_2846 = arith.constant 3.000000e-01 : f32
    %gt3A_2847 = vector.broadcast %gt3A_2846 : f32 to vector<512x512xf32>
    %gt3A_2848 = arith.cmpf ogt, %div3A_2845, %gt3A_2847 : vector<512x512xf32>
    %convert_element_type3A_2849 = arith.extui %gt3A_2848 : vector<512x512xi1> to vector<512x512xi32>
    %convert_element_type3A_2850 = arith.sitofp %convert_element_type3A_2849 : vector<512x512xi32> to vector<512x512xf32>
    %get3A_2851 = arith.constant 3072 : index
    %get3A_2852 = arith.constant 0 : index
    %get3A_2853 = vector.load %arg5[%get3A_2851, %get3A_2852] : memref<5120x1xf32, #tpu.memory_space<vmem>>, vector<512x1xf32>
    %dot_general3A_2854 = arith.constant dense<0.000000e+00> : vector<512x1xf32>
    %dot_general3A_2855 = tpu.matmul %convert_element_type3A_2850, %get3A_2853, %dot_general3A_2854 {dimension_numbers = #tpu.dot_dimension_numbers<[1], [0], [0], [1], [0, 0, 1, 1], [], []>, transpose_lhs_hint = false} : vector<512x512xf32>, vector<512x1xf32>, vector<512x1xf32> -> vector<512x1xf32>
    %add3A_2856 = arith.addf %add3A_2786, %dot_general3A_2855 : vector<512x1xf32>
    %min3A_2857 = vector.broadcast %add3A_2360 : vector<512x1xf32> to vector<512x512xf32>
    %min3A_2858 = vector.broadcast %add3A_2330 : vector<1x512xf32> to vector<512x512xf32>
    %min3A_2859 = arith.minimumf %min3A_2857, %min3A_2858 : vector<512x512xf32>
    %max3A_2860 = vector.broadcast %mul3A_2341 : vector<512x1xf32> to vector<512x512xf32>
    %max3A_2861 = vector.broadcast %mul3A_2311 : vector<1x512xf32> to vector<512x512xf32>
    %max3A_2862 = arith.maximumf %max3A_2860, %max3A_2861 : vector<512x512xf32>
    %sub3A_2863 = arith.subf %min3A_2859, %max3A_2862 : vector<512x512xf32>
    %max3A_2864 = arith.constant 0.000000e+00 : f32
    %max3A_2865 = vector.broadcast %max3A_2864 : f32 to vector<512x512xf32>
    %max3A_2866 = arith.maximumf %sub3A_2863, %max3A_2865 : vector<512x512xf32>
    %min3A_2867 = vector.broadcast %add3A_2361 : vector<512x1xf32> to vector<512x512xf32>
    %min3A_2868 = vector.broadcast %add3A_2331 : vector<1x512xf32> to vector<512x512xf32>
    %min3A_2869 = arith.minimumf %min3A_2867, %min3A_2868 : vector<512x512xf32>
    %max3A_2870 = vector.broadcast %mul3A_2345 : vector<512x1xf32> to vector<512x512xf32>
    %max3A_2871 = vector.broadcast %mul3A_2315 : vector<1x512xf32> to vector<512x512xf32>
    %max3A_2872 = arith.maximumf %max3A_2870, %max3A_2871 : vector<512x512xf32>
    %sub3A_2873 = arith.subf %min3A_2869, %max3A_2872 : vector<512x512xf32>
    %max3A_2874 = arith.constant 0.000000e+00 : f32
    %max3A_2875 = vector.broadcast %max3A_2874 : f32 to vector<512x512xf32>
    %max3A_2876 = arith.maximumf %sub3A_2873, %max3A_2875 : vector<512x512xf32>
    %mul3A_2877 = arith.mulf %max3A_2866, %max3A_2876 : vector<512x512xf32>
    %add3A_2878 = vector.broadcast %mul3A_2364 : vector<512x1xf32> to vector<512x512xf32>
    %add3A_2879 = vector.broadcast %mul3A_2334 : vector<1x512xf32> to vector<512x512xf32>
    %add3A_2880 = arith.addf %add3A_2878, %add3A_2879 : vector<512x512xf32>
    %sub3A_2881 = arith.subf %add3A_2880, %mul3A_2877 : vector<512x512xf32>
    %max3A_2882 = arith.constant 9.99999971E-10 : f32
    %max3A_2883 = vector.broadcast %max3A_2882 : f32 to vector<512x512xf32>
    %max3A_2884 = arith.maximumf %sub3A_2881, %max3A_2883 : vector<512x512xf32>
    %div3A_2885 = arith.divf %mul3A_2877, %max3A_2884 : vector<512x512xf32>
    %gt3A_2886 = arith.constant 3.000000e-01 : f32
    %gt3A_2887 = vector.broadcast %gt3A_2886 : f32 to vector<512x512xf32>
    %gt3A_2888 = arith.cmpf ogt, %div3A_2885, %gt3A_2887 : vector<512x512xf32>
    %convert_element_type3A_2889 = arith.extui %gt3A_2888 : vector<512x512xi1> to vector<512x512xi32>
    %convert_element_type3A_2890 = arith.sitofp %convert_element_type3A_2889 : vector<512x512xi32> to vector<512x512xf32>
    %iota3A_2891 = tpu.iota {dimensions = array<i32: 0>} : vector<512x512xi32>
    %iota3A_2892 = tpu.iota {dimensions = array<i32: 1>} : vector<512x512xi32>
    %lt3A_2893 = arith.cmpi slt, %iota3A_2892, %iota3A_2891 : vector<512x512xi32>
    %jit3A_2894 = arith.constant 0.000000e+00 : f32
    %broadcast_in_dim3A_2895 = vector.broadcast %jit3A_2894 : f32 to vector<512x512xf32>
    %select_n3A_2896 = arith.select %lt3A_2893, %convert_element_type3A_2890, %broadcast_in_dim3A_2895 : vector<512x512xi1>, vector<512x512xf32>
    %get3A_2897 = arith.constant 3584 : index
    %get3A_2898 = arith.constant 0 : index
    %get3A_2899 = vector.load %arg2[%get3A_2897, %get3A_2898] : memref<5120x1xf32, #tpu.memory_space<vmem>>, vector<512x1xf32>
    %gt3A_2900 = arith.constant 5.000000e-02 : f32
    %gt3A_2901 = vector.broadcast %gt3A_2900 : f32 to vector<512x1xf32>
    %gt3A_2902 = arith.cmpf ogt, %get3A_2899, %gt3A_2901 : vector<512x1xf32>
    %lt3A_2903 = arith.constant 5.000000e-01 : f32
    %lt3A_2904 = vector.broadcast %lt3A_2903 : f32 to vector<512x1xf32>
    %lt3A_2905 = arith.cmpf olt, %add3A_2856, %lt3A_2904 : vector<512x1xf32>
    %and3A_2906 = arith.andi %gt3A_2902, %lt3A_2905 : vector<512x1xi1>
    %convert_element_type3A_2907 = arith.extui %and3A_2906 : vector<512x1xi1> to vector<512x1xi32>
    %convert_element_type3A_2908 = arith.sitofp %convert_element_type3A_2907 : vector<512x1xi32> to vector<512x1xf32>
    %sub3A_2909 = arith.constant 2.000000e+00 : f32
    %sub3A_2910 = vector.broadcast %sub3A_2909 : f32 to vector<512x1xf32>
    %sub3A_2911 = arith.subf %convert_element_type3A_2908, %sub3A_2910 : vector<512x1xf32>
    %while3A_2912 = arith.constant 0 : i32
    %while3A_2913:3 = scf.while (%while3A_4874 = %sub3A_2911, %while3A_4875 = %convert_element_type3A_2908, %while3A_4876 = %while3A_2912) : (vector<512x1xf32>, vector<512x1xf32>, i32) -> (vector<512x1xf32>, vector<512x1xf32>, i32) {
      %lt3A_4877 = arith.constant 514 : i32
      %lt3A_4878 = arith.cmpi slt, %while3A_4876, %lt3A_4877 : i32
      %ne3A = arith.cmpf one, %while3A_4874, %while3A_4875 : vector<512x1xf32>
      %reduce_or3A = arith.constant 1.000000e+00 : f32
      %reduce_or3A_4879 = arith.constant 0.000000e+00 : f32
      %reduce_or3A_4880 = vector.broadcast %reduce_or3A : f32 to vector<512x1xf32>
      %reduce_or3A_4881 = vector.broadcast %reduce_or3A_4879 : f32 to vector<512x1xf32>
      %reduce_or3A_4882 = arith.select %ne3A, %reduce_or3A_4880, %reduce_or3A_4881 : vector<512x1xi1>, vector<512x1xf32>
      %reduce_or3A_4883 = vector.shape_cast %reduce_or3A_4882 : vector<512x1xf32> to vector<1x512x1xf32>
      %reduce_or3A_4884 = arith.constant dense<0xFF800000> : vector<1xf32>
      %reduce_or3A_4885 = vector.multi_reduction <maximumf>, %reduce_or3A_4883, %reduce_or3A_4884 [1, 2] : vector<1x512x1xf32> to vector<1xf32>
      %reduce_or3A_4886 = vector.shape_cast %reduce_or3A_4885 : vector<1xf32> to vector<1x1x1xf32>
      %reduce_or3A_4887 = vector.extract %reduce_or3A_4886[0, 0, 0] : f32 from vector<1x1x1xf32>
      %reduce_or3A_4888 = arith.constant 0.000000e+00 : f32
      %reduce_or3A_4889 = arith.cmpf ogt, %reduce_or3A_4887, %reduce_or3A_4888 : f32
      %and3A_4890 = arith.andi %lt3A_4878, %reduce_or3A_4889 : i1
      scf.condition(%and3A_4890) %while3A_4874, %while3A_4875, %while3A_4876 : vector<512x1xf32>, vector<512x1xf32>, i32
    } do {
    ^bb0(%while3A_4874: vector<512x1xf32>, %while3A_4875: vector<512x1xf32>, %while3A_4876: i32):
      %dot_general3A_4877 = arith.constant dense<0.000000e+00> : vector<512x1xf32>
      %dot_general3A_4878 = tpu.matmul %select_n3A_2896, %while3A_4875, %dot_general3A_4877 {dimension_numbers = #tpu.dot_dimension_numbers<[1], [0], [0], [1], [0, 0, 1, 1], [], []>, transpose_lhs_hint = false} : vector<512x512xf32>, vector<512x1xf32>, vector<512x1xf32> -> vector<512x1xf32>
      %lt3A_4879 = arith.constant 5.000000e-01 : f32
      %lt3A_4880 = vector.broadcast %lt3A_4879 : f32 to vector<512x1xf32>
      %lt3A_4881 = arith.cmpf olt, %dot_general3A_4878, %lt3A_4880 : vector<512x1xf32>
      %convert_element_type3A_4882 = arith.extui %lt3A_4881 : vector<512x1xi1> to vector<512x1xi32>
      %convert_element_type3A_4883 = arith.sitofp %convert_element_type3A_4882 : vector<512x1xi32> to vector<512x1xf32>
      %mul3A_4884 = arith.mulf %convert_element_type3A_2908, %convert_element_type3A_4883 : vector<512x1xf32>
      %add3A_4885 = arith.constant 1 : i32
      %add3A_4886 = arith.addi %while3A_4876, %add3A_4885 : i32
      scf.yield %while3A_4875, %mul3A_4884, %add3A_4886 : vector<512x1xf32>, vector<512x1xf32>, i32
    }
    %swap3A_2914 = arith.constant 3584 : index
    %swap3A_2915 = arith.constant 0 : index
    %swap3A_2916 = vector.load %arg5[%swap3A_2914, %swap3A_2915] : memref<5120x1xf32, #tpu.memory_space<vmem>>, vector<512x1xf32>
    tpu.vector_store %arg5[%swap3A_2914, %swap3A_2915], %while3A_2913#1 {strides = array<i32>} : memref<5120x1xf32, #tpu.memory_space<vmem>>, vector<512x1xf32>,
    %get3A_2917 = arith.constant 0 : index
    %get3A_2918 = arith.constant 4096 : index
    %get3A_2919 = vector.load %arg1[%get3A_2917, %get3A_2918] : memref<4x5120xf32, #tpu.memory_space<vmem>>, vector<4x512xf32>
    %slice3A_2920 = vector.extract_strided_slice %get3A_2919 {offsets = [0, 0], sizes = [1, 512], strides = [1, 1]} : vector<4x512xf32> to vector<1x512xf32>
    %mul3A_2921 = arith.constant 1.024000e+03 : f32
    %mul3A_2922 = vector.broadcast %mul3A_2921 : f32 to vector<1x512xf32>
    %mul3A_2923 = arith.mulf %slice3A_2920, %mul3A_2922 : vector<1x512xf32>
    %slice3A_2924 = vector.extract_strided_slice %get3A_2919 {offsets = [1, 0], sizes = [1, 512], strides = [1, 1]} : vector<4x512xf32> to vector<1x512xf32>
    %mul3A_2925 = arith.constant 1.024000e+03 : f32
    %mul3A_2926 = vector.broadcast %mul3A_2925 : f32 to vector<1x512xf32>
    %mul3A_2927 = arith.mulf %slice3A_2924, %mul3A_2926 : vector<1x512xf32>
    %slice3A_2928 = vector.extract_strided_slice %get3A_2919 {offsets = [2, 0], sizes = [1, 512], strides = [1, 1]} : vector<4x512xf32> to vector<1x512xf32>
    %mul3A_2929 = arith.constant 2.000000e+02 : f32
    %mul3A_2930 = vector.broadcast %mul3A_2929 : f32 to vector<1x512xf32>
    %mul3A_2931 = arith.mulf %slice3A_2928, %mul3A_2930 : vector<1x512xf32>
    %add3A_2932 = arith.constant 1.000000e+00 : f32
    %add3A_2933 = vector.broadcast %add3A_2932 : f32 to vector<1x512xf32>
    %add3A_2934 = arith.addf %mul3A_2931, %add3A_2933 : vector<1x512xf32>
    %slice3A_2935 = vector.extract_strided_slice %get3A_2919 {offsets = [3, 0], sizes = [1, 512], strides = [1, 1]} : vector<4x512xf32> to vector<1x512xf32>
    %mul3A_2936 = arith.constant 2.000000e+02 : f32
    %mul3A_2937 = vector.broadcast %mul3A_2936 : f32 to vector<1x512xf32>
    %mul3A_2938 = arith.mulf %slice3A_2935, %mul3A_2937 : vector<1x512xf32>
    %add3A_2939 = arith.constant 1.000000e+00 : f32
    %add3A_2940 = vector.broadcast %add3A_2939 : f32 to vector<1x512xf32>
    %add3A_2941 = arith.addf %mul3A_2938, %add3A_2940 : vector<1x512xf32>
    %add3A_2942 = arith.addf %mul3A_2923, %add3A_2934 : vector<1x512xf32>
    %add3A_2943 = arith.addf %mul3A_2927, %add3A_2941 : vector<1x512xf32>
    %sub3A_2944 = arith.subf %add3A_2942, %mul3A_2923 : vector<1x512xf32>
    %sub3A_2945 = arith.subf %add3A_2943, %mul3A_2927 : vector<1x512xf32>
    %mul3A_2946 = arith.mulf %sub3A_2944, %sub3A_2945 : vector<1x512xf32>
    %get3A_2947 = arith.constant 4096 : index
    %get3A_2948 = arith.constant 0 : index
    %get3A_2949 = vector.load %arg0[%get3A_2947, %get3A_2948] : memref<5120x4xf32, #tpu.memory_space<vmem>>, vector<512x4xf32>
    %slice3A_2950 = vector.extract_strided_slice %get3A_2949 {offsets = [0, 0], sizes = [512, 1], strides = [1, 1]} : vector<512x4xf32> to vector<512x1xf32>
    %mul3A_2951 = arith.constant 1.024000e+03 : f32
    %mul3A_2952 = vector.broadcast %mul3A_2951 : f32 to vector<512x1xf32>
    %mul3A_2953 = arith.mulf %slice3A_2950, %mul3A_2952 : vector<512x1xf32>
    %slice3A_2954 = vector.extract_strided_slice %get3A_2949 {offsets = [0, 1], sizes = [512, 1], strides = [1, 1]} : vector<512x4xf32> to vector<512x1xf32>
    %mul3A_2955 = arith.constant 1.024000e+03 : f32
    %mul3A_2956 = vector.broadcast %mul3A_2955 : f32 to vector<512x1xf32>
    %mul3A_2957 = arith.mulf %slice3A_2954, %mul3A_2956 : vector<512x1xf32>
    %slice3A_2958 = vector.extract_strided_slice %get3A_2949 {offsets = [0, 2], sizes = [512, 1], strides = [1, 1]} : vector<512x4xf32> to vector<512x1xf32>
    %mul3A_2959 = arith.constant 2.000000e+02 : f32
    %mul3A_2960 = vector.broadcast %mul3A_2959 : f32 to vector<512x1xf32>
    %mul3A_2961 = arith.mulf %slice3A_2958, %mul3A_2960 : vector<512x1xf32>
    %add3A_2962 = arith.constant 1.000000e+00 : f32
    %add3A_2963 = vector.broadcast %add3A_2962 : f32 to vector<512x1xf32>
    %add3A_2964 = arith.addf %mul3A_2961, %add3A_2963 : vector<512x1xf32>
    %slice3A_2965 = vector.extract_strided_slice %get3A_2949 {offsets = [0, 3], sizes = [512, 1], strides = [1, 1]} : vector<512x4xf32> to vector<512x1xf32>
    %mul3A_2966 = arith.constant 2.000000e+02 : f32
    %mul3A_2967 = vector.broadcast %mul3A_2966 : f32 to vector<512x1xf32>
    %mul3A_2968 = arith.mulf %slice3A_2965, %mul3A_2967 : vector<512x1xf32>
    %add3A_2969 = arith.constant 1.000000e+00 : f32
    %add3A_2970 = vector.broadcast %add3A_2969 : f32 to vector<512x1xf32>
    %add3A_2971 = arith.addf %mul3A_2968, %add3A_2970 : vector<512x1xf32>
    %add3A_2972 = arith.addf %mul3A_2953, %add3A_2964 : vector<512x1xf32>
    %add3A_2973 = arith.addf %mul3A_2957, %add3A_2971 : vector<512x1xf32>
    %sub3A_2974 = arith.subf %add3A_2972, %mul3A_2953 : vector<512x1xf32>
    %sub3A_2975 = arith.subf %add3A_2973, %mul3A_2957 : vector<512x1xf32>
    %mul3A_2976 = arith.mulf %sub3A_2974, %sub3A_2975 : vector<512x1xf32>
    %broadcast_in_dim3A_2977 = arith.constant 0.000000e+00 : f32
    %broadcast_in_dim3A_2978 = vector.broadcast %broadcast_in_dim3A_2977 : f32 to vector<512x1xf32>
    %get3A_2979 = arith.constant 0 : index
    %get3A_2980 = arith.constant 0 : index
    %get3A_2981 = vector.load %arg1[%get3A_2979, %get3A_2980] : memref<4x5120xf32, #tpu.memory_space<vmem>>, vector<4x512xf32>
    %slice3A_2982 = vector.extract_strided_slice %get3A_2981 {offsets = [0, 0], sizes = [1, 512], strides = [1, 1]} : vector<4x512xf32> to vector<1x512xf32>
    %mul3A_2983 = arith.constant 1.024000e+03 : f32
    %mul3A_2984 = vector.broadcast %mul3A_2983 : f32 to vector<1x512xf32>
    %mul3A_2985 = arith.mulf %slice3A_2982, %mul3A_2984 : vector<1x512xf32>
    %slice3A_2986 = vector.extract_strided_slice %get3A_2981 {offsets = [1, 0], sizes = [1, 512], strides = [1, 1]} : vector<4x512xf32> to vector<1x512xf32>
    %mul3A_2987 = arith.constant 1.024000e+03 : f32
    %mul3A_2988 = vector.broadcast %mul3A_2987 : f32 to vector<1x512xf32>
    %mul3A_2989 = arith.mulf %slice3A_2986, %mul3A_2988 : vector<1x512xf32>
    %slice3A_2990 = vector.extract_strided_slice %get3A_2981 {offsets = [2, 0], sizes = [1, 512], strides = [1, 1]} : vector<4x512xf32> to vector<1x512xf32>
    %mul3A_2991 = arith.constant 2.000000e+02 : f32
    %mul3A_2992 = vector.broadcast %mul3A_2991 : f32 to vector<1x512xf32>
    %mul3A_2993 = arith.mulf %slice3A_2990, %mul3A_2992 : vector<1x512xf32>
    %add3A_2994 = arith.constant 1.000000e+00 : f32
    %add3A_2995 = vector.broadcast %add3A_2994 : f32 to vector<1x512xf32>
    %add3A_2996 = arith.addf %mul3A_2993, %add3A_2995 : vector<1x512xf32>
    %slice3A_2997 = vector.extract_strided_slice %get3A_2981 {offsets = [3, 0], sizes = [1, 512], strides = [1, 1]} : vector<4x512xf32> to vector<1x512xf32>
    %mul3A_2998 = arith.constant 2.000000e+02 : f32
    %mul3A_2999 = vector.broadcast %mul3A_2998 : f32 to vector<1x512xf32>
    %mul3A_3000 = arith.mulf %slice3A_2997, %mul3A_2999 : vector<1x512xf32>
    %add3A_3001 = arith.constant 1.000000e+00 : f32
    %add3A_3002 = vector.broadcast %add3A_3001 : f32 to vector<1x512xf32>
    %add3A_3003 = arith.addf %mul3A_3000, %add3A_3002 : vector<1x512xf32>
    %add3A_3004 = arith.addf %mul3A_2985, %add3A_2996 : vector<1x512xf32>
    %add3A_3005 = arith.addf %mul3A_2989, %add3A_3003 : vector<1x512xf32>
    %sub3A_3006 = arith.subf %add3A_3004, %mul3A_2985 : vector<1x512xf32>
    %sub3A_3007 = arith.subf %add3A_3005, %mul3A_2989 : vector<1x512xf32>
    %mul3A_3008 = arith.mulf %sub3A_3006, %sub3A_3007 : vector<1x512xf32>
    %min3A_3009 = vector.broadcast %add3A_2972 : vector<512x1xf32> to vector<512x512xf32>
    %min3A_3010 = vector.broadcast %add3A_3004 : vector<1x512xf32> to vector<512x512xf32>
    %min3A_3011 = arith.minimumf %min3A_3009, %min3A_3010 : vector<512x512xf32>
    %max3A_3012 = vector.broadcast %mul3A_2953 : vector<512x1xf32> to vector<512x512xf32>
    %max3A_3013 = vector.broadcast %mul3A_2985 : vector<1x512xf32> to vector<512x512xf32>
    %max3A_3014 = arith.maximumf %max3A_3012, %max3A_3013 : vector<512x512xf32>
    %sub3A_3015 = arith.subf %min3A_3011, %max3A_3014 : vector<512x512xf32>
    %max3A_3016 = arith.constant 0.000000e+00 : f32
    %max3A_3017 = vector.broadcast %max3A_3016 : f32 to vector<512x512xf32>
    %max3A_3018 = arith.maximumf %sub3A_3015, %max3A_3017 : vector<512x512xf32>
    %min3A_3019 = vector.broadcast %add3A_2973 : vector<512x1xf32> to vector<512x512xf32>
    %min3A_3020 = vector.broadcast %add3A_3005 : vector<1x512xf32> to vector<512x512xf32>
    %min3A_3021 = arith.minimumf %min3A_3019, %min3A_3020 : vector<512x512xf32>
    %max3A_3022 = vector.broadcast %mul3A_2957 : vector<512x1xf32> to vector<512x512xf32>
    %max3A_3023 = vector.broadcast %mul3A_2989 : vector<1x512xf32> to vector<512x512xf32>
    %max3A_3024 = arith.maximumf %max3A_3022, %max3A_3023 : vector<512x512xf32>
    %sub3A_3025 = arith.subf %min3A_3021, %max3A_3024 : vector<512x512xf32>
    %max3A_3026 = arith.constant 0.000000e+00 : f32
    %max3A_3027 = vector.broadcast %max3A_3026 : f32 to vector<512x512xf32>
    %max3A_3028 = arith.maximumf %sub3A_3025, %max3A_3027 : vector<512x512xf32>
    %mul3A_3029 = arith.mulf %max3A_3018, %max3A_3028 : vector<512x512xf32>
    %add3A_3030 = vector.broadcast %mul3A_2976 : vector<512x1xf32> to vector<512x512xf32>
    %add3A_3031 = vector.broadcast %mul3A_3008 : vector<1x512xf32> to vector<512x512xf32>
    %add3A_3032 = arith.addf %add3A_3030, %add3A_3031 : vector<512x512xf32>
    %sub3A_3033 = arith.subf %add3A_3032, %mul3A_3029 : vector<512x512xf32>
    %max3A_3034 = arith.constant 9.99999971E-10 : f32
    %max3A_3035 = vector.broadcast %max3A_3034 : f32 to vector<512x512xf32>
    %max3A_3036 = arith.maximumf %sub3A_3033, %max3A_3035 : vector<512x512xf32>
    %div3A_3037 = arith.divf %mul3A_3029, %max3A_3036 : vector<512x512xf32>
    %gt3A_3038 = arith.constant 3.000000e-01 : f32
    %gt3A_3039 = vector.broadcast %gt3A_3038 : f32 to vector<512x512xf32>
    %gt3A_3040 = arith.cmpf ogt, %div3A_3037, %gt3A_3039 : vector<512x512xf32>
    %convert_element_type3A_3041 = arith.extui %gt3A_3040 : vector<512x512xi1> to vector<512x512xi32>
    %convert_element_type3A_3042 = arith.sitofp %convert_element_type3A_3041 : vector<512x512xi32> to vector<512x512xf32>
    %get3A_3043 = arith.constant 0 : index
    %get3A_3044 = arith.constant 0 : index
    %get3A_3045 = vector.load %arg5[%get3A_3043, %get3A_3044] : memref<5120x1xf32, #tpu.memory_space<vmem>>, vector<512x1xf32>
    %dot_general3A_3046 = arith.constant dense<0.000000e+00> : vector<512x1xf32>
    %dot_general3A_3047 = tpu.matmul %convert_element_type3A_3042, %get3A_3045, %dot_general3A_3046 {dimension_numbers = #tpu.dot_dimension_numbers<[1], [0], [0], [1], [0, 0, 1, 1], [], []>, transpose_lhs_hint = false} : vector<512x512xf32>, vector<512x1xf32>, vector<512x1xf32> -> vector<512x1xf32>
    %add3A_3048 = arith.addf %broadcast_in_dim3A_2978, %dot_general3A_3047 : vector<512x1xf32>
    %get3A_3049 = arith.constant 0 : index
    %get3A_3050 = arith.constant 512 : index
    %get3A_3051 = vector.load %arg1[%get3A_3049, %get3A_3050] : memref<4x5120xf32, #tpu.memory_space<vmem>>, vector<4x512xf32>
    %slice3A_3052 = vector.extract_strided_slice %get3A_3051 {offsets = [0, 0], sizes = [1, 512], strides = [1, 1]} : vector<4x512xf32> to vector<1x512xf32>
    %mul3A_3053 = arith.constant 1.024000e+03 : f32
    %mul3A_3054 = vector.broadcast %mul3A_3053 : f32 to vector<1x512xf32>
    %mul3A_3055 = arith.mulf %slice3A_3052, %mul3A_3054 : vector<1x512xf32>
    %slice3A_3056 = vector.extract_strided_slice %get3A_3051 {offsets = [1, 0], sizes = [1, 512], strides = [1, 1]} : vector<4x512xf32> to vector<1x512xf32>
    %mul3A_3057 = arith.constant 1.024000e+03 : f32
    %mul3A_3058 = vector.broadcast %mul3A_3057 : f32 to vector<1x512xf32>
    %mul3A_3059 = arith.mulf %slice3A_3056, %mul3A_3058 : vector<1x512xf32>
    %slice3A_3060 = vector.extract_strided_slice %get3A_3051 {offsets = [2, 0], sizes = [1, 512], strides = [1, 1]} : vector<4x512xf32> to vector<1x512xf32>
    %mul3A_3061 = arith.constant 2.000000e+02 : f32
    %mul3A_3062 = vector.broadcast %mul3A_3061 : f32 to vector<1x512xf32>
    %mul3A_3063 = arith.mulf %slice3A_3060, %mul3A_3062 : vector<1x512xf32>
    %add3A_3064 = arith.constant 1.000000e+00 : f32
    %add3A_3065 = vector.broadcast %add3A_3064 : f32 to vector<1x512xf32>
    %add3A_3066 = arith.addf %mul3A_3063, %add3A_3065 : vector<1x512xf32>
    %slice3A_3067 = vector.extract_strided_slice %get3A_3051 {offsets = [3, 0], sizes = [1, 512], strides = [1, 1]} : vector<4x512xf32> to vector<1x512xf32>
    %mul3A_3068 = arith.constant 2.000000e+02 : f32
    %mul3A_3069 = vector.broadcast %mul3A_3068 : f32 to vector<1x512xf32>
    %mul3A_3070 = arith.mulf %slice3A_3067, %mul3A_3069 : vector<1x512xf32>
    %add3A_3071 = arith.constant 1.000000e+00 : f32
    %add3A_3072 = vector.broadcast %add3A_3071 : f32 to vector<1x512xf32>
    %add3A_3073 = arith.addf %mul3A_3070, %add3A_3072 : vector<1x512xf32>
    %add3A_3074 = arith.addf %mul3A_3055, %add3A_3066 : vector<1x512xf32>
    %add3A_3075 = arith.addf %mul3A_3059, %add3A_3073 : vector<1x512xf32>
    %sub3A_3076 = arith.subf %add3A_3074, %mul3A_3055 : vector<1x512xf32>
    %sub3A_3077 = arith.subf %add3A_3075, %mul3A_3059 : vector<1x512xf32>
    %mul3A_3078 = arith.mulf %sub3A_3076, %sub3A_3077 : vector<1x512xf32>
    %min3A_3079 = vector.broadcast %add3A_2972 : vector<512x1xf32> to vector<512x512xf32>
    %min3A_3080 = vector.broadcast %add3A_3074 : vector<1x512xf32> to vector<512x512xf32>
    %min3A_3081 = arith.minimumf %min3A_3079, %min3A_3080 : vector<512x512xf32>
    %max3A_3082 = vector.broadcast %mul3A_2953 : vector<512x1xf32> to vector<512x512xf32>
    %max3A_3083 = vector.broadcast %mul3A_3055 : vector<1x512xf32> to vector<512x512xf32>
    %max3A_3084 = arith.maximumf %max3A_3082, %max3A_3083 : vector<512x512xf32>
    %sub3A_3085 = arith.subf %min3A_3081, %max3A_3084 : vector<512x512xf32>
    %max3A_3086 = arith.constant 0.000000e+00 : f32
    %max3A_3087 = vector.broadcast %max3A_3086 : f32 to vector<512x512xf32>
    %max3A_3088 = arith.maximumf %sub3A_3085, %max3A_3087 : vector<512x512xf32>
    %min3A_3089 = vector.broadcast %add3A_2973 : vector<512x1xf32> to vector<512x512xf32>
    %min3A_3090 = vector.broadcast %add3A_3075 : vector<1x512xf32> to vector<512x512xf32>
    %min3A_3091 = arith.minimumf %min3A_3089, %min3A_3090 : vector<512x512xf32>
    %max3A_3092 = vector.broadcast %mul3A_2957 : vector<512x1xf32> to vector<512x512xf32>
    %max3A_3093 = vector.broadcast %mul3A_3059 : vector<1x512xf32> to vector<512x512xf32>
    %max3A_3094 = arith.maximumf %max3A_3092, %max3A_3093 : vector<512x512xf32>
    %sub3A_3095 = arith.subf %min3A_3091, %max3A_3094 : vector<512x512xf32>
    %max3A_3096 = arith.constant 0.000000e+00 : f32
    %max3A_3097 = vector.broadcast %max3A_3096 : f32 to vector<512x512xf32>
    %max3A_3098 = arith.maximumf %sub3A_3095, %max3A_3097 : vector<512x512xf32>
    %mul3A_3099 = arith.mulf %max3A_3088, %max3A_3098 : vector<512x512xf32>
    %add3A_3100 = vector.broadcast %mul3A_2976 : vector<512x1xf32> to vector<512x512xf32>
    %add3A_3101 = vector.broadcast %mul3A_3078 : vector<1x512xf32> to vector<512x512xf32>
    %add3A_3102 = arith.addf %add3A_3100, %add3A_3101 : vector<512x512xf32>
    %sub3A_3103 = arith.subf %add3A_3102, %mul3A_3099 : vector<512x512xf32>
    %max3A_3104 = arith.constant 9.99999971E-10 : f32
    %max3A_3105 = vector.broadcast %max3A_3104 : f32 to vector<512x512xf32>
    %max3A_3106 = arith.maximumf %sub3A_3103, %max3A_3105 : vector<512x512xf32>
    %div3A_3107 = arith.divf %mul3A_3099, %max3A_3106 : vector<512x512xf32>
    %gt3A_3108 = arith.constant 3.000000e-01 : f32
    %gt3A_3109 = vector.broadcast %gt3A_3108 : f32 to vector<512x512xf32>
    %gt3A_3110 = arith.cmpf ogt, %div3A_3107, %gt3A_3109 : vector<512x512xf32>
    %convert_element_type3A_3111 = arith.extui %gt3A_3110 : vector<512x512xi1> to vector<512x512xi32>
    %convert_element_type3A_3112 = arith.sitofp %convert_element_type3A_3111 : vector<512x512xi32> to vector<512x512xf32>
    %get3A_3113 = arith.constant 512 : index
    %get3A_3114 = arith.constant 0 : index
    %get3A_3115 = vector.load %arg5[%get3A_3113, %get3A_3114] : memref<5120x1xf32, #tpu.memory_space<vmem>>, vector<512x1xf32>
    %dot_general3A_3116 = arith.constant dense<0.000000e+00> : vector<512x1xf32>
    %dot_general3A_3117 = tpu.matmul %convert_element_type3A_3112, %get3A_3115, %dot_general3A_3116 {dimension_numbers = #tpu.dot_dimension_numbers<[1], [0], [0], [1], [0, 0, 1, 1], [], []>, transpose_lhs_hint = false} : vector<512x512xf32>, vector<512x1xf32>, vector<512x1xf32> -> vector<512x1xf32>
    %add3A_3118 = arith.addf %add3A_3048, %dot_general3A_3117 : vector<512x1xf32>
    %get3A_3119 = arith.constant 0 : index
    %get3A_3120 = arith.constant 1024 : index
    %get3A_3121 = vector.load %arg1[%get3A_3119, %get3A_3120] : memref<4x5120xf32, #tpu.memory_space<vmem>>, vector<4x512xf32>
    %slice3A_3122 = vector.extract_strided_slice %get3A_3121 {offsets = [0, 0], sizes = [1, 512], strides = [1, 1]} : vector<4x512xf32> to vector<1x512xf32>
    %mul3A_3123 = arith.constant 1.024000e+03 : f32
    %mul3A_3124 = vector.broadcast %mul3A_3123 : f32 to vector<1x512xf32>
    %mul3A_3125 = arith.mulf %slice3A_3122, %mul3A_3124 : vector<1x512xf32>
    %slice3A_3126 = vector.extract_strided_slice %get3A_3121 {offsets = [1, 0], sizes = [1, 512], strides = [1, 1]} : vector<4x512xf32> to vector<1x512xf32>
    %mul3A_3127 = arith.constant 1.024000e+03 : f32
    %mul3A_3128 = vector.broadcast %mul3A_3127 : f32 to vector<1x512xf32>
    %mul3A_3129 = arith.mulf %slice3A_3126, %mul3A_3128 : vector<1x512xf32>
    %slice3A_3130 = vector.extract_strided_slice %get3A_3121 {offsets = [2, 0], sizes = [1, 512], strides = [1, 1]} : vector<4x512xf32> to vector<1x512xf32>
    %mul3A_3131 = arith.constant 2.000000e+02 : f32
    %mul3A_3132 = vector.broadcast %mul3A_3131 : f32 to vector<1x512xf32>
    %mul3A_3133 = arith.mulf %slice3A_3130, %mul3A_3132 : vector<1x512xf32>
    %add3A_3134 = arith.constant 1.000000e+00 : f32
    %add3A_3135 = vector.broadcast %add3A_3134 : f32 to vector<1x512xf32>
    %add3A_3136 = arith.addf %mul3A_3133, %add3A_3135 : vector<1x512xf32>
    %slice3A_3137 = vector.extract_strided_slice %get3A_3121 {offsets = [3, 0], sizes = [1, 512], strides = [1, 1]} : vector<4x512xf32> to vector<1x512xf32>
    %mul3A_3138 = arith.constant 2.000000e+02 : f32
    %mul3A_3139 = vector.broadcast %mul3A_3138 : f32 to vector<1x512xf32>
    %mul3A_3140 = arith.mulf %slice3A_3137, %mul3A_3139 : vector<1x512xf32>
    %add3A_3141 = arith.constant 1.000000e+00 : f32
    %add3A_3142 = vector.broadcast %add3A_3141 : f32 to vector<1x512xf32>
    %add3A_3143 = arith.addf %mul3A_3140, %add3A_3142 : vector<1x512xf32>
    %add3A_3144 = arith.addf %mul3A_3125, %add3A_3136 : vector<1x512xf32>
    %add3A_3145 = arith.addf %mul3A_3129, %add3A_3143 : vector<1x512xf32>
    %sub3A_3146 = arith.subf %add3A_3144, %mul3A_3125 : vector<1x512xf32>
    %sub3A_3147 = arith.subf %add3A_3145, %mul3A_3129 : vector<1x512xf32>
    %mul3A_3148 = arith.mulf %sub3A_3146, %sub3A_3147 : vector<1x512xf32>
    %min3A_3149 = vector.broadcast %add3A_2972 : vector<512x1xf32> to vector<512x512xf32>
    %min3A_3150 = vector.broadcast %add3A_3144 : vector<1x512xf32> to vector<512x512xf32>
    %min3A_3151 = arith.minimumf %min3A_3149, %min3A_3150 : vector<512x512xf32>
    %max3A_3152 = vector.broadcast %mul3A_2953 : vector<512x1xf32> to vector<512x512xf32>
    %max3A_3153 = vector.broadcast %mul3A_3125 : vector<1x512xf32> to vector<512x512xf32>
    %max3A_3154 = arith.maximumf %max3A_3152, %max3A_3153 : vector<512x512xf32>
    %sub3A_3155 = arith.subf %min3A_3151, %max3A_3154 : vector<512x512xf32>
    %max3A_3156 = arith.constant 0.000000e+00 : f32
    %max3A_3157 = vector.broadcast %max3A_3156 : f32 to vector<512x512xf32>
    %max3A_3158 = arith.maximumf %sub3A_3155, %max3A_3157 : vector<512x512xf32>
    %min3A_3159 = vector.broadcast %add3A_2973 : vector<512x1xf32> to vector<512x512xf32>
    %min3A_3160 = vector.broadcast %add3A_3145 : vector<1x512xf32> to vector<512x512xf32>
    %min3A_3161 = arith.minimumf %min3A_3159, %min3A_3160 : vector<512x512xf32>
    %max3A_3162 = vector.broadcast %mul3A_2957 : vector<512x1xf32> to vector<512x512xf32>
    %max3A_3163 = vector.broadcast %mul3A_3129 : vector<1x512xf32> to vector<512x512xf32>
    %max3A_3164 = arith.maximumf %max3A_3162, %max3A_3163 : vector<512x512xf32>
    %sub3A_3165 = arith.subf %min3A_3161, %max3A_3164 : vector<512x512xf32>
    %max3A_3166 = arith.constant 0.000000e+00 : f32
    %max3A_3167 = vector.broadcast %max3A_3166 : f32 to vector<512x512xf32>
    %max3A_3168 = arith.maximumf %sub3A_3165, %max3A_3167 : vector<512x512xf32>
    %mul3A_3169 = arith.mulf %max3A_3158, %max3A_3168 : vector<512x512xf32>
    %add3A_3170 = vector.broadcast %mul3A_2976 : vector<512x1xf32> to vector<512x512xf32>
    %add3A_3171 = vector.broadcast %mul3A_3148 : vector<1x512xf32> to vector<512x512xf32>
    %add3A_3172 = arith.addf %add3A_3170, %add3A_3171 : vector<512x512xf32>
    %sub3A_3173 = arith.subf %add3A_3172, %mul3A_3169 : vector<512x512xf32>
    %max3A_3174 = arith.constant 9.99999971E-10 : f32
    %max3A_3175 = vector.broadcast %max3A_3174 : f32 to vector<512x512xf32>
    %max3A_3176 = arith.maximumf %sub3A_3173, %max3A_3175 : vector<512x512xf32>
    %div3A_3177 = arith.divf %mul3A_3169, %max3A_3176 : vector<512x512xf32>
    %gt3A_3178 = arith.constant 3.000000e-01 : f32
    %gt3A_3179 = vector.broadcast %gt3A_3178 : f32 to vector<512x512xf32>
    %gt3A_3180 = arith.cmpf ogt, %div3A_3177, %gt3A_3179 : vector<512x512xf32>
    %convert_element_type3A_3181 = arith.extui %gt3A_3180 : vector<512x512xi1> to vector<512x512xi32>
    %convert_element_type3A_3182 = arith.sitofp %convert_element_type3A_3181 : vector<512x512xi32> to vector<512x512xf32>
    %get3A_3183 = arith.constant 1024 : index
    %get3A_3184 = arith.constant 0 : index
    %get3A_3185 = vector.load %arg5[%get3A_3183, %get3A_3184] : memref<5120x1xf32, #tpu.memory_space<vmem>>, vector<512x1xf32>
    %dot_general3A_3186 = arith.constant dense<0.000000e+00> : vector<512x1xf32>
    %dot_general3A_3187 = tpu.matmul %convert_element_type3A_3182, %get3A_3185, %dot_general3A_3186 {dimension_numbers = #tpu.dot_dimension_numbers<[1], [0], [0], [1], [0, 0, 1, 1], [], []>, transpose_lhs_hint = false} : vector<512x512xf32>, vector<512x1xf32>, vector<512x1xf32> -> vector<512x1xf32>
    %add3A_3188 = arith.addf %add3A_3118, %dot_general3A_3187 : vector<512x1xf32>
    %get3A_3189 = arith.constant 0 : index
    %get3A_3190 = arith.constant 1536 : index
    %get3A_3191 = vector.load %arg1[%get3A_3189, %get3A_3190] : memref<4x5120xf32, #tpu.memory_space<vmem>>, vector<4x512xf32>
    %slice3A_3192 = vector.extract_strided_slice %get3A_3191 {offsets = [0, 0], sizes = [1, 512], strides = [1, 1]} : vector<4x512xf32> to vector<1x512xf32>
    %mul3A_3193 = arith.constant 1.024000e+03 : f32
    %mul3A_3194 = vector.broadcast %mul3A_3193 : f32 to vector<1x512xf32>
    %mul3A_3195 = arith.mulf %slice3A_3192, %mul3A_3194 : vector<1x512xf32>
    %slice3A_3196 = vector.extract_strided_slice %get3A_3191 {offsets = [1, 0], sizes = [1, 512], strides = [1, 1]} : vector<4x512xf32> to vector<1x512xf32>
    %mul3A_3197 = arith.constant 1.024000e+03 : f32
    %mul3A_3198 = vector.broadcast %mul3A_3197 : f32 to vector<1x512xf32>
    %mul3A_3199 = arith.mulf %slice3A_3196, %mul3A_3198 : vector<1x512xf32>
    %slice3A_3200 = vector.extract_strided_slice %get3A_3191 {offsets = [2, 0], sizes = [1, 512], strides = [1, 1]} : vector<4x512xf32> to vector<1x512xf32>
    %mul3A_3201 = arith.constant 2.000000e+02 : f32
    %mul3A_3202 = vector.broadcast %mul3A_3201 : f32 to vector<1x512xf32>
    %mul3A_3203 = arith.mulf %slice3A_3200, %mul3A_3202 : vector<1x512xf32>
    %add3A_3204 = arith.constant 1.000000e+00 : f32
    %add3A_3205 = vector.broadcast %add3A_3204 : f32 to vector<1x512xf32>
    %add3A_3206 = arith.addf %mul3A_3203, %add3A_3205 : vector<1x512xf32>
    %slice3A_3207 = vector.extract_strided_slice %get3A_3191 {offsets = [3, 0], sizes = [1, 512], strides = [1, 1]} : vector<4x512xf32> to vector<1x512xf32>
    %mul3A_3208 = arith.constant 2.000000e+02 : f32
    %mul3A_3209 = vector.broadcast %mul3A_3208 : f32 to vector<1x512xf32>
    %mul3A_3210 = arith.mulf %slice3A_3207, %mul3A_3209 : vector<1x512xf32>
    %add3A_3211 = arith.constant 1.000000e+00 : f32
    %add3A_3212 = vector.broadcast %add3A_3211 : f32 to vector<1x512xf32>
    %add3A_3213 = arith.addf %mul3A_3210, %add3A_3212 : vector<1x512xf32>
    %add3A_3214 = arith.addf %mul3A_3195, %add3A_3206 : vector<1x512xf32>
    %add3A_3215 = arith.addf %mul3A_3199, %add3A_3213 : vector<1x512xf32>
    %sub3A_3216 = arith.subf %add3A_3214, %mul3A_3195 : vector<1x512xf32>
    %sub3A_3217 = arith.subf %add3A_3215, %mul3A_3199 : vector<1x512xf32>
    %mul3A_3218 = arith.mulf %sub3A_3216, %sub3A_3217 : vector<1x512xf32>
    %min3A_3219 = vector.broadcast %add3A_2972 : vector<512x1xf32> to vector<512x512xf32>
    %min3A_3220 = vector.broadcast %add3A_3214 : vector<1x512xf32> to vector<512x512xf32>
    %min3A_3221 = arith.minimumf %min3A_3219, %min3A_3220 : vector<512x512xf32>
    %max3A_3222 = vector.broadcast %mul3A_2953 : vector<512x1xf32> to vector<512x512xf32>
    %max3A_3223 = vector.broadcast %mul3A_3195 : vector<1x512xf32> to vector<512x512xf32>
    %max3A_3224 = arith.maximumf %max3A_3222, %max3A_3223 : vector<512x512xf32>
    %sub3A_3225 = arith.subf %min3A_3221, %max3A_3224 : vector<512x512xf32>
    %max3A_3226 = arith.constant 0.000000e+00 : f32
    %max3A_3227 = vector.broadcast %max3A_3226 : f32 to vector<512x512xf32>
    %max3A_3228 = arith.maximumf %sub3A_3225, %max3A_3227 : vector<512x512xf32>
    %min3A_3229 = vector.broadcast %add3A_2973 : vector<512x1xf32> to vector<512x512xf32>
    %min3A_3230 = vector.broadcast %add3A_3215 : vector<1x512xf32> to vector<512x512xf32>
    %min3A_3231 = arith.minimumf %min3A_3229, %min3A_3230 : vector<512x512xf32>
    %max3A_3232 = vector.broadcast %mul3A_2957 : vector<512x1xf32> to vector<512x512xf32>
    %max3A_3233 = vector.broadcast %mul3A_3199 : vector<1x512xf32> to vector<512x512xf32>
    %max3A_3234 = arith.maximumf %max3A_3232, %max3A_3233 : vector<512x512xf32>
    %sub3A_3235 = arith.subf %min3A_3231, %max3A_3234 : vector<512x512xf32>
    %max3A_3236 = arith.constant 0.000000e+00 : f32
    %max3A_3237 = vector.broadcast %max3A_3236 : f32 to vector<512x512xf32>
    %max3A_3238 = arith.maximumf %sub3A_3235, %max3A_3237 : vector<512x512xf32>
    %mul3A_3239 = arith.mulf %max3A_3228, %max3A_3238 : vector<512x512xf32>
    %add3A_3240 = vector.broadcast %mul3A_2976 : vector<512x1xf32> to vector<512x512xf32>
    %add3A_3241 = vector.broadcast %mul3A_3218 : vector<1x512xf32> to vector<512x512xf32>
    %add3A_3242 = arith.addf %add3A_3240, %add3A_3241 : vector<512x512xf32>
    %sub3A_3243 = arith.subf %add3A_3242, %mul3A_3239 : vector<512x512xf32>
    %max3A_3244 = arith.constant 9.99999971E-10 : f32
    %max3A_3245 = vector.broadcast %max3A_3244 : f32 to vector<512x512xf32>
    %max3A_3246 = arith.maximumf %sub3A_3243, %max3A_3245 : vector<512x512xf32>
    %div3A_3247 = arith.divf %mul3A_3239, %max3A_3246 : vector<512x512xf32>
    %gt3A_3248 = arith.constant 3.000000e-01 : f32
    %gt3A_3249 = vector.broadcast %gt3A_3248 : f32 to vector<512x512xf32>
    %gt3A_3250 = arith.cmpf ogt, %div3A_3247, %gt3A_3249 : vector<512x512xf32>
    %convert_element_type3A_3251 = arith.extui %gt3A_3250 : vector<512x512xi1> to vector<512x512xi32>
    %convert_element_type3A_3252 = arith.sitofp %convert_element_type3A_3251 : vector<512x512xi32> to vector<512x512xf32>
    %get3A_3253 = arith.constant 1536 : index
    %get3A_3254 = arith.constant 0 : index
    %get3A_3255 = vector.load %arg5[%get3A_3253, %get3A_3254] : memref<5120x1xf32, #tpu.memory_space<vmem>>, vector<512x1xf32>
    %dot_general3A_3256 = arith.constant dense<0.000000e+00> : vector<512x1xf32>
    %dot_general3A_3257 = tpu.matmul %convert_element_type3A_3252, %get3A_3255, %dot_general3A_3256 {dimension_numbers = #tpu.dot_dimension_numbers<[1], [0], [0], [1], [0, 0, 1, 1], [], []>, transpose_lhs_hint = false} : vector<512x512xf32>, vector<512x1xf32>, vector<512x1xf32> -> vector<512x1xf32>
    %add3A_3258 = arith.addf %add3A_3188, %dot_general3A_3257 : vector<512x1xf32>
    %get3A_3259 = arith.constant 0 : index
    %get3A_3260 = arith.constant 2048 : index
    %get3A_3261 = vector.load %arg1[%get3A_3259, %get3A_3260] : memref<4x5120xf32, #tpu.memory_space<vmem>>, vector<4x512xf32>
    %slice3A_3262 = vector.extract_strided_slice %get3A_3261 {offsets = [0, 0], sizes = [1, 512], strides = [1, 1]} : vector<4x512xf32> to vector<1x512xf32>
    %mul3A_3263 = arith.constant 1.024000e+03 : f32
    %mul3A_3264 = vector.broadcast %mul3A_3263 : f32 to vector<1x512xf32>
    %mul3A_3265 = arith.mulf %slice3A_3262, %mul3A_3264 : vector<1x512xf32>
    %slice3A_3266 = vector.extract_strided_slice %get3A_3261 {offsets = [1, 0], sizes = [1, 512], strides = [1, 1]} : vector<4x512xf32> to vector<1x512xf32>
    %mul3A_3267 = arith.constant 1.024000e+03 : f32
    %mul3A_3268 = vector.broadcast %mul3A_3267 : f32 to vector<1x512xf32>
    %mul3A_3269 = arith.mulf %slice3A_3266, %mul3A_3268 : vector<1x512xf32>
    %slice3A_3270 = vector.extract_strided_slice %get3A_3261 {offsets = [2, 0], sizes = [1, 512], strides = [1, 1]} : vector<4x512xf32> to vector<1x512xf32>
    %mul3A_3271 = arith.constant 2.000000e+02 : f32
    %mul3A_3272 = vector.broadcast %mul3A_3271 : f32 to vector<1x512xf32>
    %mul3A_3273 = arith.mulf %slice3A_3270, %mul3A_3272 : vector<1x512xf32>
    %add3A_3274 = arith.constant 1.000000e+00 : f32
    %add3A_3275 = vector.broadcast %add3A_3274 : f32 to vector<1x512xf32>
    %add3A_3276 = arith.addf %mul3A_3273, %add3A_3275 : vector<1x512xf32>
    %slice3A_3277 = vector.extract_strided_slice %get3A_3261 {offsets = [3, 0], sizes = [1, 512], strides = [1, 1]} : vector<4x512xf32> to vector<1x512xf32>
    %mul3A_3278 = arith.constant 2.000000e+02 : f32
    %mul3A_3279 = vector.broadcast %mul3A_3278 : f32 to vector<1x512xf32>
    %mul3A_3280 = arith.mulf %slice3A_3277, %mul3A_3279 : vector<1x512xf32>
    %add3A_3281 = arith.constant 1.000000e+00 : f32
    %add3A_3282 = vector.broadcast %add3A_3281 : f32 to vector<1x512xf32>
    %add3A_3283 = arith.addf %mul3A_3280, %add3A_3282 : vector<1x512xf32>
    %add3A_3284 = arith.addf %mul3A_3265, %add3A_3276 : vector<1x512xf32>
    %add3A_3285 = arith.addf %mul3A_3269, %add3A_3283 : vector<1x512xf32>
    %sub3A_3286 = arith.subf %add3A_3284, %mul3A_3265 : vector<1x512xf32>
    %sub3A_3287 = arith.subf %add3A_3285, %mul3A_3269 : vector<1x512xf32>
    %mul3A_3288 = arith.mulf %sub3A_3286, %sub3A_3287 : vector<1x512xf32>
    %min3A_3289 = vector.broadcast %add3A_2972 : vector<512x1xf32> to vector<512x512xf32>
    %min3A_3290 = vector.broadcast %add3A_3284 : vector<1x512xf32> to vector<512x512xf32>
    %min3A_3291 = arith.minimumf %min3A_3289, %min3A_3290 : vector<512x512xf32>
    %max3A_3292 = vector.broadcast %mul3A_2953 : vector<512x1xf32> to vector<512x512xf32>
    %max3A_3293 = vector.broadcast %mul3A_3265 : vector<1x512xf32> to vector<512x512xf32>
    %max3A_3294 = arith.maximumf %max3A_3292, %max3A_3293 : vector<512x512xf32>
    %sub3A_3295 = arith.subf %min3A_3291, %max3A_3294 : vector<512x512xf32>
    %max3A_3296 = arith.constant 0.000000e+00 : f32
    %max3A_3297 = vector.broadcast %max3A_3296 : f32 to vector<512x512xf32>
    %max3A_3298 = arith.maximumf %sub3A_3295, %max3A_3297 : vector<512x512xf32>
    %min3A_3299 = vector.broadcast %add3A_2973 : vector<512x1xf32> to vector<512x512xf32>
    %min3A_3300 = vector.broadcast %add3A_3285 : vector<1x512xf32> to vector<512x512xf32>
    %min3A_3301 = arith.minimumf %min3A_3299, %min3A_3300 : vector<512x512xf32>
    %max3A_3302 = vector.broadcast %mul3A_2957 : vector<512x1xf32> to vector<512x512xf32>
    %max3A_3303 = vector.broadcast %mul3A_3269 : vector<1x512xf32> to vector<512x512xf32>
    %max3A_3304 = arith.maximumf %max3A_3302, %max3A_3303 : vector<512x512xf32>
    %sub3A_3305 = arith.subf %min3A_3301, %max3A_3304 : vector<512x512xf32>
    %max3A_3306 = arith.constant 0.000000e+00 : f32
    %max3A_3307 = vector.broadcast %max3A_3306 : f32 to vector<512x512xf32>
    %max3A_3308 = arith.maximumf %sub3A_3305, %max3A_3307 : vector<512x512xf32>
    %mul3A_3309 = arith.mulf %max3A_3298, %max3A_3308 : vector<512x512xf32>
    %add3A_3310 = vector.broadcast %mul3A_2976 : vector<512x1xf32> to vector<512x512xf32>
    %add3A_3311 = vector.broadcast %mul3A_3288 : vector<1x512xf32> to vector<512x512xf32>
    %add3A_3312 = arith.addf %add3A_3310, %add3A_3311 : vector<512x512xf32>
    %sub3A_3313 = arith.subf %add3A_3312, %mul3A_3309 : vector<512x512xf32>
    %max3A_3314 = arith.constant 9.99999971E-10 : f32
    %max3A_3315 = vector.broadcast %max3A_3314 : f32 to vector<512x512xf32>
    %max3A_3316 = arith.maximumf %sub3A_3313, %max3A_3315 : vector<512x512xf32>
    %div3A_3317 = arith.divf %mul3A_3309, %max3A_3316 : vector<512x512xf32>
    %gt3A_3318 = arith.constant 3.000000e-01 : f32
    %gt3A_3319 = vector.broadcast %gt3A_3318 : f32 to vector<512x512xf32>
    %gt3A_3320 = arith.cmpf ogt, %div3A_3317, %gt3A_3319 : vector<512x512xf32>
    %convert_element_type3A_3321 = arith.extui %gt3A_3320 : vector<512x512xi1> to vector<512x512xi32>
    %convert_element_type3A_3322 = arith.sitofp %convert_element_type3A_3321 : vector<512x512xi32> to vector<512x512xf32>
    %get3A_3323 = arith.constant 2048 : index
    %get3A_3324 = arith.constant 0 : index
    %get3A_3325 = vector.load %arg5[%get3A_3323, %get3A_3324] : memref<5120x1xf32, #tpu.memory_space<vmem>>, vector<512x1xf32>
    %dot_general3A_3326 = arith.constant dense<0.000000e+00> : vector<512x1xf32>
    %dot_general3A_3327 = tpu.matmul %convert_element_type3A_3322, %get3A_3325, %dot_general3A_3326 {dimension_numbers = #tpu.dot_dimension_numbers<[1], [0], [0], [1], [0, 0, 1, 1], [], []>, transpose_lhs_hint = false} : vector<512x512xf32>, vector<512x1xf32>, vector<512x1xf32> -> vector<512x1xf32>
    %add3A_3328 = arith.addf %add3A_3258, %dot_general3A_3327 : vector<512x1xf32>
    %get3A_3329 = arith.constant 0 : index
    %get3A_3330 = arith.constant 2560 : index
    %get3A_3331 = vector.load %arg1[%get3A_3329, %get3A_3330] : memref<4x5120xf32, #tpu.memory_space<vmem>>, vector<4x512xf32>
    %slice3A_3332 = vector.extract_strided_slice %get3A_3331 {offsets = [0, 0], sizes = [1, 512], strides = [1, 1]} : vector<4x512xf32> to vector<1x512xf32>
    %mul3A_3333 = arith.constant 1.024000e+03 : f32
    %mul3A_3334 = vector.broadcast %mul3A_3333 : f32 to vector<1x512xf32>
    %mul3A_3335 = arith.mulf %slice3A_3332, %mul3A_3334 : vector<1x512xf32>
    %slice3A_3336 = vector.extract_strided_slice %get3A_3331 {offsets = [1, 0], sizes = [1, 512], strides = [1, 1]} : vector<4x512xf32> to vector<1x512xf32>
    %mul3A_3337 = arith.constant 1.024000e+03 : f32
    %mul3A_3338 = vector.broadcast %mul3A_3337 : f32 to vector<1x512xf32>
    %mul3A_3339 = arith.mulf %slice3A_3336, %mul3A_3338 : vector<1x512xf32>
    %slice3A_3340 = vector.extract_strided_slice %get3A_3331 {offsets = [2, 0], sizes = [1, 512], strides = [1, 1]} : vector<4x512xf32> to vector<1x512xf32>
    %mul3A_3341 = arith.constant 2.000000e+02 : f32
    %mul3A_3342 = vector.broadcast %mul3A_3341 : f32 to vector<1x512xf32>
    %mul3A_3343 = arith.mulf %slice3A_3340, %mul3A_3342 : vector<1x512xf32>
    %add3A_3344 = arith.constant 1.000000e+00 : f32
    %add3A_3345 = vector.broadcast %add3A_3344 : f32 to vector<1x512xf32>
    %add3A_3346 = arith.addf %mul3A_3343, %add3A_3345 : vector<1x512xf32>
    %slice3A_3347 = vector.extract_strided_slice %get3A_3331 {offsets = [3, 0], sizes = [1, 512], strides = [1, 1]} : vector<4x512xf32> to vector<1x512xf32>
    %mul3A_3348 = arith.constant 2.000000e+02 : f32
    %mul3A_3349 = vector.broadcast %mul3A_3348 : f32 to vector<1x512xf32>
    %mul3A_3350 = arith.mulf %slice3A_3347, %mul3A_3349 : vector<1x512xf32>
    %add3A_3351 = arith.constant 1.000000e+00 : f32
    %add3A_3352 = vector.broadcast %add3A_3351 : f32 to vector<1x512xf32>
    %add3A_3353 = arith.addf %mul3A_3350, %add3A_3352 : vector<1x512xf32>
    %add3A_3354 = arith.addf %mul3A_3335, %add3A_3346 : vector<1x512xf32>
    %add3A_3355 = arith.addf %mul3A_3339, %add3A_3353 : vector<1x512xf32>
    %sub3A_3356 = arith.subf %add3A_3354, %mul3A_3335 : vector<1x512xf32>
    %sub3A_3357 = arith.subf %add3A_3355, %mul3A_3339 : vector<1x512xf32>
    %mul3A_3358 = arith.mulf %sub3A_3356, %sub3A_3357 : vector<1x512xf32>
    %min3A_3359 = vector.broadcast %add3A_2972 : vector<512x1xf32> to vector<512x512xf32>
    %min3A_3360 = vector.broadcast %add3A_3354 : vector<1x512xf32> to vector<512x512xf32>
    %min3A_3361 = arith.minimumf %min3A_3359, %min3A_3360 : vector<512x512xf32>
    %max3A_3362 = vector.broadcast %mul3A_2953 : vector<512x1xf32> to vector<512x512xf32>
    %max3A_3363 = vector.broadcast %mul3A_3335 : vector<1x512xf32> to vector<512x512xf32>
    %max3A_3364 = arith.maximumf %max3A_3362, %max3A_3363 : vector<512x512xf32>
    %sub3A_3365 = arith.subf %min3A_3361, %max3A_3364 : vector<512x512xf32>
    %max3A_3366 = arith.constant 0.000000e+00 : f32
    %max3A_3367 = vector.broadcast %max3A_3366 : f32 to vector<512x512xf32>
    %max3A_3368 = arith.maximumf %sub3A_3365, %max3A_3367 : vector<512x512xf32>
    %min3A_3369 = vector.broadcast %add3A_2973 : vector<512x1xf32> to vector<512x512xf32>
    %min3A_3370 = vector.broadcast %add3A_3355 : vector<1x512xf32> to vector<512x512xf32>
    %min3A_3371 = arith.minimumf %min3A_3369, %min3A_3370 : vector<512x512xf32>
    %max3A_3372 = vector.broadcast %mul3A_2957 : vector<512x1xf32> to vector<512x512xf32>
    %max3A_3373 = vector.broadcast %mul3A_3339 : vector<1x512xf32> to vector<512x512xf32>
    %max3A_3374 = arith.maximumf %max3A_3372, %max3A_3373 : vector<512x512xf32>
    %sub3A_3375 = arith.subf %min3A_3371, %max3A_3374 : vector<512x512xf32>
    %max3A_3376 = arith.constant 0.000000e+00 : f32
    %max3A_3377 = vector.broadcast %max3A_3376 : f32 to vector<512x512xf32>
    %max3A_3378 = arith.maximumf %sub3A_3375, %max3A_3377 : vector<512x512xf32>
    %mul3A_3379 = arith.mulf %max3A_3368, %max3A_3378 : vector<512x512xf32>
    %add3A_3380 = vector.broadcast %mul3A_2976 : vector<512x1xf32> to vector<512x512xf32>
    %add3A_3381 = vector.broadcast %mul3A_3358 : vector<1x512xf32> to vector<512x512xf32>
    %add3A_3382 = arith.addf %add3A_3380, %add3A_3381 : vector<512x512xf32>
    %sub3A_3383 = arith.subf %add3A_3382, %mul3A_3379 : vector<512x512xf32>
    %max3A_3384 = arith.constant 9.99999971E-10 : f32
    %max3A_3385 = vector.broadcast %max3A_3384 : f32 to vector<512x512xf32>
    %max3A_3386 = arith.maximumf %sub3A_3383, %max3A_3385 : vector<512x512xf32>
    %div3A_3387 = arith.divf %mul3A_3379, %max3A_3386 : vector<512x512xf32>
    %gt3A_3388 = arith.constant 3.000000e-01 : f32
    %gt3A_3389 = vector.broadcast %gt3A_3388 : f32 to vector<512x512xf32>
    %gt3A_3390 = arith.cmpf ogt, %div3A_3387, %gt3A_3389 : vector<512x512xf32>
    %convert_element_type3A_3391 = arith.extui %gt3A_3390 : vector<512x512xi1> to vector<512x512xi32>
    %convert_element_type3A_3392 = arith.sitofp %convert_element_type3A_3391 : vector<512x512xi32> to vector<512x512xf32>
    %get3A_3393 = arith.constant 2560 : index
    %get3A_3394 = arith.constant 0 : index
    %get3A_3395 = vector.load %arg5[%get3A_3393, %get3A_3394] : memref<5120x1xf32, #tpu.memory_space<vmem>>, vector<512x1xf32>
    %dot_general3A_3396 = arith.constant dense<0.000000e+00> : vector<512x1xf32>
    %dot_general3A_3397 = tpu.matmul %convert_element_type3A_3392, %get3A_3395, %dot_general3A_3396 {dimension_numbers = #tpu.dot_dimension_numbers<[1], [0], [0], [1], [0, 0, 1, 1], [], []>, transpose_lhs_hint = false} : vector<512x512xf32>, vector<512x1xf32>, vector<512x1xf32> -> vector<512x1xf32>
    %add3A_3398 = arith.addf %add3A_3328, %dot_general3A_3397 : vector<512x1xf32>
    %get3A_3399 = arith.constant 0 : index
    %get3A_3400 = arith.constant 3072 : index
    %get3A_3401 = vector.load %arg1[%get3A_3399, %get3A_3400] : memref<4x5120xf32, #tpu.memory_space<vmem>>, vector<4x512xf32>
    %slice3A_3402 = vector.extract_strided_slice %get3A_3401 {offsets = [0, 0], sizes = [1, 512], strides = [1, 1]} : vector<4x512xf32> to vector<1x512xf32>
    %mul3A_3403 = arith.constant 1.024000e+03 : f32
    %mul3A_3404 = vector.broadcast %mul3A_3403 : f32 to vector<1x512xf32>
    %mul3A_3405 = arith.mulf %slice3A_3402, %mul3A_3404 : vector<1x512xf32>
    %slice3A_3406 = vector.extract_strided_slice %get3A_3401 {offsets = [1, 0], sizes = [1, 512], strides = [1, 1]} : vector<4x512xf32> to vector<1x512xf32>
    %mul3A_3407 = arith.constant 1.024000e+03 : f32
    %mul3A_3408 = vector.broadcast %mul3A_3407 : f32 to vector<1x512xf32>
    %mul3A_3409 = arith.mulf %slice3A_3406, %mul3A_3408 : vector<1x512xf32>
    %slice3A_3410 = vector.extract_strided_slice %get3A_3401 {offsets = [2, 0], sizes = [1, 512], strides = [1, 1]} : vector<4x512xf32> to vector<1x512xf32>
    %mul3A_3411 = arith.constant 2.000000e+02 : f32
    %mul3A_3412 = vector.broadcast %mul3A_3411 : f32 to vector<1x512xf32>
    %mul3A_3413 = arith.mulf %slice3A_3410, %mul3A_3412 : vector<1x512xf32>
    %add3A_3414 = arith.constant 1.000000e+00 : f32
    %add3A_3415 = vector.broadcast %add3A_3414 : f32 to vector<1x512xf32>
    %add3A_3416 = arith.addf %mul3A_3413, %add3A_3415 : vector<1x512xf32>
    %slice3A_3417 = vector.extract_strided_slice %get3A_3401 {offsets = [3, 0], sizes = [1, 512], strides = [1, 1]} : vector<4x512xf32> to vector<1x512xf32>
    %mul3A_3418 = arith.constant 2.000000e+02 : f32
    %mul3A_3419 = vector.broadcast %mul3A_3418 : f32 to vector<1x512xf32>
    %mul3A_3420 = arith.mulf %slice3A_3417, %mul3A_3419 : vector<1x512xf32>
    %add3A_3421 = arith.constant 1.000000e+00 : f32
    %add3A_3422 = vector.broadcast %add3A_3421 : f32 to vector<1x512xf32>
    %add3A_3423 = arith.addf %mul3A_3420, %add3A_3422 : vector<1x512xf32>
    %add3A_3424 = arith.addf %mul3A_3405, %add3A_3416 : vector<1x512xf32>
    %add3A_3425 = arith.addf %mul3A_3409, %add3A_3423 : vector<1x512xf32>
    %sub3A_3426 = arith.subf %add3A_3424, %mul3A_3405 : vector<1x512xf32>
    %sub3A_3427 = arith.subf %add3A_3425, %mul3A_3409 : vector<1x512xf32>
    %mul3A_3428 = arith.mulf %sub3A_3426, %sub3A_3427 : vector<1x512xf32>
    %min3A_3429 = vector.broadcast %add3A_2972 : vector<512x1xf32> to vector<512x512xf32>
    %min3A_3430 = vector.broadcast %add3A_3424 : vector<1x512xf32> to vector<512x512xf32>
    %min3A_3431 = arith.minimumf %min3A_3429, %min3A_3430 : vector<512x512xf32>
    %max3A_3432 = vector.broadcast %mul3A_2953 : vector<512x1xf32> to vector<512x512xf32>
    %max3A_3433 = vector.broadcast %mul3A_3405 : vector<1x512xf32> to vector<512x512xf32>
    %max3A_3434 = arith.maximumf %max3A_3432, %max3A_3433 : vector<512x512xf32>
    %sub3A_3435 = arith.subf %min3A_3431, %max3A_3434 : vector<512x512xf32>
    %max3A_3436 = arith.constant 0.000000e+00 : f32
    %max3A_3437 = vector.broadcast %max3A_3436 : f32 to vector<512x512xf32>
    %max3A_3438 = arith.maximumf %sub3A_3435, %max3A_3437 : vector<512x512xf32>
    %min3A_3439 = vector.broadcast %add3A_2973 : vector<512x1xf32> to vector<512x512xf32>
    %min3A_3440 = vector.broadcast %add3A_3425 : vector<1x512xf32> to vector<512x512xf32>
    %min3A_3441 = arith.minimumf %min3A_3439, %min3A_3440 : vector<512x512xf32>
    %max3A_3442 = vector.broadcast %mul3A_2957 : vector<512x1xf32> to vector<512x512xf32>
    %max3A_3443 = vector.broadcast %mul3A_3409 : vector<1x512xf32> to vector<512x512xf32>
    %max3A_3444 = arith.maximumf %max3A_3442, %max3A_3443 : vector<512x512xf32>
    %sub3A_3445 = arith.subf %min3A_3441, %max3A_3444 : vector<512x512xf32>
    %max3A_3446 = arith.constant 0.000000e+00 : f32
    %max3A_3447 = vector.broadcast %max3A_3446 : f32 to vector<512x512xf32>
    %max3A_3448 = arith.maximumf %sub3A_3445, %max3A_3447 : vector<512x512xf32>
    %mul3A_3449 = arith.mulf %max3A_3438, %max3A_3448 : vector<512x512xf32>
    %add3A_3450 = vector.broadcast %mul3A_2976 : vector<512x1xf32> to vector<512x512xf32>
    %add3A_3451 = vector.broadcast %mul3A_3428 : vector<1x512xf32> to vector<512x512xf32>
    %add3A_3452 = arith.addf %add3A_3450, %add3A_3451 : vector<512x512xf32>
    %sub3A_3453 = arith.subf %add3A_3452, %mul3A_3449 : vector<512x512xf32>
    %max3A_3454 = arith.constant 9.99999971E-10 : f32
    %max3A_3455 = vector.broadcast %max3A_3454 : f32 to vector<512x512xf32>
    %max3A_3456 = arith.maximumf %sub3A_3453, %max3A_3455 : vector<512x512xf32>
    %div3A_3457 = arith.divf %mul3A_3449, %max3A_3456 : vector<512x512xf32>
    %gt3A_3458 = arith.constant 3.000000e-01 : f32
    %gt3A_3459 = vector.broadcast %gt3A_3458 : f32 to vector<512x512xf32>
    %gt3A_3460 = arith.cmpf ogt, %div3A_3457, %gt3A_3459 : vector<512x512xf32>
    %convert_element_type3A_3461 = arith.extui %gt3A_3460 : vector<512x512xi1> to vector<512x512xi32>
    %convert_element_type3A_3462 = arith.sitofp %convert_element_type3A_3461 : vector<512x512xi32> to vector<512x512xf32>
    %get3A_3463 = arith.constant 3072 : index
    %get3A_3464 = arith.constant 0 : index
    %get3A_3465 = vector.load %arg5[%get3A_3463, %get3A_3464] : memref<5120x1xf32, #tpu.memory_space<vmem>>, vector<512x1xf32>
    %dot_general3A_3466 = arith.constant dense<0.000000e+00> : vector<512x1xf32>
    %dot_general3A_3467 = tpu.matmul %convert_element_type3A_3462, %get3A_3465, %dot_general3A_3466 {dimension_numbers = #tpu.dot_dimension_numbers<[1], [0], [0], [1], [0, 0, 1, 1], [], []>, transpose_lhs_hint = false} : vector<512x512xf32>, vector<512x1xf32>, vector<512x1xf32> -> vector<512x1xf32>
    %add3A_3468 = arith.addf %add3A_3398, %dot_general3A_3467 : vector<512x1xf32>
    %get3A_3469 = arith.constant 0 : index
    %get3A_3470 = arith.constant 3584 : index
    %get3A_3471 = vector.load %arg1[%get3A_3469, %get3A_3470] : memref<4x5120xf32, #tpu.memory_space<vmem>>, vector<4x512xf32>
    %slice3A_3472 = vector.extract_strided_slice %get3A_3471 {offsets = [0, 0], sizes = [1, 512], strides = [1, 1]} : vector<4x512xf32> to vector<1x512xf32>
    %mul3A_3473 = arith.constant 1.024000e+03 : f32
    %mul3A_3474 = vector.broadcast %mul3A_3473 : f32 to vector<1x512xf32>
    %mul3A_3475 = arith.mulf %slice3A_3472, %mul3A_3474 : vector<1x512xf32>
    %slice3A_3476 = vector.extract_strided_slice %get3A_3471 {offsets = [1, 0], sizes = [1, 512], strides = [1, 1]} : vector<4x512xf32> to vector<1x512xf32>
    %mul3A_3477 = arith.constant 1.024000e+03 : f32
    %mul3A_3478 = vector.broadcast %mul3A_3477 : f32 to vector<1x512xf32>
    %mul3A_3479 = arith.mulf %slice3A_3476, %mul3A_3478 : vector<1x512xf32>
    %slice3A_3480 = vector.extract_strided_slice %get3A_3471 {offsets = [2, 0], sizes = [1, 512], strides = [1, 1]} : vector<4x512xf32> to vector<1x512xf32>
    %mul3A_3481 = arith.constant 2.000000e+02 : f32
    %mul3A_3482 = vector.broadcast %mul3A_3481 : f32 to vector<1x512xf32>
    %mul3A_3483 = arith.mulf %slice3A_3480, %mul3A_3482 : vector<1x512xf32>
    %add3A_3484 = arith.constant 1.000000e+00 : f32
    %add3A_3485 = vector.broadcast %add3A_3484 : f32 to vector<1x512xf32>
    %add3A_3486 = arith.addf %mul3A_3483, %add3A_3485 : vector<1x512xf32>
    %slice3A_3487 = vector.extract_strided_slice %get3A_3471 {offsets = [3, 0], sizes = [1, 512], strides = [1, 1]} : vector<4x512xf32> to vector<1x512xf32>
    %mul3A_3488 = arith.constant 2.000000e+02 : f32
    %mul3A_3489 = vector.broadcast %mul3A_3488 : f32 to vector<1x512xf32>
    %mul3A_3490 = arith.mulf %slice3A_3487, %mul3A_3489 : vector<1x512xf32>
    %add3A_3491 = arith.constant 1.000000e+00 : f32
    %add3A_3492 = vector.broadcast %add3A_3491 : f32 to vector<1x512xf32>
    %add3A_3493 = arith.addf %mul3A_3490, %add3A_3492 : vector<1x512xf32>
    %add3A_3494 = arith.addf %mul3A_3475, %add3A_3486 : vector<1x512xf32>
    %add3A_3495 = arith.addf %mul3A_3479, %add3A_3493 : vector<1x512xf32>
    %sub3A_3496 = arith.subf %add3A_3494, %mul3A_3475 : vector<1x512xf32>
    %sub3A_3497 = arith.subf %add3A_3495, %mul3A_3479 : vector<1x512xf32>
    %mul3A_3498 = arith.mulf %sub3A_3496, %sub3A_3497 : vector<1x512xf32>
    %min3A_3499 = vector.broadcast %add3A_2972 : vector<512x1xf32> to vector<512x512xf32>
    %min3A_3500 = vector.broadcast %add3A_3494 : vector<1x512xf32> to vector<512x512xf32>
    %min3A_3501 = arith.minimumf %min3A_3499, %min3A_3500 : vector<512x512xf32>
    %max3A_3502 = vector.broadcast %mul3A_2953 : vector<512x1xf32> to vector<512x512xf32>
    %max3A_3503 = vector.broadcast %mul3A_3475 : vector<1x512xf32> to vector<512x512xf32>
    %max3A_3504 = arith.maximumf %max3A_3502, %max3A_3503 : vector<512x512xf32>
    %sub3A_3505 = arith.subf %min3A_3501, %max3A_3504 : vector<512x512xf32>
    %max3A_3506 = arith.constant 0.000000e+00 : f32
    %max3A_3507 = vector.broadcast %max3A_3506 : f32 to vector<512x512xf32>
    %max3A_3508 = arith.maximumf %sub3A_3505, %max3A_3507 : vector<512x512xf32>
    %min3A_3509 = vector.broadcast %add3A_2973 : vector<512x1xf32> to vector<512x512xf32>
    %min3A_3510 = vector.broadcast %add3A_3495 : vector<1x512xf32> to vector<512x512xf32>
    %min3A_3511 = arith.minimumf %min3A_3509, %min3A_3510 : vector<512x512xf32>
    %max3A_3512 = vector.broadcast %mul3A_2957 : vector<512x1xf32> to vector<512x512xf32>
    %max3A_3513 = vector.broadcast %mul3A_3479 : vector<1x512xf32> to vector<512x512xf32>
    %max3A_3514 = arith.maximumf %max3A_3512, %max3A_3513 : vector<512x512xf32>
    %sub3A_3515 = arith.subf %min3A_3511, %max3A_3514 : vector<512x512xf32>
    %max3A_3516 = arith.constant 0.000000e+00 : f32
    %max3A_3517 = vector.broadcast %max3A_3516 : f32 to vector<512x512xf32>
    %max3A_3518 = arith.maximumf %sub3A_3515, %max3A_3517 : vector<512x512xf32>
    %mul3A_3519 = arith.mulf %max3A_3508, %max3A_3518 : vector<512x512xf32>
    %add3A_3520 = vector.broadcast %mul3A_2976 : vector<512x1xf32> to vector<512x512xf32>
    %add3A_3521 = vector.broadcast %mul3A_3498 : vector<1x512xf32> to vector<512x512xf32>
    %add3A_3522 = arith.addf %add3A_3520, %add3A_3521 : vector<512x512xf32>
    %sub3A_3523 = arith.subf %add3A_3522, %mul3A_3519 : vector<512x512xf32>
    %max3A_3524 = arith.constant 9.99999971E-10 : f32
    %max3A_3525 = vector.broadcast %max3A_3524 : f32 to vector<512x512xf32>
    %max3A_3526 = arith.maximumf %sub3A_3523, %max3A_3525 : vector<512x512xf32>
    %div3A_3527 = arith.divf %mul3A_3519, %max3A_3526 : vector<512x512xf32>
    %gt3A_3528 = arith.constant 3.000000e-01 : f32
    %gt3A_3529 = vector.broadcast %gt3A_3528 : f32 to vector<512x512xf32>
    %gt3A_3530 = arith.cmpf ogt, %div3A_3527, %gt3A_3529 : vector<512x512xf32>
    %convert_element_type3A_3531 = arith.extui %gt3A_3530 : vector<512x512xi1> to vector<512x512xi32>
    %convert_element_type3A_3532 = arith.sitofp %convert_element_type3A_3531 : vector<512x512xi32> to vector<512x512xf32>
    %get3A_3533 = arith.constant 3584 : index
    %get3A_3534 = arith.constant 0 : index
    %get3A_3535 = vector.load %arg5[%get3A_3533, %get3A_3534] : memref<5120x1xf32, #tpu.memory_space<vmem>>, vector<512x1xf32>
    %dot_general3A_3536 = arith.constant dense<0.000000e+00> : vector<512x1xf32>
    %dot_general3A_3537 = tpu.matmul %convert_element_type3A_3532, %get3A_3535, %dot_general3A_3536 {dimension_numbers = #tpu.dot_dimension_numbers<[1], [0], [0], [1], [0, 0, 1, 1], [], []>, transpose_lhs_hint = false} : vector<512x512xf32>, vector<512x1xf32>, vector<512x1xf32> -> vector<512x1xf32>
    %add3A_3538 = arith.addf %add3A_3468, %dot_general3A_3537 : vector<512x1xf32>
    %min3A_3539 = vector.broadcast %add3A_2972 : vector<512x1xf32> to vector<512x512xf32>
    %min3A_3540 = vector.broadcast %add3A_2942 : vector<1x512xf32> to vector<512x512xf32>
    %min3A_3541 = arith.minimumf %min3A_3539, %min3A_3540 : vector<512x512xf32>
    %max3A_3542 = vector.broadcast %mul3A_2953 : vector<512x1xf32> to vector<512x512xf32>
    %max3A_3543 = vector.broadcast %mul3A_2923 : vector<1x512xf32> to vector<512x512xf32>
    %max3A_3544 = arith.maximumf %max3A_3542, %max3A_3543 : vector<512x512xf32>
    %sub3A_3545 = arith.subf %min3A_3541, %max3A_3544 : vector<512x512xf32>
    %max3A_3546 = arith.constant 0.000000e+00 : f32
    %max3A_3547 = vector.broadcast %max3A_3546 : f32 to vector<512x512xf32>
    %max3A_3548 = arith.maximumf %sub3A_3545, %max3A_3547 : vector<512x512xf32>
    %min3A_3549 = vector.broadcast %add3A_2973 : vector<512x1xf32> to vector<512x512xf32>
    %min3A_3550 = vector.broadcast %add3A_2943 : vector<1x512xf32> to vector<512x512xf32>
    %min3A_3551 = arith.minimumf %min3A_3549, %min3A_3550 : vector<512x512xf32>
    %max3A_3552 = vector.broadcast %mul3A_2957 : vector<512x1xf32> to vector<512x512xf32>
    %max3A_3553 = vector.broadcast %mul3A_2927 : vector<1x512xf32> to vector<512x512xf32>
    %max3A_3554 = arith.maximumf %max3A_3552, %max3A_3553 : vector<512x512xf32>
    %sub3A_3555 = arith.subf %min3A_3551, %max3A_3554 : vector<512x512xf32>
    %max3A_3556 = arith.constant 0.000000e+00 : f32
    %max3A_3557 = vector.broadcast %max3A_3556 : f32 to vector<512x512xf32>
    %max3A_3558 = arith.maximumf %sub3A_3555, %max3A_3557 : vector<512x512xf32>
    %mul3A_3559 = arith.mulf %max3A_3548, %max3A_3558 : vector<512x512xf32>
    %add3A_3560 = vector.broadcast %mul3A_2976 : vector<512x1xf32> to vector<512x512xf32>
    %add3A_3561 = vector.broadcast %mul3A_2946 : vector<1x512xf32> to vector<512x512xf32>
    %add3A_3562 = arith.addf %add3A_3560, %add3A_3561 : vector<512x512xf32>
    %sub3A_3563 = arith.subf %add3A_3562, %mul3A_3559 : vector<512x512xf32>
    %max3A_3564 = arith.constant 9.99999971E-10 : f32
    %max3A_3565 = vector.broadcast %max3A_3564 : f32 to vector<512x512xf32>
    %max3A_3566 = arith.maximumf %sub3A_3563, %max3A_3565 : vector<512x512xf32>
    %div3A_3567 = arith.divf %mul3A_3559, %max3A_3566 : vector<512x512xf32>
    %gt3A_3568 = arith.constant 3.000000e-01 : f32
    %gt3A_3569 = vector.broadcast %gt3A_3568 : f32 to vector<512x512xf32>
    %gt3A_3570 = arith.cmpf ogt, %div3A_3567, %gt3A_3569 : vector<512x512xf32>
    %convert_element_type3A_3571 = arith.extui %gt3A_3570 : vector<512x512xi1> to vector<512x512xi32>
    %convert_element_type3A_3572 = arith.sitofp %convert_element_type3A_3571 : vector<512x512xi32> to vector<512x512xf32>
    %iota3A_3573 = tpu.iota {dimensions = array<i32: 0>} : vector<512x512xi32>
    %iota3A_3574 = tpu.iota {dimensions = array<i32: 1>} : vector<512x512xi32>
    %lt3A_3575 = arith.cmpi slt, %iota3A_3574, %iota3A_3573 : vector<512x512xi32>
    %jit3A_3576 = arith.constant 0.000000e+00 : f32
    %broadcast_in_dim3A_3577 = vector.broadcast %jit3A_3576 : f32 to vector<512x512xf32>
    %select_n3A_3578 = arith.select %lt3A_3575, %convert_element_type3A_3572, %broadcast_in_dim3A_3577 : vector<512x512xi1>, vector<512x512xf32>
    %get3A_3579 = arith.constant 4096 : index
    %get3A_3580 = arith.constant 0 : index
    %get3A_3581 = vector.load %arg2[%get3A_3579, %get3A_3580] : memref<5120x1xf32, #tpu.memory_space<vmem>>, vector<512x1xf32>
    %gt3A_3582 = arith.constant 5.000000e-02 : f32
    %gt3A_3583 = vector.broadcast %gt3A_3582 : f32 to vector<512x1xf32>
    %gt3A_3584 = arith.cmpf ogt, %get3A_3581, %gt3A_3583 : vector<512x1xf32>
    %lt3A_3585 = arith.constant 5.000000e-01 : f32
    %lt3A_3586 = vector.broadcast %lt3A_3585 : f32 to vector<512x1xf32>
    %lt3A_3587 = arith.cmpf olt, %add3A_3538, %lt3A_3586 : vector<512x1xf32>
    %and3A_3588 = arith.andi %gt3A_3584, %lt3A_3587 : vector<512x1xi1>
    %convert_element_type3A_3589 = arith.extui %and3A_3588 : vector<512x1xi1> to vector<512x1xi32>
    %convert_element_type3A_3590 = arith.sitofp %convert_element_type3A_3589 : vector<512x1xi32> to vector<512x1xf32>
    %sub3A_3591 = arith.constant 2.000000e+00 : f32
    %sub3A_3592 = vector.broadcast %sub3A_3591 : f32 to vector<512x1xf32>
    %sub3A_3593 = arith.subf %convert_element_type3A_3590, %sub3A_3592 : vector<512x1xf32>
    %while3A_3594 = arith.constant 0 : i32
    %while3A_3595:3 = scf.while (%while3A_4874 = %sub3A_3593, %while3A_4875 = %convert_element_type3A_3590, %while3A_4876 = %while3A_3594) : (vector<512x1xf32>, vector<512x1xf32>, i32) -> (vector<512x1xf32>, vector<512x1xf32>, i32) {
      %lt3A_4877 = arith.constant 514 : i32
      %lt3A_4878 = arith.cmpi slt, %while3A_4876, %lt3A_4877 : i32
      %ne3A = arith.cmpf one, %while3A_4874, %while3A_4875 : vector<512x1xf32>
      %reduce_or3A = arith.constant 1.000000e+00 : f32
      %reduce_or3A_4879 = arith.constant 0.000000e+00 : f32
      %reduce_or3A_4880 = vector.broadcast %reduce_or3A : f32 to vector<512x1xf32>
      %reduce_or3A_4881 = vector.broadcast %reduce_or3A_4879 : f32 to vector<512x1xf32>
      %reduce_or3A_4882 = arith.select %ne3A, %reduce_or3A_4880, %reduce_or3A_4881 : vector<512x1xi1>, vector<512x1xf32>
      %reduce_or3A_4883 = vector.shape_cast %reduce_or3A_4882 : vector<512x1xf32> to vector<1x512x1xf32>
      %reduce_or3A_4884 = arith.constant dense<0xFF800000> : vector<1xf32>
      %reduce_or3A_4885 = vector.multi_reduction <maximumf>, %reduce_or3A_4883, %reduce_or3A_4884 [1, 2] : vector<1x512x1xf32> to vector<1xf32>
      %reduce_or3A_4886 = vector.shape_cast %reduce_or3A_4885 : vector<1xf32> to vector<1x1x1xf32>
      %reduce_or3A_4887 = vector.extract %reduce_or3A_4886[0, 0, 0] : f32 from vector<1x1x1xf32>
      %reduce_or3A_4888 = arith.constant 0.000000e+00 : f32
      %reduce_or3A_4889 = arith.cmpf ogt, %reduce_or3A_4887, %reduce_or3A_4888 : f32
      %and3A_4890 = arith.andi %lt3A_4878, %reduce_or3A_4889 : i1
      scf.condition(%and3A_4890) %while3A_4874, %while3A_4875, %while3A_4876 : vector<512x1xf32>, vector<512x1xf32>, i32
    } do {
    ^bb0(%while3A_4874: vector<512x1xf32>, %while3A_4875: vector<512x1xf32>, %while3A_4876: i32):
      %dot_general3A_4877 = arith.constant dense<0.000000e+00> : vector<512x1xf32>
      %dot_general3A_4878 = tpu.matmul %select_n3A_3578, %while3A_4875, %dot_general3A_4877 {dimension_numbers = #tpu.dot_dimension_numbers<[1], [0], [0], [1], [0, 0, 1, 1], [], []>, transpose_lhs_hint = false} : vector<512x512xf32>, vector<512x1xf32>, vector<512x1xf32> -> vector<512x1xf32>
      %lt3A_4879 = arith.constant 5.000000e-01 : f32
      %lt3A_4880 = vector.broadcast %lt3A_4879 : f32 to vector<512x1xf32>
      %lt3A_4881 = arith.cmpf olt, %dot_general3A_4878, %lt3A_4880 : vector<512x1xf32>
      %convert_element_type3A_4882 = arith.extui %lt3A_4881 : vector<512x1xi1> to vector<512x1xi32>
      %convert_element_type3A_4883 = arith.sitofp %convert_element_type3A_4882 : vector<512x1xi32> to vector<512x1xf32>
      %mul3A_4884 = arith.mulf %convert_element_type3A_3590, %convert_element_type3A_4883 : vector<512x1xf32>
      %add3A_4885 = arith.constant 1 : i32
      %add3A_4886 = arith.addi %while3A_4876, %add3A_4885 : i32
      scf.yield %while3A_4875, %mul3A_4884, %add3A_4886 : vector<512x1xf32>, vector<512x1xf32>, i32
    }
    %swap3A_3596 = arith.constant 4096 : index
    %swap3A_3597 = arith.constant 0 : index
    %swap3A_3598 = vector.load %arg5[%swap3A_3596, %swap3A_3597] : memref<5120x1xf32, #tpu.memory_space<vmem>>, vector<512x1xf32>
    tpu.vector_store %arg5[%swap3A_3596, %swap3A_3597], %while3A_3595#1 {strides = array<i32>} : memref<5120x1xf32, #tpu.memory_space<vmem>>, vector<512x1xf32>,
    %get3A_3599 = arith.constant 0 : index
    %get3A_3600 = arith.constant 4608 : index
    %get3A_3601 = vector.load %arg1[%get3A_3599, %get3A_3600] : memref<4x5120xf32, #tpu.memory_space<vmem>>, vector<4x512xf32>
    %slice3A_3602 = vector.extract_strided_slice %get3A_3601 {offsets = [0, 0], sizes = [1, 512], strides = [1, 1]} : vector<4x512xf32> to vector<1x512xf32>
    %mul3A_3603 = arith.constant 1.024000e+03 : f32
    %mul3A_3604 = vector.broadcast %mul3A_3603 : f32 to vector<1x512xf32>
    %mul3A_3605 = arith.mulf %slice3A_3602, %mul3A_3604 : vector<1x512xf32>
    %slice3A_3606 = vector.extract_strided_slice %get3A_3601 {offsets = [1, 0], sizes = [1, 512], strides = [1, 1]} : vector<4x512xf32> to vector<1x512xf32>
    %mul3A_3607 = arith.constant 1.024000e+03 : f32
    %mul3A_3608 = vector.broadcast %mul3A_3607 : f32 to vector<1x512xf32>
    %mul3A_3609 = arith.mulf %slice3A_3606, %mul3A_3608 : vector<1x512xf32>
    %slice3A_3610 = vector.extract_strided_slice %get3A_3601 {offsets = [2, 0], sizes = [1, 512], strides = [1, 1]} : vector<4x512xf32> to vector<1x512xf32>
    %mul3A_3611 = arith.constant 2.000000e+02 : f32
    %mul3A_3612 = vector.broadcast %mul3A_3611 : f32 to vector<1x512xf32>
    %mul3A_3613 = arith.mulf %slice3A_3610, %mul3A_3612 : vector<1x512xf32>
    %add3A_3614 = arith.constant 1.000000e+00 : f32
    %add3A_3615 = vector.broadcast %add3A_3614 : f32 to vector<1x512xf32>
    %add3A_3616 = arith.addf %mul3A_3613, %add3A_3615 : vector<1x512xf32>
    %slice3A_3617 = vector.extract_strided_slice %get3A_3601 {offsets = [3, 0], sizes = [1, 512], strides = [1, 1]} : vector<4x512xf32> to vector<1x512xf32>
    %mul3A_3618 = arith.constant 2.000000e+02 : f32
    %mul3A_3619 = vector.broadcast %mul3A_3618 : f32 to vector<1x512xf32>
    %mul3A_3620 = arith.mulf %slice3A_3617, %mul3A_3619 : vector<1x512xf32>
    %add3A_3621 = arith.constant 1.000000e+00 : f32
    %add3A_3622 = vector.broadcast %add3A_3621 : f32 to vector<1x512xf32>
    %add3A_3623 = arith.addf %mul3A_3620, %add3A_3622 : vector<1x512xf32>
    %add3A_3624 = arith.addf %mul3A_3605, %add3A_3616 : vector<1x512xf32>
    %add3A_3625 = arith.addf %mul3A_3609, %add3A_3623 : vector<1x512xf32>
    %sub3A_3626 = arith.subf %add3A_3624, %mul3A_3605 : vector<1x512xf32>
    %sub3A_3627 = arith.subf %add3A_3625, %mul3A_3609 : vector<1x512xf32>
    %mul3A_3628 = arith.mulf %sub3A_3626, %sub3A_3627 : vector<1x512xf32>
    %get3A_3629 = arith.constant 4608 : index
    %get3A_3630 = arith.constant 0 : index
    %get3A_3631 = vector.load %arg0[%get3A_3629, %get3A_3630] : memref<5120x4xf32, #tpu.memory_space<vmem>>, vector<512x4xf32>
    %slice3A_3632 = vector.extract_strided_slice %get3A_3631 {offsets = [0, 0], sizes = [512, 1], strides = [1, 1]} : vector<512x4xf32> to vector<512x1xf32>
    %mul3A_3633 = arith.constant 1.024000e+03 : f32
    %mul3A_3634 = vector.broadcast %mul3A_3633 : f32 to vector<512x1xf32>
    %mul3A_3635 = arith.mulf %slice3A_3632, %mul3A_3634 : vector<512x1xf32>
    %slice3A_3636 = vector.extract_strided_slice %get3A_3631 {offsets = [0, 1], sizes = [512, 1], strides = [1, 1]} : vector<512x4xf32> to vector<512x1xf32>
    %mul3A_3637 = arith.constant 1.024000e+03 : f32
    %mul3A_3638 = vector.broadcast %mul3A_3637 : f32 to vector<512x1xf32>
    %mul3A_3639 = arith.mulf %slice3A_3636, %mul3A_3638 : vector<512x1xf32>
    %slice3A_3640 = vector.extract_strided_slice %get3A_3631 {offsets = [0, 2], sizes = [512, 1], strides = [1, 1]} : vector<512x4xf32> to vector<512x1xf32>
    %mul3A_3641 = arith.constant 2.000000e+02 : f32
    %mul3A_3642 = vector.broadcast %mul3A_3641 : f32 to vector<512x1xf32>
    %mul3A_3643 = arith.mulf %slice3A_3640, %mul3A_3642 : vector<512x1xf32>
    %add3A_3644 = arith.constant 1.000000e+00 : f32
    %add3A_3645 = vector.broadcast %add3A_3644 : f32 to vector<512x1xf32>
    %add3A_3646 = arith.addf %mul3A_3643, %add3A_3645 : vector<512x1xf32>
    %slice3A_3647 = vector.extract_strided_slice %get3A_3631 {offsets = [0, 3], sizes = [512, 1], strides = [1, 1]} : vector<512x4xf32> to vector<512x1xf32>
    %mul3A_3648 = arith.constant 2.000000e+02 : f32
    %mul3A_3649 = vector.broadcast %mul3A_3648 : f32 to vector<512x1xf32>
    %mul3A_3650 = arith.mulf %slice3A_3647, %mul3A_3649 : vector<512x1xf32>
    %add3A_3651 = arith.constant 1.000000e+00 : f32
    %add3A_3652 = vector.broadcast %add3A_3651 : f32 to vector<512x1xf32>
    %add3A_3653 = arith.addf %mul3A_3650, %add3A_3652 : vector<512x1xf32>
    %add3A_3654 = arith.addf %mul3A_3635, %add3A_3646 : vector<512x1xf32>
    %add3A_3655 = arith.addf %mul3A_3639, %add3A_3653 : vector<512x1xf32>
    %sub3A_3656 = arith.subf %add3A_3654, %mul3A_3635 : vector<512x1xf32>
    %sub3A_3657 = arith.subf %add3A_3655, %mul3A_3639 : vector<512x1xf32>
    %mul3A_3658 = arith.mulf %sub3A_3656, %sub3A_3657 : vector<512x1xf32>
    %broadcast_in_dim3A_3659 = arith.constant 0.000000e+00 : f32
    %broadcast_in_dim3A_3660 = vector.broadcast %broadcast_in_dim3A_3659 : f32 to vector<512x1xf32>
    %get3A_3661 = arith.constant 0 : index
    %get3A_3662 = arith.constant 0 : index
    %get3A_3663 = vector.load %arg1[%get3A_3661, %get3A_3662] : memref<4x5120xf32, #tpu.memory_space<vmem>>, vector<4x512xf32>
    %slice3A_3664 = vector.extract_strided_slice %get3A_3663 {offsets = [0, 0], sizes = [1, 512], strides = [1, 1]} : vector<4x512xf32> to vector<1x512xf32>
    %mul3A_3665 = arith.constant 1.024000e+03 : f32
    %mul3A_3666 = vector.broadcast %mul3A_3665 : f32 to vector<1x512xf32>
    %mul3A_3667 = arith.mulf %slice3A_3664, %mul3A_3666 : vector<1x512xf32>
    %slice3A_3668 = vector.extract_strided_slice %get3A_3663 {offsets = [1, 0], sizes = [1, 512], strides = [1, 1]} : vector<4x512xf32> to vector<1x512xf32>
    %mul3A_3669 = arith.constant 1.024000e+03 : f32
    %mul3A_3670 = vector.broadcast %mul3A_3669 : f32 to vector<1x512xf32>
    %mul3A_3671 = arith.mulf %slice3A_3668, %mul3A_3670 : vector<1x512xf32>
    %slice3A_3672 = vector.extract_strided_slice %get3A_3663 {offsets = [2, 0], sizes = [1, 512], strides = [1, 1]} : vector<4x512xf32> to vector<1x512xf32>
    %mul3A_3673 = arith.constant 2.000000e+02 : f32
    %mul3A_3674 = vector.broadcast %mul3A_3673 : f32 to vector<1x512xf32>
    %mul3A_3675 = arith.mulf %slice3A_3672, %mul3A_3674 : vector<1x512xf32>
    %add3A_3676 = arith.constant 1.000000e+00 : f32
    %add3A_3677 = vector.broadcast %add3A_3676 : f32 to vector<1x512xf32>
    %add3A_3678 = arith.addf %mul3A_3675, %add3A_3677 : vector<1x512xf32>
    %slice3A_3679 = vector.extract_strided_slice %get3A_3663 {offsets = [3, 0], sizes = [1, 512], strides = [1, 1]} : vector<4x512xf32> to vector<1x512xf32>
    %mul3A_3680 = arith.constant 2.000000e+02 : f32
    %mul3A_3681 = vector.broadcast %mul3A_3680 : f32 to vector<1x512xf32>
    %mul3A_3682 = arith.mulf %slice3A_3679, %mul3A_3681 : vector<1x512xf32>
    %add3A_3683 = arith.constant 1.000000e+00 : f32
    %add3A_3684 = vector.broadcast %add3A_3683 : f32 to vector<1x512xf32>
    %add3A_3685 = arith.addf %mul3A_3682, %add3A_3684 : vector<1x512xf32>
    %add3A_3686 = arith.addf %mul3A_3667, %add3A_3678 : vector<1x512xf32>
    %add3A_3687 = arith.addf %mul3A_3671, %add3A_3685 : vector<1x512xf32>
    %sub3A_3688 = arith.subf %add3A_3686, %mul3A_3667 : vector<1x512xf32>
    %sub3A_3689 = arith.subf %add3A_3687, %mul3A_3671 : vector<1x512xf32>
    %mul3A_3690 = arith.mulf %sub3A_3688, %sub3A_3689 : vector<1x512xf32>
    %min3A_3691 = vector.broadcast %add3A_3654 : vector<512x1xf32> to vector<512x512xf32>
    %min3A_3692 = vector.broadcast %add3A_3686 : vector<1x512xf32> to vector<512x512xf32>
    %min3A_3693 = arith.minimumf %min3A_3691, %min3A_3692 : vector<512x512xf32>
    %max3A_3694 = vector.broadcast %mul3A_3635 : vector<512x1xf32> to vector<512x512xf32>
    %max3A_3695 = vector.broadcast %mul3A_3667 : vector<1x512xf32> to vector<512x512xf32>
    %max3A_3696 = arith.maximumf %max3A_3694, %max3A_3695 : vector<512x512xf32>
    %sub3A_3697 = arith.subf %min3A_3693, %max3A_3696 : vector<512x512xf32>
    %max3A_3698 = arith.constant 0.000000e+00 : f32
    %max3A_3699 = vector.broadcast %max3A_3698 : f32 to vector<512x512xf32>
    %max3A_3700 = arith.maximumf %sub3A_3697, %max3A_3699 : vector<512x512xf32>
    %min3A_3701 = vector.broadcast %add3A_3655 : vector<512x1xf32> to vector<512x512xf32>
    %min3A_3702 = vector.broadcast %add3A_3687 : vector<1x512xf32> to vector<512x512xf32>
    %min3A_3703 = arith.minimumf %min3A_3701, %min3A_3702 : vector<512x512xf32>
    %max3A_3704 = vector.broadcast %mul3A_3639 : vector<512x1xf32> to vector<512x512xf32>
    %max3A_3705 = vector.broadcast %mul3A_3671 : vector<1x512xf32> to vector<512x512xf32>
    %max3A_3706 = arith.maximumf %max3A_3704, %max3A_3705 : vector<512x512xf32>
    %sub3A_3707 = arith.subf %min3A_3703, %max3A_3706 : vector<512x512xf32>
    %max3A_3708 = arith.constant 0.000000e+00 : f32
    %max3A_3709 = vector.broadcast %max3A_3708 : f32 to vector<512x512xf32>
    %max3A_3710 = arith.maximumf %sub3A_3707, %max3A_3709 : vector<512x512xf32>
    %mul3A_3711 = arith.mulf %max3A_3700, %max3A_3710 : vector<512x512xf32>
    %add3A_3712 = vector.broadcast %mul3A_3658 : vector<512x1xf32> to vector<512x512xf32>
    %add3A_3713 = vector.broadcast %mul3A_3690 : vector<1x512xf32> to vector<512x512xf32>
    %add3A_3714 = arith.addf %add3A_3712, %add3A_3713 : vector<512x512xf32>
    %sub3A_3715 = arith.subf %add3A_3714, %mul3A_3711 : vector<512x512xf32>
    %max3A_3716 = arith.constant 9.99999971E-10 : f32
    %max3A_3717 = vector.broadcast %max3A_3716 : f32 to vector<512x512xf32>
    %max3A_3718 = arith.maximumf %sub3A_3715, %max3A_3717 : vector<512x512xf32>
    %div3A_3719 = arith.divf %mul3A_3711, %max3A_3718 : vector<512x512xf32>
    %gt3A_3720 = arith.constant 3.000000e-01 : f32
    %gt3A_3721 = vector.broadcast %gt3A_3720 : f32 to vector<512x512xf32>
    %gt3A_3722 = arith.cmpf ogt, %div3A_3719, %gt3A_3721 : vector<512x512xf32>
    %convert_element_type3A_3723 = arith.extui %gt3A_3722 : vector<512x512xi1> to vector<512x512xi32>
    %convert_element_type3A_3724 = arith.sitofp %convert_element_type3A_3723 : vector<512x512xi32> to vector<512x512xf32>
    %get3A_3725 = arith.constant 0 : index
    %get3A_3726 = arith.constant 0 : index
    %get3A_3727 = vector.load %arg5[%get3A_3725, %get3A_3726] : memref<5120x1xf32, #tpu.memory_space<vmem>>, vector<512x1xf32>
    %dot_general3A_3728 = arith.constant dense<0.000000e+00> : vector<512x1xf32>
    %dot_general3A_3729 = tpu.matmul %convert_element_type3A_3724, %get3A_3727, %dot_general3A_3728 {dimension_numbers = #tpu.dot_dimension_numbers<[1], [0], [0], [1], [0, 0, 1, 1], [], []>, transpose_lhs_hint = false} : vector<512x512xf32>, vector<512x1xf32>, vector<512x1xf32> -> vector<512x1xf32>
    %add3A_3730 = arith.addf %broadcast_in_dim3A_3660, %dot_general3A_3729 : vector<512x1xf32>
    %get3A_3731 = arith.constant 0 : index
    %get3A_3732 = arith.constant 512 : index
    %get3A_3733 = vector.load %arg1[%get3A_3731, %get3A_3732] : memref<4x5120xf32, #tpu.memory_space<vmem>>, vector<4x512xf32>
    %slice3A_3734 = vector.extract_strided_slice %get3A_3733 {offsets = [0, 0], sizes = [1, 512], strides = [1, 1]} : vector<4x512xf32> to vector<1x512xf32>
    %mul3A_3735 = arith.constant 1.024000e+03 : f32
    %mul3A_3736 = vector.broadcast %mul3A_3735 : f32 to vector<1x512xf32>
    %mul3A_3737 = arith.mulf %slice3A_3734, %mul3A_3736 : vector<1x512xf32>
    %slice3A_3738 = vector.extract_strided_slice %get3A_3733 {offsets = [1, 0], sizes = [1, 512], strides = [1, 1]} : vector<4x512xf32> to vector<1x512xf32>
    %mul3A_3739 = arith.constant 1.024000e+03 : f32
    %mul3A_3740 = vector.broadcast %mul3A_3739 : f32 to vector<1x512xf32>
    %mul3A_3741 = arith.mulf %slice3A_3738, %mul3A_3740 : vector<1x512xf32>
    %slice3A_3742 = vector.extract_strided_slice %get3A_3733 {offsets = [2, 0], sizes = [1, 512], strides = [1, 1]} : vector<4x512xf32> to vector<1x512xf32>
    %mul3A_3743 = arith.constant 2.000000e+02 : f32
    %mul3A_3744 = vector.broadcast %mul3A_3743 : f32 to vector<1x512xf32>
    %mul3A_3745 = arith.mulf %slice3A_3742, %mul3A_3744 : vector<1x512xf32>
    %add3A_3746 = arith.constant 1.000000e+00 : f32
    %add3A_3747 = vector.broadcast %add3A_3746 : f32 to vector<1x512xf32>
    %add3A_3748 = arith.addf %mul3A_3745, %add3A_3747 : vector<1x512xf32>
    %slice3A_3749 = vector.extract_strided_slice %get3A_3733 {offsets = [3, 0], sizes = [1, 512], strides = [1, 1]} : vector<4x512xf32> to vector<1x512xf32>
    %mul3A_3750 = arith.constant 2.000000e+02 : f32
    %mul3A_3751 = vector.broadcast %mul3A_3750 : f32 to vector<1x512xf32>
    %mul3A_3752 = arith.mulf %slice3A_3749, %mul3A_3751 : vector<1x512xf32>
    %add3A_3753 = arith.constant 1.000000e+00 : f32
    %add3A_3754 = vector.broadcast %add3A_3753 : f32 to vector<1x512xf32>
    %add3A_3755 = arith.addf %mul3A_3752, %add3A_3754 : vector<1x512xf32>
    %add3A_3756 = arith.addf %mul3A_3737, %add3A_3748 : vector<1x512xf32>
    %add3A_3757 = arith.addf %mul3A_3741, %add3A_3755 : vector<1x512xf32>
    %sub3A_3758 = arith.subf %add3A_3756, %mul3A_3737 : vector<1x512xf32>
    %sub3A_3759 = arith.subf %add3A_3757, %mul3A_3741 : vector<1x512xf32>
    %mul3A_3760 = arith.mulf %sub3A_3758, %sub3A_3759 : vector<1x512xf32>
    %min3A_3761 = vector.broadcast %add3A_3654 : vector<512x1xf32> to vector<512x512xf32>
    %min3A_3762 = vector.broadcast %add3A_3756 : vector<1x512xf32> to vector<512x512xf32>
    %min3A_3763 = arith.minimumf %min3A_3761, %min3A_3762 : vector<512x512xf32>
    %max3A_3764 = vector.broadcast %mul3A_3635 : vector<512x1xf32> to vector<512x512xf32>
    %max3A_3765 = vector.broadcast %mul3A_3737 : vector<1x512xf32> to vector<512x512xf32>
    %max3A_3766 = arith.maximumf %max3A_3764, %max3A_3765 : vector<512x512xf32>
    %sub3A_3767 = arith.subf %min3A_3763, %max3A_3766 : vector<512x512xf32>
    %max3A_3768 = arith.constant 0.000000e+00 : f32
    %max3A_3769 = vector.broadcast %max3A_3768 : f32 to vector<512x512xf32>
    %max3A_3770 = arith.maximumf %sub3A_3767, %max3A_3769 : vector<512x512xf32>
    %min3A_3771 = vector.broadcast %add3A_3655 : vector<512x1xf32> to vector<512x512xf32>
    %min3A_3772 = vector.broadcast %add3A_3757 : vector<1x512xf32> to vector<512x512xf32>
    %min3A_3773 = arith.minimumf %min3A_3771, %min3A_3772 : vector<512x512xf32>
    %max3A_3774 = vector.broadcast %mul3A_3639 : vector<512x1xf32> to vector<512x512xf32>
    %max3A_3775 = vector.broadcast %mul3A_3741 : vector<1x512xf32> to vector<512x512xf32>
    %max3A_3776 = arith.maximumf %max3A_3774, %max3A_3775 : vector<512x512xf32>
    %sub3A_3777 = arith.subf %min3A_3773, %max3A_3776 : vector<512x512xf32>
    %max3A_3778 = arith.constant 0.000000e+00 : f32
    %max3A_3779 = vector.broadcast %max3A_3778 : f32 to vector<512x512xf32>
    %max3A_3780 = arith.maximumf %sub3A_3777, %max3A_3779 : vector<512x512xf32>
    %mul3A_3781 = arith.mulf %max3A_3770, %max3A_3780 : vector<512x512xf32>
    %add3A_3782 = vector.broadcast %mul3A_3658 : vector<512x1xf32> to vector<512x512xf32>
    %add3A_3783 = vector.broadcast %mul3A_3760 : vector<1x512xf32> to vector<512x512xf32>
    %add3A_3784 = arith.addf %add3A_3782, %add3A_3783 : vector<512x512xf32>
    %sub3A_3785 = arith.subf %add3A_3784, %mul3A_3781 : vector<512x512xf32>
    %max3A_3786 = arith.constant 9.99999971E-10 : f32
    %max3A_3787 = vector.broadcast %max3A_3786 : f32 to vector<512x512xf32>
    %max3A_3788 = arith.maximumf %sub3A_3785, %max3A_3787 : vector<512x512xf32>
    %div3A_3789 = arith.divf %mul3A_3781, %max3A_3788 : vector<512x512xf32>
    %gt3A_3790 = arith.constant 3.000000e-01 : f32
    %gt3A_3791 = vector.broadcast %gt3A_3790 : f32 to vector<512x512xf32>
    %gt3A_3792 = arith.cmpf ogt, %div3A_3789, %gt3A_3791 : vector<512x512xf32>
    %convert_element_type3A_3793 = arith.extui %gt3A_3792 : vector<512x512xi1> to vector<512x512xi32>
    %convert_element_type3A_3794 = arith.sitofp %convert_element_type3A_3793 : vector<512x512xi32> to vector<512x512xf32>
    %get3A_3795 = arith.constant 512 : index
    %get3A_3796 = arith.constant 0 : index
    %get3A_3797 = vector.load %arg5[%get3A_3795, %get3A_3796] : memref<5120x1xf32, #tpu.memory_space<vmem>>, vector<512x1xf32>
    %dot_general3A_3798 = arith.constant dense<0.000000e+00> : vector<512x1xf32>
    %dot_general3A_3799 = tpu.matmul %convert_element_type3A_3794, %get3A_3797, %dot_general3A_3798 {dimension_numbers = #tpu.dot_dimension_numbers<[1], [0], [0], [1], [0, 0, 1, 1], [], []>, transpose_lhs_hint = false} : vector<512x512xf32>, vector<512x1xf32>, vector<512x1xf32> -> vector<512x1xf32>
    %add3A_3800 = arith.addf %add3A_3730, %dot_general3A_3799 : vector<512x1xf32>
    %get3A_3801 = arith.constant 0 : index
    %get3A_3802 = arith.constant 1024 : index
    %get3A_3803 = vector.load %arg1[%get3A_3801, %get3A_3802] : memref<4x5120xf32, #tpu.memory_space<vmem>>, vector<4x512xf32>
    %slice3A_3804 = vector.extract_strided_slice %get3A_3803 {offsets = [0, 0], sizes = [1, 512], strides = [1, 1]} : vector<4x512xf32> to vector<1x512xf32>
    %mul3A_3805 = arith.constant 1.024000e+03 : f32
    %mul3A_3806 = vector.broadcast %mul3A_3805 : f32 to vector<1x512xf32>
    %mul3A_3807 = arith.mulf %slice3A_3804, %mul3A_3806 : vector<1x512xf32>
    %slice3A_3808 = vector.extract_strided_slice %get3A_3803 {offsets = [1, 0], sizes = [1, 512], strides = [1, 1]} : vector<4x512xf32> to vector<1x512xf32>
    %mul3A_3809 = arith.constant 1.024000e+03 : f32
    %mul3A_3810 = vector.broadcast %mul3A_3809 : f32 to vector<1x512xf32>
    %mul3A_3811 = arith.mulf %slice3A_3808, %mul3A_3810 : vector<1x512xf32>
    %slice3A_3812 = vector.extract_strided_slice %get3A_3803 {offsets = [2, 0], sizes = [1, 512], strides = [1, 1]} : vector<4x512xf32> to vector<1x512xf32>
    %mul3A_3813 = arith.constant 2.000000e+02 : f32
    %mul3A_3814 = vector.broadcast %mul3A_3813 : f32 to vector<1x512xf32>
    %mul3A_3815 = arith.mulf %slice3A_3812, %mul3A_3814 : vector<1x512xf32>
    %add3A_3816 = arith.constant 1.000000e+00 : f32
    %add3A_3817 = vector.broadcast %add3A_3816 : f32 to vector<1x512xf32>
    %add3A_3818 = arith.addf %mul3A_3815, %add3A_3817 : vector<1x512xf32>
    %slice3A_3819 = vector.extract_strided_slice %get3A_3803 {offsets = [3, 0], sizes = [1, 512], strides = [1, 1]} : vector<4x512xf32> to vector<1x512xf32>
    %mul3A_3820 = arith.constant 2.000000e+02 : f32
    %mul3A_3821 = vector.broadcast %mul3A_3820 : f32 to vector<1x512xf32>
    %mul3A_3822 = arith.mulf %slice3A_3819, %mul3A_3821 : vector<1x512xf32>
    %add3A_3823 = arith.constant 1.000000e+00 : f32
    %add3A_3824 = vector.broadcast %add3A_3823 : f32 to vector<1x512xf32>
    %add3A_3825 = arith.addf %mul3A_3822, %add3A_3824 : vector<1x512xf32>
    %add3A_3826 = arith.addf %mul3A_3807, %add3A_3818 : vector<1x512xf32>
    %add3A_3827 = arith.addf %mul3A_3811, %add3A_3825 : vector<1x512xf32>
    %sub3A_3828 = arith.subf %add3A_3826, %mul3A_3807 : vector<1x512xf32>
    %sub3A_3829 = arith.subf %add3A_3827, %mul3A_3811 : vector<1x512xf32>
    %mul3A_3830 = arith.mulf %sub3A_3828, %sub3A_3829 : vector<1x512xf32>
    %min3A_3831 = vector.broadcast %add3A_3654 : vector<512x1xf32> to vector<512x512xf32>
    %min3A_3832 = vector.broadcast %add3A_3826 : vector<1x512xf32> to vector<512x512xf32>
    %min3A_3833 = arith.minimumf %min3A_3831, %min3A_3832 : vector<512x512xf32>
    %max3A_3834 = vector.broadcast %mul3A_3635 : vector<512x1xf32> to vector<512x512xf32>
    %max3A_3835 = vector.broadcast %mul3A_3807 : vector<1x512xf32> to vector<512x512xf32>
    %max3A_3836 = arith.maximumf %max3A_3834, %max3A_3835 : vector<512x512xf32>
    %sub3A_3837 = arith.subf %min3A_3833, %max3A_3836 : vector<512x512xf32>
    %max3A_3838 = arith.constant 0.000000e+00 : f32
    %max3A_3839 = vector.broadcast %max3A_3838 : f32 to vector<512x512xf32>
    %max3A_3840 = arith.maximumf %sub3A_3837, %max3A_3839 : vector<512x512xf32>
    %min3A_3841 = vector.broadcast %add3A_3655 : vector<512x1xf32> to vector<512x512xf32>
    %min3A_3842 = vector.broadcast %add3A_3827 : vector<1x512xf32> to vector<512x512xf32>
    %min3A_3843 = arith.minimumf %min3A_3841, %min3A_3842 : vector<512x512xf32>
    %max3A_3844 = vector.broadcast %mul3A_3639 : vector<512x1xf32> to vector<512x512xf32>
    %max3A_3845 = vector.broadcast %mul3A_3811 : vector<1x512xf32> to vector<512x512xf32>
    %max3A_3846 = arith.maximumf %max3A_3844, %max3A_3845 : vector<512x512xf32>
    %sub3A_3847 = arith.subf %min3A_3843, %max3A_3846 : vector<512x512xf32>
    %max3A_3848 = arith.constant 0.000000e+00 : f32
    %max3A_3849 = vector.broadcast %max3A_3848 : f32 to vector<512x512xf32>
    %max3A_3850 = arith.maximumf %sub3A_3847, %max3A_3849 : vector<512x512xf32>
    %mul3A_3851 = arith.mulf %max3A_3840, %max3A_3850 : vector<512x512xf32>
    %add3A_3852 = vector.broadcast %mul3A_3658 : vector<512x1xf32> to vector<512x512xf32>
    %add3A_3853 = vector.broadcast %mul3A_3830 : vector<1x512xf32> to vector<512x512xf32>
    %add3A_3854 = arith.addf %add3A_3852, %add3A_3853 : vector<512x512xf32>
    %sub3A_3855 = arith.subf %add3A_3854, %mul3A_3851 : vector<512x512xf32>
    %max3A_3856 = arith.constant 9.99999971E-10 : f32
    %max3A_3857 = vector.broadcast %max3A_3856 : f32 to vector<512x512xf32>
    %max3A_3858 = arith.maximumf %sub3A_3855, %max3A_3857 : vector<512x512xf32>
    %div3A_3859 = arith.divf %mul3A_3851, %max3A_3858 : vector<512x512xf32>
    %gt3A_3860 = arith.constant 3.000000e-01 : f32
    %gt3A_3861 = vector.broadcast %gt3A_3860 : f32 to vector<512x512xf32>
    %gt3A_3862 = arith.cmpf ogt, %div3A_3859, %gt3A_3861 : vector<512x512xf32>
    %convert_element_type3A_3863 = arith.extui %gt3A_3862 : vector<512x512xi1> to vector<512x512xi32>
    %convert_element_type3A_3864 = arith.sitofp %convert_element_type3A_3863 : vector<512x512xi32> to vector<512x512xf32>
    %get3A_3865 = arith.constant 1024 : index
    %get3A_3866 = arith.constant 0 : index
    %get3A_3867 = vector.load %arg5[%get3A_3865, %get3A_3866] : memref<5120x1xf32, #tpu.memory_space<vmem>>, vector<512x1xf32>
    %dot_general3A_3868 = arith.constant dense<0.000000e+00> : vector<512x1xf32>
    %dot_general3A_3869 = tpu.matmul %convert_element_type3A_3864, %get3A_3867, %dot_general3A_3868 {dimension_numbers = #tpu.dot_dimension_numbers<[1], [0], [0], [1], [0, 0, 1, 1], [], []>, transpose_lhs_hint = false} : vector<512x512xf32>, vector<512x1xf32>, vector<512x1xf32> -> vector<512x1xf32>
    %add3A_3870 = arith.addf %add3A_3800, %dot_general3A_3869 : vector<512x1xf32>
    %get3A_3871 = arith.constant 0 : index
    %get3A_3872 = arith.constant 1536 : index
    %get3A_3873 = vector.load %arg1[%get3A_3871, %get3A_3872] : memref<4x5120xf32, #tpu.memory_space<vmem>>, vector<4x512xf32>
    %slice3A_3874 = vector.extract_strided_slice %get3A_3873 {offsets = [0, 0], sizes = [1, 512], strides = [1, 1]} : vector<4x512xf32> to vector<1x512xf32>
    %mul3A_3875 = arith.constant 1.024000e+03 : f32
    %mul3A_3876 = vector.broadcast %mul3A_3875 : f32 to vector<1x512xf32>
    %mul3A_3877 = arith.mulf %slice3A_3874, %mul3A_3876 : vector<1x512xf32>
    %slice3A_3878 = vector.extract_strided_slice %get3A_3873 {offsets = [1, 0], sizes = [1, 512], strides = [1, 1]} : vector<4x512xf32> to vector<1x512xf32>
    %mul3A_3879 = arith.constant 1.024000e+03 : f32
    %mul3A_3880 = vector.broadcast %mul3A_3879 : f32 to vector<1x512xf32>
    %mul3A_3881 = arith.mulf %slice3A_3878, %mul3A_3880 : vector<1x512xf32>
    %slice3A_3882 = vector.extract_strided_slice %get3A_3873 {offsets = [2, 0], sizes = [1, 512], strides = [1, 1]} : vector<4x512xf32> to vector<1x512xf32>
    %mul3A_3883 = arith.constant 2.000000e+02 : f32
    %mul3A_3884 = vector.broadcast %mul3A_3883 : f32 to vector<1x512xf32>
    %mul3A_3885 = arith.mulf %slice3A_3882, %mul3A_3884 : vector<1x512xf32>
    %add3A_3886 = arith.constant 1.000000e+00 : f32
    %add3A_3887 = vector.broadcast %add3A_3886 : f32 to vector<1x512xf32>
    %add3A_3888 = arith.addf %mul3A_3885, %add3A_3887 : vector<1x512xf32>
    %slice3A_3889 = vector.extract_strided_slice %get3A_3873 {offsets = [3, 0], sizes = [1, 512], strides = [1, 1]} : vector<4x512xf32> to vector<1x512xf32>
    %mul3A_3890 = arith.constant 2.000000e+02 : f32
    %mul3A_3891 = vector.broadcast %mul3A_3890 : f32 to vector<1x512xf32>
    %mul3A_3892 = arith.mulf %slice3A_3889, %mul3A_3891 : vector<1x512xf32>
    %add3A_3893 = arith.constant 1.000000e+00 : f32
    %add3A_3894 = vector.broadcast %add3A_3893 : f32 to vector<1x512xf32>
    %add3A_3895 = arith.addf %mul3A_3892, %add3A_3894 : vector<1x512xf32>
    %add3A_3896 = arith.addf %mul3A_3877, %add3A_3888 : vector<1x512xf32>
    %add3A_3897 = arith.addf %mul3A_3881, %add3A_3895 : vector<1x512xf32>
    %sub3A_3898 = arith.subf %add3A_3896, %mul3A_3877 : vector<1x512xf32>
    %sub3A_3899 = arith.subf %add3A_3897, %mul3A_3881 : vector<1x512xf32>
    %mul3A_3900 = arith.mulf %sub3A_3898, %sub3A_3899 : vector<1x512xf32>
    %min3A_3901 = vector.broadcast %add3A_3654 : vector<512x1xf32> to vector<512x512xf32>
    %min3A_3902 = vector.broadcast %add3A_3896 : vector<1x512xf32> to vector<512x512xf32>
    %min3A_3903 = arith.minimumf %min3A_3901, %min3A_3902 : vector<512x512xf32>
    %max3A_3904 = vector.broadcast %mul3A_3635 : vector<512x1xf32> to vector<512x512xf32>
    %max3A_3905 = vector.broadcast %mul3A_3877 : vector<1x512xf32> to vector<512x512xf32>
    %max3A_3906 = arith.maximumf %max3A_3904, %max3A_3905 : vector<512x512xf32>
    %sub3A_3907 = arith.subf %min3A_3903, %max3A_3906 : vector<512x512xf32>
    %max3A_3908 = arith.constant 0.000000e+00 : f32
    %max3A_3909 = vector.broadcast %max3A_3908 : f32 to vector<512x512xf32>
    %max3A_3910 = arith.maximumf %sub3A_3907, %max3A_3909 : vector<512x512xf32>
    %min3A_3911 = vector.broadcast %add3A_3655 : vector<512x1xf32> to vector<512x512xf32>
    %min3A_3912 = vector.broadcast %add3A_3897 : vector<1x512xf32> to vector<512x512xf32>
    %min3A_3913 = arith.minimumf %min3A_3911, %min3A_3912 : vector<512x512xf32>
    %max3A_3914 = vector.broadcast %mul3A_3639 : vector<512x1xf32> to vector<512x512xf32>
    %max3A_3915 = vector.broadcast %mul3A_3881 : vector<1x512xf32> to vector<512x512xf32>
    %max3A_3916 = arith.maximumf %max3A_3914, %max3A_3915 : vector<512x512xf32>
    %sub3A_3917 = arith.subf %min3A_3913, %max3A_3916 : vector<512x512xf32>
    %max3A_3918 = arith.constant 0.000000e+00 : f32
    %max3A_3919 = vector.broadcast %max3A_3918 : f32 to vector<512x512xf32>
    %max3A_3920 = arith.maximumf %sub3A_3917, %max3A_3919 : vector<512x512xf32>
    %mul3A_3921 = arith.mulf %max3A_3910, %max3A_3920 : vector<512x512xf32>
    %add3A_3922 = vector.broadcast %mul3A_3658 : vector<512x1xf32> to vector<512x512xf32>
    %add3A_3923 = vector.broadcast %mul3A_3900 : vector<1x512xf32> to vector<512x512xf32>
    %add3A_3924 = arith.addf %add3A_3922, %add3A_3923 : vector<512x512xf32>
    %sub3A_3925 = arith.subf %add3A_3924, %mul3A_3921 : vector<512x512xf32>
    %max3A_3926 = arith.constant 9.99999971E-10 : f32
    %max3A_3927 = vector.broadcast %max3A_3926 : f32 to vector<512x512xf32>
    %max3A_3928 = arith.maximumf %sub3A_3925, %max3A_3927 : vector<512x512xf32>
    %div3A_3929 = arith.divf %mul3A_3921, %max3A_3928 : vector<512x512xf32>
    %gt3A_3930 = arith.constant 3.000000e-01 : f32
    %gt3A_3931 = vector.broadcast %gt3A_3930 : f32 to vector<512x512xf32>
    %gt3A_3932 = arith.cmpf ogt, %div3A_3929, %gt3A_3931 : vector<512x512xf32>
    %convert_element_type3A_3933 = arith.extui %gt3A_3932 : vector<512x512xi1> to vector<512x512xi32>
    %convert_element_type3A_3934 = arith.sitofp %convert_element_type3A_3933 : vector<512x512xi32> to vector<512x512xf32>
    %get3A_3935 = arith.constant 1536 : index
    %get3A_3936 = arith.constant 0 : index
    %get3A_3937 = vector.load %arg5[%get3A_3935, %get3A_3936] : memref<5120x1xf32, #tpu.memory_space<vmem>>, vector<512x1xf32>
    %dot_general3A_3938 = arith.constant dense<0.000000e+00> : vector<512x1xf32>
    %dot_general3A_3939 = tpu.matmul %convert_element_type3A_3934, %get3A_3937, %dot_general3A_3938 {dimension_numbers = #tpu.dot_dimension_numbers<[1], [0], [0], [1], [0, 0, 1, 1], [], []>, transpose_lhs_hint = false} : vector<512x512xf32>, vector<512x1xf32>, vector<512x1xf32> -> vector<512x1xf32>
    %add3A_3940 = arith.addf %add3A_3870, %dot_general3A_3939 : vector<512x1xf32>
    %get3A_3941 = arith.constant 0 : index
    %get3A_3942 = arith.constant 2048 : index
    %get3A_3943 = vector.load %arg1[%get3A_3941, %get3A_3942] : memref<4x5120xf32, #tpu.memory_space<vmem>>, vector<4x512xf32>
    %slice3A_3944 = vector.extract_strided_slice %get3A_3943 {offsets = [0, 0], sizes = [1, 512], strides = [1, 1]} : vector<4x512xf32> to vector<1x512xf32>
    %mul3A_3945 = arith.constant 1.024000e+03 : f32
    %mul3A_3946 = vector.broadcast %mul3A_3945 : f32 to vector<1x512xf32>
    %mul3A_3947 = arith.mulf %slice3A_3944, %mul3A_3946 : vector<1x512xf32>
    %slice3A_3948 = vector.extract_strided_slice %get3A_3943 {offsets = [1, 0], sizes = [1, 512], strides = [1, 1]} : vector<4x512xf32> to vector<1x512xf32>
    %mul3A_3949 = arith.constant 1.024000e+03 : f32
    %mul3A_3950 = vector.broadcast %mul3A_3949 : f32 to vector<1x512xf32>
    %mul3A_3951 = arith.mulf %slice3A_3948, %mul3A_3950 : vector<1x512xf32>
    %slice3A_3952 = vector.extract_strided_slice %get3A_3943 {offsets = [2, 0], sizes = [1, 512], strides = [1, 1]} : vector<4x512xf32> to vector<1x512xf32>
    %mul3A_3953 = arith.constant 2.000000e+02 : f32
    %mul3A_3954 = vector.broadcast %mul3A_3953 : f32 to vector<1x512xf32>
    %mul3A_3955 = arith.mulf %slice3A_3952, %mul3A_3954 : vector<1x512xf32>
    %add3A_3956 = arith.constant 1.000000e+00 : f32
    %add3A_3957 = vector.broadcast %add3A_3956 : f32 to vector<1x512xf32>
    %add3A_3958 = arith.addf %mul3A_3955, %add3A_3957 : vector<1x512xf32>
    %slice3A_3959 = vector.extract_strided_slice %get3A_3943 {offsets = [3, 0], sizes = [1, 512], strides = [1, 1]} : vector<4x512xf32> to vector<1x512xf32>
    %mul3A_3960 = arith.constant 2.000000e+02 : f32
    %mul3A_3961 = vector.broadcast %mul3A_3960 : f32 to vector<1x512xf32>
    %mul3A_3962 = arith.mulf %slice3A_3959, %mul3A_3961 : vector<1x512xf32>
    %add3A_3963 = arith.constant 1.000000e+00 : f32
    %add3A_3964 = vector.broadcast %add3A_3963 : f32 to vector<1x512xf32>
    %add3A_3965 = arith.addf %mul3A_3962, %add3A_3964 : vector<1x512xf32>
    %add3A_3966 = arith.addf %mul3A_3947, %add3A_3958 : vector<1x512xf32>
    %add3A_3967 = arith.addf %mul3A_3951, %add3A_3965 : vector<1x512xf32>
    %sub3A_3968 = arith.subf %add3A_3966, %mul3A_3947 : vector<1x512xf32>
    %sub3A_3969 = arith.subf %add3A_3967, %mul3A_3951 : vector<1x512xf32>
    %mul3A_3970 = arith.mulf %sub3A_3968, %sub3A_3969 : vector<1x512xf32>
    %min3A_3971 = vector.broadcast %add3A_3654 : vector<512x1xf32> to vector<512x512xf32>
    %min3A_3972 = vector.broadcast %add3A_3966 : vector<1x512xf32> to vector<512x512xf32>
    %min3A_3973 = arith.minimumf %min3A_3971, %min3A_3972 : vector<512x512xf32>
    %max3A_3974 = vector.broadcast %mul3A_3635 : vector<512x1xf32> to vector<512x512xf32>
    %max3A_3975 = vector.broadcast %mul3A_3947 : vector<1x512xf32> to vector<512x512xf32>
    %max3A_3976 = arith.maximumf %max3A_3974, %max3A_3975 : vector<512x512xf32>
    %sub3A_3977 = arith.subf %min3A_3973, %max3A_3976 : vector<512x512xf32>
    %max3A_3978 = arith.constant 0.000000e+00 : f32
    %max3A_3979 = vector.broadcast %max3A_3978 : f32 to vector<512x512xf32>
    %max3A_3980 = arith.maximumf %sub3A_3977, %max3A_3979 : vector<512x512xf32>
    %min3A_3981 = vector.broadcast %add3A_3655 : vector<512x1xf32> to vector<512x512xf32>
    %min3A_3982 = vector.broadcast %add3A_3967 : vector<1x512xf32> to vector<512x512xf32>
    %min3A_3983 = arith.minimumf %min3A_3981, %min3A_3982 : vector<512x512xf32>
    %max3A_3984 = vector.broadcast %mul3A_3639 : vector<512x1xf32> to vector<512x512xf32>
    %max3A_3985 = vector.broadcast %mul3A_3951 : vector<1x512xf32> to vector<512x512xf32>
    %max3A_3986 = arith.maximumf %max3A_3984, %max3A_3985 : vector<512x512xf32>
    %sub3A_3987 = arith.subf %min3A_3983, %max3A_3986 : vector<512x512xf32>
    %max3A_3988 = arith.constant 0.000000e+00 : f32
    %max3A_3989 = vector.broadcast %max3A_3988 : f32 to vector<512x512xf32>
    %max3A_3990 = arith.maximumf %sub3A_3987, %max3A_3989 : vector<512x512xf32>
    %mul3A_3991 = arith.mulf %max3A_3980, %max3A_3990 : vector<512x512xf32>
    %add3A_3992 = vector.broadcast %mul3A_3658 : vector<512x1xf32> to vector<512x512xf32>
    %add3A_3993 = vector.broadcast %mul3A_3970 : vector<1x512xf32> to vector<512x512xf32>
    %add3A_3994 = arith.addf %add3A_3992, %add3A_3993 : vector<512x512xf32>
    %sub3A_3995 = arith.subf %add3A_3994, %mul3A_3991 : vector<512x512xf32>
    %max3A_3996 = arith.constant 9.99999971E-10 : f32
    %max3A_3997 = vector.broadcast %max3A_3996 : f32 to vector<512x512xf32>
    %max3A_3998 = arith.maximumf %sub3A_3995, %max3A_3997 : vector<512x512xf32>
    %div3A_3999 = arith.divf %mul3A_3991, %max3A_3998 : vector<512x512xf32>
    %gt3A_4000 = arith.constant 3.000000e-01 : f32
    %gt3A_4001 = vector.broadcast %gt3A_4000 : f32 to vector<512x512xf32>
    %gt3A_4002 = arith.cmpf ogt, %div3A_3999, %gt3A_4001 : vector<512x512xf32>
    %convert_element_type3A_4003 = arith.extui %gt3A_4002 : vector<512x512xi1> to vector<512x512xi32>
    %convert_element_type3A_4004 = arith.sitofp %convert_element_type3A_4003 : vector<512x512xi32> to vector<512x512xf32>
    %get3A_4005 = arith.constant 2048 : index
    %get3A_4006 = arith.constant 0 : index
    %get3A_4007 = vector.load %arg5[%get3A_4005, %get3A_4006] : memref<5120x1xf32, #tpu.memory_space<vmem>>, vector<512x1xf32>
    %dot_general3A_4008 = arith.constant dense<0.000000e+00> : vector<512x1xf32>
    %dot_general3A_4009 = tpu.matmul %convert_element_type3A_4004, %get3A_4007, %dot_general3A_4008 {dimension_numbers = #tpu.dot_dimension_numbers<[1], [0], [0], [1], [0, 0, 1, 1], [], []>, transpose_lhs_hint = false} : vector<512x512xf32>, vector<512x1xf32>, vector<512x1xf32> -> vector<512x1xf32>
    %add3A_4010 = arith.addf %add3A_3940, %dot_general3A_4009 : vector<512x1xf32>
    %get3A_4011 = arith.constant 0 : index
    %get3A_4012 = arith.constant 2560 : index
    %get3A_4013 = vector.load %arg1[%get3A_4011, %get3A_4012] : memref<4x5120xf32, #tpu.memory_space<vmem>>, vector<4x512xf32>
    %slice3A_4014 = vector.extract_strided_slice %get3A_4013 {offsets = [0, 0], sizes = [1, 512], strides = [1, 1]} : vector<4x512xf32> to vector<1x512xf32>
    %mul3A_4015 = arith.constant 1.024000e+03 : f32
    %mul3A_4016 = vector.broadcast %mul3A_4015 : f32 to vector<1x512xf32>
    %mul3A_4017 = arith.mulf %slice3A_4014, %mul3A_4016 : vector<1x512xf32>
    %slice3A_4018 = vector.extract_strided_slice %get3A_4013 {offsets = [1, 0], sizes = [1, 512], strides = [1, 1]} : vector<4x512xf32> to vector<1x512xf32>
    %mul3A_4019 = arith.constant 1.024000e+03 : f32
    %mul3A_4020 = vector.broadcast %mul3A_4019 : f32 to vector<1x512xf32>
    %mul3A_4021 = arith.mulf %slice3A_4018, %mul3A_4020 : vector<1x512xf32>
    %slice3A_4022 = vector.extract_strided_slice %get3A_4013 {offsets = [2, 0], sizes = [1, 512], strides = [1, 1]} : vector<4x512xf32> to vector<1x512xf32>
    %mul3A_4023 = arith.constant 2.000000e+02 : f32
    %mul3A_4024 = vector.broadcast %mul3A_4023 : f32 to vector<1x512xf32>
    %mul3A_4025 = arith.mulf %slice3A_4022, %mul3A_4024 : vector<1x512xf32>
    %add3A_4026 = arith.constant 1.000000e+00 : f32
    %add3A_4027 = vector.broadcast %add3A_4026 : f32 to vector<1x512xf32>
    %add3A_4028 = arith.addf %mul3A_4025, %add3A_4027 : vector<1x512xf32>
    %slice3A_4029 = vector.extract_strided_slice %get3A_4013 {offsets = [3, 0], sizes = [1, 512], strides = [1, 1]} : vector<4x512xf32> to vector<1x512xf32>
    %mul3A_4030 = arith.constant 2.000000e+02 : f32
    %mul3A_4031 = vector.broadcast %mul3A_4030 : f32 to vector<1x512xf32>
    %mul3A_4032 = arith.mulf %slice3A_4029, %mul3A_4031 : vector<1x512xf32>
    %add3A_4033 = arith.constant 1.000000e+00 : f32
    %add3A_4034 = vector.broadcast %add3A_4033 : f32 to vector<1x512xf32>
    %add3A_4035 = arith.addf %mul3A_4032, %add3A_4034 : vector<1x512xf32>
    %add3A_4036 = arith.addf %mul3A_4017, %add3A_4028 : vector<1x512xf32>
    %add3A_4037 = arith.addf %mul3A_4021, %add3A_4035 : vector<1x512xf32>
    %sub3A_4038 = arith.subf %add3A_4036, %mul3A_4017 : vector<1x512xf32>
    %sub3A_4039 = arith.subf %add3A_4037, %mul3A_4021 : vector<1x512xf32>
    %mul3A_4040 = arith.mulf %sub3A_4038, %sub3A_4039 : vector<1x512xf32>
    %min3A_4041 = vector.broadcast %add3A_3654 : vector<512x1xf32> to vector<512x512xf32>
    %min3A_4042 = vector.broadcast %add3A_4036 : vector<1x512xf32> to vector<512x512xf32>
    %min3A_4043 = arith.minimumf %min3A_4041, %min3A_4042 : vector<512x512xf32>
    %max3A_4044 = vector.broadcast %mul3A_3635 : vector<512x1xf32> to vector<512x512xf32>
    %max3A_4045 = vector.broadcast %mul3A_4017 : vector<1x512xf32> to vector<512x512xf32>
    %max3A_4046 = arith.maximumf %max3A_4044, %max3A_4045 : vector<512x512xf32>
    %sub3A_4047 = arith.subf %min3A_4043, %max3A_4046 : vector<512x512xf32>
    %max3A_4048 = arith.constant 0.000000e+00 : f32
    %max3A_4049 = vector.broadcast %max3A_4048 : f32 to vector<512x512xf32>
    %max3A_4050 = arith.maximumf %sub3A_4047, %max3A_4049 : vector<512x512xf32>
    %min3A_4051 = vector.broadcast %add3A_3655 : vector<512x1xf32> to vector<512x512xf32>
    %min3A_4052 = vector.broadcast %add3A_4037 : vector<1x512xf32> to vector<512x512xf32>
    %min3A_4053 = arith.minimumf %min3A_4051, %min3A_4052 : vector<512x512xf32>
    %max3A_4054 = vector.broadcast %mul3A_3639 : vector<512x1xf32> to vector<512x512xf32>
    %max3A_4055 = vector.broadcast %mul3A_4021 : vector<1x512xf32> to vector<512x512xf32>
    %max3A_4056 = arith.maximumf %max3A_4054, %max3A_4055 : vector<512x512xf32>
    %sub3A_4057 = arith.subf %min3A_4053, %max3A_4056 : vector<512x512xf32>
    %max3A_4058 = arith.constant 0.000000e+00 : f32
    %max3A_4059 = vector.broadcast %max3A_4058 : f32 to vector<512x512xf32>
    %max3A_4060 = arith.maximumf %sub3A_4057, %max3A_4059 : vector<512x512xf32>
    %mul3A_4061 = arith.mulf %max3A_4050, %max3A_4060 : vector<512x512xf32>
    %add3A_4062 = vector.broadcast %mul3A_3658 : vector<512x1xf32> to vector<512x512xf32>
    %add3A_4063 = vector.broadcast %mul3A_4040 : vector<1x512xf32> to vector<512x512xf32>
    %add3A_4064 = arith.addf %add3A_4062, %add3A_4063 : vector<512x512xf32>
    %sub3A_4065 = arith.subf %add3A_4064, %mul3A_4061 : vector<512x512xf32>
    %max3A_4066 = arith.constant 9.99999971E-10 : f32
    %max3A_4067 = vector.broadcast %max3A_4066 : f32 to vector<512x512xf32>
    %max3A_4068 = arith.maximumf %sub3A_4065, %max3A_4067 : vector<512x512xf32>
    %div3A_4069 = arith.divf %mul3A_4061, %max3A_4068 : vector<512x512xf32>
    %gt3A_4070 = arith.constant 3.000000e-01 : f32
    %gt3A_4071 = vector.broadcast %gt3A_4070 : f32 to vector<512x512xf32>
    %gt3A_4072 = arith.cmpf ogt, %div3A_4069, %gt3A_4071 : vector<512x512xf32>
    %convert_element_type3A_4073 = arith.extui %gt3A_4072 : vector<512x512xi1> to vector<512x512xi32>
    %convert_element_type3A_4074 = arith.sitofp %convert_element_type3A_4073 : vector<512x512xi32> to vector<512x512xf32>
    %get3A_4075 = arith.constant 2560 : index
    %get3A_4076 = arith.constant 0 : index
    %get3A_4077 = vector.load %arg5[%get3A_4075, %get3A_4076] : memref<5120x1xf32, #tpu.memory_space<vmem>>, vector<512x1xf32>
    %dot_general3A_4078 = arith.constant dense<0.000000e+00> : vector<512x1xf32>
    %dot_general3A_4079 = tpu.matmul %convert_element_type3A_4074, %get3A_4077, %dot_general3A_4078 {dimension_numbers = #tpu.dot_dimension_numbers<[1], [0], [0], [1], [0, 0, 1, 1], [], []>, transpose_lhs_hint = false} : vector<512x512xf32>, vector<512x1xf32>, vector<512x1xf32> -> vector<512x1xf32>
    %add3A_4080 = arith.addf %add3A_4010, %dot_general3A_4079 : vector<512x1xf32>
    %get3A_4081 = arith.constant 0 : index
    %get3A_4082 = arith.constant 3072 : index
    %get3A_4083 = vector.load %arg1[%get3A_4081, %get3A_4082] : memref<4x5120xf32, #tpu.memory_space<vmem>>, vector<4x512xf32>
    %slice3A_4084 = vector.extract_strided_slice %get3A_4083 {offsets = [0, 0], sizes = [1, 512], strides = [1, 1]} : vector<4x512xf32> to vector<1x512xf32>
    %mul3A_4085 = arith.constant 1.024000e+03 : f32
    %mul3A_4086 = vector.broadcast %mul3A_4085 : f32 to vector<1x512xf32>
    %mul3A_4087 = arith.mulf %slice3A_4084, %mul3A_4086 : vector<1x512xf32>
    %slice3A_4088 = vector.extract_strided_slice %get3A_4083 {offsets = [1, 0], sizes = [1, 512], strides = [1, 1]} : vector<4x512xf32> to vector<1x512xf32>
    %mul3A_4089 = arith.constant 1.024000e+03 : f32
    %mul3A_4090 = vector.broadcast %mul3A_4089 : f32 to vector<1x512xf32>
    %mul3A_4091 = arith.mulf %slice3A_4088, %mul3A_4090 : vector<1x512xf32>
    %slice3A_4092 = vector.extract_strided_slice %get3A_4083 {offsets = [2, 0], sizes = [1, 512], strides = [1, 1]} : vector<4x512xf32> to vector<1x512xf32>
    %mul3A_4093 = arith.constant 2.000000e+02 : f32
    %mul3A_4094 = vector.broadcast %mul3A_4093 : f32 to vector<1x512xf32>
    %mul3A_4095 = arith.mulf %slice3A_4092, %mul3A_4094 : vector<1x512xf32>
    %add3A_4096 = arith.constant 1.000000e+00 : f32
    %add3A_4097 = vector.broadcast %add3A_4096 : f32 to vector<1x512xf32>
    %add3A_4098 = arith.addf %mul3A_4095, %add3A_4097 : vector<1x512xf32>
    %slice3A_4099 = vector.extract_strided_slice %get3A_4083 {offsets = [3, 0], sizes = [1, 512], strides = [1, 1]} : vector<4x512xf32> to vector<1x512xf32>
    %mul3A_4100 = arith.constant 2.000000e+02 : f32
    %mul3A_4101 = vector.broadcast %mul3A_4100 : f32 to vector<1x512xf32>
    %mul3A_4102 = arith.mulf %slice3A_4099, %mul3A_4101 : vector<1x512xf32>
    %add3A_4103 = arith.constant 1.000000e+00 : f32
    %add3A_4104 = vector.broadcast %add3A_4103 : f32 to vector<1x512xf32>
    %add3A_4105 = arith.addf %mul3A_4102, %add3A_4104 : vector<1x512xf32>
    %add3A_4106 = arith.addf %mul3A_4087, %add3A_4098 : vector<1x512xf32>
    %add3A_4107 = arith.addf %mul3A_4091, %add3A_4105 : vector<1x512xf32>
    %sub3A_4108 = arith.subf %add3A_4106, %mul3A_4087 : vector<1x512xf32>
    %sub3A_4109 = arith.subf %add3A_4107, %mul3A_4091 : vector<1x512xf32>
    %mul3A_4110 = arith.mulf %sub3A_4108, %sub3A_4109 : vector<1x512xf32>
    %min3A_4111 = vector.broadcast %add3A_3654 : vector<512x1xf32> to vector<512x512xf32>
    %min3A_4112 = vector.broadcast %add3A_4106 : vector<1x512xf32> to vector<512x512xf32>
    %min3A_4113 = arith.minimumf %min3A_4111, %min3A_4112 : vector<512x512xf32>
    %max3A_4114 = vector.broadcast %mul3A_3635 : vector<512x1xf32> to vector<512x512xf32>
    %max3A_4115 = vector.broadcast %mul3A_4087 : vector<1x512xf32> to vector<512x512xf32>
    %max3A_4116 = arith.maximumf %max3A_4114, %max3A_4115 : vector<512x512xf32>
    %sub3A_4117 = arith.subf %min3A_4113, %max3A_4116 : vector<512x512xf32>
    %max3A_4118 = arith.constant 0.000000e+00 : f32
    %max3A_4119 = vector.broadcast %max3A_4118 : f32 to vector<512x512xf32>
    %max3A_4120 = arith.maximumf %sub3A_4117, %max3A_4119 : vector<512x512xf32>
    %min3A_4121 = vector.broadcast %add3A_3655 : vector<512x1xf32> to vector<512x512xf32>
    %min3A_4122 = vector.broadcast %add3A_4107 : vector<1x512xf32> to vector<512x512xf32>
    %min3A_4123 = arith.minimumf %min3A_4121, %min3A_4122 : vector<512x512xf32>
    %max3A_4124 = vector.broadcast %mul3A_3639 : vector<512x1xf32> to vector<512x512xf32>
    %max3A_4125 = vector.broadcast %mul3A_4091 : vector<1x512xf32> to vector<512x512xf32>
    %max3A_4126 = arith.maximumf %max3A_4124, %max3A_4125 : vector<512x512xf32>
    %sub3A_4127 = arith.subf %min3A_4123, %max3A_4126 : vector<512x512xf32>
    %max3A_4128 = arith.constant 0.000000e+00 : f32
    %max3A_4129 = vector.broadcast %max3A_4128 : f32 to vector<512x512xf32>
    %max3A_4130 = arith.maximumf %sub3A_4127, %max3A_4129 : vector<512x512xf32>
    %mul3A_4131 = arith.mulf %max3A_4120, %max3A_4130 : vector<512x512xf32>
    %add3A_4132 = vector.broadcast %mul3A_3658 : vector<512x1xf32> to vector<512x512xf32>
    %add3A_4133 = vector.broadcast %mul3A_4110 : vector<1x512xf32> to vector<512x512xf32>
    %add3A_4134 = arith.addf %add3A_4132, %add3A_4133 : vector<512x512xf32>
    %sub3A_4135 = arith.subf %add3A_4134, %mul3A_4131 : vector<512x512xf32>
    %max3A_4136 = arith.constant 9.99999971E-10 : f32
    %max3A_4137 = vector.broadcast %max3A_4136 : f32 to vector<512x512xf32>
    %max3A_4138 = arith.maximumf %sub3A_4135, %max3A_4137 : vector<512x512xf32>
    %div3A_4139 = arith.divf %mul3A_4131, %max3A_4138 : vector<512x512xf32>
    %gt3A_4140 = arith.constant 3.000000e-01 : f32
    %gt3A_4141 = vector.broadcast %gt3A_4140 : f32 to vector<512x512xf32>
    %gt3A_4142 = arith.cmpf ogt, %div3A_4139, %gt3A_4141 : vector<512x512xf32>
    %convert_element_type3A_4143 = arith.extui %gt3A_4142 : vector<512x512xi1> to vector<512x512xi32>
    %convert_element_type3A_4144 = arith.sitofp %convert_element_type3A_4143 : vector<512x512xi32> to vector<512x512xf32>
    %get3A_4145 = arith.constant 3072 : index
    %get3A_4146 = arith.constant 0 : index
    %get3A_4147 = vector.load %arg5[%get3A_4145, %get3A_4146] : memref<5120x1xf32, #tpu.memory_space<vmem>>, vector<512x1xf32>
    %dot_general3A_4148 = arith.constant dense<0.000000e+00> : vector<512x1xf32>
    %dot_general3A_4149 = tpu.matmul %convert_element_type3A_4144, %get3A_4147, %dot_general3A_4148 {dimension_numbers = #tpu.dot_dimension_numbers<[1], [0], [0], [1], [0, 0, 1, 1], [], []>, transpose_lhs_hint = false} : vector<512x512xf32>, vector<512x1xf32>, vector<512x1xf32> -> vector<512x1xf32>
    %add3A_4150 = arith.addf %add3A_4080, %dot_general3A_4149 : vector<512x1xf32>
    %get3A_4151 = arith.constant 0 : index
    %get3A_4152 = arith.constant 3584 : index
    %get3A_4153 = vector.load %arg1[%get3A_4151, %get3A_4152] : memref<4x5120xf32, #tpu.memory_space<vmem>>, vector<4x512xf32>
    %slice3A_4154 = vector.extract_strided_slice %get3A_4153 {offsets = [0, 0], sizes = [1, 512], strides = [1, 1]} : vector<4x512xf32> to vector<1x512xf32>
    %mul3A_4155 = arith.constant 1.024000e+03 : f32
    %mul3A_4156 = vector.broadcast %mul3A_4155 : f32 to vector<1x512xf32>
    %mul3A_4157 = arith.mulf %slice3A_4154, %mul3A_4156 : vector<1x512xf32>
    %slice3A_4158 = vector.extract_strided_slice %get3A_4153 {offsets = [1, 0], sizes = [1, 512], strides = [1, 1]} : vector<4x512xf32> to vector<1x512xf32>
    %mul3A_4159 = arith.constant 1.024000e+03 : f32
    %mul3A_4160 = vector.broadcast %mul3A_4159 : f32 to vector<1x512xf32>
    %mul3A_4161 = arith.mulf %slice3A_4158, %mul3A_4160 : vector<1x512xf32>
    %slice3A_4162 = vector.extract_strided_slice %get3A_4153 {offsets = [2, 0], sizes = [1, 512], strides = [1, 1]} : vector<4x512xf32> to vector<1x512xf32>
    %mul3A_4163 = arith.constant 2.000000e+02 : f32
    %mul3A_4164 = vector.broadcast %mul3A_4163 : f32 to vector<1x512xf32>
    %mul3A_4165 = arith.mulf %slice3A_4162, %mul3A_4164 : vector<1x512xf32>
    %add3A_4166 = arith.constant 1.000000e+00 : f32
    %add3A_4167 = vector.broadcast %add3A_4166 : f32 to vector<1x512xf32>
    %add3A_4168 = arith.addf %mul3A_4165, %add3A_4167 : vector<1x512xf32>
    %slice3A_4169 = vector.extract_strided_slice %get3A_4153 {offsets = [3, 0], sizes = [1, 512], strides = [1, 1]} : vector<4x512xf32> to vector<1x512xf32>
    %mul3A_4170 = arith.constant 2.000000e+02 : f32
    %mul3A_4171 = vector.broadcast %mul3A_4170 : f32 to vector<1x512xf32>
    %mul3A_4172 = arith.mulf %slice3A_4169, %mul3A_4171 : vector<1x512xf32>
    %add3A_4173 = arith.constant 1.000000e+00 : f32
    %add3A_4174 = vector.broadcast %add3A_4173 : f32 to vector<1x512xf32>
    %add3A_4175 = arith.addf %mul3A_4172, %add3A_4174 : vector<1x512xf32>
    %add3A_4176 = arith.addf %mul3A_4157, %add3A_4168 : vector<1x512xf32>
    %add3A_4177 = arith.addf %mul3A_4161, %add3A_4175 : vector<1x512xf32>
    %sub3A_4178 = arith.subf %add3A_4176, %mul3A_4157 : vector<1x512xf32>
    %sub3A_4179 = arith.subf %add3A_4177, %mul3A_4161 : vector<1x512xf32>
    %mul3A_4180 = arith.mulf %sub3A_4178, %sub3A_4179 : vector<1x512xf32>
    %min3A_4181 = vector.broadcast %add3A_3654 : vector<512x1xf32> to vector<512x512xf32>
    %min3A_4182 = vector.broadcast %add3A_4176 : vector<1x512xf32> to vector<512x512xf32>
    %min3A_4183 = arith.minimumf %min3A_4181, %min3A_4182 : vector<512x512xf32>
    %max3A_4184 = vector.broadcast %mul3A_3635 : vector<512x1xf32> to vector<512x512xf32>
    %max3A_4185 = vector.broadcast %mul3A_4157 : vector<1x512xf32> to vector<512x512xf32>
    %max3A_4186 = arith.maximumf %max3A_4184, %max3A_4185 : vector<512x512xf32>
    %sub3A_4187 = arith.subf %min3A_4183, %max3A_4186 : vector<512x512xf32>
    %max3A_4188 = arith.constant 0.000000e+00 : f32
    %max3A_4189 = vector.broadcast %max3A_4188 : f32 to vector<512x512xf32>
    %max3A_4190 = arith.maximumf %sub3A_4187, %max3A_4189 : vector<512x512xf32>
    %min3A_4191 = vector.broadcast %add3A_3655 : vector<512x1xf32> to vector<512x512xf32>
    %min3A_4192 = vector.broadcast %add3A_4177 : vector<1x512xf32> to vector<512x512xf32>
    %min3A_4193 = arith.minimumf %min3A_4191, %min3A_4192 : vector<512x512xf32>
    %max3A_4194 = vector.broadcast %mul3A_3639 : vector<512x1xf32> to vector<512x512xf32>
    %max3A_4195 = vector.broadcast %mul3A_4161 : vector<1x512xf32> to vector<512x512xf32>
    %max3A_4196 = arith.maximumf %max3A_4194, %max3A_4195 : vector<512x512xf32>
    %sub3A_4197 = arith.subf %min3A_4193, %max3A_4196 : vector<512x512xf32>
    %max3A_4198 = arith.constant 0.000000e+00 : f32
    %max3A_4199 = vector.broadcast %max3A_4198 : f32 to vector<512x512xf32>
    %max3A_4200 = arith.maximumf %sub3A_4197, %max3A_4199 : vector<512x512xf32>
    %mul3A_4201 = arith.mulf %max3A_4190, %max3A_4200 : vector<512x512xf32>
    %add3A_4202 = vector.broadcast %mul3A_3658 : vector<512x1xf32> to vector<512x512xf32>
    %add3A_4203 = vector.broadcast %mul3A_4180 : vector<1x512xf32> to vector<512x512xf32>
    %add3A_4204 = arith.addf %add3A_4202, %add3A_4203 : vector<512x512xf32>
    %sub3A_4205 = arith.subf %add3A_4204, %mul3A_4201 : vector<512x512xf32>
    %max3A_4206 = arith.constant 9.99999971E-10 : f32
    %max3A_4207 = vector.broadcast %max3A_4206 : f32 to vector<512x512xf32>
    %max3A_4208 = arith.maximumf %sub3A_4205, %max3A_4207 : vector<512x512xf32>
    %div3A_4209 = arith.divf %mul3A_4201, %max3A_4208 : vector<512x512xf32>
    %gt3A_4210 = arith.constant 3.000000e-01 : f32
    %gt3A_4211 = vector.broadcast %gt3A_4210 : f32 to vector<512x512xf32>
    %gt3A_4212 = arith.cmpf ogt, %div3A_4209, %gt3A_4211 : vector<512x512xf32>
    %convert_element_type3A_4213 = arith.extui %gt3A_4212 : vector<512x512xi1> to vector<512x512xi32>
    %convert_element_type3A_4214 = arith.sitofp %convert_element_type3A_4213 : vector<512x512xi32> to vector<512x512xf32>
    %get3A_4215 = arith.constant 3584 : index
    %get3A_4216 = arith.constant 0 : index
    %get3A_4217 = vector.load %arg5[%get3A_4215, %get3A_4216] : memref<5120x1xf32, #tpu.memory_space<vmem>>, vector<512x1xf32>
    %dot_general3A_4218 = arith.constant dense<0.000000e+00> : vector<512x1xf32>
    %dot_general3A_4219 = tpu.matmul %convert_element_type3A_4214, %get3A_4217, %dot_general3A_4218 {dimension_numbers = #tpu.dot_dimension_numbers<[1], [0], [0], [1], [0, 0, 1, 1], [], []>, transpose_lhs_hint = false} : vector<512x512xf32>, vector<512x1xf32>, vector<512x1xf32> -> vector<512x1xf32>
    %add3A_4220 = arith.addf %add3A_4150, %dot_general3A_4219 : vector<512x1xf32>
    %get3A_4221 = arith.constant 0 : index
    %get3A_4222 = arith.constant 4096 : index
    %get3A_4223 = vector.load %arg1[%get3A_4221, %get3A_4222] : memref<4x5120xf32, #tpu.memory_space<vmem>>, vector<4x512xf32>
    %slice3A_4224 = vector.extract_strided_slice %get3A_4223 {offsets = [0, 0], sizes = [1, 512], strides = [1, 1]} : vector<4x512xf32> to vector<1x512xf32>
    %mul3A_4225 = arith.constant 1.024000e+03 : f32
    %mul3A_4226 = vector.broadcast %mul3A_4225 : f32 to vector<1x512xf32>
    %mul3A_4227 = arith.mulf %slice3A_4224, %mul3A_4226 : vector<1x512xf32>
    %slice3A_4228 = vector.extract_strided_slice %get3A_4223 {offsets = [1, 0], sizes = [1, 512], strides = [1, 1]} : vector<4x512xf32> to vector<1x512xf32>
    %mul3A_4229 = arith.constant 1.024000e+03 : f32
    %mul3A_4230 = vector.broadcast %mul3A_4229 : f32 to vector<1x512xf32>
    %mul3A_4231 = arith.mulf %slice3A_4228, %mul3A_4230 : vector<1x512xf32>
    %slice3A_4232 = vector.extract_strided_slice %get3A_4223 {offsets = [2, 0], sizes = [1, 512], strides = [1, 1]} : vector<4x512xf32> to vector<1x512xf32>
    %mul3A_4233 = arith.constant 2.000000e+02 : f32
    %mul3A_4234 = vector.broadcast %mul3A_4233 : f32 to vector<1x512xf32>
    %mul3A_4235 = arith.mulf %slice3A_4232, %mul3A_4234 : vector<1x512xf32>
    %add3A_4236 = arith.constant 1.000000e+00 : f32
    %add3A_4237 = vector.broadcast %add3A_4236 : f32 to vector<1x512xf32>
    %add3A_4238 = arith.addf %mul3A_4235, %add3A_4237 : vector<1x512xf32>
    %slice3A_4239 = vector.extract_strided_slice %get3A_4223 {offsets = [3, 0], sizes = [1, 512], strides = [1, 1]} : vector<4x512xf32> to vector<1x512xf32>
    %mul3A_4240 = arith.constant 2.000000e+02 : f32
    %mul3A_4241 = vector.broadcast %mul3A_4240 : f32 to vector<1x512xf32>
    %mul3A_4242 = arith.mulf %slice3A_4239, %mul3A_4241 : vector<1x512xf32>
    %add3A_4243 = arith.constant 1.000000e+00 : f32
    %add3A_4244 = vector.broadcast %add3A_4243 : f32 to vector<1x512xf32>
    %add3A_4245 = arith.addf %mul3A_4242, %add3A_4244 : vector<1x512xf32>
    %add3A_4246 = arith.addf %mul3A_4227, %add3A_4238 : vector<1x512xf32>
    %add3A_4247 = arith.addf %mul3A_4231, %add3A_4245 : vector<1x512xf32>
    %sub3A_4248 = arith.subf %add3A_4246, %mul3A_4227 : vector<1x512xf32>
    %sub3A_4249 = arith.subf %add3A_4247, %mul3A_4231 : vector<1x512xf32>
    %mul3A_4250 = arith.mulf %sub3A_4248, %sub3A_4249 : vector<1x512xf32>
    %min3A_4251 = vector.broadcast %add3A_3654 : vector<512x1xf32> to vector<512x512xf32>
    %min3A_4252 = vector.broadcast %add3A_4246 : vector<1x512xf32> to vector<512x512xf32>
    %min3A_4253 = arith.minimumf %min3A_4251, %min3A_4252 : vector<512x512xf32>
    %max3A_4254 = vector.broadcast %mul3A_3635 : vector<512x1xf32> to vector<512x512xf32>
    %max3A_4255 = vector.broadcast %mul3A_4227 : vector<1x512xf32> to vector<512x512xf32>
    %max3A_4256 = arith.maximumf %max3A_4254, %max3A_4255 : vector<512x512xf32>
    %sub3A_4257 = arith.subf %min3A_4253, %max3A_4256 : vector<512x512xf32>
    %max3A_4258 = arith.constant 0.000000e+00 : f32
    %max3A_4259 = vector.broadcast %max3A_4258 : f32 to vector<512x512xf32>
    %max3A_4260 = arith.maximumf %sub3A_4257, %max3A_4259 : vector<512x512xf32>
    %min3A_4261 = vector.broadcast %add3A_3655 : vector<512x1xf32> to vector<512x512xf32>
    %min3A_4262 = vector.broadcast %add3A_4247 : vector<1x512xf32> to vector<512x512xf32>
    %min3A_4263 = arith.minimumf %min3A_4261, %min3A_4262 : vector<512x512xf32>
    %max3A_4264 = vector.broadcast %mul3A_3639 : vector<512x1xf32> to vector<512x512xf32>
    %max3A_4265 = vector.broadcast %mul3A_4231 : vector<1x512xf32> to vector<512x512xf32>
    %max3A_4266 = arith.maximumf %max3A_4264, %max3A_4265 : vector<512x512xf32>
    %sub3A_4267 = arith.subf %min3A_4263, %max3A_4266 : vector<512x512xf32>
    %max3A_4268 = arith.constant 0.000000e+00 : f32
    %max3A_4269 = vector.broadcast %max3A_4268 : f32 to vector<512x512xf32>
    %max3A_4270 = arith.maximumf %sub3A_4267, %max3A_4269 : vector<512x512xf32>
    %mul3A_4271 = arith.mulf %max3A_4260, %max3A_4270 : vector<512x512xf32>
    %add3A_4272 = vector.broadcast %mul3A_3658 : vector<512x1xf32> to vector<512x512xf32>
    %add3A_4273 = vector.broadcast %mul3A_4250 : vector<1x512xf32> to vector<512x512xf32>
    %add3A_4274 = arith.addf %add3A_4272, %add3A_4273 : vector<512x512xf32>
    %sub3A_4275 = arith.subf %add3A_4274, %mul3A_4271 : vector<512x512xf32>
    %max3A_4276 = arith.constant 9.99999971E-10 : f32
    %max3A_4277 = vector.broadcast %max3A_4276 : f32 to vector<512x512xf32>
    %max3A_4278 = arith.maximumf %sub3A_4275, %max3A_4277 : vector<512x512xf32>
    %div3A_4279 = arith.divf %mul3A_4271, %max3A_4278 : vector<512x512xf32>
    %gt3A_4280 = arith.constant 3.000000e-01 : f32
    %gt3A_4281 = vector.broadcast %gt3A_4280 : f32 to vector<512x512xf32>
    %gt3A_4282 = arith.cmpf ogt, %div3A_4279, %gt3A_4281 : vector<512x512xf32>
    %convert_element_type3A_4283 = arith.extui %gt3A_4282 : vector<512x512xi1> to vector<512x512xi32>
    %convert_element_type3A_4284 = arith.sitofp %convert_element_type3A_4283 : vector<512x512xi32> to vector<512x512xf32>
    %get3A_4285 = arith.constant 4096 : index
    %get3A_4286 = arith.constant 0 : index
    %get3A_4287 = vector.load %arg5[%get3A_4285, %get3A_4286] : memref<5120x1xf32, #tpu.memory_space<vmem>>, vector<512x1xf32>
    %dot_general3A_4288 = arith.constant dense<0.000000e+00> : vector<512x1xf32>
    %dot_general3A_4289 = tpu.matmul %convert_element_type3A_4284, %get3A_4287, %dot_general3A_4288 {dimension_numbers = #tpu.dot_dimension_numbers<[1], [0], [0], [1], [0, 0, 1, 1], [], []>, transpose_lhs_hint = false} : vector<512x512xf32>, vector<512x1xf32>, vector<512x1xf32> -> vector<512x1xf32>
    %add3A_4290 = arith.addf %add3A_4220, %dot_general3A_4289 : vector<512x1xf32>
    %min3A_4291 = vector.broadcast %add3A_3654 : vector<512x1xf32> to vector<512x512xf32>
    %min3A_4292 = vector.broadcast %add3A_3624 : vector<1x512xf32> to vector<512x512xf32>
    %min3A_4293 = arith.minimumf %min3A_4291, %min3A_4292 : vector<512x512xf32>
    %max3A_4294 = vector.broadcast %mul3A_3635 : vector<512x1xf32> to vector<512x512xf32>
    %max3A_4295 = vector.broadcast %mul3A_3605 : vector<1x512xf32> to vector<512x512xf32>
    %max3A_4296 = arith.maximumf %max3A_4294, %max3A_4295 : vector<512x512xf32>
    %sub3A_4297 = arith.subf %min3A_4293, %max3A_4296 : vector<512x512xf32>
    %max3A_4298 = arith.constant 0.000000e+00 : f32
    %max3A_4299 = vector.broadcast %max3A_4298 : f32 to vector<512x512xf32>
    %max3A_4300 = arith.maximumf %sub3A_4297, %max3A_4299 : vector<512x512xf32>
    %min3A_4301 = vector.broadcast %add3A_3655 : vector<512x1xf32> to vector<512x512xf32>
    %min3A_4302 = vector.broadcast %add3A_3625 : vector<1x512xf32> to vector<512x512xf32>
    %min3A_4303 = arith.minimumf %min3A_4301, %min3A_4302 : vector<512x512xf32>
    %max3A_4304 = vector.broadcast %mul3A_3639 : vector<512x1xf32> to vector<512x512xf32>
    %max3A_4305 = vector.broadcast %mul3A_3609 : vector<1x512xf32> to vector<512x512xf32>
    %max3A_4306 = arith.maximumf %max3A_4304, %max3A_4305 : vector<512x512xf32>
    %sub3A_4307 = arith.subf %min3A_4303, %max3A_4306 : vector<512x512xf32>
    %max3A_4308 = arith.constant 0.000000e+00 : f32
    %max3A_4309 = vector.broadcast %max3A_4308 : f32 to vector<512x512xf32>
    %max3A_4310 = arith.maximumf %sub3A_4307, %max3A_4309 : vector<512x512xf32>
    %mul3A_4311 = arith.mulf %max3A_4300, %max3A_4310 : vector<512x512xf32>
    %add3A_4312 = vector.broadcast %mul3A_3658 : vector<512x1xf32> to vector<512x512xf32>
    %add3A_4313 = vector.broadcast %mul3A_3628 : vector<1x512xf32> to vector<512x512xf32>
    %add3A_4314 = arith.addf %add3A_4312, %add3A_4313 : vector<512x512xf32>
    %sub3A_4315 = arith.subf %add3A_4314, %mul3A_4311 : vector<512x512xf32>
    %max3A_4316 = arith.constant 9.99999971E-10 : f32
    %max3A_4317 = vector.broadcast %max3A_4316 : f32 to vector<512x512xf32>
    %max3A_4318 = arith.maximumf %sub3A_4315, %max3A_4317 : vector<512x512xf32>
    %div3A_4319 = arith.divf %mul3A_4311, %max3A_4318 : vector<512x512xf32>
    %gt3A_4320 = arith.constant 3.000000e-01 : f32
    %gt3A_4321 = vector.broadcast %gt3A_4320 : f32 to vector<512x512xf32>
    %gt3A_4322 = arith.cmpf ogt, %div3A_4319, %gt3A_4321 : vector<512x512xf32>
    %convert_element_type3A_4323 = arith.extui %gt3A_4322 : vector<512x512xi1> to vector<512x512xi32>
    %convert_element_type3A_4324 = arith.sitofp %convert_element_type3A_4323 : vector<512x512xi32> to vector<512x512xf32>
    %iota3A_4325 = tpu.iota {dimensions = array<i32: 0>} : vector<512x512xi32>
    %iota3A_4326 = tpu.iota {dimensions = array<i32: 1>} : vector<512x512xi32>
    %lt3A_4327 = arith.cmpi slt, %iota3A_4326, %iota3A_4325 : vector<512x512xi32>
    %jit3A_4328 = arith.constant 0.000000e+00 : f32
    %broadcast_in_dim3A_4329 = vector.broadcast %jit3A_4328 : f32 to vector<512x512xf32>
    %select_n3A_4330 = arith.select %lt3A_4327, %convert_element_type3A_4324, %broadcast_in_dim3A_4329 : vector<512x512xi1>, vector<512x512xf32>
    %get3A_4331 = arith.constant 4608 : index
    %get3A_4332 = arith.constant 0 : index
    %get3A_4333 = vector.load %arg2[%get3A_4331, %get3A_4332] : memref<5120x1xf32, #tpu.memory_space<vmem>>, vector<512x1xf32>
    %gt3A_4334 = arith.constant 5.000000e-02 : f32
    %gt3A_4335 = vector.broadcast %gt3A_4334 : f32 to vector<512x1xf32>
    %gt3A_4336 = arith.cmpf ogt, %get3A_4333, %gt3A_4335 : vector<512x1xf32>
    %lt3A_4337 = arith.constant 5.000000e-01 : f32
    %lt3A_4338 = vector.broadcast %lt3A_4337 : f32 to vector<512x1xf32>
    %lt3A_4339 = arith.cmpf olt, %add3A_4290, %lt3A_4338 : vector<512x1xf32>
    %and3A_4340 = arith.andi %gt3A_4336, %lt3A_4339 : vector<512x1xi1>
    %convert_element_type3A_4341 = arith.extui %and3A_4340 : vector<512x1xi1> to vector<512x1xi32>
    %convert_element_type3A_4342 = arith.sitofp %convert_element_type3A_4341 : vector<512x1xi32> to vector<512x1xf32>
    %sub3A_4343 = arith.constant 2.000000e+00 : f32
    %sub3A_4344 = vector.broadcast %sub3A_4343 : f32 to vector<512x1xf32>
    %sub3A_4345 = arith.subf %convert_element_type3A_4342, %sub3A_4344 : vector<512x1xf32>
    %while3A_4346 = arith.constant 0 : i32
    %while3A_4347:3 = scf.while (%while3A_4874 = %sub3A_4345, %while3A_4875 = %convert_element_type3A_4342, %while3A_4876 = %while3A_4346) : (vector<512x1xf32>, vector<512x1xf32>, i32) -> (vector<512x1xf32>, vector<512x1xf32>, i32) {
      %lt3A_4877 = arith.constant 514 : i32
      %lt3A_4878 = arith.cmpi slt, %while3A_4876, %lt3A_4877 : i32
      %ne3A = arith.cmpf one, %while3A_4874, %while3A_4875 : vector<512x1xf32>
      %reduce_or3A = arith.constant 1.000000e+00 : f32
      %reduce_or3A_4879 = arith.constant 0.000000e+00 : f32
      %reduce_or3A_4880 = vector.broadcast %reduce_or3A : f32 to vector<512x1xf32>
      %reduce_or3A_4881 = vector.broadcast %reduce_or3A_4879 : f32 to vector<512x1xf32>
      %reduce_or3A_4882 = arith.select %ne3A, %reduce_or3A_4880, %reduce_or3A_4881 : vector<512x1xi1>, vector<512x1xf32>
      %reduce_or3A_4883 = vector.shape_cast %reduce_or3A_4882 : vector<512x1xf32> to vector<1x512x1xf32>
      %reduce_or3A_4884 = arith.constant dense<0xFF800000> : vector<1xf32>
      %reduce_or3A_4885 = vector.multi_reduction <maximumf>, %reduce_or3A_4883, %reduce_or3A_4884 [1, 2] : vector<1x512x1xf32> to vector<1xf32>
      %reduce_or3A_4886 = vector.shape_cast %reduce_or3A_4885 : vector<1xf32> to vector<1x1x1xf32>
      %reduce_or3A_4887 = vector.extract %reduce_or3A_4886[0, 0, 0] : f32 from vector<1x1x1xf32>
      %reduce_or3A_4888 = arith.constant 0.000000e+00 : f32
      %reduce_or3A_4889 = arith.cmpf ogt, %reduce_or3A_4887, %reduce_or3A_4888 : f32
      %and3A_4890 = arith.andi %lt3A_4878, %reduce_or3A_4889 : i1
      scf.condition(%and3A_4890) %while3A_4874, %while3A_4875, %while3A_4876 : vector<512x1xf32>, vector<512x1xf32>, i32
    } do {
    ^bb0(%while3A_4874: vector<512x1xf32>, %while3A_4875: vector<512x1xf32>, %while3A_4876: i32):
      %dot_general3A_4877 = arith.constant dense<0.000000e+00> : vector<512x1xf32>
      %dot_general3A_4878 = tpu.matmul %select_n3A_4330, %while3A_4875, %dot_general3A_4877 {dimension_numbers = #tpu.dot_dimension_numbers<[1], [0], [0], [1], [0, 0, 1, 1], [], []>, transpose_lhs_hint = false} : vector<512x512xf32>, vector<512x1xf32>, vector<512x1xf32> -> vector<512x1xf32>
      %lt3A_4879 = arith.constant 5.000000e-01 : f32
      %lt3A_4880 = vector.broadcast %lt3A_4879 : f32 to vector<512x1xf32>
      %lt3A_4881 = arith.cmpf olt, %dot_general3A_4878, %lt3A_4880 : vector<512x1xf32>
      %convert_element_type3A_4882 = arith.extui %lt3A_4881 : vector<512x1xi1> to vector<512x1xi32>
      %convert_element_type3A_4883 = arith.sitofp %convert_element_type3A_4882 : vector<512x1xi32> to vector<512x1xf32>
      %mul3A_4884 = arith.mulf %convert_element_type3A_4342, %convert_element_type3A_4883 : vector<512x1xf32>
      %add3A_4885 = arith.constant 1 : i32
      %add3A_4886 = arith.addi %while3A_4876, %add3A_4885 : i32
      scf.yield %while3A_4875, %mul3A_4884, %add3A_4886 : vector<512x1xf32>, vector<512x1xf32>, i32
    }
    %swap3A_4348 = arith.constant 4608 : index
    %swap3A_4349 = arith.constant 0 : index
    %swap3A_4350 = vector.load %arg5[%swap3A_4348, %swap3A_4349] : memref<5120x1xf32, #tpu.memory_space<vmem>>, vector<512x1xf32>
    tpu.vector_store %arg5[%swap3A_4348, %swap3A_4349], %while3A_4347#1 {strides = array<i32>} : memref<5120x1xf32, #tpu.memory_space<vmem>>, vector<512x1xf32>,
    %get3A_4351 = arith.constant 0 : index
    %get3A_4352 = arith.constant 0 : index
    %get3A_4353 = vector.load %arg5[%get3A_4351, %get3A_4352] : memref<5120x1xf32, #tpu.memory_space<vmem>>, vector<5120x1xf32>
    %get3A_4354 = arith.constant 0 : index
    %get3A_4355 = arith.constant 0 : index
    %get3A_4356 = vector.load %arg0[%get3A_4354, %get3A_4355] : memref<5120x4xf32, #tpu.memory_space<vmem>>, vector<5120x4xf32>
    %slice3A_4357 = vector.extract_strided_slice %get3A_4356 {offsets = [0, 0], sizes = [5120, 1], strides = [1, 1]} : vector<5120x4xf32> to vector<5120x1xf32>
    %mul3A_4358 = arith.constant 1.024000e+03 : f32
    %mul3A_4359 = vector.broadcast %mul3A_4358 : f32 to vector<5120x1xf32>
    %mul3A_4360 = arith.mulf %slice3A_4357, %mul3A_4359 : vector<5120x1xf32>
    %slice3A_4361 = vector.extract_strided_slice %get3A_4356 {offsets = [0, 1], sizes = [5120, 1], strides = [1, 1]} : vector<5120x4xf32> to vector<5120x1xf32>
    %mul3A_4362 = arith.constant 1.024000e+03 : f32
    %mul3A_4363 = vector.broadcast %mul3A_4362 : f32 to vector<5120x1xf32>
    %mul3A_4364 = arith.mulf %slice3A_4361, %mul3A_4363 : vector<5120x1xf32>
    %slice3A_4365 = vector.extract_strided_slice %get3A_4356 {offsets = [0, 2], sizes = [5120, 1], strides = [1, 1]} : vector<5120x4xf32> to vector<5120x1xf32>
    %mul3A_4366 = arith.constant 2.000000e+02 : f32
    %mul3A_4367 = vector.broadcast %mul3A_4366 : f32 to vector<5120x1xf32>
    %mul3A_4368 = arith.mulf %slice3A_4365, %mul3A_4367 : vector<5120x1xf32>
    %add3A_4369 = arith.constant 1.000000e+00 : f32
    %add3A_4370 = vector.broadcast %add3A_4369 : f32 to vector<5120x1xf32>
    %add3A_4371 = arith.addf %mul3A_4368, %add3A_4370 : vector<5120x1xf32>
    %slice3A_4372 = vector.extract_strided_slice %get3A_4356 {offsets = [0, 3], sizes = [5120, 1], strides = [1, 1]} : vector<5120x4xf32> to vector<5120x1xf32>
    %mul3A_4373 = arith.constant 2.000000e+02 : f32
    %mul3A_4374 = vector.broadcast %mul3A_4373 : f32 to vector<5120x1xf32>
    %mul3A_4375 = arith.mulf %slice3A_4372, %mul3A_4374 : vector<5120x1xf32>
    %add3A_4376 = arith.constant 1.000000e+00 : f32
    %add3A_4377 = vector.broadcast %add3A_4376 : f32 to vector<5120x1xf32>
    %add3A_4378 = arith.addf %mul3A_4375, %add3A_4377 : vector<5120x1xf32>
    %add3A_4379 = arith.addf %mul3A_4360, %add3A_4371 : vector<5120x1xf32>
    %add3A_4380 = arith.addf %mul3A_4364, %add3A_4378 : vector<5120x1xf32>
    %get3A_4381 = arith.constant 0 : index
    %get3A_4382 = arith.constant 0 : index
    %get3A_4383 = vector.load %arg2[%get3A_4381, %get3A_4382] : memref<5120x1xf32, #tpu.memory_space<vmem>>, vector<5120x1xf32>
    %broadcast_in_dim3A_4384 = arith.constant 0.000000e+00 : f32
    %broadcast_in_dim3A_4385 = vector.broadcast %broadcast_in_dim3A_4384 : f32 to vector<5120x1xf32>
    %concatenate3A = tpu.concatenate %mul3A_4360, %mul3A_4364, %add3A_4379, %add3A_4380, %get3A_4383, %broadcast_in_dim3A_4385, %broadcast_in_dim3A_4385, %broadcast_in_dim3A_4385 in 1 : vector<5120x1xf32>, vector<5120x1xf32>, vector<5120x1xf32>, vector<5120x1xf32>, vector<5120x1xf32>, vector<5120x1xf32>, vector<5120x1xf32>, vector<5120x1xf32> -> vector<5120x8xf32>
    %mul3A_4386 = vector.broadcast %get3A_4353 : vector<5120x1xf32> to vector<5120x8xf32>
    %mul3A_4387 = arith.mulf %concatenate3A, %mul3A_4386 : vector<5120x8xf32>
    %swap3A_4388 = arith.constant 0 : index
    %swap3A_4389 = arith.constant 0 : index
    %swap3A_4390 = vector.load %arg3[%swap3A_4388, %swap3A_4389] : memref<5120x8xf32, #tpu.memory_space<vmem>>, vector<5120x8xf32>
    tpu.vector_store %arg3[%swap3A_4388, %swap3A_4389], %mul3A_4387 {strides = array<i32>} : memref<5120x8xf32, #tpu.memory_space<vmem>>, vector<5120x8xf32>,
    %gt3A_4391 = arith.constant 5.000000e-01 : f32
    %gt3A_4392 = vector.broadcast %gt3A_4391 : f32 to vector<5120x1xf32>
    %gt3A_4393 = arith.cmpf ogt, %get3A_4353, %gt3A_4392 : vector<5120x1xf32>
    %jit3A_4394 = arith.constant -1.000000e+00 : f32
    %broadcast_in_dim3A_4395 = vector.broadcast %jit3A_4394 : f32 to vector<5120x1xf32>
    %select_n3A_4396 = arith.select %gt3A_4393, %get3A_4383, %broadcast_in_dim3A_4395 : vector<5120x1xi1>, vector<5120x1xf32>
    %iota3A_4397 = tpu.iota {dimensions = array<i32: 0>} : vector<5120x1xi32>
    %broadcast_in_dim3A_4398 = arith.constant 0.000000e+00 : f32
    %broadcast_in_dim3A_4399 = vector.broadcast %broadcast_in_dim3A_4398 : f32 to vector<16x8xf32>
    %swap3A_4400 = arith.constant 0 : index
    %swap3A_4401 = arith.constant 0 : index
    %swap3A_4402 = vector.load %arg4[%swap3A_4400, %swap3A_4401] : memref<16x8xf32, #tpu.memory_space<vmem>>, vector<16x8xf32>
    tpu.vector_store %arg4[%swap3A_4400, %swap3A_4401], %broadcast_in_dim3A_4399 {strides = array<i32>} : memref<16x8xf32, #tpu.memory_space<vmem>>, vector<16x8xf32>,
    %reduce_max3A = vector.shape_cast %select_n3A_4396 : vector<5120x1xf32> to vector<1x5120x1xf32>
    %reduce_max3A_4403 = arith.constant dense<0xFF800000> : vector<1xf32>
    %reduce_max3A_4404 = vector.multi_reduction <maximumf>, %reduce_max3A, %reduce_max3A_4403 [1, 2] : vector<1x5120x1xf32> to vector<1xf32>
    %reduce_max3A_4405 = vector.shape_cast %reduce_max3A_4404 : vector<1xf32> to vector<1x1x1xf32>
    %reduce_max3A_4406 = vector.extract %reduce_max3A_4405[0, 0, 0] : f32 from vector<1x1x1xf32>
    %ge3A = vector.broadcast %reduce_max3A_4406 : f32 to vector<5120x1xf32>
    %ge3A_4407 = arith.cmpf oge, %select_n3A_4396, %ge3A : vector<5120x1xf32>
    %jit3A_4408 = arith.constant 5120 : i32
    %broadcast_in_dim3A_4409 = vector.broadcast %jit3A_4408 : i32 to vector<5120x1xi32>
    %select_n3A_4410 = arith.select %ge3A_4407, %iota3A_4397, %broadcast_in_dim3A_4409 : vector<5120x1xi1>, vector<5120x1xi32>
    %reduce_min3A = vector.shape_cast %select_n3A_4410 : vector<5120x1xi32> to vector<1x5120x1xi32>
    %reduce_min3A_4411 = arith.constant dense<2147483647> : vector<1xi32>
    %reduce_min3A_4412 = vector.multi_reduction <minsi>, %reduce_min3A, %reduce_min3A_4411 [1, 2] : vector<1x5120x1xi32> to vector<1xi32>
    %reduce_min3A_4413 = vector.shape_cast %reduce_min3A_4412 : vector<1xi32> to vector<1x1x1xi32>
    %reduce_min3A_4414 = vector.extract %reduce_min3A_4413[0, 0, 0] : i32 from vector<1x1x1xi32>
    %gt3A_4415 = arith.constant 0.000000e+00 : f32
    %gt3A_4416 = arith.cmpf ogt, %reduce_max3A_4406, %gt3A_4415 : f32
    %convert_element_type3A_4417 = arith.extui %gt3A_4416 : i1 to i32
    %convert_element_type3A_4418 = arith.sitofp %convert_element_type3A_4417 : i32 to f32
    %get3A_4419 = arith.index_cast %reduce_min3A_4414 : i32 to index
    %get3A_4420 = arith.constant 0 : index
    %get3A_4421 = vector.load %arg3[%get3A_4419, %get3A_4420] : memref<5120x8xf32, #tpu.memory_space<vmem>>, vector<1x8xf32>
    %mul3A_4422 = vector.broadcast %convert_element_type3A_4418 : f32 to vector<1x8xf32>
    %mul3A_4423 = arith.mulf %get3A_4421, %mul3A_4422 : vector<1x8xf32>
    %swap3A_4424 = arith.constant 0 : index
    %swap3A_4425 = arith.constant 0 : index
    %swap3A_4426 = vector.load %arg4[%swap3A_4424, %swap3A_4425] : memref<16x8xf32, #tpu.memory_space<vmem>>, vector<1x8xf32>
    tpu.vector_store %arg4[%swap3A_4424, %swap3A_4425], %mul3A_4423 {strides = array<i32>} : memref<16x8xf32, #tpu.memory_space<vmem>>, vector<1x8xf32>,
    %eq3A = vector.broadcast %reduce_min3A_4414 : i32 to vector<5120x1xi32>
    %eq3A_4427 = arith.cmpi eq, %iota3A_4397, %eq3A : vector<5120x1xi32>
    %jit3A_4428 = arith.constant -1.000000e+00 : f32
    %broadcast_in_dim3A_4429 = vector.broadcast %jit3A_4428 : f32 to vector<5120x1xf32>
    %select_n3A_4430 = arith.select %eq3A_4427, %broadcast_in_dim3A_4429, %select_n3A_4396 : vector<5120x1xi1>, vector<5120x1xf32>
    %reduce_max3A_4431 = vector.shape_cast %select_n3A_4430 : vector<5120x1xf32> to vector<1x5120x1xf32>
    %reduce_max3A_4432 = arith.constant dense<0xFF800000> : vector<1xf32>
    %reduce_max3A_4433 = vector.multi_reduction <maximumf>, %reduce_max3A_4431, %reduce_max3A_4432 [1, 2] : vector<1x5120x1xf32> to vector<1xf32>
    %reduce_max3A_4434 = vector.shape_cast %reduce_max3A_4433 : vector<1xf32> to vector<1x1x1xf32>
    %reduce_max3A_4435 = vector.extract %reduce_max3A_4434[0, 0, 0] : f32 from vector<1x1x1xf32>
    %ge3A_4436 = vector.broadcast %reduce_max3A_4435 : f32 to vector<5120x1xf32>
    %ge3A_4437 = arith.cmpf oge, %select_n3A_4430, %ge3A_4436 : vector<5120x1xf32>
    %jit3A_4438 = arith.constant 5120 : i32
    %broadcast_in_dim3A_4439 = vector.broadcast %jit3A_4438 : i32 to vector<5120x1xi32>
    %select_n3A_4440 = arith.select %ge3A_4437, %iota3A_4397, %broadcast_in_dim3A_4439 : vector<5120x1xi1>, vector<5120x1xi32>
    %reduce_min3A_4441 = vector.shape_cast %select_n3A_4440 : vector<5120x1xi32> to vector<1x5120x1xi32>
    %reduce_min3A_4442 = arith.constant dense<2147483647> : vector<1xi32>
    %reduce_min3A_4443 = vector.multi_reduction <minsi>, %reduce_min3A_4441, %reduce_min3A_4442 [1, 2] : vector<1x5120x1xi32> to vector<1xi32>
    %reduce_min3A_4444 = vector.shape_cast %reduce_min3A_4443 : vector<1xi32> to vector<1x1x1xi32>
    %reduce_min3A_4445 = vector.extract %reduce_min3A_4444[0, 0, 0] : i32 from vector<1x1x1xi32>
    %gt3A_4446 = arith.constant 0.000000e+00 : f32
    %gt3A_4447 = arith.cmpf ogt, %reduce_max3A_4435, %gt3A_4446 : f32
    %convert_element_type3A_4448 = arith.extui %gt3A_4447 : i1 to i32
    %convert_element_type3A_4449 = arith.sitofp %convert_element_type3A_4448 : i32 to f32
    %get3A_4450 = arith.index_cast %reduce_min3A_4445 : i32 to index
    %get3A_4451 = arith.constant 0 : index
    %get3A_4452 = vector.load %arg3[%get3A_4450, %get3A_4451] : memref<5120x8xf32, #tpu.memory_space<vmem>>, vector<1x8xf32>
    %mul3A_4453 = vector.broadcast %convert_element_type3A_4449 : f32 to vector<1x8xf32>
    %mul3A_4454 = arith.mulf %get3A_4452, %mul3A_4453 : vector<1x8xf32>
    %swap3A_4455 = arith.constant 1 : index
    %swap3A_4456 = arith.constant 0 : index
    %swap3A_4457 = vector.load %arg4[%swap3A_4455, %swap3A_4456] : memref<16x8xf32, #tpu.memory_space<vmem>>, vector<1x8xf32>
    tpu.vector_store %arg4[%swap3A_4455, %swap3A_4456], %mul3A_4454 {strides = array<i32>} : memref<16x8xf32, #tpu.memory_space<vmem>>, vector<1x8xf32>,
    %eq3A_4458 = vector.broadcast %reduce_min3A_4445 : i32 to vector<5120x1xi32>
    %eq3A_4459 = arith.cmpi eq, %iota3A_4397, %eq3A_4458 : vector<5120x1xi32>
    %jit3A_4460 = arith.constant -1.000000e+00 : f32
    %broadcast_in_dim3A_4461 = vector.broadcast %jit3A_4460 : f32 to vector<5120x1xf32>
    %select_n3A_4462 = arith.select %eq3A_4459, %broadcast_in_dim3A_4461, %select_n3A_4430 : vector<5120x1xi1>, vector<5120x1xf32>
    %reduce_max3A_4463 = vector.shape_cast %select_n3A_4462 : vector<5120x1xf32> to vector<1x5120x1xf32>
    %reduce_max3A_4464 = arith.constant dense<0xFF800000> : vector<1xf32>
    %reduce_max3A_4465 = vector.multi_reduction <maximumf>, %reduce_max3A_4463, %reduce_max3A_4464 [1, 2] : vector<1x5120x1xf32> to vector<1xf32>
    %reduce_max3A_4466 = vector.shape_cast %reduce_max3A_4465 : vector<1xf32> to vector<1x1x1xf32>
    %reduce_max3A_4467 = vector.extract %reduce_max3A_4466[0, 0, 0] : f32 from vector<1x1x1xf32>
    %ge3A_4468 = vector.broadcast %reduce_max3A_4467 : f32 to vector<5120x1xf32>
    %ge3A_4469 = arith.cmpf oge, %select_n3A_4462, %ge3A_4468 : vector<5120x1xf32>
    %jit3A_4470 = arith.constant 5120 : i32
    %broadcast_in_dim3A_4471 = vector.broadcast %jit3A_4470 : i32 to vector<5120x1xi32>
    %select_n3A_4472 = arith.select %ge3A_4469, %iota3A_4397, %broadcast_in_dim3A_4471 : vector<5120x1xi1>, vector<5120x1xi32>
    %reduce_min3A_4473 = vector.shape_cast %select_n3A_4472 : vector<5120x1xi32> to vector<1x5120x1xi32>
    %reduce_min3A_4474 = arith.constant dense<2147483647> : vector<1xi32>
    %reduce_min3A_4475 = vector.multi_reduction <minsi>, %reduce_min3A_4473, %reduce_min3A_4474 [1, 2] : vector<1x5120x1xi32> to vector<1xi32>
    %reduce_min3A_4476 = vector.shape_cast %reduce_min3A_4475 : vector<1xi32> to vector<1x1x1xi32>
    %reduce_min3A_4477 = vector.extract %reduce_min3A_4476[0, 0, 0] : i32 from vector<1x1x1xi32>
    %gt3A_4478 = arith.constant 0.000000e+00 : f32
    %gt3A_4479 = arith.cmpf ogt, %reduce_max3A_4467, %gt3A_4478 : f32
    %convert_element_type3A_4480 = arith.extui %gt3A_4479 : i1 to i32
    %convert_element_type3A_4481 = arith.sitofp %convert_element_type3A_4480 : i32 to f32
    %get3A_4482 = arith.index_cast %reduce_min3A_4477 : i32 to index
    %get3A_4483 = arith.constant 0 : index
    %get3A_4484 = vector.load %arg3[%get3A_4482, %get3A_4483] : memref<5120x8xf32, #tpu.memory_space<vmem>>, vector<1x8xf32>
    %mul3A_4485 = vector.broadcast %convert_element_type3A_4481 : f32 to vector<1x8xf32>
    %mul3A_4486 = arith.mulf %get3A_4484, %mul3A_4485 : vector<1x8xf32>
    %swap3A_4487 = arith.constant 2 : index
    %swap3A_4488 = arith.constant 0 : index
    %swap3A_4489 = vector.load %arg4[%swap3A_4487, %swap3A_4488] : memref<16x8xf32, #tpu.memory_space<vmem>>, vector<1x8xf32>
    tpu.vector_store %arg4[%swap3A_4487, %swap3A_4488], %mul3A_4486 {strides = array<i32>} : memref<16x8xf32, #tpu.memory_space<vmem>>, vector<1x8xf32>,
    %eq3A_4490 = vector.broadcast %reduce_min3A_4477 : i32 to vector<5120x1xi32>
    %eq3A_4491 = arith.cmpi eq, %iota3A_4397, %eq3A_4490 : vector<5120x1xi32>
    %jit3A_4492 = arith.constant -1.000000e+00 : f32
    %broadcast_in_dim3A_4493 = vector.broadcast %jit3A_4492 : f32 to vector<5120x1xf32>
    %select_n3A_4494 = arith.select %eq3A_4491, %broadcast_in_dim3A_4493, %select_n3A_4462 : vector<5120x1xi1>, vector<5120x1xf32>
    %reduce_max3A_4495 = vector.shape_cast %select_n3A_4494 : vector<5120x1xf32> to vector<1x5120x1xf32>
    %reduce_max3A_4496 = arith.constant dense<0xFF800000> : vector<1xf32>
    %reduce_max3A_4497 = vector.multi_reduction <maximumf>, %reduce_max3A_4495, %reduce_max3A_4496 [1, 2] : vector<1x5120x1xf32> to vector<1xf32>
    %reduce_max3A_4498 = vector.shape_cast %reduce_max3A_4497 : vector<1xf32> to vector<1x1x1xf32>
    %reduce_max3A_4499 = vector.extract %reduce_max3A_4498[0, 0, 0] : f32 from vector<1x1x1xf32>
    %ge3A_4500 = vector.broadcast %reduce_max3A_4499 : f32 to vector<5120x1xf32>
    %ge3A_4501 = arith.cmpf oge, %select_n3A_4494, %ge3A_4500 : vector<5120x1xf32>
    %jit3A_4502 = arith.constant 5120 : i32
    %broadcast_in_dim3A_4503 = vector.broadcast %jit3A_4502 : i32 to vector<5120x1xi32>
    %select_n3A_4504 = arith.select %ge3A_4501, %iota3A_4397, %broadcast_in_dim3A_4503 : vector<5120x1xi1>, vector<5120x1xi32>
    %reduce_min3A_4505 = vector.shape_cast %select_n3A_4504 : vector<5120x1xi32> to vector<1x5120x1xi32>
    %reduce_min3A_4506 = arith.constant dense<2147483647> : vector<1xi32>
    %reduce_min3A_4507 = vector.multi_reduction <minsi>, %reduce_min3A_4505, %reduce_min3A_4506 [1, 2] : vector<1x5120x1xi32> to vector<1xi32>
    %reduce_min3A_4508 = vector.shape_cast %reduce_min3A_4507 : vector<1xi32> to vector<1x1x1xi32>
    %reduce_min3A_4509 = vector.extract %reduce_min3A_4508[0, 0, 0] : i32 from vector<1x1x1xi32>
    %gt3A_4510 = arith.constant 0.000000e+00 : f32
    %gt3A_4511 = arith.cmpf ogt, %reduce_max3A_4499, %gt3A_4510 : f32
    %convert_element_type3A_4512 = arith.extui %gt3A_4511 : i1 to i32
    %convert_element_type3A_4513 = arith.sitofp %convert_element_type3A_4512 : i32 to f32
    %get3A_4514 = arith.index_cast %reduce_min3A_4509 : i32 to index
    %get3A_4515 = arith.constant 0 : index
    %get3A_4516 = vector.load %arg3[%get3A_4514, %get3A_4515] : memref<5120x8xf32, #tpu.memory_space<vmem>>, vector<1x8xf32>
    %mul3A_4517 = vector.broadcast %convert_element_type3A_4513 : f32 to vector<1x8xf32>
    %mul3A_4518 = arith.mulf %get3A_4516, %mul3A_4517 : vector<1x8xf32>
    %swap3A_4519 = arith.constant 3 : index
    %swap3A_4520 = arith.constant 0 : index
    %swap3A_4521 = vector.load %arg4[%swap3A_4519, %swap3A_4520] : memref<16x8xf32, #tpu.memory_space<vmem>>, vector<1x8xf32>
    tpu.vector_store %arg4[%swap3A_4519, %swap3A_4520], %mul3A_4518 {strides = array<i32>} : memref<16x8xf32, #tpu.memory_space<vmem>>, vector<1x8xf32>,
    %eq3A_4522 = vector.broadcast %reduce_min3A_4509 : i32 to vector<5120x1xi32>
    %eq3A_4523 = arith.cmpi eq, %iota3A_4397, %eq3A_4522 : vector<5120x1xi32>
    %jit3A_4524 = arith.constant -1.000000e+00 : f32
    %broadcast_in_dim3A_4525 = vector.broadcast %jit3A_4524 : f32 to vector<5120x1xf32>
    %select_n3A_4526 = arith.select %eq3A_4523, %broadcast_in_dim3A_4525, %select_n3A_4494 : vector<5120x1xi1>, vector<5120x1xf32>
    %reduce_max3A_4527 = vector.shape_cast %select_n3A_4526 : vector<5120x1xf32> to vector<1x5120x1xf32>
    %reduce_max3A_4528 = arith.constant dense<0xFF800000> : vector<1xf32>
    %reduce_max3A_4529 = vector.multi_reduction <maximumf>, %reduce_max3A_4527, %reduce_max3A_4528 [1, 2] : vector<1x5120x1xf32> to vector<1xf32>
    %reduce_max3A_4530 = vector.shape_cast %reduce_max3A_4529 : vector<1xf32> to vector<1x1x1xf32>
    %reduce_max3A_4531 = vector.extract %reduce_max3A_4530[0, 0, 0] : f32 from vector<1x1x1xf32>
    %ge3A_4532 = vector.broadcast %reduce_max3A_4531 : f32 to vector<5120x1xf32>
    %ge3A_4533 = arith.cmpf oge, %select_n3A_4526, %ge3A_4532 : vector<5120x1xf32>
    %jit3A_4534 = arith.constant 5120 : i32
    %broadcast_in_dim3A_4535 = vector.broadcast %jit3A_4534 : i32 to vector<5120x1xi32>
    %select_n3A_4536 = arith.select %ge3A_4533, %iota3A_4397, %broadcast_in_dim3A_4535 : vector<5120x1xi1>, vector<5120x1xi32>
    %reduce_min3A_4537 = vector.shape_cast %select_n3A_4536 : vector<5120x1xi32> to vector<1x5120x1xi32>
    %reduce_min3A_4538 = arith.constant dense<2147483647> : vector<1xi32>
    %reduce_min3A_4539 = vector.multi_reduction <minsi>, %reduce_min3A_4537, %reduce_min3A_4538 [1, 2] : vector<1x5120x1xi32> to vector<1xi32>
    %reduce_min3A_4540 = vector.shape_cast %reduce_min3A_4539 : vector<1xi32> to vector<1x1x1xi32>
    %reduce_min3A_4541 = vector.extract %reduce_min3A_4540[0, 0, 0] : i32 from vector<1x1x1xi32>
    %gt3A_4542 = arith.constant 0.000000e+00 : f32
    %gt3A_4543 = arith.cmpf ogt, %reduce_max3A_4531, %gt3A_4542 : f32
    %convert_element_type3A_4544 = arith.extui %gt3A_4543 : i1 to i32
    %convert_element_type3A_4545 = arith.sitofp %convert_element_type3A_4544 : i32 to f32
    %get3A_4546 = arith.index_cast %reduce_min3A_4541 : i32 to index
    %get3A_4547 = arith.constant 0 : index
    %get3A_4548 = vector.load %arg3[%get3A_4546, %get3A_4547] : memref<5120x8xf32, #tpu.memory_space<vmem>>, vector<1x8xf32>
    %mul3A_4549 = vector.broadcast %convert_element_type3A_4545 : f32 to vector<1x8xf32>
    %mul3A_4550 = arith.mulf %get3A_4548, %mul3A_4549 : vector<1x8xf32>
    %swap3A_4551 = arith.constant 4 : index
    %swap3A_4552 = arith.constant 0 : index
    %swap3A_4553 = vector.load %arg4[%swap3A_4551, %swap3A_4552] : memref<16x8xf32, #tpu.memory_space<vmem>>, vector<1x8xf32>
    tpu.vector_store %arg4[%swap3A_4551, %swap3A_4552], %mul3A_4550 {strides = array<i32>} : memref<16x8xf32, #tpu.memory_space<vmem>>, vector<1x8xf32>,
    %eq3A_4554 = vector.broadcast %reduce_min3A_4541 : i32 to vector<5120x1xi32>
    %eq3A_4555 = arith.cmpi eq, %iota3A_4397, %eq3A_4554 : vector<5120x1xi32>
    %jit3A_4556 = arith.constant -1.000000e+00 : f32
    %broadcast_in_dim3A_4557 = vector.broadcast %jit3A_4556 : f32 to vector<5120x1xf32>
    %select_n3A_4558 = arith.select %eq3A_4555, %broadcast_in_dim3A_4557, %select_n3A_4526 : vector<5120x1xi1>, vector<5120x1xf32>
    %reduce_max3A_4559 = vector.shape_cast %select_n3A_4558 : vector<5120x1xf32> to vector<1x5120x1xf32>
    %reduce_max3A_4560 = arith.constant dense<0xFF800000> : vector<1xf32>
    %reduce_max3A_4561 = vector.multi_reduction <maximumf>, %reduce_max3A_4559, %reduce_max3A_4560 [1, 2] : vector<1x5120x1xf32> to vector<1xf32>
    %reduce_max3A_4562 = vector.shape_cast %reduce_max3A_4561 : vector<1xf32> to vector<1x1x1xf32>
    %reduce_max3A_4563 = vector.extract %reduce_max3A_4562[0, 0, 0] : f32 from vector<1x1x1xf32>
    %ge3A_4564 = vector.broadcast %reduce_max3A_4563 : f32 to vector<5120x1xf32>
    %ge3A_4565 = arith.cmpf oge, %select_n3A_4558, %ge3A_4564 : vector<5120x1xf32>
    %jit3A_4566 = arith.constant 5120 : i32
    %broadcast_in_dim3A_4567 = vector.broadcast %jit3A_4566 : i32 to vector<5120x1xi32>
    %select_n3A_4568 = arith.select %ge3A_4565, %iota3A_4397, %broadcast_in_dim3A_4567 : vector<5120x1xi1>, vector<5120x1xi32>
    %reduce_min3A_4569 = vector.shape_cast %select_n3A_4568 : vector<5120x1xi32> to vector<1x5120x1xi32>
    %reduce_min3A_4570 = arith.constant dense<2147483647> : vector<1xi32>
    %reduce_min3A_4571 = vector.multi_reduction <minsi>, %reduce_min3A_4569, %reduce_min3A_4570 [1, 2] : vector<1x5120x1xi32> to vector<1xi32>
    %reduce_min3A_4572 = vector.shape_cast %reduce_min3A_4571 : vector<1xi32> to vector<1x1x1xi32>
    %reduce_min3A_4573 = vector.extract %reduce_min3A_4572[0, 0, 0] : i32 from vector<1x1x1xi32>
    %gt3A_4574 = arith.constant 0.000000e+00 : f32
    %gt3A_4575 = arith.cmpf ogt, %reduce_max3A_4563, %gt3A_4574 : f32
    %convert_element_type3A_4576 = arith.extui %gt3A_4575 : i1 to i32
    %convert_element_type3A_4577 = arith.sitofp %convert_element_type3A_4576 : i32 to f32
    %get3A_4578 = arith.index_cast %reduce_min3A_4573 : i32 to index
    %get3A_4579 = arith.constant 0 : index
    %get3A_4580 = vector.load %arg3[%get3A_4578, %get3A_4579] : memref<5120x8xf32, #tpu.memory_space<vmem>>, vector<1x8xf32>
    %mul3A_4581 = vector.broadcast %convert_element_type3A_4577 : f32 to vector<1x8xf32>
    %mul3A_4582 = arith.mulf %get3A_4580, %mul3A_4581 : vector<1x8xf32>
    %swap3A_4583 = arith.constant 5 : index
    %swap3A_4584 = arith.constant 0 : index
    %swap3A_4585 = vector.load %arg4[%swap3A_4583, %swap3A_4584] : memref<16x8xf32, #tpu.memory_space<vmem>>, vector<1x8xf32>
    tpu.vector_store %arg4[%swap3A_4583, %swap3A_4584], %mul3A_4582 {strides = array<i32>} : memref<16x8xf32, #tpu.memory_space<vmem>>, vector<1x8xf32>,
    %eq3A_4586 = vector.broadcast %reduce_min3A_4573 : i32 to vector<5120x1xi32>
    %eq3A_4587 = arith.cmpi eq, %iota3A_4397, %eq3A_4586 : vector<5120x1xi32>
    %jit3A_4588 = arith.constant -1.000000e+00 : f32
    %broadcast_in_dim3A_4589 = vector.broadcast %jit3A_4588 : f32 to vector<5120x1xf32>
    %select_n3A_4590 = arith.select %eq3A_4587, %broadcast_in_dim3A_4589, %select_n3A_4558 : vector<5120x1xi1>, vector<5120x1xf32>
    %reduce_max3A_4591 = vector.shape_cast %select_n3A_4590 : vector<5120x1xf32> to vector<1x5120x1xf32>
    %reduce_max3A_4592 = arith.constant dense<0xFF800000> : vector<1xf32>
    %reduce_max3A_4593 = vector.multi_reduction <maximumf>, %reduce_max3A_4591, %reduce_max3A_4592 [1, 2] : vector<1x5120x1xf32> to vector<1xf32>
    %reduce_max3A_4594 = vector.shape_cast %reduce_max3A_4593 : vector<1xf32> to vector<1x1x1xf32>
    %reduce_max3A_4595 = vector.extract %reduce_max3A_4594[0, 0, 0] : f32 from vector<1x1x1xf32>
    %ge3A_4596 = vector.broadcast %reduce_max3A_4595 : f32 to vector<5120x1xf32>
    %ge3A_4597 = arith.cmpf oge, %select_n3A_4590, %ge3A_4596 : vector<5120x1xf32>
    %jit3A_4598 = arith.constant 5120 : i32
    %broadcast_in_dim3A_4599 = vector.broadcast %jit3A_4598 : i32 to vector<5120x1xi32>
    %select_n3A_4600 = arith.select %ge3A_4597, %iota3A_4397, %broadcast_in_dim3A_4599 : vector<5120x1xi1>, vector<5120x1xi32>
    %reduce_min3A_4601 = vector.shape_cast %select_n3A_4600 : vector<5120x1xi32> to vector<1x5120x1xi32>
    %reduce_min3A_4602 = arith.constant dense<2147483647> : vector<1xi32>
    %reduce_min3A_4603 = vector.multi_reduction <minsi>, %reduce_min3A_4601, %reduce_min3A_4602 [1, 2] : vector<1x5120x1xi32> to vector<1xi32>
    %reduce_min3A_4604 = vector.shape_cast %reduce_min3A_4603 : vector<1xi32> to vector<1x1x1xi32>
    %reduce_min3A_4605 = vector.extract %reduce_min3A_4604[0, 0, 0] : i32 from vector<1x1x1xi32>
    %gt3A_4606 = arith.constant 0.000000e+00 : f32
    %gt3A_4607 = arith.cmpf ogt, %reduce_max3A_4595, %gt3A_4606 : f32
    %convert_element_type3A_4608 = arith.extui %gt3A_4607 : i1 to i32
    %convert_element_type3A_4609 = arith.sitofp %convert_element_type3A_4608 : i32 to f32
    %get3A_4610 = arith.index_cast %reduce_min3A_4605 : i32 to index
    %get3A_4611 = arith.constant 0 : index
    %get3A_4612 = vector.load %arg3[%get3A_4610, %get3A_4611] : memref<5120x8xf32, #tpu.memory_space<vmem>>, vector<1x8xf32>
    %mul3A_4613 = vector.broadcast %convert_element_type3A_4609 : f32 to vector<1x8xf32>
    %mul3A_4614 = arith.mulf %get3A_4612, %mul3A_4613 : vector<1x8xf32>
    %swap3A_4615 = arith.constant 6 : index
    %swap3A_4616 = arith.constant 0 : index
    %swap3A_4617 = vector.load %arg4[%swap3A_4615, %swap3A_4616] : memref<16x8xf32, #tpu.memory_space<vmem>>, vector<1x8xf32>
    tpu.vector_store %arg4[%swap3A_4615, %swap3A_4616], %mul3A_4614 {strides = array<i32>} : memref<16x8xf32, #tpu.memory_space<vmem>>, vector<1x8xf32>,
    %eq3A_4618 = vector.broadcast %reduce_min3A_4605 : i32 to vector<5120x1xi32>
    %eq3A_4619 = arith.cmpi eq, %iota3A_4397, %eq3A_4618 : vector<5120x1xi32>
    %jit3A_4620 = arith.constant -1.000000e+00 : f32
    %broadcast_in_dim3A_4621 = vector.broadcast %jit3A_4620 : f32 to vector<5120x1xf32>
    %select_n3A_4622 = arith.select %eq3A_4619, %broadcast_in_dim3A_4621, %select_n3A_4590 : vector<5120x1xi1>, vector<5120x1xf32>
    %reduce_max3A_4623 = vector.shape_cast %select_n3A_4622 : vector<5120x1xf32> to vector<1x5120x1xf32>
    %reduce_max3A_4624 = arith.constant dense<0xFF800000> : vector<1xf32>
    %reduce_max3A_4625 = vector.multi_reduction <maximumf>, %reduce_max3A_4623, %reduce_max3A_4624 [1, 2] : vector<1x5120x1xf32> to vector<1xf32>
    %reduce_max3A_4626 = vector.shape_cast %reduce_max3A_4625 : vector<1xf32> to vector<1x1x1xf32>
    %reduce_max3A_4627 = vector.extract %reduce_max3A_4626[0, 0, 0] : f32 from vector<1x1x1xf32>
    %ge3A_4628 = vector.broadcast %reduce_max3A_4627 : f32 to vector<5120x1xf32>
    %ge3A_4629 = arith.cmpf oge, %select_n3A_4622, %ge3A_4628 : vector<5120x1xf32>
    %jit3A_4630 = arith.constant 5120 : i32
    %broadcast_in_dim3A_4631 = vector.broadcast %jit3A_4630 : i32 to vector<5120x1xi32>
    %select_n3A_4632 = arith.select %ge3A_4629, %iota3A_4397, %broadcast_in_dim3A_4631 : vector<5120x1xi1>, vector<5120x1xi32>
    %reduce_min3A_4633 = vector.shape_cast %select_n3A_4632 : vector<5120x1xi32> to vector<1x5120x1xi32>
    %reduce_min3A_4634 = arith.constant dense<2147483647> : vector<1xi32>
    %reduce_min3A_4635 = vector.multi_reduction <minsi>, %reduce_min3A_4633, %reduce_min3A_4634 [1, 2] : vector<1x5120x1xi32> to vector<1xi32>
    %reduce_min3A_4636 = vector.shape_cast %reduce_min3A_4635 : vector<1xi32> to vector<1x1x1xi32>
    %reduce_min3A_4637 = vector.extract %reduce_min3A_4636[0, 0, 0] : i32 from vector<1x1x1xi32>
    %gt3A_4638 = arith.constant 0.000000e+00 : f32
    %gt3A_4639 = arith.cmpf ogt, %reduce_max3A_4627, %gt3A_4638 : f32
    %convert_element_type3A_4640 = arith.extui %gt3A_4639 : i1 to i32
    %convert_element_type3A_4641 = arith.sitofp %convert_element_type3A_4640 : i32 to f32
    %get3A_4642 = arith.index_cast %reduce_min3A_4637 : i32 to index
    %get3A_4643 = arith.constant 0 : index
    %get3A_4644 = vector.load %arg3[%get3A_4642, %get3A_4643] : memref<5120x8xf32, #tpu.memory_space<vmem>>, vector<1x8xf32>
    %mul3A_4645 = vector.broadcast %convert_element_type3A_4641 : f32 to vector<1x8xf32>
    %mul3A_4646 = arith.mulf %get3A_4644, %mul3A_4645 : vector<1x8xf32>
    %swap3A_4647 = arith.constant 7 : index
    %swap3A_4648 = arith.constant 0 : index
    %swap3A_4649 = vector.load %arg4[%swap3A_4647, %swap3A_4648] : memref<16x8xf32, #tpu.memory_space<vmem>>, vector<1x8xf32>
    tpu.vector_store %arg4[%swap3A_4647, %swap3A_4648], %mul3A_4646 {strides = array<i32>} : memref<16x8xf32, #tpu.memory_space<vmem>>, vector<1x8xf32>,
    %eq3A_4650 = vector.broadcast %reduce_min3A_4637 : i32 to vector<5120x1xi32>
    %eq3A_4651 = arith.cmpi eq, %iota3A_4397, %eq3A_4650 : vector<5120x1xi32>
    %jit3A_4652 = arith.constant -1.000000e+00 : f32
    %broadcast_in_dim3A_4653 = vector.broadcast %jit3A_4652 : f32 to vector<5120x1xf32>
    %select_n3A_4654 = arith.select %eq3A_4651, %broadcast_in_dim3A_4653, %select_n3A_4622 : vector<5120x1xi1>, vector<5120x1xf32>
    %reduce_max3A_4655 = vector.shape_cast %select_n3A_4654 : vector<5120x1xf32> to vector<1x5120x1xf32>
    %reduce_max3A_4656 = arith.constant dense<0xFF800000> : vector<1xf32>
    %reduce_max3A_4657 = vector.multi_reduction <maximumf>, %reduce_max3A_4655, %reduce_max3A_4656 [1, 2] : vector<1x5120x1xf32> to vector<1xf32>
    %reduce_max3A_4658 = vector.shape_cast %reduce_max3A_4657 : vector<1xf32> to vector<1x1x1xf32>
    %reduce_max3A_4659 = vector.extract %reduce_max3A_4658[0, 0, 0] : f32 from vector<1x1x1xf32>
    %ge3A_4660 = vector.broadcast %reduce_max3A_4659 : f32 to vector<5120x1xf32>
    %ge3A_4661 = arith.cmpf oge, %select_n3A_4654, %ge3A_4660 : vector<5120x1xf32>
    %jit3A_4662 = arith.constant 5120 : i32
    %broadcast_in_dim3A_4663 = vector.broadcast %jit3A_4662 : i32 to vector<5120x1xi32>
    %select_n3A_4664 = arith.select %ge3A_4661, %iota3A_4397, %broadcast_in_dim3A_4663 : vector<5120x1xi1>, vector<5120x1xi32>
    %reduce_min3A_4665 = vector.shape_cast %select_n3A_4664 : vector<5120x1xi32> to vector<1x5120x1xi32>
    %reduce_min3A_4666 = arith.constant dense<2147483647> : vector<1xi32>
    %reduce_min3A_4667 = vector.multi_reduction <minsi>, %reduce_min3A_4665, %reduce_min3A_4666 [1, 2] : vector<1x5120x1xi32> to vector<1xi32>
    %reduce_min3A_4668 = vector.shape_cast %reduce_min3A_4667 : vector<1xi32> to vector<1x1x1xi32>
    %reduce_min3A_4669 = vector.extract %reduce_min3A_4668[0, 0, 0] : i32 from vector<1x1x1xi32>
    %gt3A_4670 = arith.constant 0.000000e+00 : f32
    %gt3A_4671 = arith.cmpf ogt, %reduce_max3A_4659, %gt3A_4670 : f32
    %convert_element_type3A_4672 = arith.extui %gt3A_4671 : i1 to i32
    %convert_element_type3A_4673 = arith.sitofp %convert_element_type3A_4672 : i32 to f32
    %get3A_4674 = arith.index_cast %reduce_min3A_4669 : i32 to index
    %get3A_4675 = arith.constant 0 : index
    %get3A_4676 = vector.load %arg3[%get3A_4674, %get3A_4675] : memref<5120x8xf32, #tpu.memory_space<vmem>>, vector<1x8xf32>
    %mul3A_4677 = vector.broadcast %convert_element_type3A_4673 : f32 to vector<1x8xf32>
    %mul3A_4678 = arith.mulf %get3A_4676, %mul3A_4677 : vector<1x8xf32>
    %swap3A_4679 = arith.constant 8 : index
    %swap3A_4680 = arith.constant 0 : index
    %swap3A_4681 = vector.load %arg4[%swap3A_4679, %swap3A_4680] : memref<16x8xf32, #tpu.memory_space<vmem>>, vector<1x8xf32>
    tpu.vector_store %arg4[%swap3A_4679, %swap3A_4680], %mul3A_4678 {strides = array<i32>} : memref<16x8xf32, #tpu.memory_space<vmem>>, vector<1x8xf32>,
    %eq3A_4682 = vector.broadcast %reduce_min3A_4669 : i32 to vector<5120x1xi32>
    %eq3A_4683 = arith.cmpi eq, %iota3A_4397, %eq3A_4682 : vector<5120x1xi32>
    %jit3A_4684 = arith.constant -1.000000e+00 : f32
    %broadcast_in_dim3A_4685 = vector.broadcast %jit3A_4684 : f32 to vector<5120x1xf32>
    %select_n3A_4686 = arith.select %eq3A_4683, %broadcast_in_dim3A_4685, %select_n3A_4654 : vector<5120x1xi1>, vector<5120x1xf32>
    %reduce_max3A_4687 = vector.shape_cast %select_n3A_4686 : vector<5120x1xf32> to vector<1x5120x1xf32>
    %reduce_max3A_4688 = arith.constant dense<0xFF800000> : vector<1xf32>
    %reduce_max3A_4689 = vector.multi_reduction <maximumf>, %reduce_max3A_4687, %reduce_max3A_4688 [1, 2] : vector<1x5120x1xf32> to vector<1xf32>
    %reduce_max3A_4690 = vector.shape_cast %reduce_max3A_4689 : vector<1xf32> to vector<1x1x1xf32>
    %reduce_max3A_4691 = vector.extract %reduce_max3A_4690[0, 0, 0] : f32 from vector<1x1x1xf32>
    %ge3A_4692 = vector.broadcast %reduce_max3A_4691 : f32 to vector<5120x1xf32>
    %ge3A_4693 = arith.cmpf oge, %select_n3A_4686, %ge3A_4692 : vector<5120x1xf32>
    %jit3A_4694 = arith.constant 5120 : i32
    %broadcast_in_dim3A_4695 = vector.broadcast %jit3A_4694 : i32 to vector<5120x1xi32>
    %select_n3A_4696 = arith.select %ge3A_4693, %iota3A_4397, %broadcast_in_dim3A_4695 : vector<5120x1xi1>, vector<5120x1xi32>
    %reduce_min3A_4697 = vector.shape_cast %select_n3A_4696 : vector<5120x1xi32> to vector<1x5120x1xi32>
    %reduce_min3A_4698 = arith.constant dense<2147483647> : vector<1xi32>
    %reduce_min3A_4699 = vector.multi_reduction <minsi>, %reduce_min3A_4697, %reduce_min3A_4698 [1, 2] : vector<1x5120x1xi32> to vector<1xi32>
    %reduce_min3A_4700 = vector.shape_cast %reduce_min3A_4699 : vector<1xi32> to vector<1x1x1xi32>
    %reduce_min3A_4701 = vector.extract %reduce_min3A_4700[0, 0, 0] : i32 from vector<1x1x1xi32>
    %gt3A_4702 = arith.constant 0.000000e+00 : f32
    %gt3A_4703 = arith.cmpf ogt, %reduce_max3A_4691, %gt3A_4702 : f32
    %convert_element_type3A_4704 = arith.extui %gt3A_4703 : i1 to i32
    %convert_element_type3A_4705 = arith.sitofp %convert_element_type3A_4704 : i32 to f32
    %get3A_4706 = arith.index_cast %reduce_min3A_4701 : i32 to index
    %get3A_4707 = arith.constant 0 : index
    %get3A_4708 = vector.load %arg3[%get3A_4706, %get3A_4707] : memref<5120x8xf32, #tpu.memory_space<vmem>>, vector<1x8xf32>
    %mul3A_4709 = vector.broadcast %convert_element_type3A_4705 : f32 to vector<1x8xf32>
    %mul3A_4710 = arith.mulf %get3A_4708, %mul3A_4709 : vector<1x8xf32>
    %swap3A_4711 = arith.constant 9 : index
    %swap3A_4712 = arith.constant 0 : index
    %swap3A_4713 = vector.load %arg4[%swap3A_4711, %swap3A_4712] : memref<16x8xf32, #tpu.memory_space<vmem>>, vector<1x8xf32>
    tpu.vector_store %arg4[%swap3A_4711, %swap3A_4712], %mul3A_4710 {strides = array<i32>} : memref<16x8xf32, #tpu.memory_space<vmem>>, vector<1x8xf32>,
    %eq3A_4714 = vector.broadcast %reduce_min3A_4701 : i32 to vector<5120x1xi32>
    %eq3A_4715 = arith.cmpi eq, %iota3A_4397, %eq3A_4714 : vector<5120x1xi32>
    %jit3A_4716 = arith.constant -1.000000e+00 : f32
    %broadcast_in_dim3A_4717 = vector.broadcast %jit3A_4716 : f32 to vector<5120x1xf32>
    %select_n3A_4718 = arith.select %eq3A_4715, %broadcast_in_dim3A_4717, %select_n3A_4686 : vector<5120x1xi1>, vector<5120x1xf32>
    %reduce_max3A_4719 = vector.shape_cast %select_n3A_4718 : vector<5120x1xf32> to vector<1x5120x1xf32>
    %reduce_max3A_4720 = arith.constant dense<0xFF800000> : vector<1xf32>
    %reduce_max3A_4721 = vector.multi_reduction <maximumf>, %reduce_max3A_4719, %reduce_max3A_4720 [1, 2] : vector<1x5120x1xf32> to vector<1xf32>
    %reduce_max3A_4722 = vector.shape_cast %reduce_max3A_4721 : vector<1xf32> to vector<1x1x1xf32>
    %reduce_max3A_4723 = vector.extract %reduce_max3A_4722[0, 0, 0] : f32 from vector<1x1x1xf32>
    %ge3A_4724 = vector.broadcast %reduce_max3A_4723 : f32 to vector<5120x1xf32>
    %ge3A_4725 = arith.cmpf oge, %select_n3A_4718, %ge3A_4724 : vector<5120x1xf32>
    %jit3A_4726 = arith.constant 5120 : i32
    %broadcast_in_dim3A_4727 = vector.broadcast %jit3A_4726 : i32 to vector<5120x1xi32>
    %select_n3A_4728 = arith.select %ge3A_4725, %iota3A_4397, %broadcast_in_dim3A_4727 : vector<5120x1xi1>, vector<5120x1xi32>
    %reduce_min3A_4729 = vector.shape_cast %select_n3A_4728 : vector<5120x1xi32> to vector<1x5120x1xi32>
    %reduce_min3A_4730 = arith.constant dense<2147483647> : vector<1xi32>
    %reduce_min3A_4731 = vector.multi_reduction <minsi>, %reduce_min3A_4729, %reduce_min3A_4730 [1, 2] : vector<1x5120x1xi32> to vector<1xi32>
    %reduce_min3A_4732 = vector.shape_cast %reduce_min3A_4731 : vector<1xi32> to vector<1x1x1xi32>
    %reduce_min3A_4733 = vector.extract %reduce_min3A_4732[0, 0, 0] : i32 from vector<1x1x1xi32>
    %gt3A_4734 = arith.constant 0.000000e+00 : f32
    %gt3A_4735 = arith.cmpf ogt, %reduce_max3A_4723, %gt3A_4734 : f32
    %convert_element_type3A_4736 = arith.extui %gt3A_4735 : i1 to i32
    %convert_element_type3A_4737 = arith.sitofp %convert_element_type3A_4736 : i32 to f32
    %get3A_4738 = arith.index_cast %reduce_min3A_4733 : i32 to index
    %get3A_4739 = arith.constant 0 : index
    %get3A_4740 = vector.load %arg3[%get3A_4738, %get3A_4739] : memref<5120x8xf32, #tpu.memory_space<vmem>>, vector<1x8xf32>
    %mul3A_4741 = vector.broadcast %convert_element_type3A_4737 : f32 to vector<1x8xf32>
    %mul3A_4742 = arith.mulf %get3A_4740, %mul3A_4741 : vector<1x8xf32>
    %swap3A_4743 = arith.constant 10 : index
    %swap3A_4744 = arith.constant 0 : index
    %swap3A_4745 = vector.load %arg4[%swap3A_4743, %swap3A_4744] : memref<16x8xf32, #tpu.memory_space<vmem>>, vector<1x8xf32>
    tpu.vector_store %arg4[%swap3A_4743, %swap3A_4744], %mul3A_4742 {strides = array<i32>} : memref<16x8xf32, #tpu.memory_space<vmem>>, vector<1x8xf32>,
    %eq3A_4746 = vector.broadcast %reduce_min3A_4733 : i32 to vector<5120x1xi32>
    %eq3A_4747 = arith.cmpi eq, %iota3A_4397, %eq3A_4746 : vector<5120x1xi32>
    %jit3A_4748 = arith.constant -1.000000e+00 : f32
    %broadcast_in_dim3A_4749 = vector.broadcast %jit3A_4748 : f32 to vector<5120x1xf32>
    %select_n3A_4750 = arith.select %eq3A_4747, %broadcast_in_dim3A_4749, %select_n3A_4718 : vector<5120x1xi1>, vector<5120x1xf32>
    %reduce_max3A_4751 = vector.shape_cast %select_n3A_4750 : vector<5120x1xf32> to vector<1x5120x1xf32>
    %reduce_max3A_4752 = arith.constant dense<0xFF800000> : vector<1xf32>
    %reduce_max3A_4753 = vector.multi_reduction <maximumf>, %reduce_max3A_4751, %reduce_max3A_4752 [1, 2] : vector<1x5120x1xf32> to vector<1xf32>
    %reduce_max3A_4754 = vector.shape_cast %reduce_max3A_4753 : vector<1xf32> to vector<1x1x1xf32>
    %reduce_max3A_4755 = vector.extract %reduce_max3A_4754[0, 0, 0] : f32 from vector<1x1x1xf32>
    %ge3A_4756 = vector.broadcast %reduce_max3A_4755 : f32 to vector<5120x1xf32>
    %ge3A_4757 = arith.cmpf oge, %select_n3A_4750, %ge3A_4756 : vector<5120x1xf32>
    %jit3A_4758 = arith.constant 5120 : i32
    %broadcast_in_dim3A_4759 = vector.broadcast %jit3A_4758 : i32 to vector<5120x1xi32>
    %select_n3A_4760 = arith.select %ge3A_4757, %iota3A_4397, %broadcast_in_dim3A_4759 : vector<5120x1xi1>, vector<5120x1xi32>
    %reduce_min3A_4761 = vector.shape_cast %select_n3A_4760 : vector<5120x1xi32> to vector<1x5120x1xi32>
    %reduce_min3A_4762 = arith.constant dense<2147483647> : vector<1xi32>
    %reduce_min3A_4763 = vector.multi_reduction <minsi>, %reduce_min3A_4761, %reduce_min3A_4762 [1, 2] : vector<1x5120x1xi32> to vector<1xi32>
    %reduce_min3A_4764 = vector.shape_cast %reduce_min3A_4763 : vector<1xi32> to vector<1x1x1xi32>
    %reduce_min3A_4765 = vector.extract %reduce_min3A_4764[0, 0, 0] : i32 from vector<1x1x1xi32>
    %gt3A_4766 = arith.constant 0.000000e+00 : f32
    %gt3A_4767 = arith.cmpf ogt, %reduce_max3A_4755, %gt3A_4766 : f32
    %convert_element_type3A_4768 = arith.extui %gt3A_4767 : i1 to i32
    %convert_element_type3A_4769 = arith.sitofp %convert_element_type3A_4768 : i32 to f32
    %get3A_4770 = arith.index_cast %reduce_min3A_4765 : i32 to index
    %get3A_4771 = arith.constant 0 : index
    %get3A_4772 = vector.load %arg3[%get3A_4770, %get3A_4771] : memref<5120x8xf32, #tpu.memory_space<vmem>>, vector<1x8xf32>
    %mul3A_4773 = vector.broadcast %convert_element_type3A_4769 : f32 to vector<1x8xf32>
    %mul3A_4774 = arith.mulf %get3A_4772, %mul3A_4773 : vector<1x8xf32>
    %swap3A_4775 = arith.constant 11 : index
    %swap3A_4776 = arith.constant 0 : index
    %swap3A_4777 = vector.load %arg4[%swap3A_4775, %swap3A_4776] : memref<16x8xf32, #tpu.memory_space<vmem>>, vector<1x8xf32>
    tpu.vector_store %arg4[%swap3A_4775, %swap3A_4776], %mul3A_4774 {strides = array<i32>} : memref<16x8xf32, #tpu.memory_space<vmem>>, vector<1x8xf32>,
    %eq3A_4778 = vector.broadcast %reduce_min3A_4765 : i32 to vector<5120x1xi32>
    %eq3A_4779 = arith.cmpi eq, %iota3A_4397, %eq3A_4778 : vector<5120x1xi32>
    %jit3A_4780 = arith.constant -1.000000e+00 : f32
    %broadcast_in_dim3A_4781 = vector.broadcast %jit3A_4780 : f32 to vector<5120x1xf32>
    %select_n3A_4782 = arith.select %eq3A_4779, %broadcast_in_dim3A_4781, %select_n3A_4750 : vector<5120x1xi1>, vector<5120x1xf32>
    %reduce_max3A_4783 = vector.shape_cast %select_n3A_4782 : vector<5120x1xf32> to vector<1x5120x1xf32>
    %reduce_max3A_4784 = arith.constant dense<0xFF800000> : vector<1xf32>
    %reduce_max3A_4785 = vector.multi_reduction <maximumf>, %reduce_max3A_4783, %reduce_max3A_4784 [1, 2] : vector<1x5120x1xf32> to vector<1xf32>
    %reduce_max3A_4786 = vector.shape_cast %reduce_max3A_4785 : vector<1xf32> to vector<1x1x1xf32>
    %reduce_max3A_4787 = vector.extract %reduce_max3A_4786[0, 0, 0] : f32 from vector<1x1x1xf32>
    %ge3A_4788 = vector.broadcast %reduce_max3A_4787 : f32 to vector<5120x1xf32>
    %ge3A_4789 = arith.cmpf oge, %select_n3A_4782, %ge3A_4788 : vector<5120x1xf32>
    %jit3A_4790 = arith.constant 5120 : i32
    %broadcast_in_dim3A_4791 = vector.broadcast %jit3A_4790 : i32 to vector<5120x1xi32>
    %select_n3A_4792 = arith.select %ge3A_4789, %iota3A_4397, %broadcast_in_dim3A_4791 : vector<5120x1xi1>, vector<5120x1xi32>
    %reduce_min3A_4793 = vector.shape_cast %select_n3A_4792 : vector<5120x1xi32> to vector<1x5120x1xi32>
    %reduce_min3A_4794 = arith.constant dense<2147483647> : vector<1xi32>
    %reduce_min3A_4795 = vector.multi_reduction <minsi>, %reduce_min3A_4793, %reduce_min3A_4794 [1, 2] : vector<1x5120x1xi32> to vector<1xi32>
    %reduce_min3A_4796 = vector.shape_cast %reduce_min3A_4795 : vector<1xi32> to vector<1x1x1xi32>
    %reduce_min3A_4797 = vector.extract %reduce_min3A_4796[0, 0, 0] : i32 from vector<1x1x1xi32>
    %gt3A_4798 = arith.constant 0.000000e+00 : f32
    %gt3A_4799 = arith.cmpf ogt, %reduce_max3A_4787, %gt3A_4798 : f32
    %convert_element_type3A_4800 = arith.extui %gt3A_4799 : i1 to i32
    %convert_element_type3A_4801 = arith.sitofp %convert_element_type3A_4800 : i32 to f32
    %get3A_4802 = arith.index_cast %reduce_min3A_4797 : i32 to index
    %get3A_4803 = arith.constant 0 : index
    %get3A_4804 = vector.load %arg3[%get3A_4802, %get3A_4803] : memref<5120x8xf32, #tpu.memory_space<vmem>>, vector<1x8xf32>
    %mul3A_4805 = vector.broadcast %convert_element_type3A_4801 : f32 to vector<1x8xf32>
    %mul3A_4806 = arith.mulf %get3A_4804, %mul3A_4805 : vector<1x8xf32>
    %swap3A_4807 = arith.constant 12 : index
    %swap3A_4808 = arith.constant 0 : index
    %swap3A_4809 = vector.load %arg4[%swap3A_4807, %swap3A_4808] : memref<16x8xf32, #tpu.memory_space<vmem>>, vector<1x8xf32>
    tpu.vector_store %arg4[%swap3A_4807, %swap3A_4808], %mul3A_4806 {strides = array<i32>} : memref<16x8xf32, #tpu.memory_space<vmem>>, vector<1x8xf32>,
    %eq3A_4810 = vector.broadcast %reduce_min3A_4797 : i32 to vector<5120x1xi32>
    %eq3A_4811 = arith.cmpi eq, %iota3A_4397, %eq3A_4810 : vector<5120x1xi32>
    %jit3A_4812 = arith.constant -1.000000e+00 : f32
    %broadcast_in_dim3A_4813 = vector.broadcast %jit3A_4812 : f32 to vector<5120x1xf32>
    %select_n3A_4814 = arith.select %eq3A_4811, %broadcast_in_dim3A_4813, %select_n3A_4782 : vector<5120x1xi1>, vector<5120x1xf32>
    %reduce_max3A_4815 = vector.shape_cast %select_n3A_4814 : vector<5120x1xf32> to vector<1x5120x1xf32>
    %reduce_max3A_4816 = arith.constant dense<0xFF800000> : vector<1xf32>
    %reduce_max3A_4817 = vector.multi_reduction <maximumf>, %reduce_max3A_4815, %reduce_max3A_4816 [1, 2] : vector<1x5120x1xf32> to vector<1xf32>
    %reduce_max3A_4818 = vector.shape_cast %reduce_max3A_4817 : vector<1xf32> to vector<1x1x1xf32>
    %reduce_max3A_4819 = vector.extract %reduce_max3A_4818[0, 0, 0] : f32 from vector<1x1x1xf32>
    %ge3A_4820 = vector.broadcast %reduce_max3A_4819 : f32 to vector<5120x1xf32>
    %ge3A_4821 = arith.cmpf oge, %select_n3A_4814, %ge3A_4820 : vector<5120x1xf32>
    %jit3A_4822 = arith.constant 5120 : i32
    %broadcast_in_dim3A_4823 = vector.broadcast %jit3A_4822 : i32 to vector<5120x1xi32>
    %select_n3A_4824 = arith.select %ge3A_4821, %iota3A_4397, %broadcast_in_dim3A_4823 : vector<5120x1xi1>, vector<5120x1xi32>
    %reduce_min3A_4825 = vector.shape_cast %select_n3A_4824 : vector<5120x1xi32> to vector<1x5120x1xi32>
    %reduce_min3A_4826 = arith.constant dense<2147483647> : vector<1xi32>
    %reduce_min3A_4827 = vector.multi_reduction <minsi>, %reduce_min3A_4825, %reduce_min3A_4826 [1, 2] : vector<1x5120x1xi32> to vector<1xi32>
    %reduce_min3A_4828 = vector.shape_cast %reduce_min3A_4827 : vector<1xi32> to vector<1x1x1xi32>
    %reduce_min3A_4829 = vector.extract %reduce_min3A_4828[0, 0, 0] : i32 from vector<1x1x1xi32>
    %gt3A_4830 = arith.constant 0.000000e+00 : f32
    %gt3A_4831 = arith.cmpf ogt, %reduce_max3A_4819, %gt3A_4830 : f32
    %convert_element_type3A_4832 = arith.extui %gt3A_4831 : i1 to i32
    %convert_element_type3A_4833 = arith.sitofp %convert_element_type3A_4832 : i32 to f32
    %get3A_4834 = arith.index_cast %reduce_min3A_4829 : i32 to index
    %get3A_4835 = arith.constant 0 : index
    %get3A_4836 = vector.load %arg3[%get3A_4834, %get3A_4835] : memref<5120x8xf32, #tpu.memory_space<vmem>>, vector<1x8xf32>
    %mul3A_4837 = vector.broadcast %convert_element_type3A_4833 : f32 to vector<1x8xf32>
    %mul3A_4838 = arith.mulf %get3A_4836, %mul3A_4837 : vector<1x8xf32>
    %swap3A_4839 = arith.constant 13 : index
    %swap3A_4840 = arith.constant 0 : index
    %swap3A_4841 = vector.load %arg4[%swap3A_4839, %swap3A_4840] : memref<16x8xf32, #tpu.memory_space<vmem>>, vector<1x8xf32>
    tpu.vector_store %arg4[%swap3A_4839, %swap3A_4840], %mul3A_4838 {strides = array<i32>} : memref<16x8xf32, #tpu.memory_space<vmem>>, vector<1x8xf32>,
    %eq3A_4842 = vector.broadcast %reduce_min3A_4829 : i32 to vector<5120x1xi32>
    %eq3A_4843 = arith.cmpi eq, %iota3A_4397, %eq3A_4842 : vector<5120x1xi32>
    %jit3A_4844 = arith.constant -1.000000e+00 : f32
    %broadcast_in_dim3A_4845 = vector.broadcast %jit3A_4844 : f32 to vector<5120x1xf32>
    %select_n3A_4846 = arith.select %eq3A_4843, %broadcast_in_dim3A_4845, %select_n3A_4814 : vector<5120x1xi1>, vector<5120x1xf32>
    %reduce_max3A_4847 = vector.shape_cast %select_n3A_4846 : vector<5120x1xf32> to vector<1x5120x1xf32>
    %reduce_max3A_4848 = arith.constant dense<0xFF800000> : vector<1xf32>
    %reduce_max3A_4849 = vector.multi_reduction <maximumf>, %reduce_max3A_4847, %reduce_max3A_4848 [1, 2] : vector<1x5120x1xf32> to vector<1xf32>
    %reduce_max3A_4850 = vector.shape_cast %reduce_max3A_4849 : vector<1xf32> to vector<1x1x1xf32>
    %reduce_max3A_4851 = vector.extract %reduce_max3A_4850[0, 0, 0] : f32 from vector<1x1x1xf32>
    %ge3A_4852 = vector.broadcast %reduce_max3A_4851 : f32 to vector<5120x1xf32>
    %ge3A_4853 = arith.cmpf oge, %select_n3A_4846, %ge3A_4852 : vector<5120x1xf32>
    %jit3A_4854 = arith.constant 5120 : i32
    %broadcast_in_dim3A_4855 = vector.broadcast %jit3A_4854 : i32 to vector<5120x1xi32>
    %select_n3A_4856 = arith.select %ge3A_4853, %iota3A_4397, %broadcast_in_dim3A_4855 : vector<5120x1xi1>, vector<5120x1xi32>
    %reduce_min3A_4857 = vector.shape_cast %select_n3A_4856 : vector<5120x1xi32> to vector<1x5120x1xi32>
    %reduce_min3A_4858 = arith.constant dense<2147483647> : vector<1xi32>
    %reduce_min3A_4859 = vector.multi_reduction <minsi>, %reduce_min3A_4857, %reduce_min3A_4858 [1, 2] : vector<1x5120x1xi32> to vector<1xi32>
    %reduce_min3A_4860 = vector.shape_cast %reduce_min3A_4859 : vector<1xi32> to vector<1x1x1xi32>
    %reduce_min3A_4861 = vector.extract %reduce_min3A_4860[0, 0, 0] : i32 from vector<1x1x1xi32>
    %gt3A_4862 = arith.constant 0.000000e+00 : f32
    %gt3A_4863 = arith.cmpf ogt, %reduce_max3A_4851, %gt3A_4862 : f32
    %convert_element_type3A_4864 = arith.extui %gt3A_4863 : i1 to i32
    %convert_element_type3A_4865 = arith.sitofp %convert_element_type3A_4864 : i32 to f32
    %get3A_4866 = arith.index_cast %reduce_min3A_4861 : i32 to index
    %get3A_4867 = arith.constant 0 : index
    %get3A_4868 = vector.load %arg3[%get3A_4866, %get3A_4867] : memref<5120x8xf32, #tpu.memory_space<vmem>>, vector<1x8xf32>
    %mul3A_4869 = vector.broadcast %convert_element_type3A_4865 : f32 to vector<1x8xf32>
    %mul3A_4870 = arith.mulf %get3A_4868, %mul3A_4869 : vector<1x8xf32>
    %swap3A_4871 = arith.constant 14 : index
    %swap3A_4872 = arith.constant 0 : index
    %swap3A_4873 = vector.load %arg4[%swap3A_4871, %swap3A_4872] : memref<16x8xf32, #tpu.memory_space<vmem>>, vector<1x8xf32>
    tpu.vector_store %arg4[%swap3A_4871, %swap3A_4872], %mul3A_4870 {strides = array<i32>} : memref<16x8xf32, #tpu.memory_space<vmem>>, vector<1x8xf32>,
    return
  }
}

</mosaic_0001>

<sc_bundles>
// kernel: gather_offload_async_start.1
scs
__scs_entry_jumppad:
0x0: {  	(pc) =	sbr.rel $0x88, $3  }
0x1: {  	(tag) =	ssettag $0x0;
	lr =	simm.s32 $0x1  }
0x2: {  	[smem:$0x3F9F] =	sst lr;
	_ =	strace $0xD0000000  }
0x3: {  	_ = 	snop  }
0x4: {  	_ = 	snop  }
0x5: {  	_ = 	snop  }
0x6: {  	_ = 	snop  }
0x7: {  	_ = 	snop  }
__scs_overlays_trampoline_lowered:
0x8: {  	[smem:$0x3FAE] =	sst s0  }
0x9: {  	[smem:$0x3FAF] =	sst s1  }
0xa: {  	[smem:$0x3FB0] =	sst s2  }
0xb: {  	[smem:$0x3FB1] =	sst s3  }
0xc: {  	[smem:$0x3FB2] =	sst s4  }
0xd: {  	[smem:$0x3FB3] =	sst s5  }
0xe: {  	[smem:$0x3FB4] =	sst s6  }
0xf: {  	[smem:$0x3FB5] =	sst s7  }
0x10: {  	[smem:$0x3FB6] =	sst s8  }
0x11: {  	[smem:$0x3FB7] =	sst s9;
	s0 =	simm.s32 @!p0 $0x0  }
0x12: {  	s1 =	sld [smem:$0x3F9D];
	s0 =	simm.s32 @p0 $0x1  }
0x13: {  	[smem:$0x3FB8] =	sst s0;
	s0 =	simm.s32 @!p1 $0x0  }
0x14: {  	s2 =	sld [smem:$0x3F9C];
	s0 =	simm.s32 @p1 $0x1  }
0x15: {  	[smem:$0x3FB9] =	sst s0;
	s0 =	simm.s32 @!p2 $0x0  }
0x16: {  	s3 =	sld [smem:$0x3FDB];
	s0 =	simm.s32 @p2 $0x1  }
0x17: {  	s4 =	simm.s32 $0x1BF5;
	[smem:$0x3FBB] =	sst s0  }
0x18: {  	s0 =	sld [smem:$0x3F9E];
	_ =	swait.ge [sflag:s4], $0x0  }
0x19: {  	s7 =	sld [smem:$0x3F9F]  }
0x1a: {  	s8 =	sadd.s32 $0xFFFFE003, lr  }
0x1b: {  	s9 =	sadd.s32 $0xFFFFFEF7, lr;
	s5 =	simm.s32 $0xFFFFFFFF;
	p2 =	slt.u32 s8, $0xFFFFF086  }
0x1c: {  	p1 =	slt.u32 s9, $0xF7A;
	s5 =	simm.s32 @!p2 $0x0  }
0x1d: {  	s5 =	simm.s32 @p1 $0x1;
	p0 =	seq.s32 s7, s2  }
0x1e: {  	s7 =	smul.u32 @!p0 $0xF7A, s2;
	p2 =	seq.s32 @!p0 s5, $0x0  }
0x1f: {  	s9 =	smul.u32 $0xF7A, s1;
	s8 =	simm.s32 @!p0 $0x1BF5;
	p2 =	por !p2, p0  }
0x20: {  	[sflag:s8] =	ssyncset.s32 @!p0 $0xFFFFF086;
	s6 =	sadd.s32 @!p0 s3, s7;
	s7 =	simm.s32 @!p0 $0x108  }
0x21: {  	s3 =	sadd.s32 s3, s9;
	s6 =	sadd.s32 @!p0 $0x88, s6;
	s7 =	simm.s32 @p2 $0x1082  }
0x22: {  	[simem:s7], [sflag:s8] =	dma.local @!p0 [hbm:s6], $0xF7A  }
0x23: {  	s9 =	sor.u32 $0xD0000000, s2;
	s6 =	simm.s32 $0x108;
	_ =	swait.ge @!p0 [sflag:s8], $0x0  }
0x24: {  	s3 =	sadd.s32 $0x88, s3;
	s6 =	simm.s32 @!p1 $0x1082;
	[sflag:s4] =	ssyncset.s32 $0xFFFFF086  }
0x25: {  	[simem:s6], [sflag:s4] =	dma.local [hbm:s3], $0xF7A  }
0x26: {  	[smem:$0x3F9F] =	sst s1;
	(tag) =	ssettag s2;
	_ =	strace s9  }
0x27: {  	s1 =	sld [smem:$0x3FAF]  }
0x28: {  	s2 =	sld [smem:$0x3FB0]  }
0x29: {  	s4 =	sld [smem:$0x3FB2]  }
0x2a: {  	p0 =	seq.s32 s5, $0x0;
	s5 =	sld [smem:$0x3FB3]  }
0x2b: {  	s6 =	sld [smem:$0x3FB4]  }
0x2c: {  	s7 =	sld [smem:$0x3FB5]  }
0x2d: {  	s3 =	simm.s32 $0x108;
	s8 =	sld [smem:$0x3FB6]  }
0x2e: {  	s3 =	simm.s32 @!p0 $0x1082;
	s9 =	sld [smem:$0x3FB7]  }
0x2f: {  	lr =	sadd.s32 s0, s3;
	s0 =	sld [smem:$0x3FAE]  }
0x30: {  	s3 =	sld [smem:$0x3FB1]  }
0x31: {  	[smem:$0x3FBA] =	sst s10  }
0x32: {  	s10 =	sld [smem:$0x3FB8];
	_ =	sdelay $0x3  }
0x33: {  	p0 =	seq.s32 s10, $0x1;
	s10 =	sld [smem:$0x3FBA];
	_ =	sdelay $0x3  }
0x34: {  	[smem:$0x3FBA] =	sst s10  }
0x35: {  	s10 =	sld [smem:$0x3FB9];
	_ =	sdelay $0x3  }
0x36: {  	p1 =	seq.s32 s10, $0x1;
	s10 =	sld [smem:$0x3FBA];
	_ =	sdelay $0x3  }
0x37: {  	[smem:$0x3FBA] =	sst s10  }
0x38: {  	s10 =	sld [smem:$0x3FBB]  }
0x39: {  	_ = 	snop;
	(pc) =	sbr.ind lr, $3  }
0x3a: {  	_ = 	snop  }
0x3b: {  	_ = 	snop  }
0x3c: {  	p2 =	seq.s32 s10, $0x1;
	s10 =	sld [smem:$0x3FBA]  }
0x3d: {  	_ =	shalt  }
0x3e: {  	_ =	shalt  }
0x3f: {  	_ =	shalt  }
0x40: {  	_ =	shalt  }
0x41: {  	_ =	shalt  }
0x42: {  	_ =	shalt  }
0x43: {  	_ =	shalt  }
0x44: {  	_ =	shalt  }
0x45: {  	_ =	shalt  }
0x46: {  	_ =	shalt  }
0x47: {  	_ =	shalt  }
0x48: {  	_ =	shalt  }
0x49: {  	_ =	shalt  }
0x4a: {  	_ =	shalt  }
0x4b: {  	_ =	shalt  }
0x4c: {  	_ =	shalt  }
0x4d: {  	_ =	shalt  }
0x4e: {  	_ =	shalt  }
0x4f: {  	_ =	shalt  }
0x50: {  	_ =	shalt  }
0x51: {  	_ =	shalt  }
0x52: {  	_ =	shalt  }
0x53: {  	_ =	shalt  }
0x54: {  	_ =	shalt  }
0x55: {  	_ =	shalt  }
0x56: {  	_ =	shalt  }
0x57: {  	_ =	shalt  }
0x58: {  	_ =	shalt  }
0x59: {  	_ =	shalt  }
0x5a: {  	_ =	shalt  }
0x5b: {  	_ =	shalt  }
0x5c: {  	_ =	shalt  }
0x5d: {  	_ =	shalt  }
0x5e: {  	_ =	shalt  }
0x5f: {  	_ =	shalt  }
0x60: {  	_ =	shalt  }
0x61: {  	_ =	shalt  }
0x62: {  	_ =	shalt  }
0x63: {  	_ =	shalt  }
0x64: {  	_ =	shalt  }
0x65: {  	_ =	shalt  }
0x66: {  	_ =	shalt  }
0x67: {  	_ =	shalt  }
0x68: {  	_ =	shalt  }
0x69: {  	_ =	shalt  }
0x6a: {  	_ =	shalt  }
0x6b: {  	_ =	shalt  }
0x6c: {  	_ =	shalt  }
0x6d: {  	_ =	shalt  }
0x6e: {  	_ =	shalt  }
0x6f: {  	_ =	shalt  }
0x70: {  	_ =	shalt  }
0x71: {  	_ =	shalt  }
0x72: {  	_ =	shalt  }
0x73: {  	_ =	shalt  }
0x74: {  	_ =	shalt  }
0x75: {  	_ =	shalt  }
0x76: {  	_ =	shalt  }
0x77: {  	_ =	shalt  }
0x78: {  	_ =	shalt  }
0x79: {  	_ =	shalt  }
0x7a: {  	_ =	shalt  }
0x7b: {  	_ =	shalt  }
0x7c: {  	_ =	shalt  }
0x7d: {  	_ =	shalt  }
0x7e: {  	_ =	shalt  }
0x7f: {  	_ =	shalt  }
0x80: {  	_ =	shalt  }
0x81: {  	_ =	shalt  }
0x82: {  	_ =	shalt  }
0x83: {  	_ =	shalt  }
0x84: {  	_ =	shalt  }
0x85: {  	_ =	shalt  }
0x86: {  	_ =	shalt  }
0x87: {  	_ =	shalt  }
.Lfunc_end0:
.L_simem_size_0:
called_computation.1_lowered:
.L_overlay_start_0:
0x88: {  	s0 =	sld [smem:$0x3FD9]  }
0x89: {  	s1 =	sld [smem:$0x3FFE];
	_ =	sdelay $0x3  }
0x8a: {  	s0 =	sadd.s32 s1, s0  }
0x8b: {  	[smem:$0x3FC6] =	sst s0  }
0x8c: {  	_ = 	snop  }
0x8d: {  	s0 =	sld [smem:$0x3FD0];
	_ =	sdelay $0x2  }
0x8e: {  	s2 =	simm.s32 $0xB;
	s3 =	simm.s32 $0x10;
	s13 =	sld [smem:$0x3FC8]  }
0x8f: {  	[smem:s3], [sflag:s2] =	dma.local [hbm:s0], $0x1  }
0x90: {  	_ =	swait.eq [sflag:s2], $0x1  }
0x91: {  	[sflag:s2] =	ssyncset.done $0x0  }
0x92: {  	[sflag:s2] =	ssyncadd.s32 $0xFFFFFFFF  }
0x93: {  	s14 =	sld [smem:$0x10];
	(tm) =	ssettm $0x1  }
0x94: {  	s15 =	sld [smem:$0x3FFB];
	_ =	sdelay $0x3  }
0x95: {  	_ =	strace s15  }
0x96: {  	s2 =	sld [smem:$0x3FFC];
	_ =	sdelay $0x3  }
0x97: {  	_ =	strace s2  }
0x98: {  	s2 =	sld [smem:$0x3FFD];
	_ =	sdelay $0x3  }
0x99: {  	_ =	strace s2  }
0x9a: {  	_ =	strace $0x8FFFFFFF  }
0x9b: {  	s16 =	sld [smem:$0x3FDB];
	_ =	sdelay $0x1  }
0x9c: {  	s17 =	simm.s32 $_scs_section_size  }
0x9d: {  	s4 =	simm.s32 $_size__tile_overlayer_lowered;
	s5 =	simm.s32 $_tile_overlayer_lowered  }
0x9e: {  	s20 =	simm.s32 $0x1BFF;
	s19 =	sshll.u32 s5, $0x1;
	s2 =	sadd.s32 s17, s16  }
0x9f: {  	s6 =	simm.s32 $0x0;
	s18 =	sshll.u32 s4, $0x1;
	s4 =	sadd.s32 s19, s2  }
0xa0: {  	[timem:s6], [sflag:s20] =	dma.local [hbm:s4], s18  }
0xa1: {  	_ =	swait.ge [sflag:s20], s18  }
0xa2: {  	s3 =	ssub.s32 $0x0, s18;
	[sflag:s20] =	ssyncset.done $0x0  }
0xa3: {  	[sflag:s20] =	ssyncadd.s32 s3;
	_ =	sdelay $0x1  }
0xa4: {  	s21 =	simm.s32 $0x1B8B  }
0xa5: {  	_ =	swait.ge [sflag:s21], $0x1  }
0xa6: {  	[sflag:s21] =	ssyncset.done $0x0  }
0xa7: {  	s23 =	simm.s32 $0x1B8E;
	s22 =	sld [smem:$0x3FFE];
	[sflag:s21] =	ssyncadd.s32 $0xFFFFFFFF  }
0xa8: {  	s24 =	simm.s32 $execute0_lowered;
	[smem:$0x3FD2] =	sst s23  }
0xa9: {  	s4 =	sshll.u32 s24, $0x1;
	_ =	strace $0x80000046;
	[dreg:$0x1] =	wrdreg $0xFFFFFFFF  }
0xaa: {  	s25 =	simm.s32 $_size_execute0_lowered;
	s2 =	sadd.s32 s2, s4;
	[dreg:$0x0] =	wrdreg $0x0  }
0xab: {  	s4 =	sshll.u32 s25, $0x1;
	[dreg:$0x2] =	wrdreg s2  }
0xac: {  	[dreg:$0x3] =	wrdreg s4  }
0xad: {  	[dreg:$0x4] =	wrdreg $0xC0  }
0xae: {  	_ =	task [dreg:s6], $0x5FFFF  }
0xaf: {  	[dreg:$0x1] =	wrdreg $0xFFFFFFFF  }
0xb0: {  	[dreg:$0x0] =	wrdreg $0x60  }
0xb1: {  	[dreg:$0x2] =	wrdreg s13  }
0xb2: {  	[dreg:$0x3] =	wrdreg s14  }
0xb3: {  	[dreg:$0x4] =	wrdreg s22  }
0xb4: {  	[dreg:$0x5] =	wrdreg $0xA  }
0xb5: {  	_ =	task.clear_ibuf [dreg:s6], $0x6FFFF;
	_ =	strace $0x90000046  }
0xb6: {  	s26 =	simm.s32 $0xA;
	_ =	strace $0x80000048  }
0xb7: {  	_ =	swait.ge [sflag:s26], $0x1  }
0xb8: {  	[sflag:s26] =	ssyncadd.s32 $0xFFFFFFFF  }
0xb9: {  	_ =	strace $0x90000048  }
0xba: {  	_ =	sfence  }
0xbb: {  	s28 =	sld [smem:$0x0];
	_ =	sdelay $0x1  }
0xbc: {  	s29 =	srdreg.scid  }
0xbd: {  	s30 =	sshll.u32 s29, $0xD;
	s31 =	sshrl.u32 s29, $0x2  }
0xbe: {  	s1 =	sand.u32 $0x1, s29;
	s2 =	sand.u32 $0x4000, s30;
	s0 =	sadd.s32 s31, s28  }
0xbf: {  	s1 =	sor.u32 s2, s1;
	s0 =	sshll.u32 s0, $0x11  }
0xc0: {  	s0 =	sor.u32 s0, s1  }
0xc1: {  	s0 =	sadd.s32 $0x8F2B, s0  }
0xc2: {  	[sflag:s0] =	ssyncadd.remote.s32 $0x1  }
0xc3: {  	_ =	sfence.sel $0xFFFF  }
0xc4: {  	[dreg:$0x0] =	wrdreg $0xFFFFFFFF;
	(pc) =	sbr.abs _section_cstart, $3  }
0xc5: {  	[dreg:$0x1] =	wrdreg $0xFFFFFFFF  }
0xc6: {  	_ =	task.clear_ibuf [dreg:s6], $0x2FFFF;
	_ =	strace $0x9FFFFFFF  }
0xc7: {  	(tm) =	ssettm $0x7FFFFFFF  }
tec
execute0_lowered:
.L_overlay_start_1:
0x0: {  	(tag) =	ssettag $0x1  }
0x1: {  	s2 =	rddreg [dreg:$0x0]  }
0x2: {  	s3 =	rddreg [dreg:$0x1]  }
0x3: {  	s4 =	rddreg [dreg:$0x2];
	s1 =	stileid.u32  }
0x4: {  	s0 =	rddreg [dreg:$0x3];
	_ =	strace $0x80000047;
	s6 =	simm.s32 $0x1  }
0x5: {  	s8 =	simm.s32 $0x2;
	s30 =	simm.s32 $0x3;
	s5 =	sshll.u32 s1, $0x4  }
0x6: {  	s12 =	simm.s32 $0x0;
	s9 =	simm.s32 $0x0;
	s7 =	ssub.s32 $0x1380, s5  }
0x7: {  	s10 =	simm.s32 $0x0;
	[sflag:s6] =	ssyncpa.u1 $0x0;
	s6 =	sshrl.u32 s7, $0x8  }
0x8: {  	[sflag:s8] =	ssyncpa.u1 $0x0;
	s11 =	smov.u32 s5;
	s31 =	sshll.u32 s6, $0x4  }
0x9: {  	[sflag:s30] =	ssyncpa.u1 $0x0;
	s7 =	sadd.s32 $0x2, s6;
	s8 =	sadd.s32 $0x30, s31  }
.LBB2_1:
0xa: {  	p0 =	sgt.u32 s10, s6  }
0xb: {  	s13 =	sxor.u32 @!p0 $0xFFFFFFFF, s9;
	s14 =	sshrl.u32 @!p0 s11, $0x3  }
0xc: {  	s15 =	sand.u32 @!p0 $0x7, s11;
	s13 =	sand.u32 @!p0 $0x10, s13;
	s14 =	sadd.s32 @!p0 s3, s14  }
0xd: {  	[tilespmem:s13], [sflag:$0x2] =	stream.linear.gather @!p0 [hbm4b:s14+s15], $0x10, $0x38;
	[tilespmem:$0x40] =	vst v63  }
0xe: {  	p0 =	seq.s32 s9, $0x0  }
0xf: {  	p1 =	sge.u32 @!p0 s10, s7  }
0x10: {  	p0 =	por p1, p0  }
0x11: {  	s13 =	simm.s32 @!p0 $0x2  }
0x12: {  	_ =	swait.ge @!p0 [sflag:s13], $0x10  }
0x13: {  	[sflag:s13] =	ssyncset.done @!p0 $0x0  }
0x14: {  	[sflag:s13] =	ssyncadd.s32 @!p0 $0xFFFFFFF0;
	s13 =	sand.u32 @!p0 $0x10, s9  }
0x15: {  	(ifvalue) =	ssetifvalue @!p0 $0x7FFFFFFF;
	v0 =	vld.msk @!p0 [tilespmem:s13+$0x0 ss:$0x1], $0xffff;
	_ =	sdelay $0x4  }
0x16: {  	vm0 =	vgt.s32 @!p0 v0, $0x0  }
0x17: {  	v0 =	vnsel @!p0 vm0, $0x0, v0  }
0x18: {  	v0 =	vmin.u32 @!p0 v0, $0x1387;
	_ =	sdelay $0x3  }
0x19: {  	s14 =	simm.s32 @!p0 $0x0;
	s13 =	sor.u32 @!p0 $0x20, s13;
	(ifvalue) =	ssetifvalue @!p0 $0x7FFFFFFF;
	vm0 =	vmmov @!p0 $0xffff  }
0x1a: {  	[tilespmem:s13], [sflag:$0x1] =	stream.indirect_vreg.gather @!p0 [hbm4b:s2+s14], $0x1, v0, vm0, $0x4038;
	[tilespmem:$0x40] =	vst v63  }
0x1b: {  	s14 =	simm.s32 @!p0 $0x1  }
0x1c: {  	_ =	swait.ge @!p0 [sflag:s14], $0x10  }
0x1d: {  	s15 =	sshrl.u32 @!p0 s12, $0x3;
	[sflag:s14] =	ssyncset.done @!p0 $0x0  }
0x1e: {  	s12 =	sand.u32 @!p0 $0x7, s12;
	[sflag:s14] =	ssyncadd.s32 @!p0 $0xFFFFFFF0;
	s14 =	sadd.s32 @!p0 s4, s15  }
0x1f: {  	[hbm4b:s14+s12] =	stream.linear.scatter @!p0 [tilespmem:s13], [sflag:$0x3], $0x10, $0x38;
	[tilespmem:$0x40] =	vst v63  }
0x20: {  	s14 =	sadd.s32 $0x100, s11  }
0x21: {  	s9 =	sadd.s32 $0x10, s9;
	p1 =	sgt.s32 s14, $0x1387  }
0x22: {  	s14 =	smov.u32 @p1 s5;
	p1 =	sne.s32 s8, s9  }
.Ltmp0:
0x23: {  	p0 =	slt.u32 s10, $0x2;
	(pc) =	sbr.rel @p1 .LBB2_1-.Ltmp0, $4  }
0x24: {  	s13 =	simm.s32 @!p0 $0x3  }
0x25: {  	_ =	swait.ge @!p0 [sflag:s13], $0x10  }
0x26: {  	s12 =	smov.u32 s11;
	[sflag:s13] =	ssyncset.done @!p0 $0x0  }
0x27: {  	s10 =	sadd.s32 $0x1, s10;
	s11 =	smov.u32 s14;
	[sflag:s13] =	ssyncadd.s32 @!p0 $0xFFFFFFF0  }
0x28: {  	_ =	sfence.sel $0x180000  }
0x29: {  	s2 =	simm.s32 $0x2;
	[bflag:$0x0] =	sbarrier.arrive $0xFFFF  }
0x2a: {  	s30 =	simm.s32 $0x3;
	[sflag:s2] =	ssyncpa.u1 $0x1  }
0x2b: {  	s31 =	simm.s32 $0x1;
	[sflag:s30] =	ssyncpa.u1 $0x1  }
0x2c: {  	[sflag:s31] =	ssyncpa.u1 $0x1  }
0x2d: {  	p0 =	sne.s32 s1, $0x0;
	_ =	strace $0x90000047  }
0x2e: {  	s0 =	sadd.s32 @!p0 $0x100000, s0;
	[bflag:$0x2] =	sbarrier.arrive $0xFFFF  }
0x2f: {  	[sflag:s0] =	ssyncadd.tile.s32 @!p0 $0x1;
	_ =	shalt  }
.Lfunc_end2:
_tile_overlayer_lowered:
.L_overlay_start_2:
0x30: {  	(tag) =	ssettag $0x2  }
0x31: {  	s0 =	rddreg [dreg:$0x0];
	s2 =	stileid.u32  }
0x32: {  	s1 =	rddreg [dreg:$0x1];
	p0 =	sne.s32 s2, $0x0  }
0x33: {  	s3 =	rddreg [dreg:$0x2];
	[bflag:$0x3] =	sbarrier.arrive $0xFFFF;
	s2 =	simm.s32 @!p0 $0x1C01  }
0x34: {  	[timem:s3], [sflag:s2] =	dma.local @!p0 [hbm:s0], s1  }
0x35: {  	s0 =	simm.s32 @!p0 $0x1  }
0x36: {  	_ =	swait.ge @!p0 [sflag:s0], s1  }
0x37: {  	s1 =	ssub.s32 @!p0 $0x0, s1;
	[sflag:s0] =	ssyncset.done @!p0 $0x0  }
0x38: {  	[sflag:s0] =	ssyncadd.s32 @!p0 s1  }
0x39: {  	[bflag:$0x3] =	sbarrier.arrive $0xFFFF  }
0x3a: {  	_ =	shalt  }

// kernel: gather_offload_async_start
scs
__scs_entry_jumppad:
0x0: {  	(pc) =	sbr.rel $0x88, $3  }
0x1: {  	(tag) =	ssettag $0x0;
	lr =	simm.s32 $0x1  }
0x2: {  	[smem:$0x3F9F] =	sst lr;
	_ =	strace $0xD0000000  }
0x3: {  	_ = 	snop  }
0x4: {  	_ = 	snop  }
0x5: {  	_ = 	snop  }
0x6: {  	_ = 	snop  }
0x7: {  	_ = 	snop  }
__scs_overlays_trampoline_lowered:
0x8: {  	[smem:$0x3FAE] =	sst s0  }
0x9: {  	[smem:$0x3FAF] =	sst s1  }
0xa: {  	[smem:$0x3FB0] =	sst s2  }
0xb: {  	[smem:$0x3FB1] =	sst s3  }
0xc: {  	[smem:$0x3FB2] =	sst s4  }
0xd: {  	[smem:$0x3FB3] =	sst s5  }
0xe: {  	[smem:$0x3FB4] =	sst s6  }
0xf: {  	[smem:$0x3FB5] =	sst s7  }
0x10: {  	[smem:$0x3FB6] =	sst s8  }
0x11: {  	[smem:$0x3FB7] =	sst s9;
	s0 =	simm.s32 @!p0 $0x0  }
0x12: {  	s1 =	sld [smem:$0x3F9D];
	s0 =	simm.s32 @p0 $0x1  }
0x13: {  	[smem:$0x3FB8] =	sst s0;
	s0 =	simm.s32 @!p1 $0x0  }
0x14: {  	s2 =	sld [smem:$0x3F9C];
	s0 =	simm.s32 @p1 $0x1  }
0x15: {  	[smem:$0x3FB9] =	sst s0;
	s0 =	simm.s32 @!p2 $0x0  }
0x16: {  	s3 =	sld [smem:$0x3FDB];
	s0 =	simm.s32 @p2 $0x1  }
0x17: {  	s4 =	simm.s32 $0x1BF5;
	[smem:$0x3FBB] =	sst s0  }
0x18: {  	s0 =	sld [smem:$0x3F9E];
	_ =	swait.ge [sflag:s4], $0x0  }
0x19: {  	s7 =	sld [smem:$0x3F9F]  }
0x1a: {  	s8 =	sadd.s32 $0xFFFFE003, lr  }
0x1b: {  	s9 =	sadd.s32 $0xFFFFFEF7, lr;
	s5 =	simm.s32 $0xFFFFFFFF;
	p2 =	slt.u32 s8, $0xFFFFF086  }
0x1c: {  	p1 =	slt.u32 s9, $0xF7A;
	s5 =	simm.s32 @!p2 $0x0  }
0x1d: {  	s5 =	simm.s32 @p1 $0x1;
	p0 =	seq.s32 s7, s2  }
0x1e: {  	s7 =	smul.u32 @!p0 $0xF7A, s2;
	p2 =	seq.s32 @!p0 s5, $0x0  }
0x1f: {  	s9 =	smul.u32 $0xF7A, s1;
	s8 =	simm.s32 @!p0 $0x1BF5;
	p2 =	por !p2, p0  }
0x20: {  	[sflag:s8] =	ssyncset.s32 @!p0 $0xFFFFF086;
	s6 =	sadd.s32 @!p0 s3, s7;
	s7 =	simm.s32 @!p0 $0x108  }
0x21: {  	s3 =	sadd.s32 s3, s9;
	s6 =	sadd.s32 @!p0 $0x88, s6;
	s7 =	simm.s32 @p2 $0x1082  }
0x22: {  	[simem:s7], [sflag:s8] =	dma.local @!p0 [hbm:s6], $0xF7A  }
0x23: {  	s9 =	sor.u32 $0xD0000000, s2;
	s6 =	simm.s32 $0x108;
	_ =	swait.ge @!p0 [sflag:s8], $0x0  }
0x24: {  	s3 =	sadd.s32 $0x88, s3;
	s6 =	simm.s32 @!p1 $0x1082;
	[sflag:s4] =	ssyncset.s32 $0xFFFFF086  }
0x25: {  	[simem:s6], [sflag:s4] =	dma.local [hbm:s3], $0xF7A  }
0x26: {  	[smem:$0x3F9F] =	sst s1;
	(tag) =	ssettag s2;
	_ =	strace s9  }
0x27: {  	s1 =	sld [smem:$0x3FAF]  }
0x28: {  	s2 =	sld [smem:$0x3FB0]  }
0x29: {  	s4 =	sld [smem:$0x3FB2]  }
0x2a: {  	p0 =	seq.s32 s5, $0x0;
	s5 =	sld [smem:$0x3FB3]  }
0x2b: {  	s6 =	sld [smem:$0x3FB4]  }
0x2c: {  	s7 =	sld [smem:$0x3FB5]  }
0x2d: {  	s3 =	simm.s32 $0x108;
	s8 =	sld [smem:$0x3FB6]  }
0x2e: {  	s3 =	simm.s32 @!p0 $0x1082;
	s9 =	sld [smem:$0x3FB7]  }
0x2f: {  	lr =	sadd.s32 s0, s3;
	s0 =	sld [smem:$0x3FAE]  }
0x30: {  	s3 =	sld [smem:$0x3FB1]  }
0x31: {  	[smem:$0x3FBA] =	sst s10  }
0x32: {  	s10 =	sld [smem:$0x3FB8];
	_ =	sdelay $0x3  }
0x33: {  	p0 =	seq.s32 s10, $0x1;
	s10 =	sld [smem:$0x3FBA];
	_ =	sdelay $0x3  }
0x34: {  	[smem:$0x3FBA] =	sst s10  }
0x35: {  	s10 =	sld [smem:$0x3FB9];
	_ =	sdelay $0x3  }
0x36: {  	p1 =	seq.s32 s10, $0x1;
	s10 =	sld [smem:$0x3FBA];
	_ =	sdelay $0x3  }
0x37: {  	[smem:$0x3FBA] =	sst s10  }
0x38: {  	s10 =	sld [smem:$0x3FBB]  }
0x39: {  	_ = 	snop;
	(pc) =	sbr.ind lr, $3  }
0x3a: {  	_ = 	snop  }
0x3b: {  	_ = 	snop  }
0x3c: {  	p2 =	seq.s32 s10, $0x1;
	s10 =	sld [smem:$0x3FBA]  }
0x3d: {  	_ =	shalt  }
0x3e: {  	_ =	shalt  }
0x3f: {  	_ =	shalt  }
0x40: {  	_ =	shalt  }
0x41: {  	_ =	shalt  }
0x42: {  	_ =	shalt  }
0x43: {  	_ =	shalt  }
0x44: {  	_ =	shalt  }
0x45: {  	_ =	shalt  }
0x46: {  	_ =	shalt  }
0x47: {  	_ =	shalt  }
0x48: {  	_ =	shalt  }
0x49: {  	_ =	shalt  }
0x4a: {  	_ =	shalt  }
0x4b: {  	_ =	shalt  }
0x4c: {  	_ =	shalt  }
0x4d: {  	_ =	shalt  }
0x4e: {  	_ =	shalt  }
0x4f: {  	_ =	shalt  }
0x50: {  	_ =	shalt  }
0x51: {  	_ =	shalt  }
0x52: {  	_ =	shalt  }
0x53: {  	_ =	shalt  }
0x54: {  	_ =	shalt  }
0x55: {  	_ =	shalt  }
0x56: {  	_ =	shalt  }
0x57: {  	_ =	shalt  }
0x58: {  	_ =	shalt  }
0x59: {  	_ =	shalt  }
0x5a: {  	_ =	shalt  }
0x5b: {  	_ =	shalt  }
0x5c: {  	_ =	shalt  }
0x5d: {  	_ =	shalt  }
0x5e: {  	_ =	shalt  }
0x5f: {  	_ =	shalt  }
0x60: {  	_ =	shalt  }
0x61: {  	_ =	shalt  }
0x62: {  	_ =	shalt  }
0x63: {  	_ =	shalt  }
0x64: {  	_ =	shalt  }
0x65: {  	_ =	shalt  }
0x66: {  	_ =	shalt  }
0x67: {  	_ =	shalt  }
0x68: {  	_ =	shalt  }
0x69: {  	_ =	shalt  }
0x6a: {  	_ =	shalt  }
0x6b: {  	_ =	shalt  }
0x6c: {  	_ =	shalt  }
0x6d: {  	_ =	shalt  }
0x6e: {  	_ =	shalt  }
0x6f: {  	_ =	shalt  }
0x70: {  	_ =	shalt  }
0x71: {  	_ =	shalt  }
0x72: {  	_ =	shalt  }
0x73: {  	_ =	shalt  }
0x74: {  	_ =	shalt  }
0x75: {  	_ =	shalt  }
0x76: {  	_ =	shalt  }
0x77: {  	_ =	shalt  }
0x78: {  	_ =	shalt  }
0x79: {  	_ =	shalt  }
0x7a: {  	_ =	shalt  }
0x7b: {  	_ =	shalt  }
0x7c: {  	_ =	shalt  }
0x7d: {  	_ =	shalt  }
0x7e: {  	_ =	shalt  }
0x7f: {  	_ =	shalt  }
0x80: {  	_ =	shalt  }
0x81: {  	_ =	shalt  }
0x82: {  	_ =	shalt  }
0x83: {  	_ =	shalt  }
0x84: {  	_ =	shalt  }
0x85: {  	_ =	shalt  }
0x86: {  	_ =	shalt  }
0x87: {  	_ =	shalt  }
.Lfunc_end0:
.L_simem_size_0:
called_computation_lowered:
.L_overlay_start_0:
0x88: {  	s0 =	sld [smem:$0x3FD9]  }
0x89: {  	s1 =	sld [smem:$0x3FFE];
	_ =	sdelay $0x3  }
0x8a: {  	s0 =	sadd.s32 s1, s0  }
0x8b: {  	[smem:$0x3FC6] =	sst s0  }
0x8c: {  	_ = 	snop  }
0x8d: {  	s0 =	sld [smem:$0x3FD0];
	_ =	sdelay $0x2  }
0x8e: {  	s13 =	simm.s32 $0xB;
	s2 =	simm.s32 $0x10  }
0x8f: {  	[smem:s2], [sflag:s13] =	dma.local [hbm:s0], $0x1  }
0x90: {  	_ =	swait.eq [sflag:s13], $0x1  }
0x91: {  	[sflag:s13] =	ssyncset.done $0x0  }
0x92: {  	[sflag:s13] =	ssyncadd.s32 $0xFFFFFFFF  }
0x93: {  	s14 =	sld [smem:$0x10];
	(tm) =	ssettm $0x1  }
0x94: {  	s15 =	sld [smem:$0x3FFB];
	_ =	sdelay $0x3  }
0x95: {  	_ =	strace s15  }
0x96: {  	s1 =	sld [smem:$0x3FFC];
	_ =	sdelay $0x3  }
0x97: {  	_ =	strace s1  }
0x98: {  	s1 =	sld [smem:$0x3FFD];
	_ =	sdelay $0x3  }
0x99: {  	_ =	strace s1  }
0x9a: {  	_ =	strace $0x8FFFFFFF  }
0x9b: {  	s16 =	sld [smem:$0x3FDB];
	_ =	sdelay $0x1  }
0x9c: {  	s17 =	simm.s32 $_scs_section_size  }
0x9d: {  	s3 =	simm.s32 $_size__tile_overlayer_lowered;
	s4 =	simm.s32 $_tile_overlayer_lowered  }
0x9e: {  	s20 =	simm.s32 $0x1BFF;
	s19 =	sshll.u32 s4, $0x1;
	s1 =	sadd.s32 s17, s16  }
0x9f: {  	s5 =	simm.s32 $0x0;
	s18 =	sshll.u32 s3, $0x1;
	s3 =	sadd.s32 s19, s1  }
0xa0: {  	[timem:s5], [sflag:s20] =	dma.local [hbm:s3], s18  }
0xa1: {  	_ =	swait.ge [sflag:s20], s18  }
0xa2: {  	s2 =	ssub.s32 $0x0, s18;
	[sflag:s20] =	ssyncset.done $0x0  }
0xa3: {  	[sflag:s20] =	ssyncadd.s32 s2;
	_ =	sdelay $0x1  }
0xa4: {  	s21 =	simm.s32 $0x1B8B  }
0xa5: {  	_ =	swait.ge [sflag:s21], $0x1  }
0xa6: {  	[sflag:s21] =	ssyncset.done $0x0  }
0xa7: {  	s23 =	simm.s32 $0x1B8E;
	s22 =	sld [smem:$0x3FFE];
	[sflag:s21] =	ssyncadd.s32 $0xFFFFFFFF  }
0xa8: {  	s24 =	simm.s32 $execute0_lowered;
	[smem:$0x3FD2] =	sst s23  }
0xa9: {  	s3 =	sshll.u32 s24, $0x1;
	_ =	strace $0x80000049;
	[dreg:$0x1] =	wrdreg $0xFFFFFFFF  }
0xaa: {  	s25 =	simm.s32 $_size_execute0_lowered;
	s1 =	sadd.s32 s1, s3;
	[dreg:$0x0] =	wrdreg $0x0  }
0xab: {  	s3 =	sshll.u32 s25, $0x1;
	[dreg:$0x2] =	wrdreg s1  }
0xac: {  	[dreg:$0x3] =	wrdreg s3  }
0xad: {  	[dreg:$0x4] =	wrdreg $0xC0  }
0xae: {  	_ =	task [dreg:s5], $0x5FFFF  }
0xaf: {  	[dreg:$0x1] =	wrdreg $0xFFFFFFFF  }
0xb0: {  	[dreg:$0x0] =	wrdreg $0x60  }
0xb1: {  	[dreg:$0x2] =	wrdreg s22  }
0xb2: {  	[dreg:$0x3] =	wrdreg s14  }
0xb3: {  	[dreg:$0x4] =	wrdreg $0x9  }
0xb4: {  	_ =	task.clear_ibuf [dreg:s5], $0x5FFFF;
	_ =	strace $0x90000049  }
0xb5: {  	s26 =	simm.s32 $0x9;
	_ =	strace $0x8000004B  }
0xb6: {  	_ =	swait.ge [sflag:s26], $0x1  }
0xb7: {  	[sflag:s26] =	ssyncadd.s32 $0xFFFFFFFF  }
0xb8: {  	_ =	strace $0x9000004B  }
0xb9: {  	_ =	sfence  }
0xba: {  	s28 =	sld [smem:$0x0];
	_ =	sdelay $0x1  }
0xbb: {  	s29 =	srdreg.scid  }
0xbc: {  	s30 =	sshll.u32 s29, $0xD;
	s31 =	sshrl.u32 s29, $0x2  }
0xbd: {  	s2 =	sand.u32 $0x4000, s30;
	s1 =	sand.u32 $0x1, s29;
	s0 =	sadd.s32 s31, s28  }
0xbe: {  	s1 =	sor.u32 s2, s1;
	s0 =	sshll.u32 s0, $0x11  }
0xbf: {  	s0 =	sor.u32 s0, s1  }
0xc0: {  	s0 =	sadd.s32 $0x8F2B, s0  }
0xc1: {  	[sflag:s0] =	ssyncadd.remote.s32 $0x1  }
0xc2: {  	_ =	sfence.sel $0xFFFF  }
0xc3: {  	[dreg:$0x0] =	wrdreg $0xFFFFFFFF;
	(pc) =	sbr.abs _section_cstart, $3  }
0xc4: {  	[dreg:$0x1] =	wrdreg $0xFFFFFFFF  }
0xc5: {  	_ =	task.clear_ibuf [dreg:s5], $0x2FFFF;
	_ =	strace $0x9FFFFFFF  }
0xc6: {  	(tm) =	ssettm $0x7FFFFFFF  }
0xc7: {  	_ =	shalt  }
tec
execute0_lowered:
.L_overlay_start_1:
0x0: {  	(tag) =	ssettag $0x1  }
0x1: {  	s0 =	stileid.u32  }
0x2: {  	s1 =	smin.u32 s0, $0x9  }
0x3: {  	s1 =	sadd.s32 s0, s1  }
0x4: {  	s2 =	simm.s32 $0x190;
	p0 =	slt.u32 s0, $0x9;
	s1 =	smul.u32 $0xC8, s1  }
0x5: {  	s2 =	simm.s32 @!p0 $0xC8  }
0x6: {  	s2 =	sadd.s32 s2, s1  }
0x7: {  	s3 =	smin.u32 s2, $0x1388  }
0x8: {  	s7 =	ssub.s32 s3, s1  }
0x9: {  	p0 =	sgt.s32 s7, $0x0  }
0xa: {  	s7 =	simm.s32 @!p0 $0x0  }
0xb: {  	s31 =	sand.u32 $0xFFF8, s7  }
0xc: {  	s2 =	sshrl.u32 s31, $0x3  }
0xd: {  	s9 =	rddreg [dreg:$0x0];
	s2 =	smul.u32 $0x147B, s2  }
0xe: {  	s4 =	rddreg [dreg:$0x1];
	s6 =	simm.s32 $0x1  }
0xf: {  	s11 =	simm.s32 $0x3;
	s13 =	simm.s32 $0x0;
	s8 =	sshrl.u32 s2, $0x11  }
0x10: {  	s12 =	simm.s32 $0x0;
	s5 =	sadd.s32 $0x400, s9;
	s10 =	smul.u32 $0xC8, s8  }
.Ltmp0:
0x11: {  	s9 =	sadd.s32 $0x13E00, s9;
	s2 =	rddreg [dreg:$0x2];
	(pc) =	sbr.rel .LBB2_1-.Ltmp0, $4  }
0x12: {  	_ =	strace $0x8000004A;
	p0 =	sne.s32 s7, s10;
	s10 =	simm.s32 $0x1  }
0x13: {  	[sflag:s6] =	ssyncpa.u1 $0x0;
	s7 =	simm.s32 $0x2;
	s10 =	simm.s32 @!p0 $0x0  }
0x14: {  	[sflag:s7] =	ssyncpa.u1 $0x0;
	p0 =	por $0x0, $0x0;
	s8 =	sadd.s32 s8, s10  }
0x15: {  	vm0 =	vmmov $0xff;
	vm1 =	vcmask $0x3F20;
	[sflag:s11] =	ssyncpa.u1 $0x0;
	s11 =	smov.u32 s1;
	s10 =	sadd.s32 $0x1, s8  }
.LBB2_6:
0x16: {  	[hbm:s17] =	stream.linear.scatter [tilespmem:s14], [sflag:$0x3], $0x400, $0x38;
	[tilespmem:$0xC990] =	vst v63  }
.LBB2_7:
0x17: {  	s13 =	sadd.s32 $0xC8, s11  }
0x18: {  	s15 =	smov.u32 s1;
	p2 =	slt.s32 s13, s3  }
0x19: {  	s15 =	smov.u32 @p2 s13;
	p2 =	sne.s32 s12, s10  }
.Ltmp1:
0x1a: {  	p1 =	slt.u32 s12, $0x2;
	(pc) =	sbr.rel @!p2 .LBB2_8-.Ltmp1, $4  }
0x1b: {  	s14 =	simm.s32 @!p1 $0x3  }
0x1c: {  	s16 =	sadd.s32 $0x1, s12;
	_ =	swait.ge @!p1 [sflag:s14], $0x6400  }
0x1d: {  	p0 =	por !p0, !p0;
	s13 =	smov.u32 s11;
	[sflag:s14] =	ssyncset.done @!p1 $0x0  }
0x1e: {  	s12 =	smov.u32 s16;
	s11 =	smov.u32 s15;
	[sflag:s14] =	ssyncadd.s32 @!p1 $0xFFFF9C00  }
.LBB2_1:
0x1f: {  	p1 =	sge.u32 s12, s8  }
0x20: {  	s14 =	sxor.u32 @!p1 $0xFFFFFFFF, s12  }
0x21: {  	s14 =	sand.u32 @!p1 $0x1, s14  }
0x22: {  	s14 =	smul.u32 @!p1 $0x320, s14  }
0x23: {  	s31 =	sadd.s32 $0xFFFFFFFF, s12;
	s15 =	sshrl.u32 @!p1 s11, $0x3  }
0x24: {  	s16 =	sand.u32 @!p1 $0x7, s11;
	s15 =	sadd.s32 @!p1 s4, s15;
	s14 =	sshrl.u32 @!p1 s14, $0x2  }
0x25: {  	[tilespmem:s14], [sflag:$0x2] =	stream.linear.gather @!p1 [hbm4b:s15+s16], $0xC8, $0x38;
	[tilespmem:$0xC990] =	vst v63  }
0x26: {  	p1 =	sge.u32 s31, s8  }
.Ltmp2:
0x27: {  	_ = 	snop;
	(pc) =	sbr.rel @p1 .LBB2_7-.Ltmp2, $1  }
0x28: {  	_ =	sdelay $0x3  }
0x29: {  	s14 =	simm.s32 $0x1  }
0x2a: {  	s14 =	simm.s32 @!p0 $0x0  }
0x2b: {  	s15 =	smul.u32 $0x320, s14  }
0x2c: {  	_ =	swait.ge [sflag:s7], $0xC8  }
0x2d: {  	[sflag:s7] =	ssyncset.done $0x0;
	s16 =	sshrl.u32 s15, $0x2  }
0x2e: {  	[sflag:s7] =	ssyncadd.s32 $0xFFFFFF38;
	s15 =	sadd.s32 $0x0, s16  }
0x2f: {  	v0 =	vld.msk [tilespmem:s15+$0x0 ss:$0x1], $0xffff;
	_ =	sdelay $0x4  }
0x30: {  	vm2 =	vgt.s32 v0, $0x0  }
0x31: {  	v0 =	vnsel vm2, $0x0, v0  }
0x32: {  	v0 =	vmin.u32 v0, $0x1387  }
0x33: {  	v0 =	vshll.u32 v0, $0x4  }
0x34: {  	s14 =	smul.u32 $0x19000, s14  }
0x35: {  	s31 =	sand.u32 $0x1, s12  }
0x36: {  	s17 =	smul.u32 $0x320, s31;
	s14 =	sshrl.u32 s14, $0x2  }
0x37: {  	s19 =	smul.u32 $0x19000, s31;
	s14 =	sor.u32 $0x190, s14  }
0x38: {  	[tilespmem:s14], [sflag:$0x1] =	stream.indirect_vreg.gather [hbm:s5], $0x80, v0, vm0, $0x38;
	[tilespmem:$0xC990] =	vst v63  }
0x39: {  	s18 =	sshrl.u32 s17, $0x2;
	s20 =	sadd.s32 $0x10, s16;
	s15 =	sadd.s32 $0x400, s14  }
0x3a: {  	[tilespmem:s15], [sflag:$0x1] =	stream.indirect_vreg.gather [hbm:s5], $0x80, v0, vm1, $0x38;
	[tilespmem:$0xC990] =	vst v63  }
0x3b: {  	s17 =	sshrl.u32 s19, $0x2;
	s19 =	smov.u32 s14;
	v0 =	vld.msk [tilespmem:s20+$0x0 ss:$0x1], $0xffff;
	s20 =	simm.s32 $0x80  }
.LBB2_3:
0x3c: {  	p1 =	sne.s32 s20, $0x2C0;
	_ =	sdelay $0x4  }
0x3d: {  	vm2 =	vgt.s32 v0, $0x0  }
0x3e: {  	v0 =	vnsel vm2, $0x0, v0  }
0x3f: {  	v0 =	vmin.u32 v0, $0x1387  }
0x40: {  	v0 =	vshll.u32 v0, $0x4;
	_ =	sdelay $0x3  }
.Ltmp3:
0x41: {  	s21 =	sshra.s32 s20, $0x2;
	s19 =	sadd.s32 $0x800, s19;
	(pc) =	sbr.rel @p1 .LBB2_3-.Ltmp3, $4  }
0x42: {  	[tilespmem:s19], [sflag:$0x1] =	stream.indirect_vreg.gather [hbm:s5], $0x80, v0, vm0, $0x38;
	[tilespmem:$0xC990] =	vst v63  }
0x43: {  	s21 =	sadd.s32 s21, s16;
	s22 =	sadd.s32 $0x400, s19  }
0x44: {  	[tilespmem:s22], [sflag:$0x1] =	stream.indirect_vreg.gather [hbm:s5], $0x80, v0, vm1, $0x38;
	[tilespmem:$0xC990] =	vst v63  }
0x45: {  	s20 =	sadd.s32 $0x40, s20;
	v0 =	vld.msk [tilespmem:s21+$0x0 ss:$0x1], $0xffff  }
0x46: {  	_ =	sdelay $0x3  }
0x47: {  	vm2 =	vgt.s32 v0, $0x0  }
0x48: {  	v0 =	vnsel vm2, $0x0, v0  }
0x49: {  	v0 =	vmin.u32 v0, $0x1387  }
0x4a: {  	v0 =	vshll.u32 v0, $0x4;
	_ =	sdelay $0x3  }
0x4b: {  	s16 =	sadd.s32 $0x800, s19  }
0x4c: {  	[tilespmem:s16], [sflag:$0x1] =	stream.indirect_vreg.gather [hbm:s5], $0x80, v0, vm0, $0x38;
	[tilespmem:$0xC990] =	vst v63  }
0x4d: {  	s16 =	sadd.s32 $0x400, s16  }
0x4e: {  	[tilespmem:s16], [sflag:$0x1] =	stream.indirect_vreg.gather [hbm:s5], $0x80, v0, vm1, $0x38;
	[tilespmem:$0xC990] =	vst v63  }
0x4f: {  	v0 =	vld.msk [tilespmem:s18+$0xC0 ss:$0x1], $0xff;
	_ =	sdelay $0x4  }
0x50: {  	vm2 =	vgt.s32 v0, $0x0  }
0x51: {  	v0 =	vnsel vm2, $0x0, v0  }
0x52: {  	v0 =	vmin.u32 v0, $0x1387  }
0x53: {  	v0 =	vshll.u32 v0, $0x4;
	_ =	sdelay $0x3  }
0x54: {  	s31 =	sadd.s32 $0x6190, s17  }
0x55: {  	[tilespmem:s31], [sflag:$0x1] =	stream.indirect_vreg.gather [hbm:s5], $0x80, v0, vm0, $0x38;
	[tilespmem:$0xC990] =	vst v63  }
0x56: {  	s13 =	sshll.u32 s13, $0x4;
	_ =	swait.ge [sflag:s6], $0x6400  }
0x57: {  	s13 =	sadd.s32 s13, s9;
	[sflag:s6] =	ssyncset.done $0x0  }
0x58: {  	s17 =	sadd.s32 $0x0, s13;
	s16 =	simm.s32 $0x80;
	[sflag:s6] =	ssyncadd.s32 $0xFFFF9C00  }
.LBB2_5:
0x59: {  	[hbm:s17] =	stream.linear.scatter [tilespmem:s14], [sflag:$0x3], $0x400, $0x38;
	[tilespmem:$0xC990] =	vst v63  }
0x5a: {  	s17 =	smov.u32 s16;
	s14 =	smov.u32 s15;
	p1 =	sne.s32 s16, $0xC00  }
.Ltmp4:
0x5b: {  	s16 =	sadd.s32 $0x80, s16;
	(pc) =	sbr.rel @p1 .LBB2_5-.Ltmp4, $2  }
0x5c: {  	_ =	sdelay $0x2  }
0x5d: {  	s15 =	sadd.s32 $0x400, s15;
	s17 =	sadd.s32 s17, s13  }
.Ltmp5:
0x5e: {  	_ = 	snop;
	(pc) =	sbr.rel .LBB2_6-.Ltmp5, $1  }
0x5f: {  	_ =	sdelay $0x3  }
.LBB2_8:
0x60: {  	_ =	sfence.sel $0x180000  }
0x61: {  	s1 =	simm.s32 $0x2;
	[bflag:$0x0] =	sbarrier.arrive $0xFFFF  }
0x62: {  	s30 =	simm.s32 $0x3;
	[sflag:s1] =	ssyncpa.u1 $0x1  }
0x63: {  	s31 =	simm.s32 $0x1;
	[sflag:s30] =	ssyncpa.u1 $0x1  }
0x64: {  	[sflag:s31] =	ssyncpa.u1 $0x1  }
0x65: {  	p0 =	sne.s32 s0, $0x0;
	_ =	strace $0x9000004A  }
0x66: {  	s0 =	sadd.s32 @!p0 $0x100000, s2;
	[bflag:$0x2] =	sbarrier.arrive $0xFFFF  }
0x67: {  	[sflag:s0] =	ssyncadd.tile.s32 @!p0 $0x1;
	_ =	shalt  }
.Lfunc_end2:
_tile_overlayer_lowered:
.L_overlay_start_2:
0x68: {  	(tag) =	ssettag $0x2  }
0x69: {  	s0 =	rddreg [dreg:$0x0];
	s2 =	stileid.u32  }
0x6a: {  	s1 =	rddreg [dreg:$0x1];
	p0 =	sne.s32 s2, $0x0  }
0x6b: {  	s3 =	rddreg [dreg:$0x2];
	[bflag:$0x3] =	sbarrier.arrive $0xFFFF;
	s2 =	simm.s32 @!p0 $0x1C01  }
0x6c: {  	[timem:s3], [sflag:s2] =	dma.local @!p0 [hbm:s0], s1  }
0x6d: {  	s0 =	simm.s32 @!p0 $0x1  }
0x6e: {  	_ =	swait.ge @!p0 [sflag:s0], s1  }
0x6f: {  	s1 =	ssub.s32 @!p0 $0x0, s1;
	[sflag:s0] =	ssyncset.done @!p0 $0x0  }
0x70: {  	[sflag:s0] =	ssyncadd.s32 @!p0 s1  }
0x71: {  	[bflag:$0x3] =	sbarrier.arrive $0xFFFF  }
0x72: {  	_ =	shalt  }

</sc_bundles>
